<compile_context>
chip_gen: v7x
topology: tpu7x:2x2x1
jax: 0.10.2.dev20260603
libtpu: 0.0.44.dev20260713+nightly
codegen_flags: <defaults>
</compile_context>

<pallas_src>
import functools

import jax
import jax.numpy as jnp
from jax import lax
from jax.experimental import pallas as pl
from jax.experimental.pallas import tpu as pltpu
from jax.experimental.pallas import tpu_sc as plsc

D = 128
PAD = 0
T = 20
NC, NS, L = 2, 16, 16
NW = NC * NS
VPR = D // L

NODES_PER_CHUNK = 8
ROWS_PER_CHUNK = NODES_PER_CHUNK * T
HALF_ROWS = ROWS_PER_CHUNK // 2
RD = 4


def _compute_chunk(idx_v, rows_v, out_v, idx_off):
    @pl.loop(0, NODES_PER_CHUNK)
    def _node(n):
        base = idx_off + n * T
        iv1 = idx_v[pl.ds(base, L)]
        iv2 = idx_v[pl.ds(base + T - L, L)]
        m1 = jnp.where(iv1 != PAD, jnp.float32(1.0), jnp.float32(0.0))
        m2 = jnp.where(iv2 != PAD, jnp.float32(1.0), jnp.float32(0.0))
        acc = [None] * VPR
        for t in range(T):
            r = n * T + t
            m = m1[t] if t < L else m2[t - (T - L)]
            for q in range(VPR):
                v = rows_v[r, pl.ds(q * L, L)] * m
                acc[q] = v if t == 0 else jnp.maximum(acc[q], v)
        for q in range(VPR):
            out_v[n, pl.ds(q * L, L)] = acc[q]


def _body(rows_per_w, nodes_per_w,
          xf_hbm, table_hbm, out_hbm, idx_v, rows_bufs, out_bufs,
          gsems, osems):
    wid = lax.axis_index("s") * NC + lax.axis_index("c")
    row_base = wid * rows_per_w
    node_base = wid * nodes_per_w
    pltpu.sync_copy(xf_hbm.at[pl.ds(row_base, rows_per_w)], idx_v)
    n_chunks = nodes_per_w // NODES_PER_CHUNK

    def gather_src(c, h):
        return table_hbm.at[idx_v.at[pl.ds(c * ROWS_PER_CHUNK + h * HALF_ROWS,
                                           HALF_ROWS)]]

    def start_gather(c, rows_v, gsem):
        pltpu.async_copy(gather_src(c, 0), rows_v.at[pl.ds(0, HALF_ROWS)],
                         gsem)
        pltpu.async_copy(gather_src(c, 1),
                         rows_v.at[pl.ds(HALF_ROWS, HALF_ROWS)], gsem)

    def wait_gather(c, rows_v, gsem):
        pltpu.make_async_copy(gather_src(c, 0),
                              rows_v.at[pl.ds(0, HALF_ROWS)], gsem).wait()
        pltpu.make_async_copy(gather_src(c, 1),
                              rows_v.at[pl.ds(HALF_ROWS, HALF_ROWS)],
                              gsem).wait()

    def out_dst(c):
        return out_hbm.at[pl.ds(node_base + c * NODES_PER_CHUNK,
                                NODES_PER_CHUNK)]

    for k in range(RD):
        start_gather(k, rows_bufs[k], gsems[k])

    def do_chunk(c, k):
        rows_v, out_v, gsem, osem = rows_bufs[k], out_bufs[k], gsems[k], osems[k]
        wait_gather(c, rows_v, gsem)
        @pl.when(c >= RD)
        def _():
            pltpu.make_async_copy(out_v, out_dst(c - RD), osem).wait()
        _compute_chunk(idx_v, rows_v, out_v, c * ROWS_PER_CHUNK)
        @pl.when(c + RD < n_chunks)
        def _():
            start_gather(c + RD, rows_v, gsem)
        pltpu.async_copy(out_v, out_dst(c), osem)

    @pl.loop(0, n_chunks, step=RD)
    def _chunk(c):
        for k in range(RD):
            do_chunk(c + k, k)

    for k in range(RD):
        pltpu.make_async_copy(
            out_bufs[k], out_dst(n_chunks - RD + k), osems[k]).wait()


def _body_flat(rows_per_w, nodes_per_w, xf_hbm, table_hbm, out_hbm,
               idx_v, *bufs):
    rows_bufs = list(bufs[0:RD])
    out_bufs = list(bufs[RD:2 * RD])
    gsems = list(bufs[2 * RD:3 * RD])
    osems = list(bufs[3 * RD:4 * RD])
    _body(rows_per_w, nodes_per_w, xf_hbm, table_hbm, out_hbm,
          idx_v, rows_bufs, out_bufs, gsems, osems)


@jax.jit
def kernel(x, table):
    B, N, Tk = x.shape
    assert Tk == T and table.shape[1] == D
    nodes = B * N
    rows = nodes * T
    rows_per_w = rows // NW
    nodes_per_w = nodes // NW
    xf = x.reshape(rows)
    mesh = plsc.VectorSubcoreMesh(core_axis_name="c", subcore_axis_name="s")
    scratch = ([pltpu.VMEM((rows_per_w,), jnp.int32)]
               + [pltpu.VMEM((ROWS_PER_CHUNK, D), jnp.float32)] * RD
               + [pltpu.VMEM((NODES_PER_CHUNK, D), jnp.float32)] * RD
               + [pltpu.SemaphoreType.DMA] * (2 * RD))
    out = pl.kernel(
        functools.partial(_body_flat, rows_per_w, nodes_per_w),
        out_type=jax.ShapeDtypeStruct((nodes, D), jnp.float32),
        mesh=mesh,
        scratch_types=scratch,
        compiler_params=pltpu.CompilerParams(needs_layout_passes=False,
                                             use_tc_tiling_on_sc=False),
    )(xf, table)
    return out.reshape(B, N, D)

# --- scband reference (transcript-rebuilt; emitter-appended) ---
"""Pipeline reference for scband-node-embedding-83545703842093 (READ-ONLY COPY).

The authoritative reference and input builder live on the scoring server;
editing this copy changes nothing except your own understanding.
"""

import jax, jax.numpy as jnp
import numpy as np

VOCAB_SIZE = 100000
EMBED_DIM = 128
PAD_ID = 0
BATCH = 1024
NODE_NUM = 20
TOKEN_NUM = 20


def setup_inputs(seed: int = 0) -> dict:
    key = jax.random.key(seed)
    k1, k2 = jax.random.split(key)
    x = jax.random.randint(k1, (BATCH, NODE_NUM, TOKEN_NUM), 0, VOCAB_SIZE, dtype=jnp.int32)
    table = jax.random.normal(k2, (VOCAB_SIZE, EMBED_DIM), dtype=jnp.float32)
    return {"x": x, "table": table}


def reference(x, table):
    # NodeEmbedding.forward with aggr='max', eval mode (dropout = identity)
    token_num = x.shape[-1]
    # node_lengths computed in torch but unused for 'max' aggregation path
    node_lengths = token_num - jnp.sum(x == PAD_ID, axis=-1)
    node_lengths = jnp.where(node_lengths == 0, 1, node_lengths)
    # nn.Embedding with padding_idx: pad row is zeroed
    t = table.at[PAD_ID].set(0.0)
    emb = jnp.take(t, x, axis=0)  # [B, node_num, token_num, embed_dim]
    out = jnp.max(emb, axis=-2)  # [B, node_num, embed_dim]
    return out

if __name__ == "__main__":
    import jax
    _d = setup_inputs()
    print(jax.jit(kernel)(*tuple(_d.values())))

</pallas_src>

<mosaic_0001>
#map = affine_map<(d0, d1) -> (0)>
#map1 = affine_map<(d0, d1) -> (0, 0)>
module attributes {stable_mosaic.version = 14 : i64} {
  func.func @_body_flat(%arg0: i32, %arg1: i32, %arg2: memref<409600xi32, #tpu.memory_space<hbm>>, %arg3: memref<100000x128xf32, #tpu.memory_space<hbm>>, %arg4: memref<20480x128xf32, #tpu.memory_space<hbm>>, %arg5: memref<12800xi32, #tpu.memory_space<vmem>>, %arg6: memref<160x128xf32, #tpu.memory_space<vmem>>, %arg7: memref<160x128xf32, #tpu.memory_space<vmem>>, %arg8: memref<160x128xf32, #tpu.memory_space<vmem>>, %arg9: memref<160x128xf32, #tpu.memory_space<vmem>>, %arg10: memref<8x128xf32, #tpu.memory_space<vmem>>, %arg11: memref<8x128xf32, #tpu.memory_space<vmem>>, %arg12: memref<8x128xf32, #tpu.memory_space<vmem>>, %arg13: memref<8x128xf32, #tpu.memory_space<vmem>>, %arg14: memref<!tpu.dma_semaphore, #tpu.memory_space<semaphore_mem>>, %arg15: memref<!tpu.dma_semaphore, #tpu.memory_space<semaphore_mem>>, %arg16: memref<!tpu.dma_semaphore, #tpu.memory_space<semaphore_mem>>, %arg17: memref<!tpu.dma_semaphore, #tpu.memory_space<semaphore_mem>>, %arg18: memref<!tpu.dma_semaphore, #tpu.memory_space<semaphore_mem>>, %arg19: memref<!tpu.dma_semaphore, #tpu.memory_space<semaphore_mem>>, %arg20: memref<!tpu.dma_semaphore, #tpu.memory_space<semaphore_mem>>, %arg21: memref<!tpu.dma_semaphore, #tpu.memory_space<semaphore_mem>>) attributes {dimension_semantics = [#tpu.dimension_semantics<core_parallel>, #tpu.dimension_semantics<subcore_parallel>], iteration_bounds = array<i64: 2, 16>, scalar_prefetch = 0 : i64, scratch_operands = 17 : i64, tpu.core_type = #tpu.core_type<sc_vector_subcore>, window_params = [{transform_indices = #map}, {transform_indices = #map1}, {transform_indices = #map1}]} {
    %mul3A = arith.constant 2 : i32
    %mul3A_0 = arith.muli %arg1, %mul3A : i32
    %add3A = arith.addi %mul3A_0, %arg0 : i32
    %mul3A_1 = arith.constant 12800 : i32
    %mul3A_2 = arith.muli %add3A, %mul3A_1 : i32
    %mul3A_3 = arith.constant 640 : i32
    %mul3A_4 = arith.muli %add3A, %mul3A_3 : i32
    "tpu.region"() ({
      %run_scoped3A = tpu.sem_alloc : memref<!tpu.dma_semaphore, #tpu.memory_space<semaphore_mem>>
      %dma_start3A_95 = tpu.memref_slice %arg2[%mul3A_2] : memref<409600xi32, #tpu.memory_space<hbm>> -> memref<12800xi32, #tpu.memory_space<hbm>>
      %dma_start3A_96 = tpu.memref_slice %arg2[%mul3A_2] : memref<409600xi32, #tpu.memory_space<hbm>> -> memref<12800xi32, #tpu.memory_space<hbm>>
      tpu.enqueue_dma source(%dma_start3A_96 : memref<12800xi32, #tpu.memory_space<hbm>>) target(%arg5 : memref<12800xi32, #tpu.memory_space<vmem>>) target_semaphore(%run_scoped3A : memref<!tpu.dma_semaphore, #tpu.memory_space<semaphore_mem>>)
      %dma_wait3A_97 = tpu.memref_slice %arg2[%mul3A_2] : memref<409600xi32, #tpu.memory_space<hbm>> -> memref<12800xi32, #tpu.memory_space<hbm>>
      %dma_wait3A_98 = tpu.memref_slice %arg2[%mul3A_2] : memref<409600xi32, #tpu.memory_space<hbm>> -> memref<12800xi32, #tpu.memory_space<hbm>>
      tpu.wait_dma2 semaphore(%run_scoped3A : memref<!tpu.dma_semaphore, #tpu.memory_space<semaphore_mem>>) src(%dma_wait3A_98 : memref<12800xi32, #tpu.memory_space<hbm>>) dst(%arg5 : memref<12800xi32, #tpu.memory_space<vmem>>)
      tpu.yield
    }) : () -> ()
    %dma_start3A = arith.constant 0 : i32
    %dma_start3A_5 = arith.constant 0 : i32
    %dma_start3A_6 = tpu.memref_slice %arg6[%dma_start3A, %dma_start3A_5] : memref<160x128xf32, #tpu.memory_space<vmem>> -> memref<80x128xf32, #tpu.memory_space<vmem>>
    %dma_start3A_7 = arith.constant 0 : i32
    %dma_start3A_8 = tpu.memref_slice %arg5[%dma_start3A_7] : memref<12800xi32, #tpu.memory_space<vmem>> -> memref<80xi32, #tpu.memory_space<vmem>>
    %dma_start3A_9 = arith.constant 0 : i32
    %dma_start3A_10 = arith.constant 0 : i32
    %dma_start3A_11 = tpu.memref_slice %arg3[%dma_start3A_9, %dma_start3A_10] : memref<100000x128xf32, #tpu.memory_space<hbm>> -> memref<100000x128xf32, #tpu.memory_space<hbm>>
    tpu.enqueue_indirect_dma source(%dma_start3A_11 : memref<100000x128xf32, #tpu.memory_space<hbm>>) target(%dma_start3A_6 : memref<80x128xf32, #tpu.memory_space<vmem>>) offsets(%dma_start3A_8 : memref<80xi32, #tpu.memory_space<vmem>>) semaphore(%arg14 : memref<!tpu.dma_semaphore, #tpu.memory_space<semaphore_mem>>)
    %dma_start3A_12 = arith.constant 80 : i32
    %dma_start3A_13 = arith.constant 0 : i32
    %dma_start3A_14 = tpu.memref_slice %arg6[%dma_start3A_12, %dma_start3A_13] : memref<160x128xf32, #tpu.memory_space<vmem>> -> memref<80x128xf32, #tpu.memory_space<vmem>>
    %dma_start3A_15 = arith.constant 80 : i32
    %dma_start3A_16 = tpu.memref_slice %arg5[%dma_start3A_15] : memref<12800xi32, #tpu.memory_space<vmem>> -> memref<80xi32, #tpu.memory_space<vmem>>
    %dma_start3A_17 = arith.constant 0 : i32
    %dma_start3A_18 = arith.constant 0 : i32
    %dma_start3A_19 = tpu.memref_slice %arg3[%dma_start3A_17, %dma_start3A_18] : memref<100000x128xf32, #tpu.memory_space<hbm>> -> memref<100000x128xf32, #tpu.memory_space<hbm>>
    tpu.enqueue_indirect_dma source(%dma_start3A_19 : memref<100000x128xf32, #tpu.memory_space<hbm>>) target(%dma_start3A_14 : memref<80x128xf32, #tpu.memory_space<vmem>>) offsets(%dma_start3A_16 : memref<80xi32, #tpu.memory_space<vmem>>) semaphore(%arg14 : memref<!tpu.dma_semaphore, #tpu.memory_space<semaphore_mem>>)
    %dma_start3A_20 = arith.constant 0 : i32
    %dma_start3A_21 = arith.constant 0 : i32
    %dma_start3A_22 = tpu.memref_slice %arg7[%dma_start3A_20, %dma_start3A_21] : memref<160x128xf32, #tpu.memory_space<vmem>> -> memref<80x128xf32, #tpu.memory_space<vmem>>
    %dma_start3A_23 = arith.constant 160 : i32
    %dma_start3A_24 = tpu.memref_slice %arg5[%dma_start3A_23] : memref<12800xi32, #tpu.memory_space<vmem>> -> memref<80xi32, #tpu.memory_space<vmem>>
    %dma_start3A_25 = arith.constant 0 : i32
    %dma_start3A_26 = arith.constant 0 : i32
    %dma_start3A_27 = tpu.memref_slice %arg3[%dma_start3A_25, %dma_start3A_26] : memref<100000x128xf32, #tpu.memory_space<hbm>> -> memref<100000x128xf32, #tpu.memory_space<hbm>>
    tpu.enqueue_indirect_dma source(%dma_start3A_27 : memref<100000x128xf32, #tpu.memory_space<hbm>>) target(%dma_start3A_22 : memref<80x128xf32, #tpu.memory_space<vmem>>) offsets(%dma_start3A_24 : memref<80xi32, #tpu.memory_space<vmem>>) semaphore(%arg15 : memref<!tpu.dma_semaphore, #tpu.memory_space<semaphore_mem>>)
    %dma_start3A_28 = arith.constant 80 : i32
    %dma_start3A_29 = arith.constant 0 : i32
    %dma_start3A_30 = tpu.memref_slice %arg7[%dma_start3A_28, %dma_start3A_29] : memref<160x128xf32, #tpu.memory_space<vmem>> -> memref<80x128xf32, #tpu.memory_space<vmem>>
    %dma_start3A_31 = arith.constant 240 : i32
    %dma_start3A_32 = tpu.memref_slice %arg5[%dma_start3A_31] : memref<12800xi32, #tpu.memory_space<vmem>> -> memref<80xi32, #tpu.memory_space<vmem>>
    %dma_start3A_33 = arith.constant 0 : i32
    %dma_start3A_34 = arith.constant 0 : i32
    %dma_start3A_35 = tpu.memref_slice %arg3[%dma_start3A_33, %dma_start3A_34] : memref<100000x128xf32, #tpu.memory_space<hbm>> -> memref<100000x128xf32, #tpu.memory_space<hbm>>
    tpu.enqueue_indirect_dma source(%dma_start3A_35 : memref<100000x128xf32, #tpu.memory_space<hbm>>) target(%dma_start3A_30 : memref<80x128xf32, #tpu.memory_space<vmem>>) offsets(%dma_start3A_32 : memref<80xi32, #tpu.memory_space<vmem>>) semaphore(%arg15 : memref<!tpu.dma_semaphore, #tpu.memory_space<semaphore_mem>>)
    %dma_start3A_36 = arith.constant 0 : i32
    %dma_start3A_37 = arith.constant 0 : i32
    %dma_start3A_38 = tpu.memref_slice %arg8[%dma_start3A_36, %dma_start3A_37] : memref<160x128xf32, #tpu.memory_space<vmem>> -> memref<80x128xf32, #tpu.memory_space<vmem>>
    %dma_start3A_39 = arith.constant 320 : i32
    %dma_start3A_40 = tpu.memref_slice %arg5[%dma_start3A_39] : memref<12800xi32, #tpu.memory_space<vmem>> -> memref<80xi32, #tpu.memory_space<vmem>>
    %dma_start3A_41 = arith.constant 0 : i32
    %dma_start3A_42 = arith.constant 0 : i32
    %dma_start3A_43 = tpu.memref_slice %arg3[%dma_start3A_41, %dma_start3A_42] : memref<100000x128xf32, #tpu.memory_space<hbm>> -> memref<100000x128xf32, #tpu.memory_space<hbm>>
    tpu.enqueue_indirect_dma source(%dma_start3A_43 : memref<100000x128xf32, #tpu.memory_space<hbm>>) target(%dma_start3A_38 : memref<80x128xf32, #tpu.memory_space<vmem>>) offsets(%dma_start3A_40 : memref<80xi32, #tpu.memory_space<vmem>>) semaphore(%arg16 : memref<!tpu.dma_semaphore, #tpu.memory_space<semaphore_mem>>)
    %dma_start3A_44 = arith.constant 80 : i32
    %dma_start3A_45 = arith.constant 0 : i32
    %dma_start3A_46 = tpu.memref_slice %arg8[%dma_start3A_44, %dma_start3A_45] : memref<160x128xf32, #tpu.memory_space<vmem>> -> memref<80x128xf32, #tpu.memory_space<vmem>>
    %dma_start3A_47 = arith.constant 400 : i32
    %dma_start3A_48 = tpu.memref_slice %arg5[%dma_start3A_47] : memref<12800xi32, #tpu.memory_space<vmem>> -> memref<80xi32, #tpu.memory_space<vmem>>
    %dma_start3A_49 = arith.constant 0 : i32
    %dma_start3A_50 = arith.constant 0 : i32
    %dma_start3A_51 = tpu.memref_slice %arg3[%dma_start3A_49, %dma_start3A_50] : memref<100000x128xf32, #tpu.memory_space<hbm>> -> memref<100000x128xf32, #tpu.memory_space<hbm>>
    tpu.enqueue_indirect_dma source(%dma_start3A_51 : memref<100000x128xf32, #tpu.memory_space<hbm>>) target(%dma_start3A_46 : memref<80x128xf32, #tpu.memory_space<vmem>>) offsets(%dma_start3A_48 : memref<80xi32, #tpu.memory_space<vmem>>) semaphore(%arg16 : memref<!tpu.dma_semaphore, #tpu.memory_space<semaphore_mem>>)
    %dma_start3A_52 = arith.constant 0 : i32
    %dma_start3A_53 = arith.constant 0 : i32
    %dma_start3A_54 = tpu.memref_slice %arg9[%dma_start3A_52, %dma_start3A_53] : memref<160x128xf32, #tpu.memory_space<vmem>> -> memref<80x128xf32, #tpu.memory_space<vmem>>
    %dma_start3A_55 = arith.constant 480 : i32
    %dma_start3A_56 = tpu.memref_slice %arg5[%dma_start3A_55] : memref<12800xi32, #tpu.memory_space<vmem>> -> memref<80xi32, #tpu.memory_space<vmem>>
    %dma_start3A_57 = arith.constant 0 : i32
    %dma_start3A_58 = arith.constant 0 : i32
    %dma_start3A_59 = tpu.memref_slice %arg3[%dma_start3A_57, %dma_start3A_58] : memref<100000x128xf32, #tpu.memory_space<hbm>> -> memref<100000x128xf32, #tpu.memory_space<hbm>>
    tpu.enqueue_indirect_dma source(%dma_start3A_59 : memref<100000x128xf32, #tpu.memory_space<hbm>>) target(%dma_start3A_54 : memref<80x128xf32, #tpu.memory_space<vmem>>) offsets(%dma_start3A_56 : memref<80xi32, #tpu.memory_space<vmem>>) semaphore(%arg17 : memref<!tpu.dma_semaphore, #tpu.memory_space<semaphore_mem>>)
    %dma_start3A_60 = arith.constant 80 : i32
    %dma_start3A_61 = arith.constant 0 : i32
    %dma_start3A_62 = tpu.memref_slice %arg9[%dma_start3A_60, %dma_start3A_61] : memref<160x128xf32, #tpu.memory_space<vmem>> -> memref<80x128xf32, #tpu.memory_space<vmem>>
    %dma_start3A_63 = arith.constant 560 : i32
    %dma_start3A_64 = tpu.memref_slice %arg5[%dma_start3A_63] : memref<12800xi32, #tpu.memory_space<vmem>> -> memref<80xi32, #tpu.memory_space<vmem>>
    %dma_start3A_65 = arith.constant 0 : i32
    %dma_start3A_66 = arith.constant 0 : i32
    %dma_start3A_67 = tpu.memref_slice %arg3[%dma_start3A_65, %dma_start3A_66] : memref<100000x128xf32, #tpu.memory_space<hbm>> -> memref<100000x128xf32, #tpu.memory_space<hbm>>
    tpu.enqueue_indirect_dma source(%dma_start3A_67 : memref<100000x128xf32, #tpu.memory_space<hbm>>) target(%dma_start3A_62 : memref<80x128xf32, #tpu.memory_space<vmem>>) offsets(%dma_start3A_64 : memref<80xi32, #tpu.memory_space<vmem>>) semaphore(%arg17 : memref<!tpu.dma_semaphore, #tpu.memory_space<semaphore_mem>>)
    %scan3A = arith.constant 0 : i32
    %scan3A_68 = arith.constant 20 : i32
    %scan3A_69 = arith.addi %scan3A, %scan3A_68 : i32
    %scan3A_70 = arith.constant 1 : i32
    scf.for %scan3A_95 = %scan3A to %scan3A_69 step %scan3A_70  : i32 {
      %mul3A_96 = arith.constant 4 : i32
      %mul3A_97 = arith.muli %scan3A_95, %mul3A_96 : i32
      %add3A_98 = arith.constant 0 : i32
      %add3A_99 = arith.addi %add3A_98, %mul3A_97 : i32
      %add3A_100 = arith.constant 0 : i32
      %add3A_101 = arith.addi %add3A_99, %add3A_100 : i32
      %mul3A_102 = arith.constant 160 : i32
      %mul3A_103 = arith.muli %add3A_101, %mul3A_102 : i32
      %add3A_104 = arith.constant 0 : i32
      %add3A_105 = arith.addi %mul3A_103, %add3A_104 : i32
      %dma_wait3A_106 = arith.constant 0 : i32
      %dma_wait3A_107 = arith.constant 0 : i32
      %dma_wait3A_108 = tpu.memref_slice %arg6[%dma_wait3A_106, %dma_wait3A_107] : memref<160x128xf32, #tpu.memory_space<vmem>> -> memref<80x128xf32, #tpu.memory_space<vmem>>
      %dma_wait3A_109 = tpu.memref_slice %arg5[%add3A_105] : memref<12800xi32, #tpu.memory_space<vmem>> -> memref<80xi32, #tpu.memory_space<vmem>>
      %dma_wait3A_110 = arith.constant 0 : i32
      %dma_wait3A_111 = arith.constant 0 : i32
      %dma_wait3A_112 = tpu.memref_slice %arg3[%dma_wait3A_110, %dma_wait3A_111] : memref<100000x128xf32, #tpu.memory_space<hbm>> -> memref<100000x128xf32, #tpu.memory_space<hbm>>
      tpu.wait_indirect_dma semaphore(%arg14 : memref<!tpu.dma_semaphore, #tpu.memory_space<semaphore_mem>>) src(%dma_wait3A_112 : memref<100000x128xf32, #tpu.memory_space<hbm>>) dst(%dma_wait3A_108 : memref<80x128xf32, #tpu.memory_space<vmem>>)
      %mul3A_113 = arith.constant 160 : i32
      %mul3A_114 = arith.muli %add3A_101, %mul3A_113 : i32
      %add3A_115 = arith.constant 80 : i32
      %add3A_116 = arith.addi %mul3A_114, %add3A_115 : i32
      %dma_wait3A_117 = arith.constant 80 : i32
      %dma_wait3A_118 = arith.constant 0 : i32
      %dma_wait3A_119 = tpu.memref_slice %arg6[%dma_wait3A_117, %dma_wait3A_118] : memref<160x128xf32, #tpu.memory_space<vmem>> -> memref<80x128xf32, #tpu.memory_space<vmem>>
      %dma_wait3A_120 = tpu.memref_slice %arg5[%add3A_116] : memref<12800xi32, #tpu.memory_space<vmem>> -> memref<80xi32, #tpu.memory_space<vmem>>
      %dma_wait3A_121 = arith.constant 0 : i32
      %dma_wait3A_122 = arith.constant 0 : i32
      %dma_wait3A_123 = tpu.memref_slice %arg3[%dma_wait3A_121, %dma_wait3A_122] : memref<100000x128xf32, #tpu.memory_space<hbm>> -> memref<100000x128xf32, #tpu.memory_space<hbm>>
      tpu.wait_indirect_dma semaphore(%arg14 : memref<!tpu.dma_semaphore, #tpu.memory_space<semaphore_mem>>) src(%dma_wait3A_123 : memref<100000x128xf32, #tpu.memory_space<hbm>>) dst(%dma_wait3A_119 : memref<80x128xf32, #tpu.memory_space<vmem>>)
      %ge3A = arith.constant 4 : i32
      %ge3A_124 = arith.cmpi sge, %add3A_101, %ge3A : i32
      %convert_element_type3A = arith.extui %ge3A_124 : i1 to i32
      %cond3A = arith.constant 0 : i32
      %cond3A_125 = arith.cmpi ne, %convert_element_type3A, %cond3A : i32
      scf.if %cond3A_125 {
        %sub3A = arith.constant 4 : i32
        %sub3A_296 = arith.subi %add3A_101, %sub3A : i32
        %mul3A_297 = arith.constant 8 : i32
        %mul3A_298 = arith.muli %sub3A_296, %mul3A_297 : i32
        %add3A_299 = arith.addi %mul3A_4, %mul3A_298 : i32
        %dma_wait3A_300 = arith.constant 0 : i32
        %dma_wait3A_301 = tpu.memref_slice %arg4[%add3A_299, %dma_wait3A_300] : memref<20480x128xf32, #tpu.memory_space<hbm>> -> memref<8x128xf32, #tpu.memory_space<hbm>>
        %dma_wait3A_302 = arith.constant 0 : i32
        %dma_wait3A_303 = tpu.memref_slice %arg4[%add3A_299, %dma_wait3A_302] : memref<20480x128xf32, #tpu.memory_space<hbm>> -> memref<8x128xf32, #tpu.memory_space<hbm>>
        tpu.wait_dma2 semaphore(%arg18 : memref<!tpu.dma_semaphore, #tpu.memory_space<semaphore_mem>>) src(%arg10 : memref<8x128xf32, #tpu.memory_space<vmem>>) dst(%dma_wait3A_303 : memref<8x128xf32, #tpu.memory_space<hbm>>)
      } else {
      }
      %mul3A_126 = arith.constant 160 : i32
      %mul3A_127 = arith.muli %add3A_101, %mul3A_126 : i32
      %scan3A_128 = arith.constant 0 : i32
      %scan3A_129 = arith.constant 8 : i32
      %scan3A_130 = arith.addi %scan3A_128, %scan3A_129 : i32
      %scan3A_131 = arith.constant 1 : i32
      scf.for %scan3A_296 = %scan3A_128 to %scan3A_130 step %scan3A_131  : i32 {
        %mul3A_297 = arith.constant 1 : i32
        %mul3A_298 = arith.muli %scan3A_296, %mul3A_297 : i32
        %add3A_299 = arith.constant 0 : i32
        %add3A_300 = arith.addi %add3A_299, %mul3A_298 : i32
        %mul3A_301 = arith.constant 20 : i32
        %mul3A_302 = arith.muli %add3A_300, %mul3A_301 : i32
        %add3A_303 = arith.addi %mul3A_127, %mul3A_302 : i32
        %get3A = arith.index_cast %add3A_303 : i32 to index
        %get3A_304 = tpu.vector_load %arg5[%get3A] {strides = array<i32>} : memref<12800xi32, #tpu.memory_space<vmem>>, vector<16xi32>,
        %add3A_305 = arith.constant 20 : i32
        %add3A_306 = arith.addi %add3A_303, %add3A_305 : i32
        %sub3A = arith.constant 16 : i32
        %sub3A_307 = arith.subi %add3A_306, %sub3A : i32
        %get3A_308 = arith.index_cast %sub3A_307 : i32 to index
        %get3A_309 = tpu.vector_load %arg5[%get3A_308] {strides = array<i32>} : memref<12800xi32, #tpu.memory_space<vmem>>, vector<16xi32>,
        %ne3A = arith.constant 0 : i32
        %ne3A_310 = vector.broadcast %ne3A : i32 to vector<16xi32>
        %ne3A_311 = arith.cmpi ne, %get3A_304, %ne3A_310 : vector<16xi32>
        %jit3A = arith.constant 1.000000e+00 : f32
        %jit3A_312 = arith.constant 0.000000e+00 : f32
        %broadcast_in_dim3A = vector.broadcast %jit3A : f32 to vector<16xf32>
        %broadcast_in_dim3A_313 = vector.broadcast %jit3A_312 : f32 to vector<16xf32>
        %select_n3A = arith.select %ne3A_311, %broadcast_in_dim3A, %broadcast_in_dim3A_313 : vector<16xi1>, vector<16xf32>
        %ne3A_314 = arith.constant 0 : i32
        %ne3A_315 = vector.broadcast %ne3A_314 : i32 to vector<16xi32>
        %ne3A_316 = arith.cmpi ne, %get3A_309, %ne3A_315 : vector<16xi32>
        %jit3A_317 = arith.constant 1.000000e+00 : f32
        %jit3A_318 = arith.constant 0.000000e+00 : f32
        %broadcast_in_dim3A_319 = vector.broadcast %jit3A_317 : f32 to vector<16xf32>
        %broadcast_in_dim3A_320 = vector.broadcast %jit3A_318 : f32 to vector<16xf32>
        %select_n3A_321 = arith.select %ne3A_316, %broadcast_in_dim3A_319, %broadcast_in_dim3A_320 : vector<16xi1>, vector<16xf32>
        %mul3A_322 = arith.constant 20 : i32
        %mul3A_323 = arith.muli %add3A_300, %mul3A_322 : i32
        %add3A_324 = arith.constant 0 : i32
        %add3A_325 = arith.addi %mul3A_323, %add3A_324 : i32
        %slice3A = vector.extract_strided_slice %select_n3A {offsets = [0], sizes = [1], strides = [1]} : vector<16xf32> to vector<1xf32>
        %squeeze3A = vector.extract %slice3A[0] : f32 from vector<1xf32>
        %get3A_326 = arith.index_cast %add3A_325 : i32 to index
        %get3A_327 = arith.constant 0 : index
        %get3A_328 = tpu.vector_load %arg6[%get3A_326, %get3A_327] {strides = array<i32>} : memref<160x128xf32, #tpu.memory_space<vmem>>, vector<16xf32>,
        %mul3A_329 = vector.broadcast %squeeze3A : f32 to vector<16xf32>
        %mul3A_330 = arith.mulf %get3A_328, %mul3A_329 : vector<16xf32>
        %get3A_331 = arith.index_cast %add3A_325 : i32 to index
        %get3A_332 = arith.constant 16 : index
        %get3A_333 = tpu.vector_load %arg6[%get3A_331, %get3A_332] {strides = array<i32>} : memref<160x128xf32, #tpu.memory_space<vmem>>, vector<16xf32>,
        %mul3A_334 = vector.broadcast %squeeze3A : f32 to vector<16xf32>
        %mul3A_335 = arith.mulf %get3A_333, %mul3A_334 : vector<16xf32>
        %get3A_336 = arith.index_cast %add3A_325 : i32 to index
        %get3A_337 = arith.constant 32 : index
        %get3A_338 = tpu.vector_load %arg6[%get3A_336, %get3A_337] {strides = array<i32>} : memref<160x128xf32, #tpu.memory_space<vmem>>, vector<16xf32>,
        %mul3A_339 = vector.broadcast %squeeze3A : f32 to vector<16xf32>
        %mul3A_340 = arith.mulf %get3A_338, %mul3A_339 : vector<16xf32>
        %get3A_341 = arith.index_cast %add3A_325 : i32 to index
        %get3A_342 = arith.constant 48 : index
        %get3A_343 = tpu.vector_load %arg6[%get3A_341, %get3A_342] {strides = array<i32>} : memref<160x128xf32, #tpu.memory_space<vmem>>, vector<16xf32>,
        %mul3A_344 = vector.broadcast %squeeze3A : f32 to vector<16xf32>
        %mul3A_345 = arith.mulf %get3A_343, %mul3A_344 : vector<16xf32>
        %get3A_346 = arith.index_cast %add3A_325 : i32 to index
        %get3A_347 = arith.constant 64 : index
        %get3A_348 = tpu.vector_load %arg6[%get3A_346, %get3A_347] {strides = array<i32>} : memref<160x128xf32, #tpu.memory_space<vmem>>, vector<16xf32>,
        %mul3A_349 = vector.broadcast %squeeze3A : f32 to vector<16xf32>
        %mul3A_350 = arith.mulf %get3A_348, %mul3A_349 : vector<16xf32>
        %get3A_351 = arith.index_cast %add3A_325 : i32 to index
        %get3A_352 = arith.constant 80 : index
        %get3A_353 = tpu.vector_load %arg6[%get3A_351, %get3A_352] {strides = array<i32>} : memref<160x128xf32, #tpu.memory_space<vmem>>, vector<16xf32>,
        %mul3A_354 = vector.broadcast %squeeze3A : f32 to vector<16xf32>
        %mul3A_355 = arith.mulf %get3A_353, %mul3A_354 : vector<16xf32>
        %get3A_356 = arith.index_cast %add3A_325 : i32 to index
        %get3A_357 = arith.constant 96 : index
        %get3A_358 = tpu.vector_load %arg6[%get3A_356, %get3A_357] {strides = array<i32>} : memref<160x128xf32, #tpu.memory_space<vmem>>, vector<16xf32>,
        %mul3A_359 = vector.broadcast %squeeze3A : f32 to vector<16xf32>
        %mul3A_360 = arith.mulf %get3A_358, %mul3A_359 : vector<16xf32>
        %get3A_361 = arith.index_cast %add3A_325 : i32 to index
        %get3A_362 = arith.constant 112 : index
        %get3A_363 = tpu.vector_load %arg6[%get3A_361, %get3A_362] {strides = array<i32>} : memref<160x128xf32, #tpu.memory_space<vmem>>, vector<16xf32>,
        %mul3A_364 = vector.broadcast %squeeze3A : f32 to vector<16xf32>
        %mul3A_365 = arith.mulf %get3A_363, %mul3A_364 : vector<16xf32>
        %mul3A_366 = arith.constant 20 : i32
        %mul3A_367 = arith.muli %add3A_300, %mul3A_366 : i32
        %add3A_368 = arith.constant 1 : i32
        %add3A_369 = arith.addi %mul3A_367, %add3A_368 : i32
        %slice3A_370 = vector.extract_strided_slice %select_n3A {offsets = [1], sizes = [1], strides = [1]} : vector<16xf32> to vector<1xf32>
        %squeeze3A_371 = vector.extract %slice3A_370[0] : f32 from vector<1xf32>
        %get3A_372 = arith.index_cast %add3A_369 : i32 to index
        %get3A_373 = arith.constant 0 : index
        %get3A_374 = tpu.vector_load %arg6[%get3A_372, %get3A_373] {strides = array<i32>} : memref<160x128xf32, #tpu.memory_space<vmem>>, vector<16xf32>,
        %mul3A_375 = vector.broadcast %squeeze3A_371 : f32 to vector<16xf32>
        %mul3A_376 = arith.mulf %get3A_374, %mul3A_375 : vector<16xf32>
        %max3A = arith.maximumf %mul3A_330, %mul3A_376 : vector<16xf32>
        %get3A_377 = arith.index_cast %add3A_369 : i32 to index
        %get3A_378 = arith.constant 16 : index
        %get3A_379 = tpu.vector_load %arg6[%get3A_377, %get3A_378] {strides = array<i32>} : memref<160x128xf32, #tpu.memory_space<vmem>>, vector<16xf32>,
        %mul3A_380 = vector.broadcast %squeeze3A_371 : f32 to vector<16xf32>
        %mul3A_381 = arith.mulf %get3A_379, %mul3A_380 : vector<16xf32>
        %max3A_382 = arith.maximumf %mul3A_335, %mul3A_381 : vector<16xf32>
        %get3A_383 = arith.index_cast %add3A_369 : i32 to index
        %get3A_384 = arith.constant 32 : index
        %get3A_385 = tpu.vector_load %arg6[%get3A_383, %get3A_384] {strides = array<i32>} : memref<160x128xf32, #tpu.memory_space<vmem>>, vector<16xf32>,
        %mul3A_386 = vector.broadcast %squeeze3A_371 : f32 to vector<16xf32>
        %mul3A_387 = arith.mulf %get3A_385, %mul3A_386 : vector<16xf32>
        %max3A_388 = arith.maximumf %mul3A_340, %mul3A_387 : vector<16xf32>
        %get3A_389 = arith.index_cast %add3A_369 : i32 to index
        %get3A_390 = arith.constant 48 : index
        %get3A_391 = tpu.vector_load %arg6[%get3A_389, %get3A_390] {strides = array<i32>} : memref<160x128xf32, #tpu.memory_space<vmem>>, vector<16xf32>,
        %mul3A_392 = vector.broadcast %squeeze3A_371 : f32 to vector<16xf32>
        %mul3A_393 = arith.mulf %get3A_391, %mul3A_392 : vector<16xf32>
        %max3A_394 = arith.maximumf %mul3A_345, %mul3A_393 : vector<16xf32>
        %get3A_395 = arith.index_cast %add3A_369 : i32 to index
        %get3A_396 = arith.constant 64 : index
        %get3A_397 = tpu.vector_load %arg6[%get3A_395, %get3A_396] {strides = array<i32>} : memref<160x128xf32, #tpu.memory_space<vmem>>, vector<16xf32>,
        %mul3A_398 = vector.broadcast %squeeze3A_371 : f32 to vector<16xf32>
        %mul3A_399 = arith.mulf %get3A_397, %mul3A_398 : vector<16xf32>
        %max3A_400 = arith.maximumf %mul3A_350, %mul3A_399 : vector<16xf32>
        %get3A_401 = arith.index_cast %add3A_369 : i32 to index
        %get3A_402 = arith.constant 80 : index
        %get3A_403 = tpu.vector_load %arg6[%get3A_401, %get3A_402] {strides = array<i32>} : memref<160x128xf32, #tpu.memory_space<vmem>>, vector<16xf32>,
        %mul3A_404 = vector.broadcast %squeeze3A_371 : f32 to vector<16xf32>
        %mul3A_405 = arith.mulf %get3A_403, %mul3A_404 : vector<16xf32>
        %max3A_406 = arith.maximumf %mul3A_355, %mul3A_405 : vector<16xf32>
        %get3A_407 = arith.index_cast %add3A_369 : i32 to index
        %get3A_408 = arith.constant 96 : index
        %get3A_409 = tpu.vector_load %arg6[%get3A_407, %get3A_408] {strides = array<i32>} : memref<160x128xf32, #tpu.memory_space<vmem>>, vector<16xf32>,
        %mul3A_410 = vector.broadcast %squeeze3A_371 : f32 to vector<16xf32>
        %mul3A_411 = arith.mulf %get3A_409, %mul3A_410 : vector<16xf32>
        %max3A_412 = arith.maximumf %mul3A_360, %mul3A_411 : vector<16xf32>
        %get3A_413 = arith.index_cast %add3A_369 : i32 to index
        %get3A_414 = arith.constant 112 : index
        %get3A_415 = tpu.vector_load %arg6[%get3A_413, %get3A_414] {strides = array<i32>} : memref<160x128xf32, #tpu.memory_space<vmem>>, vector<16xf32>,
        %mul3A_416 = vector.broadcast %squeeze3A_371 : f32 to vector<16xf32>
        %mul3A_417 = arith.mulf %get3A_415, %mul3A_416 : vector<16xf32>
        %max3A_418 = arith.maximumf %mul3A_365, %mul3A_417 : vector<16xf32>
        %mul3A_419 = arith.constant 20 : i32
        %mul3A_420 = arith.muli %add3A_300, %mul3A_419 : i32
        %add3A_421 = arith.constant 2 : i32
        %add3A_422 = arith.addi %mul3A_420, %add3A_421 : i32
        %slice3A_423 = vector.extract_strided_slice %select_n3A {offsets = [2], sizes = [1], strides = [1]} : vector<16xf32> to vector<1xf32>
        %squeeze3A_424 = vector.extract %slice3A_423[0] : f32 from vector<1xf32>
        %get3A_425 = arith.index_cast %add3A_422 : i32 to index
        %get3A_426 = arith.constant 0 : index
        %get3A_427 = tpu.vector_load %arg6[%get3A_425, %get3A_426] {strides = array<i32>} : memref<160x128xf32, #tpu.memory_space<vmem>>, vector<16xf32>,
        %mul3A_428 = vector.broadcast %squeeze3A_424 : f32 to vector<16xf32>
        %mul3A_429 = arith.mulf %get3A_427, %mul3A_428 : vector<16xf32>
        %max3A_430 = arith.maximumf %max3A, %mul3A_429 : vector<16xf32>
        %get3A_431 = arith.index_cast %add3A_422 : i32 to index
        %get3A_432 = arith.constant 16 : index
        %get3A_433 = tpu.vector_load %arg6[%get3A_431, %get3A_432] {strides = array<i32>} : memref<160x128xf32, #tpu.memory_space<vmem>>, vector<16xf32>,
        %mul3A_434 = vector.broadcast %squeeze3A_424 : f32 to vector<16xf32>
        %mul3A_435 = arith.mulf %get3A_433, %mul3A_434 : vector<16xf32>
        %max3A_436 = arith.maximumf %max3A_382, %mul3A_435 : vector<16xf32>
        %get3A_437 = arith.index_cast %add3A_422 : i32 to index
        %get3A_438 = arith.constant 32 : index
        %get3A_439 = tpu.vector_load %arg6[%get3A_437, %get3A_438] {strides = array<i32>} : memref<160x128xf32, #tpu.memory_space<vmem>>, vector<16xf32>,
        %mul3A_440 = vector.broadcast %squeeze3A_424 : f32 to vector<16xf32>
        %mul3A_441 = arith.mulf %get3A_439, %mul3A_440 : vector<16xf32>
        %max3A_442 = arith.maximumf %max3A_388, %mul3A_441 : vector<16xf32>
        %get3A_443 = arith.index_cast %add3A_422 : i32 to index
        %get3A_444 = arith.constant 48 : index
        %get3A_445 = tpu.vector_load %arg6[%get3A_443, %get3A_444] {strides = array<i32>} : memref<160x128xf32, #tpu.memory_space<vmem>>, vector<16xf32>,
        %mul3A_446 = vector.broadcast %squeeze3A_424 : f32 to vector<16xf32>
        %mul3A_447 = arith.mulf %get3A_445, %mul3A_446 : vector<16xf32>
        %max3A_448 = arith.maximumf %max3A_394, %mul3A_447 : vector<16xf32>
        %get3A_449 = arith.index_cast %add3A_422 : i32 to index
        %get3A_450 = arith.constant 64 : index
        %get3A_451 = tpu.vector_load %arg6[%get3A_449, %get3A_450] {strides = array<i32>} : memref<160x128xf32, #tpu.memory_space<vmem>>, vector<16xf32>,
        %mul3A_452 = vector.broadcast %squeeze3A_424 : f32 to vector<16xf32>
        %mul3A_453 = arith.mulf %get3A_451, %mul3A_452 : vector<16xf32>
        %max3A_454 = arith.maximumf %max3A_400, %mul3A_453 : vector<16xf32>
        %get3A_455 = arith.index_cast %add3A_422 : i32 to index
        %get3A_456 = arith.constant 80 : index
        %get3A_457 = tpu.vector_load %arg6[%get3A_455, %get3A_456] {strides = array<i32>} : memref<160x128xf32, #tpu.memory_space<vmem>>, vector<16xf32>,
        %mul3A_458 = vector.broadcast %squeeze3A_424 : f32 to vector<16xf32>
        %mul3A_459 = arith.mulf %get3A_457, %mul3A_458 : vector<16xf32>
        %max3A_460 = arith.maximumf %max3A_406, %mul3A_459 : vector<16xf32>
        %get3A_461 = arith.index_cast %add3A_422 : i32 to index
        %get3A_462 = arith.constant 96 : index
        %get3A_463 = tpu.vector_load %arg6[%get3A_461, %get3A_462] {strides = array<i32>} : memref<160x128xf32, #tpu.memory_space<vmem>>, vector<16xf32>,
        %mul3A_464 = vector.broadcast %squeeze3A_424 : f32 to vector<16xf32>
        %mul3A_465 = arith.mulf %get3A_463, %mul3A_464 : vector<16xf32>
        %max3A_466 = arith.maximumf %max3A_412, %mul3A_465 : vector<16xf32>
        %get3A_467 = arith.index_cast %add3A_422 : i32 to index
        %get3A_468 = arith.constant 112 : index
        %get3A_469 = tpu.vector_load %arg6[%get3A_467, %get3A_468] {strides = array<i32>} : memref<160x128xf32, #tpu.memory_space<vmem>>, vector<16xf32>,
        %mul3A_470 = vector.broadcast %squeeze3A_424 : f32 to vector<16xf32>
        %mul3A_471 = arith.mulf %get3A_469, %mul3A_470 : vector<16xf32>
        %max3A_472 = arith.maximumf %max3A_418, %mul3A_471 : vector<16xf32>
        %mul3A_473 = arith.constant 20 : i32
        %mul3A_474 = arith.muli %add3A_300, %mul3A_473 : i32
        %add3A_475 = arith.constant 3 : i32
        %add3A_476 = arith.addi %mul3A_474, %add3A_475 : i32
        %slice3A_477 = vector.extract_strided_slice %select_n3A {offsets = [3], sizes = [1], strides = [1]} : vector<16xf32> to vector<1xf32>
        %squeeze3A_478 = vector.extract %slice3A_477[0] : f32 from vector<1xf32>
        %get3A_479 = arith.index_cast %add3A_476 : i32 to index
        %get3A_480 = arith.constant 0 : index
        %get3A_481 = tpu.vector_load %arg6[%get3A_479, %get3A_480] {strides = array<i32>} : memref<160x128xf32, #tpu.memory_space<vmem>>, vector<16xf32>,
        %mul3A_482 = vector.broadcast %squeeze3A_478 : f32 to vector<16xf32>
        %mul3A_483 = arith.mulf %get3A_481, %mul3A_482 : vector<16xf32>
        %max3A_484 = arith.maximumf %max3A_430, %mul3A_483 : vector<16xf32>
        %get3A_485 = arith.index_cast %add3A_476 : i32 to index
        %get3A_486 = arith.constant 16 : index
        %get3A_487 = tpu.vector_load %arg6[%get3A_485, %get3A_486] {strides = array<i32>} : memref<160x128xf32, #tpu.memory_space<vmem>>, vector<16xf32>,
        %mul3A_488 = vector.broadcast %squeeze3A_478 : f32 to vector<16xf32>
        %mul3A_489 = arith.mulf %get3A_487, %mul3A_488 : vector<16xf32>
        %max3A_490 = arith.maximumf %max3A_436, %mul3A_489 : vector<16xf32>
        %get3A_491 = arith.index_cast %add3A_476 : i32 to index
        %get3A_492 = arith.constant 32 : index
        %get3A_493 = tpu.vector_load %arg6[%get3A_491, %get3A_492] {strides = array<i32>} : memref<160x128xf32, #tpu.memory_space<vmem>>, vector<16xf32>,
        %mul3A_494 = vector.broadcast %squeeze3A_478 : f32 to vector<16xf32>
        %mul3A_495 = arith.mulf %get3A_493, %mul3A_494 : vector<16xf32>
        %max3A_496 = arith.maximumf %max3A_442, %mul3A_495 : vector<16xf32>
        %get3A_497 = arith.index_cast %add3A_476 : i32 to index
        %get3A_498 = arith.constant 48 : index
        %get3A_499 = tpu.vector_load %arg6[%get3A_497, %get3A_498] {strides = array<i32>} : memref<160x128xf32, #tpu.memory_space<vmem>>, vector<16xf32>,
        %mul3A_500 = vector.broadcast %squeeze3A_478 : f32 to vector<16xf32>
        %mul3A_501 = arith.mulf %get3A_499, %mul3A_500 : vector<16xf32>
        %max3A_502 = arith.maximumf %max3A_448, %mul3A_501 : vector<16xf32>
        %get3A_503 = arith.index_cast %add3A_476 : i32 to index
        %get3A_504 = arith.constant 64 : index
        %get3A_505 = tpu.vector_load %arg6[%get3A_503, %get3A_504] {strides = array<i32>} : memref<160x128xf32, #tpu.memory_space<vmem>>, vector<16xf32>,
        %mul3A_506 = vector.broadcast %squeeze3A_478 : f32 to vector<16xf32>
        %mul3A_507 = arith.mulf %get3A_505, %mul3A_506 : vector<16xf32>
        %max3A_508 = arith.maximumf %max3A_454, %mul3A_507 : vector<16xf32>
        %get3A_509 = arith.index_cast %add3A_476 : i32 to index
        %get3A_510 = arith.constant 80 : index
        %get3A_511 = tpu.vector_load %arg6[%get3A_509, %get3A_510] {strides = array<i32>} : memref<160x128xf32, #tpu.memory_space<vmem>>, vector<16xf32>,
        %mul3A_512 = vector.broadcast %squeeze3A_478 : f32 to vector<16xf32>
        %mul3A_513 = arith.mulf %get3A_511, %mul3A_512 : vector<16xf32>
        %max3A_514 = arith.maximumf %max3A_460, %mul3A_513 : vector<16xf32>
        %get3A_515 = arith.index_cast %add3A_476 : i32 to index
        %get3A_516 = arith.constant 96 : index
        %get3A_517 = tpu.vector_load %arg6[%get3A_515, %get3A_516] {strides = array<i32>} : memref<160x128xf32, #tpu.memory_space<vmem>>, vector<16xf32>,
        %mul3A_518 = vector.broadcast %squeeze3A_478 : f32 to vector<16xf32>
        %mul3A_519 = arith.mulf %get3A_517, %mul3A_518 : vector<16xf32>
        %max3A_520 = arith.maximumf %max3A_466, %mul3A_519 : vector<16xf32>
        %get3A_521 = arith.index_cast %add3A_476 : i32 to index
        %get3A_522 = arith.constant 112 : index
        %get3A_523 = tpu.vector_load %arg6[%get3A_521, %get3A_522] {strides = array<i32>} : memref<160x128xf32, #tpu.memory_space<vmem>>, vector<16xf32>,
        %mul3A_524 = vector.broadcast %squeeze3A_478 : f32 to vector<16xf32>
        %mul3A_525 = arith.mulf %get3A_523, %mul3A_524 : vector<16xf32>
        %max3A_526 = arith.maximumf %max3A_472, %mul3A_525 : vector<16xf32>
        %mul3A_527 = arith.constant 20 : i32
        %mul3A_528 = arith.muli %add3A_300, %mul3A_527 : i32
        %add3A_529 = arith.constant 4 : i32
        %add3A_530 = arith.addi %mul3A_528, %add3A_529 : i32
        %slice3A_531 = vector.extract_strided_slice %select_n3A {offsets = [4], sizes = [1], strides = [1]} : vector<16xf32> to vector<1xf32>
        %squeeze3A_532 = vector.extract %slice3A_531[0] : f32 from vector<1xf32>
        %get3A_533 = arith.index_cast %add3A_530 : i32 to index
        %get3A_534 = arith.constant 0 : index
        %get3A_535 = tpu.vector_load %arg6[%get3A_533, %get3A_534] {strides = array<i32>} : memref<160x128xf32, #tpu.memory_space<vmem>>, vector<16xf32>,
        %mul3A_536 = vector.broadcast %squeeze3A_532 : f32 to vector<16xf32>
        %mul3A_537 = arith.mulf %get3A_535, %mul3A_536 : vector<16xf32>
        %max3A_538 = arith.maximumf %max3A_484, %mul3A_537 : vector<16xf32>
        %get3A_539 = arith.index_cast %add3A_530 : i32 to index
        %get3A_540 = arith.constant 16 : index
        %get3A_541 = tpu.vector_load %arg6[%get3A_539, %get3A_540] {strides = array<i32>} : memref<160x128xf32, #tpu.memory_space<vmem>>, vector<16xf32>,
        %mul3A_542 = vector.broadcast %squeeze3A_532 : f32 to vector<16xf32>
        %mul3A_543 = arith.mulf %get3A_541, %mul3A_542 : vector<16xf32>
        %max3A_544 = arith.maximumf %max3A_490, %mul3A_543 : vector<16xf32>
        %get3A_545 = arith.index_cast %add3A_530 : i32 to index
        %get3A_546 = arith.constant 32 : index
        %get3A_547 = tpu.vector_load %arg6[%get3A_545, %get3A_546] {strides = array<i32>} : memref<160x128xf32, #tpu.memory_space<vmem>>, vector<16xf32>,
        %mul3A_548 = vector.broadcast %squeeze3A_532 : f32 to vector<16xf32>
        %mul3A_549 = arith.mulf %get3A_547, %mul3A_548 : vector<16xf32>
        %max3A_550 = arith.maximumf %max3A_496, %mul3A_549 : vector<16xf32>
        %get3A_551 = arith.index_cast %add3A_530 : i32 to index
        %get3A_552 = arith.constant 48 : index
        %get3A_553 = tpu.vector_load %arg6[%get3A_551, %get3A_552] {strides = array<i32>} : memref<160x128xf32, #tpu.memory_space<vmem>>, vector<16xf32>,
        %mul3A_554 = vector.broadcast %squeeze3A_532 : f32 to vector<16xf32>
        %mul3A_555 = arith.mulf %get3A_553, %mul3A_554 : vector<16xf32>
        %max3A_556 = arith.maximumf %max3A_502, %mul3A_555 : vector<16xf32>
        %get3A_557 = arith.index_cast %add3A_530 : i32 to index
        %get3A_558 = arith.constant 64 : index
        %get3A_559 = tpu.vector_load %arg6[%get3A_557, %get3A_558] {strides = array<i32>} : memref<160x128xf32, #tpu.memory_space<vmem>>, vector<16xf32>,
        %mul3A_560 = vector.broadcast %squeeze3A_532 : f32 to vector<16xf32>
        %mul3A_561 = arith.mulf %get3A_559, %mul3A_560 : vector<16xf32>
        %max3A_562 = arith.maximumf %max3A_508, %mul3A_561 : vector<16xf32>
        %get3A_563 = arith.index_cast %add3A_530 : i32 to index
        %get3A_564 = arith.constant 80 : index
        %get3A_565 = tpu.vector_load %arg6[%get3A_563, %get3A_564] {strides = array<i32>} : memref<160x128xf32, #tpu.memory_space<vmem>>, vector<16xf32>,
        %mul3A_566 = vector.broadcast %squeeze3A_532 : f32 to vector<16xf32>
        %mul3A_567 = arith.mulf %get3A_565, %mul3A_566 : vector<16xf32>
        %max3A_568 = arith.maximumf %max3A_514, %mul3A_567 : vector<16xf32>
        %get3A_569 = arith.index_cast %add3A_530 : i32 to index
        %get3A_570 = arith.constant 96 : index
        %get3A_571 = tpu.vector_load %arg6[%get3A_569, %get3A_570] {strides = array<i32>} : memref<160x128xf32, #tpu.memory_space<vmem>>, vector<16xf32>,
        %mul3A_572 = vector.broadcast %squeeze3A_532 : f32 to vector<16xf32>
        %mul3A_573 = arith.mulf %get3A_571, %mul3A_572 : vector<16xf32>
        %max3A_574 = arith.maximumf %max3A_520, %mul3A_573 : vector<16xf32>
        %get3A_575 = arith.index_cast %add3A_530 : i32 to index
        %get3A_576 = arith.constant 112 : index
        %get3A_577 = tpu.vector_load %arg6[%get3A_575, %get3A_576] {strides = array<i32>} : memref<160x128xf32, #tpu.memory_space<vmem>>, vector<16xf32>,
        %mul3A_578 = vector.broadcast %squeeze3A_532 : f32 to vector<16xf32>
        %mul3A_579 = arith.mulf %get3A_577, %mul3A_578 : vector<16xf32>
        %max3A_580 = arith.maximumf %max3A_526, %mul3A_579 : vector<16xf32>
        %mul3A_581 = arith.constant 20 : i32
        %mul3A_582 = arith.muli %add3A_300, %mul3A_581 : i32
        %add3A_583 = arith.constant 5 : i32
        %add3A_584 = arith.addi %mul3A_582, %add3A_583 : i32
        %slice3A_585 = vector.extract_strided_slice %select_n3A {offsets = [5], sizes = [1], strides = [1]} : vector<16xf32> to vector<1xf32>
        %squeeze3A_586 = vector.extract %slice3A_585[0] : f32 from vector<1xf32>
        %get3A_587 = arith.index_cast %add3A_584 : i32 to index
        %get3A_588 = arith.constant 0 : index
        %get3A_589 = tpu.vector_load %arg6[%get3A_587, %get3A_588] {strides = array<i32>} : memref<160x128xf32, #tpu.memory_space<vmem>>, vector<16xf32>,
        %mul3A_590 = vector.broadcast %squeeze3A_586 : f32 to vector<16xf32>
        %mul3A_591 = arith.mulf %get3A_589, %mul3A_590 : vector<16xf32>
        %max3A_592 = arith.maximumf %max3A_538, %mul3A_591 : vector<16xf32>
        %get3A_593 = arith.index_cast %add3A_584 : i32 to index
        %get3A_594 = arith.constant 16 : index
        %get3A_595 = tpu.vector_load %arg6[%get3A_593, %get3A_594] {strides = array<i32>} : memref<160x128xf32, #tpu.memory_space<vmem>>, vector<16xf32>,
        %mul3A_596 = vector.broadcast %squeeze3A_586 : f32 to vector<16xf32>
        %mul3A_597 = arith.mulf %get3A_595, %mul3A_596 : vector<16xf32>
        %max3A_598 = arith.maximumf %max3A_544, %mul3A_597 : vector<16xf32>
        %get3A_599 = arith.index_cast %add3A_584 : i32 to index
        %get3A_600 = arith.constant 32 : index
        %get3A_601 = tpu.vector_load %arg6[%get3A_599, %get3A_600] {strides = array<i32>} : memref<160x128xf32, #tpu.memory_space<vmem>>, vector<16xf32>,
        %mul3A_602 = vector.broadcast %squeeze3A_586 : f32 to vector<16xf32>
        %mul3A_603 = arith.mulf %get3A_601, %mul3A_602 : vector<16xf32>
        %max3A_604 = arith.maximumf %max3A_550, %mul3A_603 : vector<16xf32>
        %get3A_605 = arith.index_cast %add3A_584 : i32 to index
        %get3A_606 = arith.constant 48 : index
        %get3A_607 = tpu.vector_load %arg6[%get3A_605, %get3A_606] {strides = array<i32>} : memref<160x128xf32, #tpu.memory_space<vmem>>, vector<16xf32>,
        %mul3A_608 = vector.broadcast %squeeze3A_586 : f32 to vector<16xf32>
        %mul3A_609 = arith.mulf %get3A_607, %mul3A_608 : vector<16xf32>
        %max3A_610 = arith.maximumf %max3A_556, %mul3A_609 : vector<16xf32>
        %get3A_611 = arith.index_cast %add3A_584 : i32 to index
        %get3A_612 = arith.constant 64 : index
        %get3A_613 = tpu.vector_load %arg6[%get3A_611, %get3A_612] {strides = array<i32>} : memref<160x128xf32, #tpu.memory_space<vmem>>, vector<16xf32>,
        %mul3A_614 = vector.broadcast %squeeze3A_586 : f32 to vector<16xf32>
        %mul3A_615 = arith.mulf %get3A_613, %mul3A_614 : vector<16xf32>
        %max3A_616 = arith.maximumf %max3A_562, %mul3A_615 : vector<16xf32>
        %get3A_617 = arith.index_cast %add3A_584 : i32 to index
        %get3A_618 = arith.constant 80 : index
        %get3A_619 = tpu.vector_load %arg6[%get3A_617, %get3A_618] {strides = array<i32>} : memref<160x128xf32, #tpu.memory_space<vmem>>, vector<16xf32>,
        %mul3A_620 = vector.broadcast %squeeze3A_586 : f32 to vector<16xf32>
        %mul3A_621 = arith.mulf %get3A_619, %mul3A_620 : vector<16xf32>
        %max3A_622 = arith.maximumf %max3A_568, %mul3A_621 : vector<16xf32>
        %get3A_623 = arith.index_cast %add3A_584 : i32 to index
        %get3A_624 = arith.constant 96 : index
        %get3A_625 = tpu.vector_load %arg6[%get3A_623, %get3A_624] {strides = array<i32>} : memref<160x128xf32, #tpu.memory_space<vmem>>, vector<16xf32>,
        %mul3A_626 = vector.broadcast %squeeze3A_586 : f32 to vector<16xf32>
        %mul3A_627 = arith.mulf %get3A_625, %mul3A_626 : vector<16xf32>
        %max3A_628 = arith.maximumf %max3A_574, %mul3A_627 : vector<16xf32>
        %get3A_629 = arith.index_cast %add3A_584 : i32 to index
        %get3A_630 = arith.constant 112 : index
        %get3A_631 = tpu.vector_load %arg6[%get3A_629, %get3A_630] {strides = array<i32>} : memref<160x128xf32, #tpu.memory_space<vmem>>, vector<16xf32>,
        %mul3A_632 = vector.broadcast %squeeze3A_586 : f32 to vector<16xf32>
        %mul3A_633 = arith.mulf %get3A_631, %mul3A_632 : vector<16xf32>
        %max3A_634 = arith.maximumf %max3A_580, %mul3A_633 : vector<16xf32>
        %mul3A_635 = arith.constant 20 : i32
        %mul3A_636 = arith.muli %add3A_300, %mul3A_635 : i32
        %add3A_637 = arith.constant 6 : i32
        %add3A_638 = arith.addi %mul3A_636, %add3A_637 : i32
        %slice3A_639 = vector.extract_strided_slice %select_n3A {offsets = [6], sizes = [1], strides = [1]} : vector<16xf32> to vector<1xf32>
        %squeeze3A_640 = vector.extract %slice3A_639[0] : f32 from vector<1xf32>
        %get3A_641 = arith.index_cast %add3A_638 : i32 to index
        %get3A_642 = arith.constant 0 : index
        %get3A_643 = tpu.vector_load %arg6[%get3A_641, %get3A_642] {strides = array<i32>} : memref<160x128xf32, #tpu.memory_space<vmem>>, vector<16xf32>,
        %mul3A_644 = vector.broadcast %squeeze3A_640 : f32 to vector<16xf32>
        %mul3A_645 = arith.mulf %get3A_643, %mul3A_644 : vector<16xf32>
        %max3A_646 = arith.maximumf %max3A_592, %mul3A_645 : vector<16xf32>
        %get3A_647 = arith.index_cast %add3A_638 : i32 to index
        %get3A_648 = arith.constant 16 : index
        %get3A_649 = tpu.vector_load %arg6[%get3A_647, %get3A_648] {strides = array<i32>} : memref<160x128xf32, #tpu.memory_space<vmem>>, vector<16xf32>,
        %mul3A_650 = vector.broadcast %squeeze3A_640 : f32 to vector<16xf32>
        %mul3A_651 = arith.mulf %get3A_649, %mul3A_650 : vector<16xf32>
        %max3A_652 = arith.maximumf %max3A_598, %mul3A_651 : vector<16xf32>
        %get3A_653 = arith.index_cast %add3A_638 : i32 to index
        %get3A_654 = arith.constant 32 : index
        %get3A_655 = tpu.vector_load %arg6[%get3A_653, %get3A_654] {strides = array<i32>} : memref<160x128xf32, #tpu.memory_space<vmem>>, vector<16xf32>,
        %mul3A_656 = vector.broadcast %squeeze3A_640 : f32 to vector<16xf32>
        %mul3A_657 = arith.mulf %get3A_655, %mul3A_656 : vector<16xf32>
        %max3A_658 = arith.maximumf %max3A_604, %mul3A_657 : vector<16xf32>
        %get3A_659 = arith.index_cast %add3A_638 : i32 to index
        %get3A_660 = arith.constant 48 : index
        %get3A_661 = tpu.vector_load %arg6[%get3A_659, %get3A_660] {strides = array<i32>} : memref<160x128xf32, #tpu.memory_space<vmem>>, vector<16xf32>,
        %mul3A_662 = vector.broadcast %squeeze3A_640 : f32 to vector<16xf32>
        %mul3A_663 = arith.mulf %get3A_661, %mul3A_662 : vector<16xf32>
        %max3A_664 = arith.maximumf %max3A_610, %mul3A_663 : vector<16xf32>
        %get3A_665 = arith.index_cast %add3A_638 : i32 to index
        %get3A_666 = arith.constant 64 : index
        %get3A_667 = tpu.vector_load %arg6[%get3A_665, %get3A_666] {strides = array<i32>} : memref<160x128xf32, #tpu.memory_space<vmem>>, vector<16xf32>,
        %mul3A_668 = vector.broadcast %squeeze3A_640 : f32 to vector<16xf32>
        %mul3A_669 = arith.mulf %get3A_667, %mul3A_668 : vector<16xf32>
        %max3A_670 = arith.maximumf %max3A_616, %mul3A_669 : vector<16xf32>
        %get3A_671 = arith.index_cast %add3A_638 : i32 to index
        %get3A_672 = arith.constant 80 : index
        %get3A_673 = tpu.vector_load %arg6[%get3A_671, %get3A_672] {strides = array<i32>} : memref<160x128xf32, #tpu.memory_space<vmem>>, vector<16xf32>,
        %mul3A_674 = vector.broadcast %squeeze3A_640 : f32 to vector<16xf32>
        %mul3A_675 = arith.mulf %get3A_673, %mul3A_674 : vector<16xf32>
        %max3A_676 = arith.maximumf %max3A_622, %mul3A_675 : vector<16xf32>
        %get3A_677 = arith.index_cast %add3A_638 : i32 to index
        %get3A_678 = arith.constant 96 : index
        %get3A_679 = tpu.vector_load %arg6[%get3A_677, %get3A_678] {strides = array<i32>} : memref<160x128xf32, #tpu.memory_space<vmem>>, vector<16xf32>,
        %mul3A_680 = vector.broadcast %squeeze3A_640 : f32 to vector<16xf32>
        %mul3A_681 = arith.mulf %get3A_679, %mul3A_680 : vector<16xf32>
        %max3A_682 = arith.maximumf %max3A_628, %mul3A_681 : vector<16xf32>
        %get3A_683 = arith.index_cast %add3A_638 : i32 to index
        %get3A_684 = arith.constant 112 : index
        %get3A_685 = tpu.vector_load %arg6[%get3A_683, %get3A_684] {strides = array<i32>} : memref<160x128xf32, #tpu.memory_space<vmem>>, vector<16xf32>,
        %mul3A_686 = vector.broadcast %squeeze3A_640 : f32 to vector<16xf32>
        %mul3A_687 = arith.mulf %get3A_685, %mul3A_686 : vector<16xf32>
        %max3A_688 = arith.maximumf %max3A_634, %mul3A_687 : vector<16xf32>
        %mul3A_689 = arith.constant 20 : i32
        %mul3A_690 = arith.muli %add3A_300, %mul3A_689 : i32
        %add3A_691 = arith.constant 7 : i32
        %add3A_692 = arith.addi %mul3A_690, %add3A_691 : i32
        %slice3A_693 = vector.extract_strided_slice %select_n3A {offsets = [7], sizes = [1], strides = [1]} : vector<16xf32> to vector<1xf32>
        %squeeze3A_694 = vector.extract %slice3A_693[0] : f32 from vector<1xf32>
        %get3A_695 = arith.index_cast %add3A_692 : i32 to index
        %get3A_696 = arith.constant 0 : index
        %get3A_697 = tpu.vector_load %arg6[%get3A_695, %get3A_696] {strides = array<i32>} : memref<160x128xf32, #tpu.memory_space<vmem>>, vector<16xf32>,
        %mul3A_698 = vector.broadcast %squeeze3A_694 : f32 to vector<16xf32>
        %mul3A_699 = arith.mulf %get3A_697, %mul3A_698 : vector<16xf32>
        %max3A_700 = arith.maximumf %max3A_646, %mul3A_699 : vector<16xf32>
        %get3A_701 = arith.index_cast %add3A_692 : i32 to index
        %get3A_702 = arith.constant 16 : index
        %get3A_703 = tpu.vector_load %arg6[%get3A_701, %get3A_702] {strides = array<i32>} : memref<160x128xf32, #tpu.memory_space<vmem>>, vector<16xf32>,
        %mul3A_704 = vector.broadcast %squeeze3A_694 : f32 to vector<16xf32>
        %mul3A_705 = arith.mulf %get3A_703, %mul3A_704 : vector<16xf32>
        %max3A_706 = arith.maximumf %max3A_652, %mul3A_705 : vector<16xf32>
        %get3A_707 = arith.index_cast %add3A_692 : i32 to index
        %get3A_708 = arith.constant 32 : index
        %get3A_709 = tpu.vector_load %arg6[%get3A_707, %get3A_708] {strides = array<i32>} : memref<160x128xf32, #tpu.memory_space<vmem>>, vector<16xf32>,
        %mul3A_710 = vector.broadcast %squeeze3A_694 : f32 to vector<16xf32>
        %mul3A_711 = arith.mulf %get3A_709, %mul3A_710 : vector<16xf32>
        %max3A_712 = arith.maximumf %max3A_658, %mul3A_711 : vector<16xf32>
        %get3A_713 = arith.index_cast %add3A_692 : i32 to index
        %get3A_714 = arith.constant 48 : index
        %get3A_715 = tpu.vector_load %arg6[%get3A_713, %get3A_714] {strides = array<i32>} : memref<160x128xf32, #tpu.memory_space<vmem>>, vector<16xf32>,
        %mul3A_716 = vector.broadcast %squeeze3A_694 : f32 to vector<16xf32>
        %mul3A_717 = arith.mulf %get3A_715, %mul3A_716 : vector<16xf32>
        %max3A_718 = arith.maximumf %max3A_664, %mul3A_717 : vector<16xf32>
        %get3A_719 = arith.index_cast %add3A_692 : i32 to index
        %get3A_720 = arith.constant 64 : index
        %get3A_721 = tpu.vector_load %arg6[%get3A_719, %get3A_720] {strides = array<i32>} : memref<160x128xf32, #tpu.memory_space<vmem>>, vector<16xf32>,
        %mul3A_722 = vector.broadcast %squeeze3A_694 : f32 to vector<16xf32>
        %mul3A_723 = arith.mulf %get3A_721, %mul3A_722 : vector<16xf32>
        %max3A_724 = arith.maximumf %max3A_670, %mul3A_723 : vector<16xf32>
        %get3A_725 = arith.index_cast %add3A_692 : i32 to index
        %get3A_726 = arith.constant 80 : index
        %get3A_727 = tpu.vector_load %arg6[%get3A_725, %get3A_726] {strides = array<i32>} : memref<160x128xf32, #tpu.memory_space<vmem>>, vector<16xf32>,
        %mul3A_728 = vector.broadcast %squeeze3A_694 : f32 to vector<16xf32>
        %mul3A_729 = arith.mulf %get3A_727, %mul3A_728 : vector<16xf32>
        %max3A_730 = arith.maximumf %max3A_676, %mul3A_729 : vector<16xf32>
        %get3A_731 = arith.index_cast %add3A_692 : i32 to index
        %get3A_732 = arith.constant 96 : index
        %get3A_733 = tpu.vector_load %arg6[%get3A_731, %get3A_732] {strides = array<i32>} : memref<160x128xf32, #tpu.memory_space<vmem>>, vector<16xf32>,
        %mul3A_734 = vector.broadcast %squeeze3A_694 : f32 to vector<16xf32>
        %mul3A_735 = arith.mulf %get3A_733, %mul3A_734 : vector<16xf32>
        %max3A_736 = arith.maximumf %max3A_682, %mul3A_735 : vector<16xf32>
        %get3A_737 = arith.index_cast %add3A_692 : i32 to index
        %get3A_738 = arith.constant 112 : index
        %get3A_739 = tpu.vector_load %arg6[%get3A_737, %get3A_738] {strides = array<i32>} : memref<160x128xf32, #tpu.memory_space<vmem>>, vector<16xf32>,
        %mul3A_740 = vector.broadcast %squeeze3A_694 : f32 to vector<16xf32>
        %mul3A_741 = arith.mulf %get3A_739, %mul3A_740 : vector<16xf32>
        %max3A_742 = arith.maximumf %max3A_688, %mul3A_741 : vector<16xf32>
        %mul3A_743 = arith.constant 20 : i32
        %mul3A_744 = arith.muli %add3A_300, %mul3A_743 : i32
        %add3A_745 = arith.constant 8 : i32
        %add3A_746 = arith.addi %mul3A_744, %add3A_745 : i32
        %slice3A_747 = vector.extract_strided_slice %select_n3A {offsets = [8], sizes = [1], strides = [1]} : vector<16xf32> to vector<1xf32>
        %squeeze3A_748 = vector.extract %slice3A_747[0] : f32 from vector<1xf32>
        %get3A_749 = arith.index_cast %add3A_746 : i32 to index
        %get3A_750 = arith.constant 0 : index
        %get3A_751 = tpu.vector_load %arg6[%get3A_749, %get3A_750] {strides = array<i32>} : memref<160x128xf32, #tpu.memory_space<vmem>>, vector<16xf32>,
        %mul3A_752 = vector.broadcast %squeeze3A_748 : f32 to vector<16xf32>
        %mul3A_753 = arith.mulf %get3A_751, %mul3A_752 : vector<16xf32>
        %max3A_754 = arith.maximumf %max3A_700, %mul3A_753 : vector<16xf32>
        %get3A_755 = arith.index_cast %add3A_746 : i32 to index
        %get3A_756 = arith.constant 16 : index
        %get3A_757 = tpu.vector_load %arg6[%get3A_755, %get3A_756] {strides = array<i32>} : memref<160x128xf32, #tpu.memory_space<vmem>>, vector<16xf32>,
        %mul3A_758 = vector.broadcast %squeeze3A_748 : f32 to vector<16xf32>
        %mul3A_759 = arith.mulf %get3A_757, %mul3A_758 : vector<16xf32>
        %max3A_760 = arith.maximumf %max3A_706, %mul3A_759 : vector<16xf32>
        %get3A_761 = arith.index_cast %add3A_746 : i32 to index
        %get3A_762 = arith.constant 32 : index
        %get3A_763 = tpu.vector_load %arg6[%get3A_761, %get3A_762] {strides = array<i32>} : memref<160x128xf32, #tpu.memory_space<vmem>>, vector<16xf32>,
        %mul3A_764 = vector.broadcast %squeeze3A_748 : f32 to vector<16xf32>
        %mul3A_765 = arith.mulf %get3A_763, %mul3A_764 : vector<16xf32>
        %max3A_766 = arith.maximumf %max3A_712, %mul3A_765 : vector<16xf32>
        %get3A_767 = arith.index_cast %add3A_746 : i32 to index
        %get3A_768 = arith.constant 48 : index
        %get3A_769 = tpu.vector_load %arg6[%get3A_767, %get3A_768] {strides = array<i32>} : memref<160x128xf32, #tpu.memory_space<vmem>>, vector<16xf32>,
        %mul3A_770 = vector.broadcast %squeeze3A_748 : f32 to vector<16xf32>
        %mul3A_771 = arith.mulf %get3A_769, %mul3A_770 : vector<16xf32>
        %max3A_772 = arith.maximumf %max3A_718, %mul3A_771 : vector<16xf32>
        %get3A_773 = arith.index_cast %add3A_746 : i32 to index
        %get3A_774 = arith.constant 64 : index
        %get3A_775 = tpu.vector_load %arg6[%get3A_773, %get3A_774] {strides = array<i32>} : memref<160x128xf32, #tpu.memory_space<vmem>>, vector<16xf32>,
        %mul3A_776 = vector.broadcast %squeeze3A_748 : f32 to vector<16xf32>
        %mul3A_777 = arith.mulf %get3A_775, %mul3A_776 : vector<16xf32>
        %max3A_778 = arith.maximumf %max3A_724, %mul3A_777 : vector<16xf32>
        %get3A_779 = arith.index_cast %add3A_746 : i32 to index
        %get3A_780 = arith.constant 80 : index
        %get3A_781 = tpu.vector_load %arg6[%get3A_779, %get3A_780] {strides = array<i32>} : memref<160x128xf32, #tpu.memory_space<vmem>>, vector<16xf32>,
        %mul3A_782 = vector.broadcast %squeeze3A_748 : f32 to vector<16xf32>
        %mul3A_783 = arith.mulf %get3A_781, %mul3A_782 : vector<16xf32>
        %max3A_784 = arith.maximumf %max3A_730, %mul3A_783 : vector<16xf32>
        %get3A_785 = arith.index_cast %add3A_746 : i32 to index
        %get3A_786 = arith.constant 96 : index
        %get3A_787 = tpu.vector_load %arg6[%get3A_785, %get3A_786] {strides = array<i32>} : memref<160x128xf32, #tpu.memory_space<vmem>>, vector<16xf32>,
        %mul3A_788 = vector.broadcast %squeeze3A_748 : f32 to vector<16xf32>
        %mul3A_789 = arith.mulf %get3A_787, %mul3A_788 : vector<16xf32>
        %max3A_790 = arith.maximumf %max3A_736, %mul3A_789 : vector<16xf32>
        %get3A_791 = arith.index_cast %add3A_746 : i32 to index
        %get3A_792 = arith.constant 112 : index
        %get3A_793 = tpu.vector_load %arg6[%get3A_791, %get3A_792] {strides = array<i32>} : memref<160x128xf32, #tpu.memory_space<vmem>>, vector<16xf32>,
        %mul3A_794 = vector.broadcast %squeeze3A_748 : f32 to vector<16xf32>
        %mul3A_795 = arith.mulf %get3A_793, %mul3A_794 : vector<16xf32>
        %max3A_796 = arith.maximumf %max3A_742, %mul3A_795 : vector<16xf32>
        %mul3A_797 = arith.constant 20 : i32
        %mul3A_798 = arith.muli %add3A_300, %mul3A_797 : i32
        %add3A_799 = arith.constant 9 : i32
        %add3A_800 = arith.addi %mul3A_798, %add3A_799 : i32
        %slice3A_801 = vector.extract_strided_slice %select_n3A {offsets = [9], sizes = [1], strides = [1]} : vector<16xf32> to vector<1xf32>
        %squeeze3A_802 = vector.extract %slice3A_801[0] : f32 from vector<1xf32>
        %get3A_803 = arith.index_cast %add3A_800 : i32 to index
        %get3A_804 = arith.constant 0 : index
        %get3A_805 = tpu.vector_load %arg6[%get3A_803, %get3A_804] {strides = array<i32>} : memref<160x128xf32, #tpu.memory_space<vmem>>, vector<16xf32>,
        %mul3A_806 = vector.broadcast %squeeze3A_802 : f32 to vector<16xf32>
        %mul3A_807 = arith.mulf %get3A_805, %mul3A_806 : vector<16xf32>
        %max3A_808 = arith.maximumf %max3A_754, %mul3A_807 : vector<16xf32>
        %get3A_809 = arith.index_cast %add3A_800 : i32 to index
        %get3A_810 = arith.constant 16 : index
        %get3A_811 = tpu.vector_load %arg6[%get3A_809, %get3A_810] {strides = array<i32>} : memref<160x128xf32, #tpu.memory_space<vmem>>, vector<16xf32>,
        %mul3A_812 = vector.broadcast %squeeze3A_802 : f32 to vector<16xf32>
        %mul3A_813 = arith.mulf %get3A_811, %mul3A_812 : vector<16xf32>
        %max3A_814 = arith.maximumf %max3A_760, %mul3A_813 : vector<16xf32>
        %get3A_815 = arith.index_cast %add3A_800 : i32 to index
        %get3A_816 = arith.constant 32 : index
        %get3A_817 = tpu.vector_load %arg6[%get3A_815, %get3A_816] {strides = array<i32>} : memref<160x128xf32, #tpu.memory_space<vmem>>, vector<16xf32>,
        %mul3A_818 = vector.broadcast %squeeze3A_802 : f32 to vector<16xf32>
        %mul3A_819 = arith.mulf %get3A_817, %mul3A_818 : vector<16xf32>
        %max3A_820 = arith.maximumf %max3A_766, %mul3A_819 : vector<16xf32>
        %get3A_821 = arith.index_cast %add3A_800 : i32 to index
        %get3A_822 = arith.constant 48 : index
        %get3A_823 = tpu.vector_load %arg6[%get3A_821, %get3A_822] {strides = array<i32>} : memref<160x128xf32, #tpu.memory_space<vmem>>, vector<16xf32>,
        %mul3A_824 = vector.broadcast %squeeze3A_802 : f32 to vector<16xf32>
        %mul3A_825 = arith.mulf %get3A_823, %mul3A_824 : vector<16xf32>
        %max3A_826 = arith.maximumf %max3A_772, %mul3A_825 : vector<16xf32>
        %get3A_827 = arith.index_cast %add3A_800 : i32 to index
        %get3A_828 = arith.constant 64 : index
        %get3A_829 = tpu.vector_load %arg6[%get3A_827, %get3A_828] {strides = array<i32>} : memref<160x128xf32, #tpu.memory_space<vmem>>, vector<16xf32>,
        %mul3A_830 = vector.broadcast %squeeze3A_802 : f32 to vector<16xf32>
        %mul3A_831 = arith.mulf %get3A_829, %mul3A_830 : vector<16xf32>
        %max3A_832 = arith.maximumf %max3A_778, %mul3A_831 : vector<16xf32>
        %get3A_833 = arith.index_cast %add3A_800 : i32 to index
        %get3A_834 = arith.constant 80 : index
        %get3A_835 = tpu.vector_load %arg6[%get3A_833, %get3A_834] {strides = array<i32>} : memref<160x128xf32, #tpu.memory_space<vmem>>, vector<16xf32>,
        %mul3A_836 = vector.broadcast %squeeze3A_802 : f32 to vector<16xf32>
        %mul3A_837 = arith.mulf %get3A_835, %mul3A_836 : vector<16xf32>
        %max3A_838 = arith.maximumf %max3A_784, %mul3A_837 : vector<16xf32>
        %get3A_839 = arith.index_cast %add3A_800 : i32 to index
        %get3A_840 = arith.constant 96 : index
        %get3A_841 = tpu.vector_load %arg6[%get3A_839, %get3A_840] {strides = array<i32>} : memref<160x128xf32, #tpu.memory_space<vmem>>, vector<16xf32>,
        %mul3A_842 = vector.broadcast %squeeze3A_802 : f32 to vector<16xf32>
        %mul3A_843 = arith.mulf %get3A_841, %mul3A_842 : vector<16xf32>
        %max3A_844 = arith.maximumf %max3A_790, %mul3A_843 : vector<16xf32>
        %get3A_845 = arith.index_cast %add3A_800 : i32 to index
        %get3A_846 = arith.constant 112 : index
        %get3A_847 = tpu.vector_load %arg6[%get3A_845, %get3A_846] {strides = array<i32>} : memref<160x128xf32, #tpu.memory_space<vmem>>, vector<16xf32>,
        %mul3A_848 = vector.broadcast %squeeze3A_802 : f32 to vector<16xf32>
        %mul3A_849 = arith.mulf %get3A_847, %mul3A_848 : vector<16xf32>
        %max3A_850 = arith.maximumf %max3A_796, %mul3A_849 : vector<16xf32>
        %mul3A_851 = arith.constant 20 : i32
        %mul3A_852 = arith.muli %add3A_300, %mul3A_851 : i32
        %add3A_853 = arith.constant 10 : i32
        %add3A_854 = arith.addi %mul3A_852, %add3A_853 : i32
        %slice3A_855 = vector.extract_strided_slice %select_n3A {offsets = [10], sizes = [1], strides = [1]} : vector<16xf32> to vector<1xf32>
        %squeeze3A_856 = vector.extract %slice3A_855[0] : f32 from vector<1xf32>
        %get3A_857 = arith.index_cast %add3A_854 : i32 to index
        %get3A_858 = arith.constant 0 : index
        %get3A_859 = tpu.vector_load %arg6[%get3A_857, %get3A_858] {strides = array<i32>} : memref<160x128xf32, #tpu.memory_space<vmem>>, vector<16xf32>,
        %mul3A_860 = vector.broadcast %squeeze3A_856 : f32 to vector<16xf32>
        %mul3A_861 = arith.mulf %get3A_859, %mul3A_860 : vector<16xf32>
        %max3A_862 = arith.maximumf %max3A_808, %mul3A_861 : vector<16xf32>
        %get3A_863 = arith.index_cast %add3A_854 : i32 to index
        %get3A_864 = arith.constant 16 : index
        %get3A_865 = tpu.vector_load %arg6[%get3A_863, %get3A_864] {strides = array<i32>} : memref<160x128xf32, #tpu.memory_space<vmem>>, vector<16xf32>,
        %mul3A_866 = vector.broadcast %squeeze3A_856 : f32 to vector<16xf32>
        %mul3A_867 = arith.mulf %get3A_865, %mul3A_866 : vector<16xf32>
        %max3A_868 = arith.maximumf %max3A_814, %mul3A_867 : vector<16xf32>
        %get3A_869 = arith.index_cast %add3A_854 : i32 to index
        %get3A_870 = arith.constant 32 : index
        %get3A_871 = tpu.vector_load %arg6[%get3A_869, %get3A_870] {strides = array<i32>} : memref<160x128xf32, #tpu.memory_space<vmem>>, vector<16xf32>,
        %mul3A_872 = vector.broadcast %squeeze3A_856 : f32 to vector<16xf32>
        %mul3A_873 = arith.mulf %get3A_871, %mul3A_872 : vector<16xf32>
        %max3A_874 = arith.maximumf %max3A_820, %mul3A_873 : vector<16xf32>
        %get3A_875 = arith.index_cast %add3A_854 : i32 to index
        %get3A_876 = arith.constant 48 : index
        %get3A_877 = tpu.vector_load %arg6[%get3A_875, %get3A_876] {strides = array<i32>} : memref<160x128xf32, #tpu.memory_space<vmem>>, vector<16xf32>,
        %mul3A_878 = vector.broadcast %squeeze3A_856 : f32 to vector<16xf32>
        %mul3A_879 = arith.mulf %get3A_877, %mul3A_878 : vector<16xf32>
        %max3A_880 = arith.maximumf %max3A_826, %mul3A_879 : vector<16xf32>
        %get3A_881 = arith.index_cast %add3A_854 : i32 to index
        %get3A_882 = arith.constant 64 : index
        %get3A_883 = tpu.vector_load %arg6[%get3A_881, %get3A_882] {strides = array<i32>} : memref<160x128xf32, #tpu.memory_space<vmem>>, vector<16xf32>,
        %mul3A_884 = vector.broadcast %squeeze3A_856 : f32 to vector<16xf32>
        %mul3A_885 = arith.mulf %get3A_883, %mul3A_884 : vector<16xf32>
        %max3A_886 = arith.maximumf %max3A_832, %mul3A_885 : vector<16xf32>
        %get3A_887 = arith.index_cast %add3A_854 : i32 to index
        %get3A_888 = arith.constant 80 : index
        %get3A_889 = tpu.vector_load %arg6[%get3A_887, %get3A_888] {strides = array<i32>} : memref<160x128xf32, #tpu.memory_space<vmem>>, vector<16xf32>,
        %mul3A_890 = vector.broadcast %squeeze3A_856 : f32 to vector<16xf32>
        %mul3A_891 = arith.mulf %get3A_889, %mul3A_890 : vector<16xf32>
        %max3A_892 = arith.maximumf %max3A_838, %mul3A_891 : vector<16xf32>
        %get3A_893 = arith.index_cast %add3A_854 : i32 to index
        %get3A_894 = arith.constant 96 : index
        %get3A_895 = tpu.vector_load %arg6[%get3A_893, %get3A_894] {strides = array<i32>} : memref<160x128xf32, #tpu.memory_space<vmem>>, vector<16xf32>,
        %mul3A_896 = vector.broadcast %squeeze3A_856 : f32 to vector<16xf32>
        %mul3A_897 = arith.mulf %get3A_895, %mul3A_896 : vector<16xf32>
        %max3A_898 = arith.maximumf %max3A_844, %mul3A_897 : vector<16xf32>
        %get3A_899 = arith.index_cast %add3A_854 : i32 to index
        %get3A_900 = arith.constant 112 : index
        %get3A_901 = tpu.vector_load %arg6[%get3A_899, %get3A_900] {strides = array<i32>} : memref<160x128xf32, #tpu.memory_space<vmem>>, vector<16xf32>,
        %mul3A_902 = vector.broadcast %squeeze3A_856 : f32 to vector<16xf32>
        %mul3A_903 = arith.mulf %get3A_901, %mul3A_902 : vector<16xf32>
        %max3A_904 = arith.maximumf %max3A_850, %mul3A_903 : vector<16xf32>
        %mul3A_905 = arith.constant 20 : i32
        %mul3A_906 = arith.muli %add3A_300, %mul3A_905 : i32
        %add3A_907 = arith.constant 11 : i32
        %add3A_908 = arith.addi %mul3A_906, %add3A_907 : i32
        %slice3A_909 = vector.extract_strided_slice %select_n3A {offsets = [11], sizes = [1], strides = [1]} : vector<16xf32> to vector<1xf32>
        %squeeze3A_910 = vector.extract %slice3A_909[0] : f32 from vector<1xf32>
        %get3A_911 = arith.index_cast %add3A_908 : i32 to index
        %get3A_912 = arith.constant 0 : index
        %get3A_913 = tpu.vector_load %arg6[%get3A_911, %get3A_912] {strides = array<i32>} : memref<160x128xf32, #tpu.memory_space<vmem>>, vector<16xf32>,
        %mul3A_914 = vector.broadcast %squeeze3A_910 : f32 to vector<16xf32>
        %mul3A_915 = arith.mulf %get3A_913, %mul3A_914 : vector<16xf32>
        %max3A_916 = arith.maximumf %max3A_862, %mul3A_915 : vector<16xf32>
        %get3A_917 = arith.index_cast %add3A_908 : i32 to index
        %get3A_918 = arith.constant 16 : index
        %get3A_919 = tpu.vector_load %arg6[%get3A_917, %get3A_918] {strides = array<i32>} : memref<160x128xf32, #tpu.memory_space<vmem>>, vector<16xf32>,
        %mul3A_920 = vector.broadcast %squeeze3A_910 : f32 to vector<16xf32>
        %mul3A_921 = arith.mulf %get3A_919, %mul3A_920 : vector<16xf32>
        %max3A_922 = arith.maximumf %max3A_868, %mul3A_921 : vector<16xf32>
        %get3A_923 = arith.index_cast %add3A_908 : i32 to index
        %get3A_924 = arith.constant 32 : index
        %get3A_925 = tpu.vector_load %arg6[%get3A_923, %get3A_924] {strides = array<i32>} : memref<160x128xf32, #tpu.memory_space<vmem>>, vector<16xf32>,
        %mul3A_926 = vector.broadcast %squeeze3A_910 : f32 to vector<16xf32>
        %mul3A_927 = arith.mulf %get3A_925, %mul3A_926 : vector<16xf32>
        %max3A_928 = arith.maximumf %max3A_874, %mul3A_927 : vector<16xf32>
        %get3A_929 = arith.index_cast %add3A_908 : i32 to index
        %get3A_930 = arith.constant 48 : index
        %get3A_931 = tpu.vector_load %arg6[%get3A_929, %get3A_930] {strides = array<i32>} : memref<160x128xf32, #tpu.memory_space<vmem>>, vector<16xf32>,
        %mul3A_932 = vector.broadcast %squeeze3A_910 : f32 to vector<16xf32>
        %mul3A_933 = arith.mulf %get3A_931, %mul3A_932 : vector<16xf32>
        %max3A_934 = arith.maximumf %max3A_880, %mul3A_933 : vector<16xf32>
        %get3A_935 = arith.index_cast %add3A_908 : i32 to index
        %get3A_936 = arith.constant 64 : index
        %get3A_937 = tpu.vector_load %arg6[%get3A_935, %get3A_936] {strides = array<i32>} : memref<160x128xf32, #tpu.memory_space<vmem>>, vector<16xf32>,
        %mul3A_938 = vector.broadcast %squeeze3A_910 : f32 to vector<16xf32>
        %mul3A_939 = arith.mulf %get3A_937, %mul3A_938 : vector<16xf32>
        %max3A_940 = arith.maximumf %max3A_886, %mul3A_939 : vector<16xf32>
        %get3A_941 = arith.index_cast %add3A_908 : i32 to index
        %get3A_942 = arith.constant 80 : index
        %get3A_943 = tpu.vector_load %arg6[%get3A_941, %get3A_942] {strides = array<i32>} : memref<160x128xf32, #tpu.memory_space<vmem>>, vector<16xf32>,
        %mul3A_944 = vector.broadcast %squeeze3A_910 : f32 to vector<16xf32>
        %mul3A_945 = arith.mulf %get3A_943, %mul3A_944 : vector<16xf32>
        %max3A_946 = arith.maximumf %max3A_892, %mul3A_945 : vector<16xf32>
        %get3A_947 = arith.index_cast %add3A_908 : i32 to index
        %get3A_948 = arith.constant 96 : index
        %get3A_949 = tpu.vector_load %arg6[%get3A_947, %get3A_948] {strides = array<i32>} : memref<160x128xf32, #tpu.memory_space<vmem>>, vector<16xf32>,
        %mul3A_950 = vector.broadcast %squeeze3A_910 : f32 to vector<16xf32>
        %mul3A_951 = arith.mulf %get3A_949, %mul3A_950 : vector<16xf32>
        %max3A_952 = arith.maximumf %max3A_898, %mul3A_951 : vector<16xf32>
        %get3A_953 = arith.index_cast %add3A_908 : i32 to index
        %get3A_954 = arith.constant 112 : index
        %get3A_955 = tpu.vector_load %arg6[%get3A_953, %get3A_954] {strides = array<i32>} : memref<160x128xf32, #tpu.memory_space<vmem>>, vector<16xf32>,
        %mul3A_956 = vector.broadcast %squeeze3A_910 : f32 to vector<16xf32>
        %mul3A_957 = arith.mulf %get3A_955, %mul3A_956 : vector<16xf32>
        %max3A_958 = arith.maximumf %max3A_904, %mul3A_957 : vector<16xf32>
        %mul3A_959 = arith.constant 20 : i32
        %mul3A_960 = arith.muli %add3A_300, %mul3A_959 : i32
        %add3A_961 = arith.constant 12 : i32
        %add3A_962 = arith.addi %mul3A_960, %add3A_961 : i32
        %slice3A_963 = vector.extract_strided_slice %select_n3A {offsets = [12], sizes = [1], strides = [1]} : vector<16xf32> to vector<1xf32>
        %squeeze3A_964 = vector.extract %slice3A_963[0] : f32 from vector<1xf32>
        %get3A_965 = arith.index_cast %add3A_962 : i32 to index
        %get3A_966 = arith.constant 0 : index
        %get3A_967 = tpu.vector_load %arg6[%get3A_965, %get3A_966] {strides = array<i32>} : memref<160x128xf32, #tpu.memory_space<vmem>>, vector<16xf32>,
        %mul3A_968 = vector.broadcast %squeeze3A_964 : f32 to vector<16xf32>
        %mul3A_969 = arith.mulf %get3A_967, %mul3A_968 : vector<16xf32>
        %max3A_970 = arith.maximumf %max3A_916, %mul3A_969 : vector<16xf32>
        %get3A_971 = arith.index_cast %add3A_962 : i32 to index
        %get3A_972 = arith.constant 16 : index
        %get3A_973 = tpu.vector_load %arg6[%get3A_971, %get3A_972] {strides = array<i32>} : memref<160x128xf32, #tpu.memory_space<vmem>>, vector<16xf32>,
        %mul3A_974 = vector.broadcast %squeeze3A_964 : f32 to vector<16xf32>
        %mul3A_975 = arith.mulf %get3A_973, %mul3A_974 : vector<16xf32>
        %max3A_976 = arith.maximumf %max3A_922, %mul3A_975 : vector<16xf32>
        %get3A_977 = arith.index_cast %add3A_962 : i32 to index
        %get3A_978 = arith.constant 32 : index
        %get3A_979 = tpu.vector_load %arg6[%get3A_977, %get3A_978] {strides = array<i32>} : memref<160x128xf32, #tpu.memory_space<vmem>>, vector<16xf32>,
        %mul3A_980 = vector.broadcast %squeeze3A_964 : f32 to vector<16xf32>
        %mul3A_981 = arith.mulf %get3A_979, %mul3A_980 : vector<16xf32>
        %max3A_982 = arith.maximumf %max3A_928, %mul3A_981 : vector<16xf32>
        %get3A_983 = arith.index_cast %add3A_962 : i32 to index
        %get3A_984 = arith.constant 48 : index
        %get3A_985 = tpu.vector_load %arg6[%get3A_983, %get3A_984] {strides = array<i32>} : memref<160x128xf32, #tpu.memory_space<vmem>>, vector<16xf32>,
        %mul3A_986 = vector.broadcast %squeeze3A_964 : f32 to vector<16xf32>
        %mul3A_987 = arith.mulf %get3A_985, %mul3A_986 : vector<16xf32>
        %max3A_988 = arith.maximumf %max3A_934, %mul3A_987 : vector<16xf32>
        %get3A_989 = arith.index_cast %add3A_962 : i32 to index
        %get3A_990 = arith.constant 64 : index
        %get3A_991 = tpu.vector_load %arg6[%get3A_989, %get3A_990] {strides = array<i32>} : memref<160x128xf32, #tpu.memory_space<vmem>>, vector<16xf32>,
        %mul3A_992 = vector.broadcast %squeeze3A_964 : f32 to vector<16xf32>
        %mul3A_993 = arith.mulf %get3A_991, %mul3A_992 : vector<16xf32>
        %max3A_994 = arith.maximumf %max3A_940, %mul3A_993 : vector<16xf32>
        %get3A_995 = arith.index_cast %add3A_962 : i32 to index
        %get3A_996 = arith.constant 80 : index
        %get3A_997 = tpu.vector_load %arg6[%get3A_995, %get3A_996] {strides = array<i32>} : memref<160x128xf32, #tpu.memory_space<vmem>>, vector<16xf32>,
        %mul3A_998 = vector.broadcast %squeeze3A_964 : f32 to vector<16xf32>
        %mul3A_999 = arith.mulf %get3A_997, %mul3A_998 : vector<16xf32>
        %max3A_1000 = arith.maximumf %max3A_946, %mul3A_999 : vector<16xf32>
        %get3A_1001 = arith.index_cast %add3A_962 : i32 to index
        %get3A_1002 = arith.constant 96 : index
        %get3A_1003 = tpu.vector_load %arg6[%get3A_1001, %get3A_1002] {strides = array<i32>} : memref<160x128xf32, #tpu.memory_space<vmem>>, vector<16xf32>,
        %mul3A_1004 = vector.broadcast %squeeze3A_964 : f32 to vector<16xf32>
        %mul3A_1005 = arith.mulf %get3A_1003, %mul3A_1004 : vector<16xf32>
        %max3A_1006 = arith.maximumf %max3A_952, %mul3A_1005 : vector<16xf32>
        %get3A_1007 = arith.index_cast %add3A_962 : i32 to index
        %get3A_1008 = arith.constant 112 : index
        %get3A_1009 = tpu.vector_load %arg6[%get3A_1007, %get3A_1008] {strides = array<i32>} : memref<160x128xf32, #tpu.memory_space<vmem>>, vector<16xf32>,
        %mul3A_1010 = vector.broadcast %squeeze3A_964 : f32 to vector<16xf32>
        %mul3A_1011 = arith.mulf %get3A_1009, %mul3A_1010 : vector<16xf32>
        %max3A_1012 = arith.maximumf %max3A_958, %mul3A_1011 : vector<16xf32>
        %mul3A_1013 = arith.constant 20 : i32
        %mul3A_1014 = arith.muli %add3A_300, %mul3A_1013 : i32
        %add3A_1015 = arith.constant 13 : i32
        %add3A_1016 = arith.addi %mul3A_1014, %add3A_1015 : i32
        %slice3A_1017 = vector.extract_strided_slice %select_n3A {offsets = [13], sizes = [1], strides = [1]} : vector<16xf32> to vector<1xf32>
        %squeeze3A_1018 = vector.extract %slice3A_1017[0] : f32 from vector<1xf32>
        %get3A_1019 = arith.index_cast %add3A_1016 : i32 to index
        %get3A_1020 = arith.constant 0 : index
        %get3A_1021 = tpu.vector_load %arg6[%get3A_1019, %get3A_1020] {strides = array<i32>} : memref<160x128xf32, #tpu.memory_space<vmem>>, vector<16xf32>,
        %mul3A_1022 = vector.broadcast %squeeze3A_1018 : f32 to vector<16xf32>
        %mul3A_1023 = arith.mulf %get3A_1021, %mul3A_1022 : vector<16xf32>
        %max3A_1024 = arith.maximumf %max3A_970, %mul3A_1023 : vector<16xf32>
        %get3A_1025 = arith.index_cast %add3A_1016 : i32 to index
        %get3A_1026 = arith.constant 16 : index
        %get3A_1027 = tpu.vector_load %arg6[%get3A_1025, %get3A_1026] {strides = array<i32>} : memref<160x128xf32, #tpu.memory_space<vmem>>, vector<16xf32>,
        %mul3A_1028 = vector.broadcast %squeeze3A_1018 : f32 to vector<16xf32>
        %mul3A_1029 = arith.mulf %get3A_1027, %mul3A_1028 : vector<16xf32>
        %max3A_1030 = arith.maximumf %max3A_976, %mul3A_1029 : vector<16xf32>
        %get3A_1031 = arith.index_cast %add3A_1016 : i32 to index
        %get3A_1032 = arith.constant 32 : index
        %get3A_1033 = tpu.vector_load %arg6[%get3A_1031, %get3A_1032] {strides = array<i32>} : memref<160x128xf32, #tpu.memory_space<vmem>>, vector<16xf32>,
        %mul3A_1034 = vector.broadcast %squeeze3A_1018 : f32 to vector<16xf32>
        %mul3A_1035 = arith.mulf %get3A_1033, %mul3A_1034 : vector<16xf32>
        %max3A_1036 = arith.maximumf %max3A_982, %mul3A_1035 : vector<16xf32>
        %get3A_1037 = arith.index_cast %add3A_1016 : i32 to index
        %get3A_1038 = arith.constant 48 : index
        %get3A_1039 = tpu.vector_load %arg6[%get3A_1037, %get3A_1038] {strides = array<i32>} : memref<160x128xf32, #tpu.memory_space<vmem>>, vector<16xf32>,
        %mul3A_1040 = vector.broadcast %squeeze3A_1018 : f32 to vector<16xf32>
        %mul3A_1041 = arith.mulf %get3A_1039, %mul3A_1040 : vector<16xf32>
        %max3A_1042 = arith.maximumf %max3A_988, %mul3A_1041 : vector<16xf32>
        %get3A_1043 = arith.index_cast %add3A_1016 : i32 to index
        %get3A_1044 = arith.constant 64 : index
        %get3A_1045 = tpu.vector_load %arg6[%get3A_1043, %get3A_1044] {strides = array<i32>} : memref<160x128xf32, #tpu.memory_space<vmem>>, vector<16xf32>,
        %mul3A_1046 = vector.broadcast %squeeze3A_1018 : f32 to vector<16xf32>
        %mul3A_1047 = arith.mulf %get3A_1045, %mul3A_1046 : vector<16xf32>
        %max3A_1048 = arith.maximumf %max3A_994, %mul3A_1047 : vector<16xf32>
        %get3A_1049 = arith.index_cast %add3A_1016 : i32 to index
        %get3A_1050 = arith.constant 80 : index
        %get3A_1051 = tpu.vector_load %arg6[%get3A_1049, %get3A_1050] {strides = array<i32>} : memref<160x128xf32, #tpu.memory_space<vmem>>, vector<16xf32>,
        %mul3A_1052 = vector.broadcast %squeeze3A_1018 : f32 to vector<16xf32>
        %mul3A_1053 = arith.mulf %get3A_1051, %mul3A_1052 : vector<16xf32>
        %max3A_1054 = arith.maximumf %max3A_1000, %mul3A_1053 : vector<16xf32>
        %get3A_1055 = arith.index_cast %add3A_1016 : i32 to index
        %get3A_1056 = arith.constant 96 : index
        %get3A_1057 = tpu.vector_load %arg6[%get3A_1055, %get3A_1056] {strides = array<i32>} : memref<160x128xf32, #tpu.memory_space<vmem>>, vector<16xf32>,
        %mul3A_1058 = vector.broadcast %squeeze3A_1018 : f32 to vector<16xf32>
        %mul3A_1059 = arith.mulf %get3A_1057, %mul3A_1058 : vector<16xf32>
        %max3A_1060 = arith.maximumf %max3A_1006, %mul3A_1059 : vector<16xf32>
        %get3A_1061 = arith.index_cast %add3A_1016 : i32 to index
        %get3A_1062 = arith.constant 112 : index
        %get3A_1063 = tpu.vector_load %arg6[%get3A_1061, %get3A_1062] {strides = array<i32>} : memref<160x128xf32, #tpu.memory_space<vmem>>, vector<16xf32>,
        %mul3A_1064 = vector.broadcast %squeeze3A_1018 : f32 to vector<16xf32>
        %mul3A_1065 = arith.mulf %get3A_1063, %mul3A_1064 : vector<16xf32>
        %max3A_1066 = arith.maximumf %max3A_1012, %mul3A_1065 : vector<16xf32>
        %mul3A_1067 = arith.constant 20 : i32
        %mul3A_1068 = arith.muli %add3A_300, %mul3A_1067 : i32
        %add3A_1069 = arith.constant 14 : i32
        %add3A_1070 = arith.addi %mul3A_1068, %add3A_1069 : i32
        %slice3A_1071 = vector.extract_strided_slice %select_n3A {offsets = [14], sizes = [1], strides = [1]} : vector<16xf32> to vector<1xf32>
        %squeeze3A_1072 = vector.extract %slice3A_1071[0] : f32 from vector<1xf32>
        %get3A_1073 = arith.index_cast %add3A_1070 : i32 to index
        %get3A_1074 = arith.constant 0 : index
        %get3A_1075 = tpu.vector_load %arg6[%get3A_1073, %get3A_1074] {strides = array<i32>} : memref<160x128xf32, #tpu.memory_space<vmem>>, vector<16xf32>,
        %mul3A_1076 = vector.broadcast %squeeze3A_1072 : f32 to vector<16xf32>
        %mul3A_1077 = arith.mulf %get3A_1075, %mul3A_1076 : vector<16xf32>
        %max3A_1078 = arith.maximumf %max3A_1024, %mul3A_1077 : vector<16xf32>
        %get3A_1079 = arith.index_cast %add3A_1070 : i32 to index
        %get3A_1080 = arith.constant 16 : index
        %get3A_1081 = tpu.vector_load %arg6[%get3A_1079, %get3A_1080] {strides = array<i32>} : memref<160x128xf32, #tpu.memory_space<vmem>>, vector<16xf32>,
        %mul3A_1082 = vector.broadcast %squeeze3A_1072 : f32 to vector<16xf32>
        %mul3A_1083 = arith.mulf %get3A_1081, %mul3A_1082 : vector<16xf32>
        %max3A_1084 = arith.maximumf %max3A_1030, %mul3A_1083 : vector<16xf32>
        %get3A_1085 = arith.index_cast %add3A_1070 : i32 to index
        %get3A_1086 = arith.constant 32 : index
        %get3A_1087 = tpu.vector_load %arg6[%get3A_1085, %get3A_1086] {strides = array<i32>} : memref<160x128xf32, #tpu.memory_space<vmem>>, vector<16xf32>,
        %mul3A_1088 = vector.broadcast %squeeze3A_1072 : f32 to vector<16xf32>
        %mul3A_1089 = arith.mulf %get3A_1087, %mul3A_1088 : vector<16xf32>
        %max3A_1090 = arith.maximumf %max3A_1036, %mul3A_1089 : vector<16xf32>
        %get3A_1091 = arith.index_cast %add3A_1070 : i32 to index
        %get3A_1092 = arith.constant 48 : index
        %get3A_1093 = tpu.vector_load %arg6[%get3A_1091, %get3A_1092] {strides = array<i32>} : memref<160x128xf32, #tpu.memory_space<vmem>>, vector<16xf32>,
        %mul3A_1094 = vector.broadcast %squeeze3A_1072 : f32 to vector<16xf32>
        %mul3A_1095 = arith.mulf %get3A_1093, %mul3A_1094 : vector<16xf32>
        %max3A_1096 = arith.maximumf %max3A_1042, %mul3A_1095 : vector<16xf32>
        %get3A_1097 = arith.index_cast %add3A_1070 : i32 to index
        %get3A_1098 = arith.constant 64 : index
        %get3A_1099 = tpu.vector_load %arg6[%get3A_1097, %get3A_1098] {strides = array<i32>} : memref<160x128xf32, #tpu.memory_space<vmem>>, vector<16xf32>,
        %mul3A_1100 = vector.broadcast %squeeze3A_1072 : f32 to vector<16xf32>
        %mul3A_1101 = arith.mulf %get3A_1099, %mul3A_1100 : vector<16xf32>
        %max3A_1102 = arith.maximumf %max3A_1048, %mul3A_1101 : vector<16xf32>
        %get3A_1103 = arith.index_cast %add3A_1070 : i32 to index
        %get3A_1104 = arith.constant 80 : index
        %get3A_1105 = tpu.vector_load %arg6[%get3A_1103, %get3A_1104] {strides = array<i32>} : memref<160x128xf32, #tpu.memory_space<vmem>>, vector<16xf32>,
        %mul3A_1106 = vector.broadcast %squeeze3A_1072 : f32 to vector<16xf32>
        %mul3A_1107 = arith.mulf %get3A_1105, %mul3A_1106 : vector<16xf32>
        %max3A_1108 = arith.maximumf %max3A_1054, %mul3A_1107 : vector<16xf32>
        %get3A_1109 = arith.index_cast %add3A_1070 : i32 to index
        %get3A_1110 = arith.constant 96 : index
        %get3A_1111 = tpu.vector_load %arg6[%get3A_1109, %get3A_1110] {strides = array<i32>} : memref<160x128xf32, #tpu.memory_space<vmem>>, vector<16xf32>,
        %mul3A_1112 = vector.broadcast %squeeze3A_1072 : f32 to vector<16xf32>
        %mul3A_1113 = arith.mulf %get3A_1111, %mul3A_1112 : vector<16xf32>
        %max3A_1114 = arith.maximumf %max3A_1060, %mul3A_1113 : vector<16xf32>
        %get3A_1115 = arith.index_cast %add3A_1070 : i32 to index
        %get3A_1116 = arith.constant 112 : index
        %get3A_1117 = tpu.vector_load %arg6[%get3A_1115, %get3A_1116] {strides = array<i32>} : memref<160x128xf32, #tpu.memory_space<vmem>>, vector<16xf32>,
        %mul3A_1118 = vector.broadcast %squeeze3A_1072 : f32 to vector<16xf32>
        %mul3A_1119 = arith.mulf %get3A_1117, %mul3A_1118 : vector<16xf32>
        %max3A_1120 = arith.maximumf %max3A_1066, %mul3A_1119 : vector<16xf32>
        %mul3A_1121 = arith.constant 20 : i32
        %mul3A_1122 = arith.muli %add3A_300, %mul3A_1121 : i32
        %add3A_1123 = arith.constant 15 : i32
        %add3A_1124 = arith.addi %mul3A_1122, %add3A_1123 : i32
        %slice3A_1125 = vector.extract_strided_slice %select_n3A {offsets = [15], sizes = [1], strides = [1]} : vector<16xf32> to vector<1xf32>
        %squeeze3A_1126 = vector.extract %slice3A_1125[0] : f32 from vector<1xf32>
        %get3A_1127 = arith.index_cast %add3A_1124 : i32 to index
        %get3A_1128 = arith.constant 0 : index
        %get3A_1129 = tpu.vector_load %arg6[%get3A_1127, %get3A_1128] {strides = array<i32>} : memref<160x128xf32, #tpu.memory_space<vmem>>, vector<16xf32>,
        %mul3A_1130 = vector.broadcast %squeeze3A_1126 : f32 to vector<16xf32>
        %mul3A_1131 = arith.mulf %get3A_1129, %mul3A_1130 : vector<16xf32>
        %max3A_1132 = arith.maximumf %max3A_1078, %mul3A_1131 : vector<16xf32>
        %get3A_1133 = arith.index_cast %add3A_1124 : i32 to index
        %get3A_1134 = arith.constant 16 : index
        %get3A_1135 = tpu.vector_load %arg6[%get3A_1133, %get3A_1134] {strides = array<i32>} : memref<160x128xf32, #tpu.memory_space<vmem>>, vector<16xf32>,
        %mul3A_1136 = vector.broadcast %squeeze3A_1126 : f32 to vector<16xf32>
        %mul3A_1137 = arith.mulf %get3A_1135, %mul3A_1136 : vector<16xf32>
        %max3A_1138 = arith.maximumf %max3A_1084, %mul3A_1137 : vector<16xf32>
        %get3A_1139 = arith.index_cast %add3A_1124 : i32 to index
        %get3A_1140 = arith.constant 32 : index
        %get3A_1141 = tpu.vector_load %arg6[%get3A_1139, %get3A_1140] {strides = array<i32>} : memref<160x128xf32, #tpu.memory_space<vmem>>, vector<16xf32>,
        %mul3A_1142 = vector.broadcast %squeeze3A_1126 : f32 to vector<16xf32>
        %mul3A_1143 = arith.mulf %get3A_1141, %mul3A_1142 : vector<16xf32>
        %max3A_1144 = arith.maximumf %max3A_1090, %mul3A_1143 : vector<16xf32>
        %get3A_1145 = arith.index_cast %add3A_1124 : i32 to index
        %get3A_1146 = arith.constant 48 : index
        %get3A_1147 = tpu.vector_load %arg6[%get3A_1145, %get3A_1146] {strides = array<i32>} : memref<160x128xf32, #tpu.memory_space<vmem>>, vector<16xf32>,
        %mul3A_1148 = vector.broadcast %squeeze3A_1126 : f32 to vector<16xf32>
        %mul3A_1149 = arith.mulf %get3A_1147, %mul3A_1148 : vector<16xf32>
        %max3A_1150 = arith.maximumf %max3A_1096, %mul3A_1149 : vector<16xf32>
        %get3A_1151 = arith.index_cast %add3A_1124 : i32 to index
        %get3A_1152 = arith.constant 64 : index
        %get3A_1153 = tpu.vector_load %arg6[%get3A_1151, %get3A_1152] {strides = array<i32>} : memref<160x128xf32, #tpu.memory_space<vmem>>, vector<16xf32>,
        %mul3A_1154 = vector.broadcast %squeeze3A_1126 : f32 to vector<16xf32>
        %mul3A_1155 = arith.mulf %get3A_1153, %mul3A_1154 : vector<16xf32>
        %max3A_1156 = arith.maximumf %max3A_1102, %mul3A_1155 : vector<16xf32>
        %get3A_1157 = arith.index_cast %add3A_1124 : i32 to index
        %get3A_1158 = arith.constant 80 : index
        %get3A_1159 = tpu.vector_load %arg6[%get3A_1157, %get3A_1158] {strides = array<i32>} : memref<160x128xf32, #tpu.memory_space<vmem>>, vector<16xf32>,
        %mul3A_1160 = vector.broadcast %squeeze3A_1126 : f32 to vector<16xf32>
        %mul3A_1161 = arith.mulf %get3A_1159, %mul3A_1160 : vector<16xf32>
        %max3A_1162 = arith.maximumf %max3A_1108, %mul3A_1161 : vector<16xf32>
        %get3A_1163 = arith.index_cast %add3A_1124 : i32 to index
        %get3A_1164 = arith.constant 96 : index
        %get3A_1165 = tpu.vector_load %arg6[%get3A_1163, %get3A_1164] {strides = array<i32>} : memref<160x128xf32, #tpu.memory_space<vmem>>, vector<16xf32>,
        %mul3A_1166 = vector.broadcast %squeeze3A_1126 : f32 to vector<16xf32>
        %mul3A_1167 = arith.mulf %get3A_1165, %mul3A_1166 : vector<16xf32>
        %max3A_1168 = arith.maximumf %max3A_1114, %mul3A_1167 : vector<16xf32>
        %get3A_1169 = arith.index_cast %add3A_1124 : i32 to index
        %get3A_1170 = arith.constant 112 : index
        %get3A_1171 = tpu.vector_load %arg6[%get3A_1169, %get3A_1170] {strides = array<i32>} : memref<160x128xf32, #tpu.memory_space<vmem>>, vector<16xf32>,
        %mul3A_1172 = vector.broadcast %squeeze3A_1126 : f32 to vector<16xf32>
        %mul3A_1173 = arith.mulf %get3A_1171, %mul3A_1172 : vector<16xf32>
        %max3A_1174 = arith.maximumf %max3A_1120, %mul3A_1173 : vector<16xf32>
        %mul3A_1175 = arith.constant 20 : i32
        %mul3A_1176 = arith.muli %add3A_300, %mul3A_1175 : i32
        %add3A_1177 = arith.constant 16 : i32
        %add3A_1178 = arith.addi %mul3A_1176, %add3A_1177 : i32
        %slice3A_1179 = vector.extract_strided_slice %select_n3A_321 {offsets = [12], sizes = [1], strides = [1]} : vector<16xf32> to vector<1xf32>
        %squeeze3A_1180 = vector.extract %slice3A_1179[0] : f32 from vector<1xf32>
        %get3A_1181 = arith.index_cast %add3A_1178 : i32 to index
        %get3A_1182 = arith.constant 0 : index
        %get3A_1183 = tpu.vector_load %arg6[%get3A_1181, %get3A_1182] {strides = array<i32>} : memref<160x128xf32, #tpu.memory_space<vmem>>, vector<16xf32>,
        %mul3A_1184 = vector.broadcast %squeeze3A_1180 : f32 to vector<16xf32>
        %mul3A_1185 = arith.mulf %get3A_1183, %mul3A_1184 : vector<16xf32>
        %max3A_1186 = arith.maximumf %max3A_1132, %mul3A_1185 : vector<16xf32>
        %get3A_1187 = arith.index_cast %add3A_1178 : i32 to index
        %get3A_1188 = arith.constant 16 : index
        %get3A_1189 = tpu.vector_load %arg6[%get3A_1187, %get3A_1188] {strides = array<i32>} : memref<160x128xf32, #tpu.memory_space<vmem>>, vector<16xf32>,
        %mul3A_1190 = vector.broadcast %squeeze3A_1180 : f32 to vector<16xf32>
        %mul3A_1191 = arith.mulf %get3A_1189, %mul3A_1190 : vector<16xf32>
        %max3A_1192 = arith.maximumf %max3A_1138, %mul3A_1191 : vector<16xf32>
        %get3A_1193 = arith.index_cast %add3A_1178 : i32 to index
        %get3A_1194 = arith.constant 32 : index
        %get3A_1195 = tpu.vector_load %arg6[%get3A_1193, %get3A_1194] {strides = array<i32>} : memref<160x128xf32, #tpu.memory_space<vmem>>, vector<16xf32>,
        %mul3A_1196 = vector.broadcast %squeeze3A_1180 : f32 to vector<16xf32>
        %mul3A_1197 = arith.mulf %get3A_1195, %mul3A_1196 : vector<16xf32>
        %max3A_1198 = arith.maximumf %max3A_1144, %mul3A_1197 : vector<16xf32>
        %get3A_1199 = arith.index_cast %add3A_1178 : i32 to index
        %get3A_1200 = arith.constant 48 : index
        %get3A_1201 = tpu.vector_load %arg6[%get3A_1199, %get3A_1200] {strides = array<i32>} : memref<160x128xf32, #tpu.memory_space<vmem>>, vector<16xf32>,
        %mul3A_1202 = vector.broadcast %squeeze3A_1180 : f32 to vector<16xf32>
        %mul3A_1203 = arith.mulf %get3A_1201, %mul3A_1202 : vector<16xf32>
        %max3A_1204 = arith.maximumf %max3A_1150, %mul3A_1203 : vector<16xf32>
        %get3A_1205 = arith.index_cast %add3A_1178 : i32 to index
        %get3A_1206 = arith.constant 64 : index
        %get3A_1207 = tpu.vector_load %arg6[%get3A_1205, %get3A_1206] {strides = array<i32>} : memref<160x128xf32, #tpu.memory_space<vmem>>, vector<16xf32>,
        %mul3A_1208 = vector.broadcast %squeeze3A_1180 : f32 to vector<16xf32>
        %mul3A_1209 = arith.mulf %get3A_1207, %mul3A_1208 : vector<16xf32>
        %max3A_1210 = arith.maximumf %max3A_1156, %mul3A_1209 : vector<16xf32>
        %get3A_1211 = arith.index_cast %add3A_1178 : i32 to index
        %get3A_1212 = arith.constant 80 : index
        %get3A_1213 = tpu.vector_load %arg6[%get3A_1211, %get3A_1212] {strides = array<i32>} : memref<160x128xf32, #tpu.memory_space<vmem>>, vector<16xf32>,
        %mul3A_1214 = vector.broadcast %squeeze3A_1180 : f32 to vector<16xf32>
        %mul3A_1215 = arith.mulf %get3A_1213, %mul3A_1214 : vector<16xf32>
        %max3A_1216 = arith.maximumf %max3A_1162, %mul3A_1215 : vector<16xf32>
        %get3A_1217 = arith.index_cast %add3A_1178 : i32 to index
        %get3A_1218 = arith.constant 96 : index
        %get3A_1219 = tpu.vector_load %arg6[%get3A_1217, %get3A_1218] {strides = array<i32>} : memref<160x128xf32, #tpu.memory_space<vmem>>, vector<16xf32>,
        %mul3A_1220 = vector.broadcast %squeeze3A_1180 : f32 to vector<16xf32>
        %mul3A_1221 = arith.mulf %get3A_1219, %mul3A_1220 : vector<16xf32>
        %max3A_1222 = arith.maximumf %max3A_1168, %mul3A_1221 : vector<16xf32>
        %get3A_1223 = arith.index_cast %add3A_1178 : i32 to index
        %get3A_1224 = arith.constant 112 : index
        %get3A_1225 = tpu.vector_load %arg6[%get3A_1223, %get3A_1224] {strides = array<i32>} : memref<160x128xf32, #tpu.memory_space<vmem>>, vector<16xf32>,
        %mul3A_1226 = vector.broadcast %squeeze3A_1180 : f32 to vector<16xf32>
        %mul3A_1227 = arith.mulf %get3A_1225, %mul3A_1226 : vector<16xf32>
        %max3A_1228 = arith.maximumf %max3A_1174, %mul3A_1227 : vector<16xf32>
        %mul3A_1229 = arith.constant 20 : i32
        %mul3A_1230 = arith.muli %add3A_300, %mul3A_1229 : i32
        %add3A_1231 = arith.constant 17 : i32
        %add3A_1232 = arith.addi %mul3A_1230, %add3A_1231 : i32
        %slice3A_1233 = vector.extract_strided_slice %select_n3A_321 {offsets = [13], sizes = [1], strides = [1]} : vector<16xf32> to vector<1xf32>
        %squeeze3A_1234 = vector.extract %slice3A_1233[0] : f32 from vector<1xf32>
        %get3A_1235 = arith.index_cast %add3A_1232 : i32 to index
        %get3A_1236 = arith.constant 0 : index
        %get3A_1237 = tpu.vector_load %arg6[%get3A_1235, %get3A_1236] {strides = array<i32>} : memref<160x128xf32, #tpu.memory_space<vmem>>, vector<16xf32>,
        %mul3A_1238 = vector.broadcast %squeeze3A_1234 : f32 to vector<16xf32>
        %mul3A_1239 = arith.mulf %get3A_1237, %mul3A_1238 : vector<16xf32>
        %max3A_1240 = arith.maximumf %max3A_1186, %mul3A_1239 : vector<16xf32>
        %get3A_1241 = arith.index_cast %add3A_1232 : i32 to index
        %get3A_1242 = arith.constant 16 : index
        %get3A_1243 = tpu.vector_load %arg6[%get3A_1241, %get3A_1242] {strides = array<i32>} : memref<160x128xf32, #tpu.memory_space<vmem>>, vector<16xf32>,
        %mul3A_1244 = vector.broadcast %squeeze3A_1234 : f32 to vector<16xf32>
        %mul3A_1245 = arith.mulf %get3A_1243, %mul3A_1244 : vector<16xf32>
        %max3A_1246 = arith.maximumf %max3A_1192, %mul3A_1245 : vector<16xf32>
        %get3A_1247 = arith.index_cast %add3A_1232 : i32 to index
        %get3A_1248 = arith.constant 32 : index
        %get3A_1249 = tpu.vector_load %arg6[%get3A_1247, %get3A_1248] {strides = array<i32>} : memref<160x128xf32, #tpu.memory_space<vmem>>, vector<16xf32>,
        %mul3A_1250 = vector.broadcast %squeeze3A_1234 : f32 to vector<16xf32>
        %mul3A_1251 = arith.mulf %get3A_1249, %mul3A_1250 : vector<16xf32>
        %max3A_1252 = arith.maximumf %max3A_1198, %mul3A_1251 : vector<16xf32>
        %get3A_1253 = arith.index_cast %add3A_1232 : i32 to index
        %get3A_1254 = arith.constant 48 : index
        %get3A_1255 = tpu.vector_load %arg6[%get3A_1253, %get3A_1254] {strides = array<i32>} : memref<160x128xf32, #tpu.memory_space<vmem>>, vector<16xf32>,
        %mul3A_1256 = vector.broadcast %squeeze3A_1234 : f32 to vector<16xf32>
        %mul3A_1257 = arith.mulf %get3A_1255, %mul3A_1256 : vector<16xf32>
        %max3A_1258 = arith.maximumf %max3A_1204, %mul3A_1257 : vector<16xf32>
        %get3A_1259 = arith.index_cast %add3A_1232 : i32 to index
        %get3A_1260 = arith.constant 64 : index
        %get3A_1261 = tpu.vector_load %arg6[%get3A_1259, %get3A_1260] {strides = array<i32>} : memref<160x128xf32, #tpu.memory_space<vmem>>, vector<16xf32>,
        %mul3A_1262 = vector.broadcast %squeeze3A_1234 : f32 to vector<16xf32>
        %mul3A_1263 = arith.mulf %get3A_1261, %mul3A_1262 : vector<16xf32>
        %max3A_1264 = arith.maximumf %max3A_1210, %mul3A_1263 : vector<16xf32>
        %get3A_1265 = arith.index_cast %add3A_1232 : i32 to index
        %get3A_1266 = arith.constant 80 : index
        %get3A_1267 = tpu.vector_load %arg6[%get3A_1265, %get3A_1266] {strides = array<i32>} : memref<160x128xf32, #tpu.memory_space<vmem>>, vector<16xf32>,
        %mul3A_1268 = vector.broadcast %squeeze3A_1234 : f32 to vector<16xf32>
        %mul3A_1269 = arith.mulf %get3A_1267, %mul3A_1268 : vector<16xf32>
        %max3A_1270 = arith.maximumf %max3A_1216, %mul3A_1269 : vector<16xf32>
        %get3A_1271 = arith.index_cast %add3A_1232 : i32 to index
        %get3A_1272 = arith.constant 96 : index
        %get3A_1273 = tpu.vector_load %arg6[%get3A_1271, %get3A_1272] {strides = array<i32>} : memref<160x128xf32, #tpu.memory_space<vmem>>, vector<16xf32>,
        %mul3A_1274 = vector.broadcast %squeeze3A_1234 : f32 to vector<16xf32>
        %mul3A_1275 = arith.mulf %get3A_1273, %mul3A_1274 : vector<16xf32>
        %max3A_1276 = arith.maximumf %max3A_1222, %mul3A_1275 : vector<16xf32>
        %get3A_1277 = arith.index_cast %add3A_1232 : i32 to index
        %get3A_1278 = arith.constant 112 : index
        %get3A_1279 = tpu.vector_load %arg6[%get3A_1277, %get3A_1278] {strides = array<i32>} : memref<160x128xf32, #tpu.memory_space<vmem>>, vector<16xf32>,
        %mul3A_1280 = vector.broadcast %squeeze3A_1234 : f32 to vector<16xf32>
        %mul3A_1281 = arith.mulf %get3A_1279, %mul3A_1280 : vector<16xf32>
        %max3A_1282 = arith.maximumf %max3A_1228, %mul3A_1281 : vector<16xf32>
        %mul3A_1283 = arith.constant 20 : i32
        %mul3A_1284 = arith.muli %add3A_300, %mul3A_1283 : i32
        %add3A_1285 = arith.constant 18 : i32
        %add3A_1286 = arith.addi %mul3A_1284, %add3A_1285 : i32
        %slice3A_1287 = vector.extract_strided_slice %select_n3A_321 {offsets = [14], sizes = [1], strides = [1]} : vector<16xf32> to vector<1xf32>
        %squeeze3A_1288 = vector.extract %slice3A_1287[0] : f32 from vector<1xf32>
        %get3A_1289 = arith.index_cast %add3A_1286 : i32 to index
        %get3A_1290 = arith.constant 0 : index
        %get3A_1291 = tpu.vector_load %arg6[%get3A_1289, %get3A_1290] {strides = array<i32>} : memref<160x128xf32, #tpu.memory_space<vmem>>, vector<16xf32>,
        %mul3A_1292 = vector.broadcast %squeeze3A_1288 : f32 to vector<16xf32>
        %mul3A_1293 = arith.mulf %get3A_1291, %mul3A_1292 : vector<16xf32>
        %max3A_1294 = arith.maximumf %max3A_1240, %mul3A_1293 : vector<16xf32>
        %get3A_1295 = arith.index_cast %add3A_1286 : i32 to index
        %get3A_1296 = arith.constant 16 : index
        %get3A_1297 = tpu.vector_load %arg6[%get3A_1295, %get3A_1296] {strides = array<i32>} : memref<160x128xf32, #tpu.memory_space<vmem>>, vector<16xf32>,
        %mul3A_1298 = vector.broadcast %squeeze3A_1288 : f32 to vector<16xf32>
        %mul3A_1299 = arith.mulf %get3A_1297, %mul3A_1298 : vector<16xf32>
        %max3A_1300 = arith.maximumf %max3A_1246, %mul3A_1299 : vector<16xf32>
        %get3A_1301 = arith.index_cast %add3A_1286 : i32 to index
        %get3A_1302 = arith.constant 32 : index
        %get3A_1303 = tpu.vector_load %arg6[%get3A_1301, %get3A_1302] {strides = array<i32>} : memref<160x128xf32, #tpu.memory_space<vmem>>, vector<16xf32>,
        %mul3A_1304 = vector.broadcast %squeeze3A_1288 : f32 to vector<16xf32>
        %mul3A_1305 = arith.mulf %get3A_1303, %mul3A_1304 : vector<16xf32>
        %max3A_1306 = arith.maximumf %max3A_1252, %mul3A_1305 : vector<16xf32>
        %get3A_1307 = arith.index_cast %add3A_1286 : i32 to index
        %get3A_1308 = arith.constant 48 : index
        %get3A_1309 = tpu.vector_load %arg6[%get3A_1307, %get3A_1308] {strides = array<i32>} : memref<160x128xf32, #tpu.memory_space<vmem>>, vector<16xf32>,
        %mul3A_1310 = vector.broadcast %squeeze3A_1288 : f32 to vector<16xf32>
        %mul3A_1311 = arith.mulf %get3A_1309, %mul3A_1310 : vector<16xf32>
        %max3A_1312 = arith.maximumf %max3A_1258, %mul3A_1311 : vector<16xf32>
        %get3A_1313 = arith.index_cast %add3A_1286 : i32 to index
        %get3A_1314 = arith.constant 64 : index
        %get3A_1315 = tpu.vector_load %arg6[%get3A_1313, %get3A_1314] {strides = array<i32>} : memref<160x128xf32, #tpu.memory_space<vmem>>, vector<16xf32>,
        %mul3A_1316 = vector.broadcast %squeeze3A_1288 : f32 to vector<16xf32>
        %mul3A_1317 = arith.mulf %get3A_1315, %mul3A_1316 : vector<16xf32>
        %max3A_1318 = arith.maximumf %max3A_1264, %mul3A_1317 : vector<16xf32>
        %get3A_1319 = arith.index_cast %add3A_1286 : i32 to index
        %get3A_1320 = arith.constant 80 : index
        %get3A_1321 = tpu.vector_load %arg6[%get3A_1319, %get3A_1320] {strides = array<i32>} : memref<160x128xf32, #tpu.memory_space<vmem>>, vector<16xf32>,
        %mul3A_1322 = vector.broadcast %squeeze3A_1288 : f32 to vector<16xf32>
        %mul3A_1323 = arith.mulf %get3A_1321, %mul3A_1322 : vector<16xf32>
        %max3A_1324 = arith.maximumf %max3A_1270, %mul3A_1323 : vector<16xf32>
        %get3A_1325 = arith.index_cast %add3A_1286 : i32 to index
        %get3A_1326 = arith.constant 96 : index
        %get3A_1327 = tpu.vector_load %arg6[%get3A_1325, %get3A_1326] {strides = array<i32>} : memref<160x128xf32, #tpu.memory_space<vmem>>, vector<16xf32>,
        %mul3A_1328 = vector.broadcast %squeeze3A_1288 : f32 to vector<16xf32>
        %mul3A_1329 = arith.mulf %get3A_1327, %mul3A_1328 : vector<16xf32>
        %max3A_1330 = arith.maximumf %max3A_1276, %mul3A_1329 : vector<16xf32>
        %get3A_1331 = arith.index_cast %add3A_1286 : i32 to index
        %get3A_1332 = arith.constant 112 : index
        %get3A_1333 = tpu.vector_load %arg6[%get3A_1331, %get3A_1332] {strides = array<i32>} : memref<160x128xf32, #tpu.memory_space<vmem>>, vector<16xf32>,
        %mul3A_1334 = vector.broadcast %squeeze3A_1288 : f32 to vector<16xf32>
        %mul3A_1335 = arith.mulf %get3A_1333, %mul3A_1334 : vector<16xf32>
        %max3A_1336 = arith.maximumf %max3A_1282, %mul3A_1335 : vector<16xf32>
        %mul3A_1337 = arith.constant 20 : i32
        %mul3A_1338 = arith.muli %add3A_300, %mul3A_1337 : i32
        %add3A_1339 = arith.constant 19 : i32
        %add3A_1340 = arith.addi %mul3A_1338, %add3A_1339 : i32
        %slice3A_1341 = vector.extract_strided_slice %select_n3A_321 {offsets = [15], sizes = [1], strides = [1]} : vector<16xf32> to vector<1xf32>
        %squeeze3A_1342 = vector.extract %slice3A_1341[0] : f32 from vector<1xf32>
        %get3A_1343 = arith.index_cast %add3A_1340 : i32 to index
        %get3A_1344 = arith.constant 0 : index
        %get3A_1345 = tpu.vector_load %arg6[%get3A_1343, %get3A_1344] {strides = array<i32>} : memref<160x128xf32, #tpu.memory_space<vmem>>, vector<16xf32>,
        %mul3A_1346 = vector.broadcast %squeeze3A_1342 : f32 to vector<16xf32>
        %mul3A_1347 = arith.mulf %get3A_1345, %mul3A_1346 : vector<16xf32>
        %max3A_1348 = arith.maximumf %max3A_1294, %mul3A_1347 : vector<16xf32>
        %get3A_1349 = arith.index_cast %add3A_1340 : i32 to index
        %get3A_1350 = arith.constant 16 : index
        %get3A_1351 = tpu.vector_load %arg6[%get3A_1349, %get3A_1350] {strides = array<i32>} : memref<160x128xf32, #tpu.memory_space<vmem>>, vector<16xf32>,
        %mul3A_1352 = vector.broadcast %squeeze3A_1342 : f32 to vector<16xf32>
        %mul3A_1353 = arith.mulf %get3A_1351, %mul3A_1352 : vector<16xf32>
        %max3A_1354 = arith.maximumf %max3A_1300, %mul3A_1353 : vector<16xf32>
        %get3A_1355 = arith.index_cast %add3A_1340 : i32 to index
        %get3A_1356 = arith.constant 32 : index
        %get3A_1357 = tpu.vector_load %arg6[%get3A_1355, %get3A_1356] {strides = array<i32>} : memref<160x128xf32, #tpu.memory_space<vmem>>, vector<16xf32>,
        %mul3A_1358 = vector.broadcast %squeeze3A_1342 : f32 to vector<16xf32>
        %mul3A_1359 = arith.mulf %get3A_1357, %mul3A_1358 : vector<16xf32>
        %max3A_1360 = arith.maximumf %max3A_1306, %mul3A_1359 : vector<16xf32>
        %get3A_1361 = arith.index_cast %add3A_1340 : i32 to index
        %get3A_1362 = arith.constant 48 : index
        %get3A_1363 = tpu.vector_load %arg6[%get3A_1361, %get3A_1362] {strides = array<i32>} : memref<160x128xf32, #tpu.memory_space<vmem>>, vector<16xf32>,
        %mul3A_1364 = vector.broadcast %squeeze3A_1342 : f32 to vector<16xf32>
        %mul3A_1365 = arith.mulf %get3A_1363, %mul3A_1364 : vector<16xf32>
        %max3A_1366 = arith.maximumf %max3A_1312, %mul3A_1365 : vector<16xf32>
        %get3A_1367 = arith.index_cast %add3A_1340 : i32 to index
        %get3A_1368 = arith.constant 64 : index
        %get3A_1369 = tpu.vector_load %arg6[%get3A_1367, %get3A_1368] {strides = array<i32>} : memref<160x128xf32, #tpu.memory_space<vmem>>, vector<16xf32>,
        %mul3A_1370 = vector.broadcast %squeeze3A_1342 : f32 to vector<16xf32>
        %mul3A_1371 = arith.mulf %get3A_1369, %mul3A_1370 : vector<16xf32>
        %max3A_1372 = arith.maximumf %max3A_1318, %mul3A_1371 : vector<16xf32>
        %get3A_1373 = arith.index_cast %add3A_1340 : i32 to index
        %get3A_1374 = arith.constant 80 : index
        %get3A_1375 = tpu.vector_load %arg6[%get3A_1373, %get3A_1374] {strides = array<i32>} : memref<160x128xf32, #tpu.memory_space<vmem>>, vector<16xf32>,
        %mul3A_1376 = vector.broadcast %squeeze3A_1342 : f32 to vector<16xf32>
        %mul3A_1377 = arith.mulf %get3A_1375, %mul3A_1376 : vector<16xf32>
        %max3A_1378 = arith.maximumf %max3A_1324, %mul3A_1377 : vector<16xf32>
        %get3A_1379 = arith.index_cast %add3A_1340 : i32 to index
        %get3A_1380 = arith.constant 96 : index
        %get3A_1381 = tpu.vector_load %arg6[%get3A_1379, %get3A_1380] {strides = array<i32>} : memref<160x128xf32, #tpu.memory_space<vmem>>, vector<16xf32>,
        %mul3A_1382 = vector.broadcast %squeeze3A_1342 : f32 to vector<16xf32>
        %mul3A_1383 = arith.mulf %get3A_1381, %mul3A_1382 : vector<16xf32>
        %max3A_1384 = arith.maximumf %max3A_1330, %mul3A_1383 : vector<16xf32>
        %get3A_1385 = arith.index_cast %add3A_1340 : i32 to index
        %get3A_1386 = arith.constant 112 : index
        %get3A_1387 = tpu.vector_load %arg6[%get3A_1385, %get3A_1386] {strides = array<i32>} : memref<160x128xf32, #tpu.memory_space<vmem>>, vector<16xf32>,
        %mul3A_1388 = vector.broadcast %squeeze3A_1342 : f32 to vector<16xf32>
        %mul3A_1389 = arith.mulf %get3A_1387, %mul3A_1388 : vector<16xf32>
        %max3A_1390 = arith.maximumf %max3A_1336, %mul3A_1389 : vector<16xf32>
        %swap3A = arith.index_cast %add3A_300 : i32 to index
        %swap3A_1391 = arith.constant 0 : index
        %swap3A_1392 = tpu.vector_load %arg10[%swap3A, %swap3A_1391] {strides = array<i32>} : memref<8x128xf32, #tpu.memory_space<vmem>>, vector<16xf32>,
        tpu.vector_store %arg10[%swap3A, %swap3A_1391], %max3A_1348 {strides = array<i32>} : memref<8x128xf32, #tpu.memory_space<vmem>>, vector<16xf32>,
        %swap3A_1393 = arith.index_cast %add3A_300 : i32 to index
        %swap3A_1394 = arith.constant 16 : index
        %swap3A_1395 = tpu.vector_load %arg10[%swap3A_1393, %swap3A_1394] {strides = array<i32>} : memref<8x128xf32, #tpu.memory_space<vmem>>, vector<16xf32>,
        tpu.vector_store %arg10[%swap3A_1393, %swap3A_1394], %max3A_1354 {strides = array<i32>} : memref<8x128xf32, #tpu.memory_space<vmem>>, vector<16xf32>,
        %swap3A_1396 = arith.index_cast %add3A_300 : i32 to index
        %swap3A_1397 = arith.constant 32 : index
        %swap3A_1398 = tpu.vector_load %arg10[%swap3A_1396, %swap3A_1397] {strides = array<i32>} : memref<8x128xf32, #tpu.memory_space<vmem>>, vector<16xf32>,
        tpu.vector_store %arg10[%swap3A_1396, %swap3A_1397], %max3A_1360 {strides = array<i32>} : memref<8x128xf32, #tpu.memory_space<vmem>>, vector<16xf32>,
        %swap3A_1399 = arith.index_cast %add3A_300 : i32 to index
        %swap3A_1400 = arith.constant 48 : index
        %swap3A_1401 = tpu.vector_load %arg10[%swap3A_1399, %swap3A_1400] {strides = array<i32>} : memref<8x128xf32, #tpu.memory_space<vmem>>, vector<16xf32>,
        tpu.vector_store %arg10[%swap3A_1399, %swap3A_1400], %max3A_1366 {strides = array<i32>} : memref<8x128xf32, #tpu.memory_space<vmem>>, vector<16xf32>,
        %swap3A_1402 = arith.index_cast %add3A_300 : i32 to index
        %swap3A_1403 = arith.constant 64 : index
        %swap3A_1404 = tpu.vector_load %arg10[%swap3A_1402, %swap3A_1403] {strides = array<i32>} : memref<8x128xf32, #tpu.memory_space<vmem>>, vector<16xf32>,
        tpu.vector_store %arg10[%swap3A_1402, %swap3A_1403], %max3A_1372 {strides = array<i32>} : memref<8x128xf32, #tpu.memory_space<vmem>>, vector<16xf32>,
        %swap3A_1405 = arith.index_cast %add3A_300 : i32 to index
        %swap3A_1406 = arith.constant 80 : index
        %swap3A_1407 = tpu.vector_load %arg10[%swap3A_1405, %swap3A_1406] {strides = array<i32>} : memref<8x128xf32, #tpu.memory_space<vmem>>, vector<16xf32>,
        tpu.vector_store %arg10[%swap3A_1405, %swap3A_1406], %max3A_1378 {strides = array<i32>} : memref<8x128xf32, #tpu.memory_space<vmem>>, vector<16xf32>,
        %swap3A_1408 = arith.index_cast %add3A_300 : i32 to index
        %swap3A_1409 = arith.constant 96 : index
        %swap3A_1410 = tpu.vector_load %arg10[%swap3A_1408, %swap3A_1409] {strides = array<i32>} : memref<8x128xf32, #tpu.memory_space<vmem>>, vector<16xf32>,
        tpu.vector_store %arg10[%swap3A_1408, %swap3A_1409], %max3A_1384 {strides = array<i32>} : memref<8x128xf32, #tpu.memory_space<vmem>>, vector<16xf32>,
        %swap3A_1411 = arith.index_cast %add3A_300 : i32 to index
        %swap3A_1412 = arith.constant 112 : index
        %swap3A_1413 = tpu.vector_load %arg10[%swap3A_1411, %swap3A_1412] {strides = array<i32>} : memref<8x128xf32, #tpu.memory_space<vmem>>, vector<16xf32>,
        tpu.vector_store %arg10[%swap3A_1411, %swap3A_1412], %max3A_1390 {strides = array<i32>} : memref<8x128xf32, #tpu.memory_space<vmem>>, vector<16xf32>,
      }
      %scan3A_132 = arith.constant 8 : i32
      %add3A_133 = arith.constant 4 : i32
      %add3A_134 = arith.addi %add3A_101, %add3A_133 : i32
      %lt3A = arith.constant 80 : i32
      %lt3A_135 = arith.cmpi slt, %add3A_134, %lt3A : i32
      %convert_element_type3A_136 = arith.extui %lt3A_135 : i1 to i32
      %cond3A_137 = arith.constant 0 : i32
      %cond3A_138 = arith.cmpi ne, %convert_element_type3A_136, %cond3A_137 : i32
      scf.if %cond3A_138 {
        %add3A_296 = arith.constant 4 : i32
        %add3A_297 = arith.addi %add3A_101, %add3A_296 : i32
        %mul3A_298 = arith.constant 160 : i32
        %mul3A_299 = arith.muli %add3A_297, %mul3A_298 : i32
        %add3A_300 = arith.constant 0 : i32
        %add3A_301 = arith.addi %mul3A_299, %add3A_300 : i32
        %dma_start3A_302 = arith.constant 0 : i32
        %dma_start3A_303 = arith.constant 0 : i32
        %dma_start3A_304 = tpu.memref_slice %arg6[%dma_start3A_302, %dma_start3A_303] : memref<160x128xf32, #tpu.memory_space<vmem>> -> memref<80x128xf32, #tpu.memory_space<vmem>>
        %dma_start3A_305 = tpu.memref_slice %arg5[%add3A_301] : memref<12800xi32, #tpu.memory_space<vmem>> -> memref<80xi32, #tpu.memory_space<vmem>>
        %dma_start3A_306 = arith.constant 0 : i32
        %dma_start3A_307 = arith.constant 0 : i32
        %dma_start3A_308 = tpu.memref_slice %arg3[%dma_start3A_306, %dma_start3A_307] : memref<100000x128xf32, #tpu.memory_space<hbm>> -> memref<100000x128xf32, #tpu.memory_space<hbm>>
        tpu.enqueue_indirect_dma source(%dma_start3A_308 : memref<100000x128xf32, #tpu.memory_space<hbm>>) target(%dma_start3A_304 : memref<80x128xf32, #tpu.memory_space<vmem>>) offsets(%dma_start3A_305 : memref<80xi32, #tpu.memory_space<vmem>>) semaphore(%arg14 : memref<!tpu.dma_semaphore, #tpu.memory_space<semaphore_mem>>)
        %mul3A_309 = arith.constant 160 : i32
        %mul3A_310 = arith.muli %add3A_297, %mul3A_309 : i32
        %add3A_311 = arith.constant 80 : i32
        %add3A_312 = arith.addi %mul3A_310, %add3A_311 : i32
        %dma_start3A_313 = arith.constant 80 : i32
        %dma_start3A_314 = arith.constant 0 : i32
        %dma_start3A_315 = tpu.memref_slice %arg6[%dma_start3A_313, %dma_start3A_314] : memref<160x128xf32, #tpu.memory_space<vmem>> -> memref<80x128xf32, #tpu.memory_space<vmem>>
        %dma_start3A_316 = tpu.memref_slice %arg5[%add3A_312] : memref<12800xi32, #tpu.memory_space<vmem>> -> memref<80xi32, #tpu.memory_space<vmem>>
        %dma_start3A_317 = arith.constant 0 : i32
        %dma_start3A_318 = arith.constant 0 : i32
        %dma_start3A_319 = tpu.memref_slice %arg3[%dma_start3A_317, %dma_start3A_318] : memref<100000x128xf32, #tpu.memory_space<hbm>> -> memref<100000x128xf32, #tpu.memory_space<hbm>>
        tpu.enqueue_indirect_dma source(%dma_start3A_319 : memref<100000x128xf32, #tpu.memory_space<hbm>>) target(%dma_start3A_315 : memref<80x128xf32, #tpu.memory_space<vmem>>) offsets(%dma_start3A_316 : memref<80xi32, #tpu.memory_space<vmem>>) semaphore(%arg14 : memref<!tpu.dma_semaphore, #tpu.memory_space<semaphore_mem>>)
      } else {
      }
      %mul3A_139 = arith.constant 8 : i32
      %mul3A_140 = arith.muli %add3A_101, %mul3A_139 : i32
      %add3A_141 = arith.addi %mul3A_4, %mul3A_140 : i32
      %dma_start3A_142 = arith.constant 0 : i32
      %dma_start3A_143 = tpu.memref_slice %arg4[%add3A_141, %dma_start3A_142] : memref<20480x128xf32, #tpu.memory_space<hbm>> -> memref<8x128xf32, #tpu.memory_space<hbm>>
      %dma_start3A_144 = arith.constant 0 : i32
      %dma_start3A_145 = tpu.memref_slice %arg4[%add3A_141, %dma_start3A_144] : memref<20480x128xf32, #tpu.memory_space<hbm>> -> memref<8x128xf32, #tpu.memory_space<hbm>>
      tpu.enqueue_dma source(%arg10 : memref<8x128xf32, #tpu.memory_space<vmem>>) target(%dma_start3A_145 : memref<8x128xf32, #tpu.memory_space<hbm>>) target_semaphore(%arg18 : memref<!tpu.dma_semaphore, #tpu.memory_space<semaphore_mem>>)
      %add3A_146 = arith.constant 1 : i32
      %add3A_147 = arith.addi %add3A_99, %add3A_146 : i32
      %mul3A_148 = arith.constant 160 : i32
      %mul3A_149 = arith.muli %add3A_147, %mul3A_148 : i32
      %add3A_150 = arith.constant 0 : i32
      %add3A_151 = arith.addi %mul3A_149, %add3A_150 : i32
      %dma_wait3A_152 = arith.constant 0 : i32
      %dma_wait3A_153 = arith.constant 0 : i32
      %dma_wait3A_154 = tpu.memref_slice %arg7[%dma_wait3A_152, %dma_wait3A_153] : memref<160x128xf32, #tpu.memory_space<vmem>> -> memref<80x128xf32, #tpu.memory_space<vmem>>
      %dma_wait3A_155 = tpu.memref_slice %arg5[%add3A_151] : memref<12800xi32, #tpu.memory_space<vmem>> -> memref<80xi32, #tpu.memory_space<vmem>>
      %dma_wait3A_156 = arith.constant 0 : i32
      %dma_wait3A_157 = arith.constant 0 : i32
      %dma_wait3A_158 = tpu.memref_slice %arg3[%dma_wait3A_156, %dma_wait3A_157] : memref<100000x128xf32, #tpu.memory_space<hbm>> -> memref<100000x128xf32, #tpu.memory_space<hbm>>
      tpu.wait_indirect_dma semaphore(%arg15 : memref<!tpu.dma_semaphore, #tpu.memory_space<semaphore_mem>>) src(%dma_wait3A_158 : memref<100000x128xf32, #tpu.memory_space<hbm>>) dst(%dma_wait3A_154 : memref<80x128xf32, #tpu.memory_space<vmem>>)
      %mul3A_159 = arith.constant 160 : i32
      %mul3A_160 = arith.muli %add3A_147, %mul3A_159 : i32
      %add3A_161 = arith.constant 80 : i32
      %add3A_162 = arith.addi %mul3A_160, %add3A_161 : i32
      %dma_wait3A_163 = arith.constant 80 : i32
      %dma_wait3A_164 = arith.constant 0 : i32
      %dma_wait3A_165 = tpu.memref_slice %arg7[%dma_wait3A_163, %dma_wait3A_164] : memref<160x128xf32, #tpu.memory_space<vmem>> -> memref<80x128xf32, #tpu.memory_space<vmem>>
      %dma_wait3A_166 = tpu.memref_slice %arg5[%add3A_162] : memref<12800xi32, #tpu.memory_space<vmem>> -> memref<80xi32, #tpu.memory_space<vmem>>
      %dma_wait3A_167 = arith.constant 0 : i32
      %dma_wait3A_168 = arith.constant 0 : i32
      %dma_wait3A_169 = tpu.memref_slice %arg3[%dma_wait3A_167, %dma_wait3A_168] : memref<100000x128xf32, #tpu.memory_space<hbm>> -> memref<100000x128xf32, #tpu.memory_space<hbm>>
      tpu.wait_indirect_dma semaphore(%arg15 : memref<!tpu.dma_semaphore, #tpu.memory_space<semaphore_mem>>) src(%dma_wait3A_169 : memref<100000x128xf32, #tpu.memory_space<hbm>>) dst(%dma_wait3A_165 : memref<80x128xf32, #tpu.memory_space<vmem>>)
      %ge3A_170 = arith.constant 4 : i32
      %ge3A_171 = arith.cmpi sge, %add3A_147, %ge3A_170 : i32
      %convert_element_type3A_172 = arith.extui %ge3A_171 : i1 to i32
      %cond3A_173 = arith.constant 0 : i32
      %cond3A_174 = arith.cmpi ne, %convert_element_type3A_172, %cond3A_173 : i32
      scf.if %cond3A_174 {
        %sub3A = arith.constant 4 : i32
        %sub3A_296 = arith.subi %add3A_147, %sub3A : i32
        %mul3A_297 = arith.constant 8 : i32
        %mul3A_298 = arith.muli %sub3A_296, %mul3A_297 : i32
        %add3A_299 = arith.addi %mul3A_4, %mul3A_298 : i32
        %dma_wait3A_300 = arith.constant 0 : i32
        %dma_wait3A_301 = tpu.memref_slice %arg4[%add3A_299, %dma_wait3A_300] : memref<20480x128xf32, #tpu.memory_space<hbm>> -> memref<8x128xf32, #tpu.memory_space<hbm>>
        %dma_wait3A_302 = arith.constant 0 : i32
        %dma_wait3A_303 = tpu.memref_slice %arg4[%add3A_299, %dma_wait3A_302] : memref<20480x128xf32, #tpu.memory_space<hbm>> -> memref<8x128xf32, #tpu.memory_space<hbm>>
        tpu.wait_dma2 semaphore(%arg19 : memref<!tpu.dma_semaphore, #tpu.memory_space<semaphore_mem>>) src(%arg11 : memref<8x128xf32, #tpu.memory_space<vmem>>) dst(%dma_wait3A_303 : memref<8x128xf32, #tpu.memory_space<hbm>>)
      } else {
      }
      %mul3A_175 = arith.constant 160 : i32
      %mul3A_176 = arith.muli %add3A_147, %mul3A_175 : i32
      %scan3A_177 = arith.constant 0 : i32
      %scan3A_178 = arith.constant 8 : i32
      %scan3A_179 = arith.addi %scan3A_177, %scan3A_178 : i32
      %scan3A_180 = arith.constant 1 : i32
      scf.for %scan3A_296 = %scan3A_177 to %scan3A_179 step %scan3A_180  : i32 {
        %mul3A_297 = arith.constant 1 : i32
        %mul3A_298 = arith.muli %scan3A_296, %mul3A_297 : i32
        %add3A_299 = arith.constant 0 : i32
        %add3A_300 = arith.addi %add3A_299, %mul3A_298 : i32
        %mul3A_301 = arith.constant 20 : i32
        %mul3A_302 = arith.muli %add3A_300, %mul3A_301 : i32
        %add3A_303 = arith.addi %mul3A_176, %mul3A_302 : i32
        %get3A = arith.index_cast %add3A_303 : i32 to index
        %get3A_304 = tpu.vector_load %arg5[%get3A] {strides = array<i32>} : memref<12800xi32, #tpu.memory_space<vmem>>, vector<16xi32>,
        %add3A_305 = arith.constant 20 : i32
        %add3A_306 = arith.addi %add3A_303, %add3A_305 : i32
        %sub3A = arith.constant 16 : i32
        %sub3A_307 = arith.subi %add3A_306, %sub3A : i32
        %get3A_308 = arith.index_cast %sub3A_307 : i32 to index
        %get3A_309 = tpu.vector_load %arg5[%get3A_308] {strides = array<i32>} : memref<12800xi32, #tpu.memory_space<vmem>>, vector<16xi32>,
        %ne3A = arith.constant 0 : i32
        %ne3A_310 = vector.broadcast %ne3A : i32 to vector<16xi32>
        %ne3A_311 = arith.cmpi ne, %get3A_304, %ne3A_310 : vector<16xi32>
        %jit3A = arith.constant 1.000000e+00 : f32
        %jit3A_312 = arith.constant 0.000000e+00 : f32
        %broadcast_in_dim3A = vector.broadcast %jit3A : f32 to vector<16xf32>
        %broadcast_in_dim3A_313 = vector.broadcast %jit3A_312 : f32 to vector<16xf32>
        %select_n3A = arith.select %ne3A_311, %broadcast_in_dim3A, %broadcast_in_dim3A_313 : vector<16xi1>, vector<16xf32>
        %ne3A_314 = arith.constant 0 : i32
        %ne3A_315 = vector.broadcast %ne3A_314 : i32 to vector<16xi32>
        %ne3A_316 = arith.cmpi ne, %get3A_309, %ne3A_315 : vector<16xi32>
        %jit3A_317 = arith.constant 1.000000e+00 : f32
        %jit3A_318 = arith.constant 0.000000e+00 : f32
        %broadcast_in_dim3A_319 = vector.broadcast %jit3A_317 : f32 to vector<16xf32>
        %broadcast_in_dim3A_320 = vector.broadcast %jit3A_318 : f32 to vector<16xf32>
        %select_n3A_321 = arith.select %ne3A_316, %broadcast_in_dim3A_319, %broadcast_in_dim3A_320 : vector<16xi1>, vector<16xf32>
        %mul3A_322 = arith.constant 20 : i32
        %mul3A_323 = arith.muli %add3A_300, %mul3A_322 : i32
        %add3A_324 = arith.constant 0 : i32
        %add3A_325 = arith.addi %mul3A_323, %add3A_324 : i32
        %slice3A = vector.extract_strided_slice %select_n3A {offsets = [0], sizes = [1], strides = [1]} : vector<16xf32> to vector<1xf32>
        %squeeze3A = vector.extract %slice3A[0] : f32 from vector<1xf32>
        %get3A_326 = arith.index_cast %add3A_325 : i32 to index
        %get3A_327 = arith.constant 0 : index
        %get3A_328 = tpu.vector_load %arg7[%get3A_326, %get3A_327] {strides = array<i32>} : memref<160x128xf32, #tpu.memory_space<vmem>>, vector<16xf32>,
        %mul3A_329 = vector.broadcast %squeeze3A : f32 to vector<16xf32>
        %mul3A_330 = arith.mulf %get3A_328, %mul3A_329 : vector<16xf32>
        %get3A_331 = arith.index_cast %add3A_325 : i32 to index
        %get3A_332 = arith.constant 16 : index
        %get3A_333 = tpu.vector_load %arg7[%get3A_331, %get3A_332] {strides = array<i32>} : memref<160x128xf32, #tpu.memory_space<vmem>>, vector<16xf32>,
        %mul3A_334 = vector.broadcast %squeeze3A : f32 to vector<16xf32>
        %mul3A_335 = arith.mulf %get3A_333, %mul3A_334 : vector<16xf32>
        %get3A_336 = arith.index_cast %add3A_325 : i32 to index
        %get3A_337 = arith.constant 32 : index
        %get3A_338 = tpu.vector_load %arg7[%get3A_336, %get3A_337] {strides = array<i32>} : memref<160x128xf32, #tpu.memory_space<vmem>>, vector<16xf32>,
        %mul3A_339 = vector.broadcast %squeeze3A : f32 to vector<16xf32>
        %mul3A_340 = arith.mulf %get3A_338, %mul3A_339 : vector<16xf32>
        %get3A_341 = arith.index_cast %add3A_325 : i32 to index
        %get3A_342 = arith.constant 48 : index
        %get3A_343 = tpu.vector_load %arg7[%get3A_341, %get3A_342] {strides = array<i32>} : memref<160x128xf32, #tpu.memory_space<vmem>>, vector<16xf32>,
        %mul3A_344 = vector.broadcast %squeeze3A : f32 to vector<16xf32>
        %mul3A_345 = arith.mulf %get3A_343, %mul3A_344 : vector<16xf32>
        %get3A_346 = arith.index_cast %add3A_325 : i32 to index
        %get3A_347 = arith.constant 64 : index
        %get3A_348 = tpu.vector_load %arg7[%get3A_346, %get3A_347] {strides = array<i32>} : memref<160x128xf32, #tpu.memory_space<vmem>>, vector<16xf32>,
        %mul3A_349 = vector.broadcast %squeeze3A : f32 to vector<16xf32>
        %mul3A_350 = arith.mulf %get3A_348, %mul3A_349 : vector<16xf32>
        %get3A_351 = arith.index_cast %add3A_325 : i32 to index
        %get3A_352 = arith.constant 80 : index
        %get3A_353 = tpu.vector_load %arg7[%get3A_351, %get3A_352] {strides = array<i32>} : memref<160x128xf32, #tpu.memory_space<vmem>>, vector<16xf32>,
        %mul3A_354 = vector.broadcast %squeeze3A : f32 to vector<16xf32>
        %mul3A_355 = arith.mulf %get3A_353, %mul3A_354 : vector<16xf32>
        %get3A_356 = arith.index_cast %add3A_325 : i32 to index
        %get3A_357 = arith.constant 96 : index
        %get3A_358 = tpu.vector_load %arg7[%get3A_356, %get3A_357] {strides = array<i32>} : memref<160x128xf32, #tpu.memory_space<vmem>>, vector<16xf32>,
        %mul3A_359 = vector.broadcast %squeeze3A : f32 to vector<16xf32>
        %mul3A_360 = arith.mulf %get3A_358, %mul3A_359 : vector<16xf32>
        %get3A_361 = arith.index_cast %add3A_325 : i32 to index
        %get3A_362 = arith.constant 112 : index
        %get3A_363 = tpu.vector_load %arg7[%get3A_361, %get3A_362] {strides = array<i32>} : memref<160x128xf32, #tpu.memory_space<vmem>>, vector<16xf32>,
        %mul3A_364 = vector.broadcast %squeeze3A : f32 to vector<16xf32>
        %mul3A_365 = arith.mulf %get3A_363, %mul3A_364 : vector<16xf32>
        %mul3A_366 = arith.constant 20 : i32
        %mul3A_367 = arith.muli %add3A_300, %mul3A_366 : i32
        %add3A_368 = arith.constant 1 : i32
        %add3A_369 = arith.addi %mul3A_367, %add3A_368 : i32
        %slice3A_370 = vector.extract_strided_slice %select_n3A {offsets = [1], sizes = [1], strides = [1]} : vector<16xf32> to vector<1xf32>
        %squeeze3A_371 = vector.extract %slice3A_370[0] : f32 from vector<1xf32>
        %get3A_372 = arith.index_cast %add3A_369 : i32 to index
        %get3A_373 = arith.constant 0 : index
        %get3A_374 = tpu.vector_load %arg7[%get3A_372, %get3A_373] {strides = array<i32>} : memref<160x128xf32, #tpu.memory_space<vmem>>, vector<16xf32>,
        %mul3A_375 = vector.broadcast %squeeze3A_371 : f32 to vector<16xf32>
        %mul3A_376 = arith.mulf %get3A_374, %mul3A_375 : vector<16xf32>
        %max3A = arith.maximumf %mul3A_330, %mul3A_376 : vector<16xf32>
        %get3A_377 = arith.index_cast %add3A_369 : i32 to index
        %get3A_378 = arith.constant 16 : index
        %get3A_379 = tpu.vector_load %arg7[%get3A_377, %get3A_378] {strides = array<i32>} : memref<160x128xf32, #tpu.memory_space<vmem>>, vector<16xf32>,
        %mul3A_380 = vector.broadcast %squeeze3A_371 : f32 to vector<16xf32>
        %mul3A_381 = arith.mulf %get3A_379, %mul3A_380 : vector<16xf32>
        %max3A_382 = arith.maximumf %mul3A_335, %mul3A_381 : vector<16xf32>
        %get3A_383 = arith.index_cast %add3A_369 : i32 to index
        %get3A_384 = arith.constant 32 : index
        %get3A_385 = tpu.vector_load %arg7[%get3A_383, %get3A_384] {strides = array<i32>} : memref<160x128xf32, #tpu.memory_space<vmem>>, vector<16xf32>,
        %mul3A_386 = vector.broadcast %squeeze3A_371 : f32 to vector<16xf32>
        %mul3A_387 = arith.mulf %get3A_385, %mul3A_386 : vector<16xf32>
        %max3A_388 = arith.maximumf %mul3A_340, %mul3A_387 : vector<16xf32>
        %get3A_389 = arith.index_cast %add3A_369 : i32 to index
        %get3A_390 = arith.constant 48 : index
        %get3A_391 = tpu.vector_load %arg7[%get3A_389, %get3A_390] {strides = array<i32>} : memref<160x128xf32, #tpu.memory_space<vmem>>, vector<16xf32>,
        %mul3A_392 = vector.broadcast %squeeze3A_371 : f32 to vector<16xf32>
        %mul3A_393 = arith.mulf %get3A_391, %mul3A_392 : vector<16xf32>
        %max3A_394 = arith.maximumf %mul3A_345, %mul3A_393 : vector<16xf32>
        %get3A_395 = arith.index_cast %add3A_369 : i32 to index
        %get3A_396 = arith.constant 64 : index
        %get3A_397 = tpu.vector_load %arg7[%get3A_395, %get3A_396] {strides = array<i32>} : memref<160x128xf32, #tpu.memory_space<vmem>>, vector<16xf32>,
        %mul3A_398 = vector.broadcast %squeeze3A_371 : f32 to vector<16xf32>
        %mul3A_399 = arith.mulf %get3A_397, %mul3A_398 : vector<16xf32>
        %max3A_400 = arith.maximumf %mul3A_350, %mul3A_399 : vector<16xf32>
        %get3A_401 = arith.index_cast %add3A_369 : i32 to index
        %get3A_402 = arith.constant 80 : index
        %get3A_403 = tpu.vector_load %arg7[%get3A_401, %get3A_402] {strides = array<i32>} : memref<160x128xf32, #tpu.memory_space<vmem>>, vector<16xf32>,
        %mul3A_404 = vector.broadcast %squeeze3A_371 : f32 to vector<16xf32>
        %mul3A_405 = arith.mulf %get3A_403, %mul3A_404 : vector<16xf32>
        %max3A_406 = arith.maximumf %mul3A_355, %mul3A_405 : vector<16xf32>
        %get3A_407 = arith.index_cast %add3A_369 : i32 to index
        %get3A_408 = arith.constant 96 : index
        %get3A_409 = tpu.vector_load %arg7[%get3A_407, %get3A_408] {strides = array<i32>} : memref<160x128xf32, #tpu.memory_space<vmem>>, vector<16xf32>,
        %mul3A_410 = vector.broadcast %squeeze3A_371 : f32 to vector<16xf32>
        %mul3A_411 = arith.mulf %get3A_409, %mul3A_410 : vector<16xf32>
        %max3A_412 = arith.maximumf %mul3A_360, %mul3A_411 : vector<16xf32>
        %get3A_413 = arith.index_cast %add3A_369 : i32 to index
        %get3A_414 = arith.constant 112 : index
        %get3A_415 = tpu.vector_load %arg7[%get3A_413, %get3A_414] {strides = array<i32>} : memref<160x128xf32, #tpu.memory_space<vmem>>, vector<16xf32>,
        %mul3A_416 = vector.broadcast %squeeze3A_371 : f32 to vector<16xf32>
        %mul3A_417 = arith.mulf %get3A_415, %mul3A_416 : vector<16xf32>
        %max3A_418 = arith.maximumf %mul3A_365, %mul3A_417 : vector<16xf32>
        %mul3A_419 = arith.constant 20 : i32
        %mul3A_420 = arith.muli %add3A_300, %mul3A_419 : i32
        %add3A_421 = arith.constant 2 : i32
        %add3A_422 = arith.addi %mul3A_420, %add3A_421 : i32
        %slice3A_423 = vector.extract_strided_slice %select_n3A {offsets = [2], sizes = [1], strides = [1]} : vector<16xf32> to vector<1xf32>
        %squeeze3A_424 = vector.extract %slice3A_423[0] : f32 from vector<1xf32>
        %get3A_425 = arith.index_cast %add3A_422 : i32 to index
        %get3A_426 = arith.constant 0 : index
        %get3A_427 = tpu.vector_load %arg7[%get3A_425, %get3A_426] {strides = array<i32>} : memref<160x128xf32, #tpu.memory_space<vmem>>, vector<16xf32>,
        %mul3A_428 = vector.broadcast %squeeze3A_424 : f32 to vector<16xf32>
        %mul3A_429 = arith.mulf %get3A_427, %mul3A_428 : vector<16xf32>
        %max3A_430 = arith.maximumf %max3A, %mul3A_429 : vector<16xf32>
        %get3A_431 = arith.index_cast %add3A_422 : i32 to index
        %get3A_432 = arith.constant 16 : index
        %get3A_433 = tpu.vector_load %arg7[%get3A_431, %get3A_432] {strides = array<i32>} : memref<160x128xf32, #tpu.memory_space<vmem>>, vector<16xf32>,
        %mul3A_434 = vector.broadcast %squeeze3A_424 : f32 to vector<16xf32>
        %mul3A_435 = arith.mulf %get3A_433, %mul3A_434 : vector<16xf32>
        %max3A_436 = arith.maximumf %max3A_382, %mul3A_435 : vector<16xf32>
        %get3A_437 = arith.index_cast %add3A_422 : i32 to index
        %get3A_438 = arith.constant 32 : index
        %get3A_439 = tpu.vector_load %arg7[%get3A_437, %get3A_438] {strides = array<i32>} : memref<160x128xf32, #tpu.memory_space<vmem>>, vector<16xf32>,
        %mul3A_440 = vector.broadcast %squeeze3A_424 : f32 to vector<16xf32>
        %mul3A_441 = arith.mulf %get3A_439, %mul3A_440 : vector<16xf32>
        %max3A_442 = arith.maximumf %max3A_388, %mul3A_441 : vector<16xf32>
        %get3A_443 = arith.index_cast %add3A_422 : i32 to index
        %get3A_444 = arith.constant 48 : index
        %get3A_445 = tpu.vector_load %arg7[%get3A_443, %get3A_444] {strides = array<i32>} : memref<160x128xf32, #tpu.memory_space<vmem>>, vector<16xf32>,
        %mul3A_446 = vector.broadcast %squeeze3A_424 : f32 to vector<16xf32>
        %mul3A_447 = arith.mulf %get3A_445, %mul3A_446 : vector<16xf32>
        %max3A_448 = arith.maximumf %max3A_394, %mul3A_447 : vector<16xf32>
        %get3A_449 = arith.index_cast %add3A_422 : i32 to index
        %get3A_450 = arith.constant 64 : index
        %get3A_451 = tpu.vector_load %arg7[%get3A_449, %get3A_450] {strides = array<i32>} : memref<160x128xf32, #tpu.memory_space<vmem>>, vector<16xf32>,
        %mul3A_452 = vector.broadcast %squeeze3A_424 : f32 to vector<16xf32>
        %mul3A_453 = arith.mulf %get3A_451, %mul3A_452 : vector<16xf32>
        %max3A_454 = arith.maximumf %max3A_400, %mul3A_453 : vector<16xf32>
        %get3A_455 = arith.index_cast %add3A_422 : i32 to index
        %get3A_456 = arith.constant 80 : index
        %get3A_457 = tpu.vector_load %arg7[%get3A_455, %get3A_456] {strides = array<i32>} : memref<160x128xf32, #tpu.memory_space<vmem>>, vector<16xf32>,
        %mul3A_458 = vector.broadcast %squeeze3A_424 : f32 to vector<16xf32>
        %mul3A_459 = arith.mulf %get3A_457, %mul3A_458 : vector<16xf32>
        %max3A_460 = arith.maximumf %max3A_406, %mul3A_459 : vector<16xf32>
        %get3A_461 = arith.index_cast %add3A_422 : i32 to index
        %get3A_462 = arith.constant 96 : index
        %get3A_463 = tpu.vector_load %arg7[%get3A_461, %get3A_462] {strides = array<i32>} : memref<160x128xf32, #tpu.memory_space<vmem>>, vector<16xf32>,
        %mul3A_464 = vector.broadcast %squeeze3A_424 : f32 to vector<16xf32>
        %mul3A_465 = arith.mulf %get3A_463, %mul3A_464 : vector<16xf32>
        %max3A_466 = arith.maximumf %max3A_412, %mul3A_465 : vector<16xf32>
        %get3A_467 = arith.index_cast %add3A_422 : i32 to index
        %get3A_468 = arith.constant 112 : index
        %get3A_469 = tpu.vector_load %arg7[%get3A_467, %get3A_468] {strides = array<i32>} : memref<160x128xf32, #tpu.memory_space<vmem>>, vector<16xf32>,
        %mul3A_470 = vector.broadcast %squeeze3A_424 : f32 to vector<16xf32>
        %mul3A_471 = arith.mulf %get3A_469, %mul3A_470 : vector<16xf32>
        %max3A_472 = arith.maximumf %max3A_418, %mul3A_471 : vector<16xf32>
        %mul3A_473 = arith.constant 20 : i32
        %mul3A_474 = arith.muli %add3A_300, %mul3A_473 : i32
        %add3A_475 = arith.constant 3 : i32
        %add3A_476 = arith.addi %mul3A_474, %add3A_475 : i32
        %slice3A_477 = vector.extract_strided_slice %select_n3A {offsets = [3], sizes = [1], strides = [1]} : vector<16xf32> to vector<1xf32>
        %squeeze3A_478 = vector.extract %slice3A_477[0] : f32 from vector<1xf32>
        %get3A_479 = arith.index_cast %add3A_476 : i32 to index
        %get3A_480 = arith.constant 0 : index
        %get3A_481 = tpu.vector_load %arg7[%get3A_479, %get3A_480] {strides = array<i32>} : memref<160x128xf32, #tpu.memory_space<vmem>>, vector<16xf32>,
        %mul3A_482 = vector.broadcast %squeeze3A_478 : f32 to vector<16xf32>
        %mul3A_483 = arith.mulf %get3A_481, %mul3A_482 : vector<16xf32>
        %max3A_484 = arith.maximumf %max3A_430, %mul3A_483 : vector<16xf32>
        %get3A_485 = arith.index_cast %add3A_476 : i32 to index
        %get3A_486 = arith.constant 16 : index
        %get3A_487 = tpu.vector_load %arg7[%get3A_485, %get3A_486] {strides = array<i32>} : memref<160x128xf32, #tpu.memory_space<vmem>>, vector<16xf32>,
        %mul3A_488 = vector.broadcast %squeeze3A_478 : f32 to vector<16xf32>
        %mul3A_489 = arith.mulf %get3A_487, %mul3A_488 : vector<16xf32>
        %max3A_490 = arith.maximumf %max3A_436, %mul3A_489 : vector<16xf32>
        %get3A_491 = arith.index_cast %add3A_476 : i32 to index
        %get3A_492 = arith.constant 32 : index
        %get3A_493 = tpu.vector_load %arg7[%get3A_491, %get3A_492] {strides = array<i32>} : memref<160x128xf32, #tpu.memory_space<vmem>>, vector<16xf32>,
        %mul3A_494 = vector.broadcast %squeeze3A_478 : f32 to vector<16xf32>
        %mul3A_495 = arith.mulf %get3A_493, %mul3A_494 : vector<16xf32>
        %max3A_496 = arith.maximumf %max3A_442, %mul3A_495 : vector<16xf32>
        %get3A_497 = arith.index_cast %add3A_476 : i32 to index
        %get3A_498 = arith.constant 48 : index
        %get3A_499 = tpu.vector_load %arg7[%get3A_497, %get3A_498] {strides = array<i32>} : memref<160x128xf32, #tpu.memory_space<vmem>>, vector<16xf32>,
        %mul3A_500 = vector.broadcast %squeeze3A_478 : f32 to vector<16xf32>
        %mul3A_501 = arith.mulf %get3A_499, %mul3A_500 : vector<16xf32>
        %max3A_502 = arith.maximumf %max3A_448, %mul3A_501 : vector<16xf32>
        %get3A_503 = arith.index_cast %add3A_476 : i32 to index
        %get3A_504 = arith.constant 64 : index
        %get3A_505 = tpu.vector_load %arg7[%get3A_503, %get3A_504] {strides = array<i32>} : memref<160x128xf32, #tpu.memory_space<vmem>>, vector<16xf32>,
        %mul3A_506 = vector.broadcast %squeeze3A_478 : f32 to vector<16xf32>
        %mul3A_507 = arith.mulf %get3A_505, %mul3A_506 : vector<16xf32>
        %max3A_508 = arith.maximumf %max3A_454, %mul3A_507 : vector<16xf32>
        %get3A_509 = arith.index_cast %add3A_476 : i32 to index
        %get3A_510 = arith.constant 80 : index
        %get3A_511 = tpu.vector_load %arg7[%get3A_509, %get3A_510] {strides = array<i32>} : memref<160x128xf32, #tpu.memory_space<vmem>>, vector<16xf32>,
        %mul3A_512 = vector.broadcast %squeeze3A_478 : f32 to vector<16xf32>
        %mul3A_513 = arith.mulf %get3A_511, %mul3A_512 : vector<16xf32>
        %max3A_514 = arith.maximumf %max3A_460, %mul3A_513 : vector<16xf32>
        %get3A_515 = arith.index_cast %add3A_476 : i32 to index
        %get3A_516 = arith.constant 96 : index
        %get3A_517 = tpu.vector_load %arg7[%get3A_515, %get3A_516] {strides = array<i32>} : memref<160x128xf32, #tpu.memory_space<vmem>>, vector<16xf32>,
        %mul3A_518 = vector.broadcast %squeeze3A_478 : f32 to vector<16xf32>
        %mul3A_519 = arith.mulf %get3A_517, %mul3A_518 : vector<16xf32>
        %max3A_520 = arith.maximumf %max3A_466, %mul3A_519 : vector<16xf32>
        %get3A_521 = arith.index_cast %add3A_476 : i32 to index
        %get3A_522 = arith.constant 112 : index
        %get3A_523 = tpu.vector_load %arg7[%get3A_521, %get3A_522] {strides = array<i32>} : memref<160x128xf32, #tpu.memory_space<vmem>>, vector<16xf32>,
        %mul3A_524 = vector.broadcast %squeeze3A_478 : f32 to vector<16xf32>
        %mul3A_525 = arith.mulf %get3A_523, %mul3A_524 : vector<16xf32>
        %max3A_526 = arith.maximumf %max3A_472, %mul3A_525 : vector<16xf32>
        %mul3A_527 = arith.constant 20 : i32
        %mul3A_528 = arith.muli %add3A_300, %mul3A_527 : i32
        %add3A_529 = arith.constant 4 : i32
        %add3A_530 = arith.addi %mul3A_528, %add3A_529 : i32
        %slice3A_531 = vector.extract_strided_slice %select_n3A {offsets = [4], sizes = [1], strides = [1]} : vector<16xf32> to vector<1xf32>
        %squeeze3A_532 = vector.extract %slice3A_531[0] : f32 from vector<1xf32>
        %get3A_533 = arith.index_cast %add3A_530 : i32 to index
        %get3A_534 = arith.constant 0 : index
        %get3A_535 = tpu.vector_load %arg7[%get3A_533, %get3A_534] {strides = array<i32>} : memref<160x128xf32, #tpu.memory_space<vmem>>, vector<16xf32>,
        %mul3A_536 = vector.broadcast %squeeze3A_532 : f32 to vector<16xf32>
        %mul3A_537 = arith.mulf %get3A_535, %mul3A_536 : vector<16xf32>
        %max3A_538 = arith.maximumf %max3A_484, %mul3A_537 : vector<16xf32>
        %get3A_539 = arith.index_cast %add3A_530 : i32 to index
        %get3A_540 = arith.constant 16 : index
        %get3A_541 = tpu.vector_load %arg7[%get3A_539, %get3A_540] {strides = array<i32>} : memref<160x128xf32, #tpu.memory_space<vmem>>, vector<16xf32>,
        %mul3A_542 = vector.broadcast %squeeze3A_532 : f32 to vector<16xf32>
        %mul3A_543 = arith.mulf %get3A_541, %mul3A_542 : vector<16xf32>
        %max3A_544 = arith.maximumf %max3A_490, %mul3A_543 : vector<16xf32>
        %get3A_545 = arith.index_cast %add3A_530 : i32 to index
        %get3A_546 = arith.constant 32 : index
        %get3A_547 = tpu.vector_load %arg7[%get3A_545, %get3A_546] {strides = array<i32>} : memref<160x128xf32, #tpu.memory_space<vmem>>, vector<16xf32>,
        %mul3A_548 = vector.broadcast %squeeze3A_532 : f32 to vector<16xf32>
        %mul3A_549 = arith.mulf %get3A_547, %mul3A_548 : vector<16xf32>
        %max3A_550 = arith.maximumf %max3A_496, %mul3A_549 : vector<16xf32>
        %get3A_551 = arith.index_cast %add3A_530 : i32 to index
        %get3A_552 = arith.constant 48 : index
        %get3A_553 = tpu.vector_load %arg7[%get3A_551, %get3A_552] {strides = array<i32>} : memref<160x128xf32, #tpu.memory_space<vmem>>, vector<16xf32>,
        %mul3A_554 = vector.broadcast %squeeze3A_532 : f32 to vector<16xf32>
        %mul3A_555 = arith.mulf %get3A_553, %mul3A_554 : vector<16xf32>
        %max3A_556 = arith.maximumf %max3A_502, %mul3A_555 : vector<16xf32>
        %get3A_557 = arith.index_cast %add3A_530 : i32 to index
        %get3A_558 = arith.constant 64 : index
        %get3A_559 = tpu.vector_load %arg7[%get3A_557, %get3A_558] {strides = array<i32>} : memref<160x128xf32, #tpu.memory_space<vmem>>, vector<16xf32>,
        %mul3A_560 = vector.broadcast %squeeze3A_532 : f32 to vector<16xf32>
        %mul3A_561 = arith.mulf %get3A_559, %mul3A_560 : vector<16xf32>
        %max3A_562 = arith.maximumf %max3A_508, %mul3A_561 : vector<16xf32>
        %get3A_563 = arith.index_cast %add3A_530 : i32 to index
        %get3A_564 = arith.constant 80 : index
        %get3A_565 = tpu.vector_load %arg7[%get3A_563, %get3A_564] {strides = array<i32>} : memref<160x128xf32, #tpu.memory_space<vmem>>, vector<16xf32>,
        %mul3A_566 = vector.broadcast %squeeze3A_532 : f32 to vector<16xf32>
        %mul3A_567 = arith.mulf %get3A_565, %mul3A_566 : vector<16xf32>
        %max3A_568 = arith.maximumf %max3A_514, %mul3A_567 : vector<16xf32>
        %get3A_569 = arith.index_cast %add3A_530 : i32 to index
        %get3A_570 = arith.constant 96 : index
        %get3A_571 = tpu.vector_load %arg7[%get3A_569, %get3A_570] {strides = array<i32>} : memref<160x128xf32, #tpu.memory_space<vmem>>, vector<16xf32>,
        %mul3A_572 = vector.broadcast %squeeze3A_532 : f32 to vector<16xf32>
        %mul3A_573 = arith.mulf %get3A_571, %mul3A_572 : vector<16xf32>
        %max3A_574 = arith.maximumf %max3A_520, %mul3A_573 : vector<16xf32>
        %get3A_575 = arith.index_cast %add3A_530 : i32 to index
        %get3A_576 = arith.constant 112 : index
        %get3A_577 = tpu.vector_load %arg7[%get3A_575, %get3A_576] {strides = array<i32>} : memref<160x128xf32, #tpu.memory_space<vmem>>, vector<16xf32>,
        %mul3A_578 = vector.broadcast %squeeze3A_532 : f32 to vector<16xf32>
        %mul3A_579 = arith.mulf %get3A_577, %mul3A_578 : vector<16xf32>
        %max3A_580 = arith.maximumf %max3A_526, %mul3A_579 : vector<16xf32>
        %mul3A_581 = arith.constant 20 : i32
        %mul3A_582 = arith.muli %add3A_300, %mul3A_581 : i32
        %add3A_583 = arith.constant 5 : i32
        %add3A_584 = arith.addi %mul3A_582, %add3A_583 : i32
        %slice3A_585 = vector.extract_strided_slice %select_n3A {offsets = [5], sizes = [1], strides = [1]} : vector<16xf32> to vector<1xf32>
        %squeeze3A_586 = vector.extract %slice3A_585[0] : f32 from vector<1xf32>
        %get3A_587 = arith.index_cast %add3A_584 : i32 to index
        %get3A_588 = arith.constant 0 : index
        %get3A_589 = tpu.vector_load %arg7[%get3A_587, %get3A_588] {strides = array<i32>} : memref<160x128xf32, #tpu.memory_space<vmem>>, vector<16xf32>,
        %mul3A_590 = vector.broadcast %squeeze3A_586 : f32 to vector<16xf32>
        %mul3A_591 = arith.mulf %get3A_589, %mul3A_590 : vector<16xf32>
        %max3A_592 = arith.maximumf %max3A_538, %mul3A_591 : vector<16xf32>
        %get3A_593 = arith.index_cast %add3A_584 : i32 to index
        %get3A_594 = arith.constant 16 : index
        %get3A_595 = tpu.vector_load %arg7[%get3A_593, %get3A_594] {strides = array<i32>} : memref<160x128xf32, #tpu.memory_space<vmem>>, vector<16xf32>,
        %mul3A_596 = vector.broadcast %squeeze3A_586 : f32 to vector<16xf32>
        %mul3A_597 = arith.mulf %get3A_595, %mul3A_596 : vector<16xf32>
        %max3A_598 = arith.maximumf %max3A_544, %mul3A_597 : vector<16xf32>
        %get3A_599 = arith.index_cast %add3A_584 : i32 to index
        %get3A_600 = arith.constant 32 : index
        %get3A_601 = tpu.vector_load %arg7[%get3A_599, %get3A_600] {strides = array<i32>} : memref<160x128xf32, #tpu.memory_space<vmem>>, vector<16xf32>,
        %mul3A_602 = vector.broadcast %squeeze3A_586 : f32 to vector<16xf32>
        %mul3A_603 = arith.mulf %get3A_601, %mul3A_602 : vector<16xf32>
        %max3A_604 = arith.maximumf %max3A_550, %mul3A_603 : vector<16xf32>
        %get3A_605 = arith.index_cast %add3A_584 : i32 to index
        %get3A_606 = arith.constant 48 : index
        %get3A_607 = tpu.vector_load %arg7[%get3A_605, %get3A_606] {strides = array<i32>} : memref<160x128xf32, #tpu.memory_space<vmem>>, vector<16xf32>,
        %mul3A_608 = vector.broadcast %squeeze3A_586 : f32 to vector<16xf32>
        %mul3A_609 = arith.mulf %get3A_607, %mul3A_608 : vector<16xf32>
        %max3A_610 = arith.maximumf %max3A_556, %mul3A_609 : vector<16xf32>
        %get3A_611 = arith.index_cast %add3A_584 : i32 to index
        %get3A_612 = arith.constant 64 : index
        %get3A_613 = tpu.vector_load %arg7[%get3A_611, %get3A_612] {strides = array<i32>} : memref<160x128xf32, #tpu.memory_space<vmem>>, vector<16xf32>,
        %mul3A_614 = vector.broadcast %squeeze3A_586 : f32 to vector<16xf32>
        %mul3A_615 = arith.mulf %get3A_613, %mul3A_614 : vector<16xf32>
        %max3A_616 = arith.maximumf %max3A_562, %mul3A_615 : vector<16xf32>
        %get3A_617 = arith.index_cast %add3A_584 : i32 to index
        %get3A_618 = arith.constant 80 : index
        %get3A_619 = tpu.vector_load %arg7[%get3A_617, %get3A_618] {strides = array<i32>} : memref<160x128xf32, #tpu.memory_space<vmem>>, vector<16xf32>,
        %mul3A_620 = vector.broadcast %squeeze3A_586 : f32 to vector<16xf32>
        %mul3A_621 = arith.mulf %get3A_619, %mul3A_620 : vector<16xf32>
        %max3A_622 = arith.maximumf %max3A_568, %mul3A_621 : vector<16xf32>
        %get3A_623 = arith.index_cast %add3A_584 : i32 to index
        %get3A_624 = arith.constant 96 : index
        %get3A_625 = tpu.vector_load %arg7[%get3A_623, %get3A_624] {strides = array<i32>} : memref<160x128xf32, #tpu.memory_space<vmem>>, vector<16xf32>,
        %mul3A_626 = vector.broadcast %squeeze3A_586 : f32 to vector<16xf32>
        %mul3A_627 = arith.mulf %get3A_625, %mul3A_626 : vector<16xf32>
        %max3A_628 = arith.maximumf %max3A_574, %mul3A_627 : vector<16xf32>
        %get3A_629 = arith.index_cast %add3A_584 : i32 to index
        %get3A_630 = arith.constant 112 : index
        %get3A_631 = tpu.vector_load %arg7[%get3A_629, %get3A_630] {strides = array<i32>} : memref<160x128xf32, #tpu.memory_space<vmem>>, vector<16xf32>,
        %mul3A_632 = vector.broadcast %squeeze3A_586 : f32 to vector<16xf32>
        %mul3A_633 = arith.mulf %get3A_631, %mul3A_632 : vector<16xf32>
        %max3A_634 = arith.maximumf %max3A_580, %mul3A_633 : vector<16xf32>
        %mul3A_635 = arith.constant 20 : i32
        %mul3A_636 = arith.muli %add3A_300, %mul3A_635 : i32
        %add3A_637 = arith.constant 6 : i32
        %add3A_638 = arith.addi %mul3A_636, %add3A_637 : i32
        %slice3A_639 = vector.extract_strided_slice %select_n3A {offsets = [6], sizes = [1], strides = [1]} : vector<16xf32> to vector<1xf32>
        %squeeze3A_640 = vector.extract %slice3A_639[0] : f32 from vector<1xf32>
        %get3A_641 = arith.index_cast %add3A_638 : i32 to index
        %get3A_642 = arith.constant 0 : index
        %get3A_643 = tpu.vector_load %arg7[%get3A_641, %get3A_642] {strides = array<i32>} : memref<160x128xf32, #tpu.memory_space<vmem>>, vector<16xf32>,
        %mul3A_644 = vector.broadcast %squeeze3A_640 : f32 to vector<16xf32>
        %mul3A_645 = arith.mulf %get3A_643, %mul3A_644 : vector<16xf32>
        %max3A_646 = arith.maximumf %max3A_592, %mul3A_645 : vector<16xf32>
        %get3A_647 = arith.index_cast %add3A_638 : i32 to index
        %get3A_648 = arith.constant 16 : index
        %get3A_649 = tpu.vector_load %arg7[%get3A_647, %get3A_648] {strides = array<i32>} : memref<160x128xf32, #tpu.memory_space<vmem>>, vector<16xf32>,
        %mul3A_650 = vector.broadcast %squeeze3A_640 : f32 to vector<16xf32>
        %mul3A_651 = arith.mulf %get3A_649, %mul3A_650 : vector<16xf32>
        %max3A_652 = arith.maximumf %max3A_598, %mul3A_651 : vector<16xf32>
        %get3A_653 = arith.index_cast %add3A_638 : i32 to index
        %get3A_654 = arith.constant 32 : index
        %get3A_655 = tpu.vector_load %arg7[%get3A_653, %get3A_654] {strides = array<i32>} : memref<160x128xf32, #tpu.memory_space<vmem>>, vector<16xf32>,
        %mul3A_656 = vector.broadcast %squeeze3A_640 : f32 to vector<16xf32>
        %mul3A_657 = arith.mulf %get3A_655, %mul3A_656 : vector<16xf32>
        %max3A_658 = arith.maximumf %max3A_604, %mul3A_657 : vector<16xf32>
        %get3A_659 = arith.index_cast %add3A_638 : i32 to index
        %get3A_660 = arith.constant 48 : index
        %get3A_661 = tpu.vector_load %arg7[%get3A_659, %get3A_660] {strides = array<i32>} : memref<160x128xf32, #tpu.memory_space<vmem>>, vector<16xf32>,
        %mul3A_662 = vector.broadcast %squeeze3A_640 : f32 to vector<16xf32>
        %mul3A_663 = arith.mulf %get3A_661, %mul3A_662 : vector<16xf32>
        %max3A_664 = arith.maximumf %max3A_610, %mul3A_663 : vector<16xf32>
        %get3A_665 = arith.index_cast %add3A_638 : i32 to index
        %get3A_666 = arith.constant 64 : index
        %get3A_667 = tpu.vector_load %arg7[%get3A_665, %get3A_666] {strides = array<i32>} : memref<160x128xf32, #tpu.memory_space<vmem>>, vector<16xf32>,
        %mul3A_668 = vector.broadcast %squeeze3A_640 : f32 to vector<16xf32>
        %mul3A_669 = arith.mulf %get3A_667, %mul3A_668 : vector<16xf32>
        %max3A_670 = arith.maximumf %max3A_616, %mul3A_669 : vector<16xf32>
        %get3A_671 = arith.index_cast %add3A_638 : i32 to index
        %get3A_672 = arith.constant 80 : index
        %get3A_673 = tpu.vector_load %arg7[%get3A_671, %get3A_672] {strides = array<i32>} : memref<160x128xf32, #tpu.memory_space<vmem>>, vector<16xf32>,
        %mul3A_674 = vector.broadcast %squeeze3A_640 : f32 to vector<16xf32>
        %mul3A_675 = arith.mulf %get3A_673, %mul3A_674 : vector<16xf32>
        %max3A_676 = arith.maximumf %max3A_622, %mul3A_675 : vector<16xf32>
        %get3A_677 = arith.index_cast %add3A_638 : i32 to index
        %get3A_678 = arith.constant 96 : index
        %get3A_679 = tpu.vector_load %arg7[%get3A_677, %get3A_678] {strides = array<i32>} : memref<160x128xf32, #tpu.memory_space<vmem>>, vector<16xf32>,
        %mul3A_680 = vector.broadcast %squeeze3A_640 : f32 to vector<16xf32>
        %mul3A_681 = arith.mulf %get3A_679, %mul3A_680 : vector<16xf32>
        %max3A_682 = arith.maximumf %max3A_628, %mul3A_681 : vector<16xf32>
        %get3A_683 = arith.index_cast %add3A_638 : i32 to index
        %get3A_684 = arith.constant 112 : index
        %get3A_685 = tpu.vector_load %arg7[%get3A_683, %get3A_684] {strides = array<i32>} : memref<160x128xf32, #tpu.memory_space<vmem>>, vector<16xf32>,
        %mul3A_686 = vector.broadcast %squeeze3A_640 : f32 to vector<16xf32>
        %mul3A_687 = arith.mulf %get3A_685, %mul3A_686 : vector<16xf32>
        %max3A_688 = arith.maximumf %max3A_634, %mul3A_687 : vector<16xf32>
        %mul3A_689 = arith.constant 20 : i32
        %mul3A_690 = arith.muli %add3A_300, %mul3A_689 : i32
        %add3A_691 = arith.constant 7 : i32
        %add3A_692 = arith.addi %mul3A_690, %add3A_691 : i32
        %slice3A_693 = vector.extract_strided_slice %select_n3A {offsets = [7], sizes = [1], strides = [1]} : vector<16xf32> to vector<1xf32>
        %squeeze3A_694 = vector.extract %slice3A_693[0] : f32 from vector<1xf32>
        %get3A_695 = arith.index_cast %add3A_692 : i32 to index
        %get3A_696 = arith.constant 0 : index
        %get3A_697 = tpu.vector_load %arg7[%get3A_695, %get3A_696] {strides = array<i32>} : memref<160x128xf32, #tpu.memory_space<vmem>>, vector<16xf32>,
        %mul3A_698 = vector.broadcast %squeeze3A_694 : f32 to vector<16xf32>
        %mul3A_699 = arith.mulf %get3A_697, %mul3A_698 : vector<16xf32>
        %max3A_700 = arith.maximumf %max3A_646, %mul3A_699 : vector<16xf32>
        %get3A_701 = arith.index_cast %add3A_692 : i32 to index
        %get3A_702 = arith.constant 16 : index
        %get3A_703 = tpu.vector_load %arg7[%get3A_701, %get3A_702] {strides = array<i32>} : memref<160x128xf32, #tpu.memory_space<vmem>>, vector<16xf32>,
        %mul3A_704 = vector.broadcast %squeeze3A_694 : f32 to vector<16xf32>
        %mul3A_705 = arith.mulf %get3A_703, %mul3A_704 : vector<16xf32>
        %max3A_706 = arith.maximumf %max3A_652, %mul3A_705 : vector<16xf32>
        %get3A_707 = arith.index_cast %add3A_692 : i32 to index
        %get3A_708 = arith.constant 32 : index
        %get3A_709 = tpu.vector_load %arg7[%get3A_707, %get3A_708] {strides = array<i32>} : memref<160x128xf32, #tpu.memory_space<vmem>>, vector<16xf32>,
        %mul3A_710 = vector.broadcast %squeeze3A_694 : f32 to vector<16xf32>
        %mul3A_711 = arith.mulf %get3A_709, %mul3A_710 : vector<16xf32>
        %max3A_712 = arith.maximumf %max3A_658, %mul3A_711 : vector<16xf32>
        %get3A_713 = arith.index_cast %add3A_692 : i32 to index
        %get3A_714 = arith.constant 48 : index
        %get3A_715 = tpu.vector_load %arg7[%get3A_713, %get3A_714] {strides = array<i32>} : memref<160x128xf32, #tpu.memory_space<vmem>>, vector<16xf32>,
        %mul3A_716 = vector.broadcast %squeeze3A_694 : f32 to vector<16xf32>
        %mul3A_717 = arith.mulf %get3A_715, %mul3A_716 : vector<16xf32>
        %max3A_718 = arith.maximumf %max3A_664, %mul3A_717 : vector<16xf32>
        %get3A_719 = arith.index_cast %add3A_692 : i32 to index
        %get3A_720 = arith.constant 64 : index
        %get3A_721 = tpu.vector_load %arg7[%get3A_719, %get3A_720] {strides = array<i32>} : memref<160x128xf32, #tpu.memory_space<vmem>>, vector<16xf32>,
        %mul3A_722 = vector.broadcast %squeeze3A_694 : f32 to vector<16xf32>
        %mul3A_723 = arith.mulf %get3A_721, %mul3A_722 : vector<16xf32>
        %max3A_724 = arith.maximumf %max3A_670, %mul3A_723 : vector<16xf32>
        %get3A_725 = arith.index_cast %add3A_692 : i32 to index
        %get3A_726 = arith.constant 80 : index
        %get3A_727 = tpu.vector_load %arg7[%get3A_725, %get3A_726] {strides = array<i32>} : memref<160x128xf32, #tpu.memory_space<vmem>>, vector<16xf32>,
        %mul3A_728 = vector.broadcast %squeeze3A_694 : f32 to vector<16xf32>
        %mul3A_729 = arith.mulf %get3A_727, %mul3A_728 : vector<16xf32>
        %max3A_730 = arith.maximumf %max3A_676, %mul3A_729 : vector<16xf32>
        %get3A_731 = arith.index_cast %add3A_692 : i32 to index
        %get3A_732 = arith.constant 96 : index
        %get3A_733 = tpu.vector_load %arg7[%get3A_731, %get3A_732] {strides = array<i32>} : memref<160x128xf32, #tpu.memory_space<vmem>>, vector<16xf32>,
        %mul3A_734 = vector.broadcast %squeeze3A_694 : f32 to vector<16xf32>
        %mul3A_735 = arith.mulf %get3A_733, %mul3A_734 : vector<16xf32>
        %max3A_736 = arith.maximumf %max3A_682, %mul3A_735 : vector<16xf32>
        %get3A_737 = arith.index_cast %add3A_692 : i32 to index
        %get3A_738 = arith.constant 112 : index
        %get3A_739 = tpu.vector_load %arg7[%get3A_737, %get3A_738] {strides = array<i32>} : memref<160x128xf32, #tpu.memory_space<vmem>>, vector<16xf32>,
        %mul3A_740 = vector.broadcast %squeeze3A_694 : f32 to vector<16xf32>
        %mul3A_741 = arith.mulf %get3A_739, %mul3A_740 : vector<16xf32>
        %max3A_742 = arith.maximumf %max3A_688, %mul3A_741 : vector<16xf32>
        %mul3A_743 = arith.constant 20 : i32
        %mul3A_744 = arith.muli %add3A_300, %mul3A_743 : i32
        %add3A_745 = arith.constant 8 : i32
        %add3A_746 = arith.addi %mul3A_744, %add3A_745 : i32
        %slice3A_747 = vector.extract_strided_slice %select_n3A {offsets = [8], sizes = [1], strides = [1]} : vector<16xf32> to vector<1xf32>
        %squeeze3A_748 = vector.extract %slice3A_747[0] : f32 from vector<1xf32>
        %get3A_749 = arith.index_cast %add3A_746 : i32 to index
        %get3A_750 = arith.constant 0 : index
        %get3A_751 = tpu.vector_load %arg7[%get3A_749, %get3A_750] {strides = array<i32>} : memref<160x128xf32, #tpu.memory_space<vmem>>, vector<16xf32>,
        %mul3A_752 = vector.broadcast %squeeze3A_748 : f32 to vector<16xf32>
        %mul3A_753 = arith.mulf %get3A_751, %mul3A_752 : vector<16xf32>
        %max3A_754 = arith.maximumf %max3A_700, %mul3A_753 : vector<16xf32>
        %get3A_755 = arith.index_cast %add3A_746 : i32 to index
        %get3A_756 = arith.constant 16 : index
        %get3A_757 = tpu.vector_load %arg7[%get3A_755, %get3A_756] {strides = array<i32>} : memref<160x128xf32, #tpu.memory_space<vmem>>, vector<16xf32>,
        %mul3A_758 = vector.broadcast %squeeze3A_748 : f32 to vector<16xf32>
        %mul3A_759 = arith.mulf %get3A_757, %mul3A_758 : vector<16xf32>
        %max3A_760 = arith.maximumf %max3A_706, %mul3A_759 : vector<16xf32>
        %get3A_761 = arith.index_cast %add3A_746 : i32 to index
        %get3A_762 = arith.constant 32 : index
        %get3A_763 = tpu.vector_load %arg7[%get3A_761, %get3A_762] {strides = array<i32>} : memref<160x128xf32, #tpu.memory_space<vmem>>, vector<16xf32>,
        %mul3A_764 = vector.broadcast %squeeze3A_748 : f32 to vector<16xf32>
        %mul3A_765 = arith.mulf %get3A_763, %mul3A_764 : vector<16xf32>
        %max3A_766 = arith.maximumf %max3A_712, %mul3A_765 : vector<16xf32>
        %get3A_767 = arith.index_cast %add3A_746 : i32 to index
        %get3A_768 = arith.constant 48 : index
        %get3A_769 = tpu.vector_load %arg7[%get3A_767, %get3A_768] {strides = array<i32>} : memref<160x128xf32, #tpu.memory_space<vmem>>, vector<16xf32>,
        %mul3A_770 = vector.broadcast %squeeze3A_748 : f32 to vector<16xf32>
        %mul3A_771 = arith.mulf %get3A_769, %mul3A_770 : vector<16xf32>
        %max3A_772 = arith.maximumf %max3A_718, %mul3A_771 : vector<16xf32>
        %get3A_773 = arith.index_cast %add3A_746 : i32 to index
        %get3A_774 = arith.constant 64 : index
        %get3A_775 = tpu.vector_load %arg7[%get3A_773, %get3A_774] {strides = array<i32>} : memref<160x128xf32, #tpu.memory_space<vmem>>, vector<16xf32>,
        %mul3A_776 = vector.broadcast %squeeze3A_748 : f32 to vector<16xf32>
        %mul3A_777 = arith.mulf %get3A_775, %mul3A_776 : vector<16xf32>
        %max3A_778 = arith.maximumf %max3A_724, %mul3A_777 : vector<16xf32>
        %get3A_779 = arith.index_cast %add3A_746 : i32 to index
        %get3A_780 = arith.constant 80 : index
        %get3A_781 = tpu.vector_load %arg7[%get3A_779, %get3A_780] {strides = array<i32>} : memref<160x128xf32, #tpu.memory_space<vmem>>, vector<16xf32>,
        %mul3A_782 = vector.broadcast %squeeze3A_748 : f32 to vector<16xf32>
        %mul3A_783 = arith.mulf %get3A_781, %mul3A_782 : vector<16xf32>
        %max3A_784 = arith.maximumf %max3A_730, %mul3A_783 : vector<16xf32>
        %get3A_785 = arith.index_cast %add3A_746 : i32 to index
        %get3A_786 = arith.constant 96 : index
        %get3A_787 = tpu.vector_load %arg7[%get3A_785, %get3A_786] {strides = array<i32>} : memref<160x128xf32, #tpu.memory_space<vmem>>, vector<16xf32>,
        %mul3A_788 = vector.broadcast %squeeze3A_748 : f32 to vector<16xf32>
        %mul3A_789 = arith.mulf %get3A_787, %mul3A_788 : vector<16xf32>
        %max3A_790 = arith.maximumf %max3A_736, %mul3A_789 : vector<16xf32>
        %get3A_791 = arith.index_cast %add3A_746 : i32 to index
        %get3A_792 = arith.constant 112 : index
        %get3A_793 = tpu.vector_load %arg7[%get3A_791, %get3A_792] {strides = array<i32>} : memref<160x128xf32, #tpu.memory_space<vmem>>, vector<16xf32>,
        %mul3A_794 = vector.broadcast %squeeze3A_748 : f32 to vector<16xf32>
        %mul3A_795 = arith.mulf %get3A_793, %mul3A_794 : vector<16xf32>
        %max3A_796 = arith.maximumf %max3A_742, %mul3A_795 : vector<16xf32>
        %mul3A_797 = arith.constant 20 : i32
        %mul3A_798 = arith.muli %add3A_300, %mul3A_797 : i32
        %add3A_799 = arith.constant 9 : i32
        %add3A_800 = arith.addi %mul3A_798, %add3A_799 : i32
        %slice3A_801 = vector.extract_strided_slice %select_n3A {offsets = [9], sizes = [1], strides = [1]} : vector<16xf32> to vector<1xf32>
        %squeeze3A_802 = vector.extract %slice3A_801[0] : f32 from vector<1xf32>
        %get3A_803 = arith.index_cast %add3A_800 : i32 to index
        %get3A_804 = arith.constant 0 : index
        %get3A_805 = tpu.vector_load %arg7[%get3A_803, %get3A_804] {strides = array<i32>} : memref<160x128xf32, #tpu.memory_space<vmem>>, vector<16xf32>,
        %mul3A_806 = vector.broadcast %squeeze3A_802 : f32 to vector<16xf32>
        %mul3A_807 = arith.mulf %get3A_805, %mul3A_806 : vector<16xf32>
        %max3A_808 = arith.maximumf %max3A_754, %mul3A_807 : vector<16xf32>
        %get3A_809 = arith.index_cast %add3A_800 : i32 to index
        %get3A_810 = arith.constant 16 : index
        %get3A_811 = tpu.vector_load %arg7[%get3A_809, %get3A_810] {strides = array<i32>} : memref<160x128xf32, #tpu.memory_space<vmem>>, vector<16xf32>,
        %mul3A_812 = vector.broadcast %squeeze3A_802 : f32 to vector<16xf32>
        %mul3A_813 = arith.mulf %get3A_811, %mul3A_812 : vector<16xf32>
        %max3A_814 = arith.maximumf %max3A_760, %mul3A_813 : vector<16xf32>
        %get3A_815 = arith.index_cast %add3A_800 : i32 to index
        %get3A_816 = arith.constant 32 : index
        %get3A_817 = tpu.vector_load %arg7[%get3A_815, %get3A_816] {strides = array<i32>} : memref<160x128xf32, #tpu.memory_space<vmem>>, vector<16xf32>,
        %mul3A_818 = vector.broadcast %squeeze3A_802 : f32 to vector<16xf32>
        %mul3A_819 = arith.mulf %get3A_817, %mul3A_818 : vector<16xf32>
        %max3A_820 = arith.maximumf %max3A_766, %mul3A_819 : vector<16xf32>
        %get3A_821 = arith.index_cast %add3A_800 : i32 to index
        %get3A_822 = arith.constant 48 : index
        %get3A_823 = tpu.vector_load %arg7[%get3A_821, %get3A_822] {strides = array<i32>} : memref<160x128xf32, #tpu.memory_space<vmem>>, vector<16xf32>,
        %mul3A_824 = vector.broadcast %squeeze3A_802 : f32 to vector<16xf32>
        %mul3A_825 = arith.mulf %get3A_823, %mul3A_824 : vector<16xf32>
        %max3A_826 = arith.maximumf %max3A_772, %mul3A_825 : vector<16xf32>
        %get3A_827 = arith.index_cast %add3A_800 : i32 to index
        %get3A_828 = arith.constant 64 : index
        %get3A_829 = tpu.vector_load %arg7[%get3A_827, %get3A_828] {strides = array<i32>} : memref<160x128xf32, #tpu.memory_space<vmem>>, vector<16xf32>,
        %mul3A_830 = vector.broadcast %squeeze3A_802 : f32 to vector<16xf32>
        %mul3A_831 = arith.mulf %get3A_829, %mul3A_830 : vector<16xf32>
        %max3A_832 = arith.maximumf %max3A_778, %mul3A_831 : vector<16xf32>
        %get3A_833 = arith.index_cast %add3A_800 : i32 to index
        %get3A_834 = arith.constant 80 : index
        %get3A_835 = tpu.vector_load %arg7[%get3A_833, %get3A_834] {strides = array<i32>} : memref<160x128xf32, #tpu.memory_space<vmem>>, vector<16xf32>,
        %mul3A_836 = vector.broadcast %squeeze3A_802 : f32 to vector<16xf32>
        %mul3A_837 = arith.mulf %get3A_835, %mul3A_836 : vector<16xf32>
        %max3A_838 = arith.maximumf %max3A_784, %mul3A_837 : vector<16xf32>
        %get3A_839 = arith.index_cast %add3A_800 : i32 to index
        %get3A_840 = arith.constant 96 : index
        %get3A_841 = tpu.vector_load %arg7[%get3A_839, %get3A_840] {strides = array<i32>} : memref<160x128xf32, #tpu.memory_space<vmem>>, vector<16xf32>,
        %mul3A_842 = vector.broadcast %squeeze3A_802 : f32 to vector<16xf32>
        %mul3A_843 = arith.mulf %get3A_841, %mul3A_842 : vector<16xf32>
        %max3A_844 = arith.maximumf %max3A_790, %mul3A_843 : vector<16xf32>
        %get3A_845 = arith.index_cast %add3A_800 : i32 to index
        %get3A_846 = arith.constant 112 : index
        %get3A_847 = tpu.vector_load %arg7[%get3A_845, %get3A_846] {strides = array<i32>} : memref<160x128xf32, #tpu.memory_space<vmem>>, vector<16xf32>,
        %mul3A_848 = vector.broadcast %squeeze3A_802 : f32 to vector<16xf32>
        %mul3A_849 = arith.mulf %get3A_847, %mul3A_848 : vector<16xf32>
        %max3A_850 = arith.maximumf %max3A_796, %mul3A_849 : vector<16xf32>
        %mul3A_851 = arith.constant 20 : i32
        %mul3A_852 = arith.muli %add3A_300, %mul3A_851 : i32
        %add3A_853 = arith.constant 10 : i32
        %add3A_854 = arith.addi %mul3A_852, %add3A_853 : i32
        %slice3A_855 = vector.extract_strided_slice %select_n3A {offsets = [10], sizes = [1], strides = [1]} : vector<16xf32> to vector<1xf32>
        %squeeze3A_856 = vector.extract %slice3A_855[0] : f32 from vector<1xf32>
        %get3A_857 = arith.index_cast %add3A_854 : i32 to index
        %get3A_858 = arith.constant 0 : index
        %get3A_859 = tpu.vector_load %arg7[%get3A_857, %get3A_858] {strides = array<i32>} : memref<160x128xf32, #tpu.memory_space<vmem>>, vector<16xf32>,
        %mul3A_860 = vector.broadcast %squeeze3A_856 : f32 to vector<16xf32>
        %mul3A_861 = arith.mulf %get3A_859, %mul3A_860 : vector<16xf32>
        %max3A_862 = arith.maximumf %max3A_808, %mul3A_861 : vector<16xf32>
        %get3A_863 = arith.index_cast %add3A_854 : i32 to index
        %get3A_864 = arith.constant 16 : index
        %get3A_865 = tpu.vector_load %arg7[%get3A_863, %get3A_864] {strides = array<i32>} : memref<160x128xf32, #tpu.memory_space<vmem>>, vector<16xf32>,
        %mul3A_866 = vector.broadcast %squeeze3A_856 : f32 to vector<16xf32>
        %mul3A_867 = arith.mulf %get3A_865, %mul3A_866 : vector<16xf32>
        %max3A_868 = arith.maximumf %max3A_814, %mul3A_867 : vector<16xf32>
        %get3A_869 = arith.index_cast %add3A_854 : i32 to index
        %get3A_870 = arith.constant 32 : index
        %get3A_871 = tpu.vector_load %arg7[%get3A_869, %get3A_870] {strides = array<i32>} : memref<160x128xf32, #tpu.memory_space<vmem>>, vector<16xf32>,
        %mul3A_872 = vector.broadcast %squeeze3A_856 : f32 to vector<16xf32>
        %mul3A_873 = arith.mulf %get3A_871, %mul3A_872 : vector<16xf32>
        %max3A_874 = arith.maximumf %max3A_820, %mul3A_873 : vector<16xf32>
        %get3A_875 = arith.index_cast %add3A_854 : i32 to index
        %get3A_876 = arith.constant 48 : index
        %get3A_877 = tpu.vector_load %arg7[%get3A_875, %get3A_876] {strides = array<i32>} : memref<160x128xf32, #tpu.memory_space<vmem>>, vector<16xf32>,
        %mul3A_878 = vector.broadcast %squeeze3A_856 : f32 to vector<16xf32>
        %mul3A_879 = arith.mulf %get3A_877, %mul3A_878 : vector<16xf32>
        %max3A_880 = arith.maximumf %max3A_826, %mul3A_879 : vector<16xf32>
        %get3A_881 = arith.index_cast %add3A_854 : i32 to index
        %get3A_882 = arith.constant 64 : index
        %get3A_883 = tpu.vector_load %arg7[%get3A_881, %get3A_882] {strides = array<i32>} : memref<160x128xf32, #tpu.memory_space<vmem>>, vector<16xf32>,
        %mul3A_884 = vector.broadcast %squeeze3A_856 : f32 to vector<16xf32>
        %mul3A_885 = arith.mulf %get3A_883, %mul3A_884 : vector<16xf32>
        %max3A_886 = arith.maximumf %max3A_832, %mul3A_885 : vector<16xf32>
        %get3A_887 = arith.index_cast %add3A_854 : i32 to index
        %get3A_888 = arith.constant 80 : index
        %get3A_889 = tpu.vector_load %arg7[%get3A_887, %get3A_888] {strides = array<i32>} : memref<160x128xf32, #tpu.memory_space<vmem>>, vector<16xf32>,
        %mul3A_890 = vector.broadcast %squeeze3A_856 : f32 to vector<16xf32>
        %mul3A_891 = arith.mulf %get3A_889, %mul3A_890 : vector<16xf32>
        %max3A_892 = arith.maximumf %max3A_838, %mul3A_891 : vector<16xf32>
        %get3A_893 = arith.index_cast %add3A_854 : i32 to index
        %get3A_894 = arith.constant 96 : index
        %get3A_895 = tpu.vector_load %arg7[%get3A_893, %get3A_894] {strides = array<i32>} : memref<160x128xf32, #tpu.memory_space<vmem>>, vector<16xf32>,
        %mul3A_896 = vector.broadcast %squeeze3A_856 : f32 to vector<16xf32>
        %mul3A_897 = arith.mulf %get3A_895, %mul3A_896 : vector<16xf32>
        %max3A_898 = arith.maximumf %max3A_844, %mul3A_897 : vector<16xf32>
        %get3A_899 = arith.index_cast %add3A_854 : i32 to index
        %get3A_900 = arith.constant 112 : index
        %get3A_901 = tpu.vector_load %arg7[%get3A_899, %get3A_900] {strides = array<i32>} : memref<160x128xf32, #tpu.memory_space<vmem>>, vector<16xf32>,
        %mul3A_902 = vector.broadcast %squeeze3A_856 : f32 to vector<16xf32>
        %mul3A_903 = arith.mulf %get3A_901, %mul3A_902 : vector<16xf32>
        %max3A_904 = arith.maximumf %max3A_850, %mul3A_903 : vector<16xf32>
        %mul3A_905 = arith.constant 20 : i32
        %mul3A_906 = arith.muli %add3A_300, %mul3A_905 : i32
        %add3A_907 = arith.constant 11 : i32
        %add3A_908 = arith.addi %mul3A_906, %add3A_907 : i32
        %slice3A_909 = vector.extract_strided_slice %select_n3A {offsets = [11], sizes = [1], strides = [1]} : vector<16xf32> to vector<1xf32>
        %squeeze3A_910 = vector.extract %slice3A_909[0] : f32 from vector<1xf32>
        %get3A_911 = arith.index_cast %add3A_908 : i32 to index
        %get3A_912 = arith.constant 0 : index
        %get3A_913 = tpu.vector_load %arg7[%get3A_911, %get3A_912] {strides = array<i32>} : memref<160x128xf32, #tpu.memory_space<vmem>>, vector<16xf32>,
        %mul3A_914 = vector.broadcast %squeeze3A_910 : f32 to vector<16xf32>
        %mul3A_915 = arith.mulf %get3A_913, %mul3A_914 : vector<16xf32>
        %max3A_916 = arith.maximumf %max3A_862, %mul3A_915 : vector<16xf32>
        %get3A_917 = arith.index_cast %add3A_908 : i32 to index
        %get3A_918 = arith.constant 16 : index
        %get3A_919 = tpu.vector_load %arg7[%get3A_917, %get3A_918] {strides = array<i32>} : memref<160x128xf32, #tpu.memory_space<vmem>>, vector<16xf32>,
        %mul3A_920 = vector.broadcast %squeeze3A_910 : f32 to vector<16xf32>
        %mul3A_921 = arith.mulf %get3A_919, %mul3A_920 : vector<16xf32>
        %max3A_922 = arith.maximumf %max3A_868, %mul3A_921 : vector<16xf32>
        %get3A_923 = arith.index_cast %add3A_908 : i32 to index
        %get3A_924 = arith.constant 32 : index
        %get3A_925 = tpu.vector_load %arg7[%get3A_923, %get3A_924] {strides = array<i32>} : memref<160x128xf32, #tpu.memory_space<vmem>>, vector<16xf32>,
        %mul3A_926 = vector.broadcast %squeeze3A_910 : f32 to vector<16xf32>
        %mul3A_927 = arith.mulf %get3A_925, %mul3A_926 : vector<16xf32>
        %max3A_928 = arith.maximumf %max3A_874, %mul3A_927 : vector<16xf32>
        %get3A_929 = arith.index_cast %add3A_908 : i32 to index
        %get3A_930 = arith.constant 48 : index
        %get3A_931 = tpu.vector_load %arg7[%get3A_929, %get3A_930] {strides = array<i32>} : memref<160x128xf32, #tpu.memory_space<vmem>>, vector<16xf32>,
        %mul3A_932 = vector.broadcast %squeeze3A_910 : f32 to vector<16xf32>
        %mul3A_933 = arith.mulf %get3A_931, %mul3A_932 : vector<16xf32>
        %max3A_934 = arith.maximumf %max3A_880, %mul3A_933 : vector<16xf32>
        %get3A_935 = arith.index_cast %add3A_908 : i32 to index
        %get3A_936 = arith.constant 64 : index
        %get3A_937 = tpu.vector_load %arg7[%get3A_935, %get3A_936] {strides = array<i32>} : memref<160x128xf32, #tpu.memory_space<vmem>>, vector<16xf32>,
        %mul3A_938 = vector.broadcast %squeeze3A_910 : f32 to vector<16xf32>
        %mul3A_939 = arith.mulf %get3A_937, %mul3A_938 : vector<16xf32>
        %max3A_940 = arith.maximumf %max3A_886, %mul3A_939 : vector<16xf32>
        %get3A_941 = arith.index_cast %add3A_908 : i32 to index
        %get3A_942 = arith.constant 80 : index
        %get3A_943 = tpu.vector_load %arg7[%get3A_941, %get3A_942] {strides = array<i32>} : memref<160x128xf32, #tpu.memory_space<vmem>>, vector<16xf32>,
        %mul3A_944 = vector.broadcast %squeeze3A_910 : f32 to vector<16xf32>
        %mul3A_945 = arith.mulf %get3A_943, %mul3A_944 : vector<16xf32>
        %max3A_946 = arith.maximumf %max3A_892, %mul3A_945 : vector<16xf32>
        %get3A_947 = arith.index_cast %add3A_908 : i32 to index
        %get3A_948 = arith.constant 96 : index
        %get3A_949 = tpu.vector_load %arg7[%get3A_947, %get3A_948] {strides = array<i32>} : memref<160x128xf32, #tpu.memory_space<vmem>>, vector<16xf32>,
        %mul3A_950 = vector.broadcast %squeeze3A_910 : f32 to vector<16xf32>
        %mul3A_951 = arith.mulf %get3A_949, %mul3A_950 : vector<16xf32>
        %max3A_952 = arith.maximumf %max3A_898, %mul3A_951 : vector<16xf32>
        %get3A_953 = arith.index_cast %add3A_908 : i32 to index
        %get3A_954 = arith.constant 112 : index
        %get3A_955 = tpu.vector_load %arg7[%get3A_953, %get3A_954] {strides = array<i32>} : memref<160x128xf32, #tpu.memory_space<vmem>>, vector<16xf32>,
        %mul3A_956 = vector.broadcast %squeeze3A_910 : f32 to vector<16xf32>
        %mul3A_957 = arith.mulf %get3A_955, %mul3A_956 : vector<16xf32>
        %max3A_958 = arith.maximumf %max3A_904, %mul3A_957 : vector<16xf32>
        %mul3A_959 = arith.constant 20 : i32
        %mul3A_960 = arith.muli %add3A_300, %mul3A_959 : i32
        %add3A_961 = arith.constant 12 : i32
        %add3A_962 = arith.addi %mul3A_960, %add3A_961 : i32
        %slice3A_963 = vector.extract_strided_slice %select_n3A {offsets = [12], sizes = [1], strides = [1]} : vector<16xf32> to vector<1xf32>
        %squeeze3A_964 = vector.extract %slice3A_963[0] : f32 from vector<1xf32>
        %get3A_965 = arith.index_cast %add3A_962 : i32 to index
        %get3A_966 = arith.constant 0 : index
        %get3A_967 = tpu.vector_load %arg7[%get3A_965, %get3A_966] {strides = array<i32>} : memref<160x128xf32, #tpu.memory_space<vmem>>, vector<16xf32>,
        %mul3A_968 = vector.broadcast %squeeze3A_964 : f32 to vector<16xf32>
        %mul3A_969 = arith.mulf %get3A_967, %mul3A_968 : vector<16xf32>
        %max3A_970 = arith.maximumf %max3A_916, %mul3A_969 : vector<16xf32>
        %get3A_971 = arith.index_cast %add3A_962 : i32 to index
        %get3A_972 = arith.constant 16 : index
        %get3A_973 = tpu.vector_load %arg7[%get3A_971, %get3A_972] {strides = array<i32>} : memref<160x128xf32, #tpu.memory_space<vmem>>, vector<16xf32>,
        %mul3A_974 = vector.broadcast %squeeze3A_964 : f32 to vector<16xf32>
        %mul3A_975 = arith.mulf %get3A_973, %mul3A_974 : vector<16xf32>
        %max3A_976 = arith.maximumf %max3A_922, %mul3A_975 : vector<16xf32>
        %get3A_977 = arith.index_cast %add3A_962 : i32 to index
        %get3A_978 = arith.constant 32 : index
        %get3A_979 = tpu.vector_load %arg7[%get3A_977, %get3A_978] {strides = array<i32>} : memref<160x128xf32, #tpu.memory_space<vmem>>, vector<16xf32>,
        %mul3A_980 = vector.broadcast %squeeze3A_964 : f32 to vector<16xf32>
        %mul3A_981 = arith.mulf %get3A_979, %mul3A_980 : vector<16xf32>
        %max3A_982 = arith.maximumf %max3A_928, %mul3A_981 : vector<16xf32>
        %get3A_983 = arith.index_cast %add3A_962 : i32 to index
        %get3A_984 = arith.constant 48 : index
        %get3A_985 = tpu.vector_load %arg7[%get3A_983, %get3A_984] {strides = array<i32>} : memref<160x128xf32, #tpu.memory_space<vmem>>, vector<16xf32>,
        %mul3A_986 = vector.broadcast %squeeze3A_964 : f32 to vector<16xf32>
        %mul3A_987 = arith.mulf %get3A_985, %mul3A_986 : vector<16xf32>
        %max3A_988 = arith.maximumf %max3A_934, %mul3A_987 : vector<16xf32>
        %get3A_989 = arith.index_cast %add3A_962 : i32 to index
        %get3A_990 = arith.constant 64 : index
        %get3A_991 = tpu.vector_load %arg7[%get3A_989, %get3A_990] {strides = array<i32>} : memref<160x128xf32, #tpu.memory_space<vmem>>, vector<16xf32>,
        %mul3A_992 = vector.broadcast %squeeze3A_964 : f32 to vector<16xf32>
        %mul3A_993 = arith.mulf %get3A_991, %mul3A_992 : vector<16xf32>
        %max3A_994 = arith.maximumf %max3A_940, %mul3A_993 : vector<16xf32>
        %get3A_995 = arith.index_cast %add3A_962 : i32 to index
        %get3A_996 = arith.constant 80 : index
        %get3A_997 = tpu.vector_load %arg7[%get3A_995, %get3A_996] {strides = array<i32>} : memref<160x128xf32, #tpu.memory_space<vmem>>, vector<16xf32>,
        %mul3A_998 = vector.broadcast %squeeze3A_964 : f32 to vector<16xf32>
        %mul3A_999 = arith.mulf %get3A_997, %mul3A_998 : vector<16xf32>
        %max3A_1000 = arith.maximumf %max3A_946, %mul3A_999 : vector<16xf32>
        %get3A_1001 = arith.index_cast %add3A_962 : i32 to index
        %get3A_1002 = arith.constant 96 : index
        %get3A_1003 = tpu.vector_load %arg7[%get3A_1001, %get3A_1002] {strides = array<i32>} : memref<160x128xf32, #tpu.memory_space<vmem>>, vector<16xf32>,
        %mul3A_1004 = vector.broadcast %squeeze3A_964 : f32 to vector<16xf32>
        %mul3A_1005 = arith.mulf %get3A_1003, %mul3A_1004 : vector<16xf32>
        %max3A_1006 = arith.maximumf %max3A_952, %mul3A_1005 : vector<16xf32>
        %get3A_1007 = arith.index_cast %add3A_962 : i32 to index
        %get3A_1008 = arith.constant 112 : index
        %get3A_1009 = tpu.vector_load %arg7[%get3A_1007, %get3A_1008] {strides = array<i32>} : memref<160x128xf32, #tpu.memory_space<vmem>>, vector<16xf32>,
        %mul3A_1010 = vector.broadcast %squeeze3A_964 : f32 to vector<16xf32>
        %mul3A_1011 = arith.mulf %get3A_1009, %mul3A_1010 : vector<16xf32>
        %max3A_1012 = arith.maximumf %max3A_958, %mul3A_1011 : vector<16xf32>
        %mul3A_1013 = arith.constant 20 : i32
        %mul3A_1014 = arith.muli %add3A_300, %mul3A_1013 : i32
        %add3A_1015 = arith.constant 13 : i32
        %add3A_1016 = arith.addi %mul3A_1014, %add3A_1015 : i32
        %slice3A_1017 = vector.extract_strided_slice %select_n3A {offsets = [13], sizes = [1], strides = [1]} : vector<16xf32> to vector<1xf32>
        %squeeze3A_1018 = vector.extract %slice3A_1017[0] : f32 from vector<1xf32>
        %get3A_1019 = arith.index_cast %add3A_1016 : i32 to index
        %get3A_1020 = arith.constant 0 : index
        %get3A_1021 = tpu.vector_load %arg7[%get3A_1019, %get3A_1020] {strides = array<i32>} : memref<160x128xf32, #tpu.memory_space<vmem>>, vector<16xf32>,
        %mul3A_1022 = vector.broadcast %squeeze3A_1018 : f32 to vector<16xf32>
        %mul3A_1023 = arith.mulf %get3A_1021, %mul3A_1022 : vector<16xf32>
        %max3A_1024 = arith.maximumf %max3A_970, %mul3A_1023 : vector<16xf32>
        %get3A_1025 = arith.index_cast %add3A_1016 : i32 to index
        %get3A_1026 = arith.constant 16 : index
        %get3A_1027 = tpu.vector_load %arg7[%get3A_1025, %get3A_1026] {strides = array<i32>} : memref<160x128xf32, #tpu.memory_space<vmem>>, vector<16xf32>,
        %mul3A_1028 = vector.broadcast %squeeze3A_1018 : f32 to vector<16xf32>
        %mul3A_1029 = arith.mulf %get3A_1027, %mul3A_1028 : vector<16xf32>
        %max3A_1030 = arith.maximumf %max3A_976, %mul3A_1029 : vector<16xf32>
        %get3A_1031 = arith.index_cast %add3A_1016 : i32 to index
        %get3A_1032 = arith.constant 32 : index
        %get3A_1033 = tpu.vector_load %arg7[%get3A_1031, %get3A_1032] {strides = array<i32>} : memref<160x128xf32, #tpu.memory_space<vmem>>, vector<16xf32>,
        %mul3A_1034 = vector.broadcast %squeeze3A_1018 : f32 to vector<16xf32>
        %mul3A_1035 = arith.mulf %get3A_1033, %mul3A_1034 : vector<16xf32>
        %max3A_1036 = arith.maximumf %max3A_982, %mul3A_1035 : vector<16xf32>
        %get3A_1037 = arith.index_cast %add3A_1016 : i32 to index
        %get3A_1038 = arith.constant 48 : index
        %get3A_1039 = tpu.vector_load %arg7[%get3A_1037, %get3A_1038] {strides = array<i32>} : memref<160x128xf32, #tpu.memory_space<vmem>>, vector<16xf32>,
        %mul3A_1040 = vector.broadcast %squeeze3A_1018 : f32 to vector<16xf32>
        %mul3A_1041 = arith.mulf %get3A_1039, %mul3A_1040 : vector<16xf32>
        %max3A_1042 = arith.maximumf %max3A_988, %mul3A_1041 : vector<16xf32>
        %get3A_1043 = arith.index_cast %add3A_1016 : i32 to index
        %get3A_1044 = arith.constant 64 : index
        %get3A_1045 = tpu.vector_load %arg7[%get3A_1043, %get3A_1044] {strides = array<i32>} : memref<160x128xf32, #tpu.memory_space<vmem>>, vector<16xf32>,
        %mul3A_1046 = vector.broadcast %squeeze3A_1018 : f32 to vector<16xf32>
        %mul3A_1047 = arith.mulf %get3A_1045, %mul3A_1046 : vector<16xf32>
        %max3A_1048 = arith.maximumf %max3A_994, %mul3A_1047 : vector<16xf32>
        %get3A_1049 = arith.index_cast %add3A_1016 : i32 to index
        %get3A_1050 = arith.constant 80 : index
        %get3A_1051 = tpu.vector_load %arg7[%get3A_1049, %get3A_1050] {strides = array<i32>} : memref<160x128xf32, #tpu.memory_space<vmem>>, vector<16xf32>,
        %mul3A_1052 = vector.broadcast %squeeze3A_1018 : f32 to vector<16xf32>
        %mul3A_1053 = arith.mulf %get3A_1051, %mul3A_1052 : vector<16xf32>
        %max3A_1054 = arith.maximumf %max3A_1000, %mul3A_1053 : vector<16xf32>
        %get3A_1055 = arith.index_cast %add3A_1016 : i32 to index
        %get3A_1056 = arith.constant 96 : index
        %get3A_1057 = tpu.vector_load %arg7[%get3A_1055, %get3A_1056] {strides = array<i32>} : memref<160x128xf32, #tpu.memory_space<vmem>>, vector<16xf32>,
        %mul3A_1058 = vector.broadcast %squeeze3A_1018 : f32 to vector<16xf32>
        %mul3A_1059 = arith.mulf %get3A_1057, %mul3A_1058 : vector<16xf32>
        %max3A_1060 = arith.maximumf %max3A_1006, %mul3A_1059 : vector<16xf32>
        %get3A_1061 = arith.index_cast %add3A_1016 : i32 to index
        %get3A_1062 = arith.constant 112 : index
        %get3A_1063 = tpu.vector_load %arg7[%get3A_1061, %get3A_1062] {strides = array<i32>} : memref<160x128xf32, #tpu.memory_space<vmem>>, vector<16xf32>,
        %mul3A_1064 = vector.broadcast %squeeze3A_1018 : f32 to vector<16xf32>
        %mul3A_1065 = arith.mulf %get3A_1063, %mul3A_1064 : vector<16xf32>
        %max3A_1066 = arith.maximumf %max3A_1012, %mul3A_1065 : vector<16xf32>
        %mul3A_1067 = arith.constant 20 : i32
        %mul3A_1068 = arith.muli %add3A_300, %mul3A_1067 : i32
        %add3A_1069 = arith.constant 14 : i32
        %add3A_1070 = arith.addi %mul3A_1068, %add3A_1069 : i32
        %slice3A_1071 = vector.extract_strided_slice %select_n3A {offsets = [14], sizes = [1], strides = [1]} : vector<16xf32> to vector<1xf32>
        %squeeze3A_1072 = vector.extract %slice3A_1071[0] : f32 from vector<1xf32>
        %get3A_1073 = arith.index_cast %add3A_1070 : i32 to index
        %get3A_1074 = arith.constant 0 : index
        %get3A_1075 = tpu.vector_load %arg7[%get3A_1073, %get3A_1074] {strides = array<i32>} : memref<160x128xf32, #tpu.memory_space<vmem>>, vector<16xf32>,
        %mul3A_1076 = vector.broadcast %squeeze3A_1072 : f32 to vector<16xf32>
        %mul3A_1077 = arith.mulf %get3A_1075, %mul3A_1076 : vector<16xf32>
        %max3A_1078 = arith.maximumf %max3A_1024, %mul3A_1077 : vector<16xf32>
        %get3A_1079 = arith.index_cast %add3A_1070 : i32 to index
        %get3A_1080 = arith.constant 16 : index
        %get3A_1081 = tpu.vector_load %arg7[%get3A_1079, %get3A_1080] {strides = array<i32>} : memref<160x128xf32, #tpu.memory_space<vmem>>, vector<16xf32>,
        %mul3A_1082 = vector.broadcast %squeeze3A_1072 : f32 to vector<16xf32>
        %mul3A_1083 = arith.mulf %get3A_1081, %mul3A_1082 : vector<16xf32>
        %max3A_1084 = arith.maximumf %max3A_1030, %mul3A_1083 : vector<16xf32>
        %get3A_1085 = arith.index_cast %add3A_1070 : i32 to index
        %get3A_1086 = arith.constant 32 : index
        %get3A_1087 = tpu.vector_load %arg7[%get3A_1085, %get3A_1086] {strides = array<i32>} : memref<160x128xf32, #tpu.memory_space<vmem>>, vector<16xf32>,
        %mul3A_1088 = vector.broadcast %squeeze3A_1072 : f32 to vector<16xf32>
        %mul3A_1089 = arith.mulf %get3A_1087, %mul3A_1088 : vector<16xf32>
        %max3A_1090 = arith.maximumf %max3A_1036, %mul3A_1089 : vector<16xf32>
        %get3A_1091 = arith.index_cast %add3A_1070 : i32 to index
        %get3A_1092 = arith.constant 48 : index
        %get3A_1093 = tpu.vector_load %arg7[%get3A_1091, %get3A_1092] {strides = array<i32>} : memref<160x128xf32, #tpu.memory_space<vmem>>, vector<16xf32>,
        %mul3A_1094 = vector.broadcast %squeeze3A_1072 : f32 to vector<16xf32>
        %mul3A_1095 = arith.mulf %get3A_1093, %mul3A_1094 : vector<16xf32>
        %max3A_1096 = arith.maximumf %max3A_1042, %mul3A_1095 : vector<16xf32>
        %get3A_1097 = arith.index_cast %add3A_1070 : i32 to index
        %get3A_1098 = arith.constant 64 : index
        %get3A_1099 = tpu.vector_load %arg7[%get3A_1097, %get3A_1098] {strides = array<i32>} : memref<160x128xf32, #tpu.memory_space<vmem>>, vector<16xf32>,
        %mul3A_1100 = vector.broadcast %squeeze3A_1072 : f32 to vector<16xf32>
        %mul3A_1101 = arith.mulf %get3A_1099, %mul3A_1100 : vector<16xf32>
        %max3A_1102 = arith.maximumf %max3A_1048, %mul3A_1101 : vector<16xf32>
        %get3A_1103 = arith.index_cast %add3A_1070 : i32 to index
        %get3A_1104 = arith.constant 80 : index
        %get3A_1105 = tpu.vector_load %arg7[%get3A_1103, %get3A_1104] {strides = array<i32>} : memref<160x128xf32, #tpu.memory_space<vmem>>, vector<16xf32>,
        %mul3A_1106 = vector.broadcast %squeeze3A_1072 : f32 to vector<16xf32>
        %mul3A_1107 = arith.mulf %get3A_1105, %mul3A_1106 : vector<16xf32>
        %max3A_1108 = arith.maximumf %max3A_1054, %mul3A_1107 : vector<16xf32>
        %get3A_1109 = arith.index_cast %add3A_1070 : i32 to index
        %get3A_1110 = arith.constant 96 : index
        %get3A_1111 = tpu.vector_load %arg7[%get3A_1109, %get3A_1110] {strides = array<i32>} : memref<160x128xf32, #tpu.memory_space<vmem>>, vector<16xf32>,
        %mul3A_1112 = vector.broadcast %squeeze3A_1072 : f32 to vector<16xf32>
        %mul3A_1113 = arith.mulf %get3A_1111, %mul3A_1112 : vector<16xf32>
        %max3A_1114 = arith.maximumf %max3A_1060, %mul3A_1113 : vector<16xf32>
        %get3A_1115 = arith.index_cast %add3A_1070 : i32 to index
        %get3A_1116 = arith.constant 112 : index
        %get3A_1117 = tpu.vector_load %arg7[%get3A_1115, %get3A_1116] {strides = array<i32>} : memref<160x128xf32, #tpu.memory_space<vmem>>, vector<16xf32>,
        %mul3A_1118 = vector.broadcast %squeeze3A_1072 : f32 to vector<16xf32>
        %mul3A_1119 = arith.mulf %get3A_1117, %mul3A_1118 : vector<16xf32>
        %max3A_1120 = arith.maximumf %max3A_1066, %mul3A_1119 : vector<16xf32>
        %mul3A_1121 = arith.constant 20 : i32
        %mul3A_1122 = arith.muli %add3A_300, %mul3A_1121 : i32
        %add3A_1123 = arith.constant 15 : i32
        %add3A_1124 = arith.addi %mul3A_1122, %add3A_1123 : i32
        %slice3A_1125 = vector.extract_strided_slice %select_n3A {offsets = [15], sizes = [1], strides = [1]} : vector<16xf32> to vector<1xf32>
        %squeeze3A_1126 = vector.extract %slice3A_1125[0] : f32 from vector<1xf32>
        %get3A_1127 = arith.index_cast %add3A_1124 : i32 to index
        %get3A_1128 = arith.constant 0 : index
        %get3A_1129 = tpu.vector_load %arg7[%get3A_1127, %get3A_1128] {strides = array<i32>} : memref<160x128xf32, #tpu.memory_space<vmem>>, vector<16xf32>,
        %mul3A_1130 = vector.broadcast %squeeze3A_1126 : f32 to vector<16xf32>
        %mul3A_1131 = arith.mulf %get3A_1129, %mul3A_1130 : vector<16xf32>
        %max3A_1132 = arith.maximumf %max3A_1078, %mul3A_1131 : vector<16xf32>
        %get3A_1133 = arith.index_cast %add3A_1124 : i32 to index
        %get3A_1134 = arith.constant 16 : index
        %get3A_1135 = tpu.vector_load %arg7[%get3A_1133, %get3A_1134] {strides = array<i32>} : memref<160x128xf32, #tpu.memory_space<vmem>>, vector<16xf32>,
        %mul3A_1136 = vector.broadcast %squeeze3A_1126 : f32 to vector<16xf32>
        %mul3A_1137 = arith.mulf %get3A_1135, %mul3A_1136 : vector<16xf32>
        %max3A_1138 = arith.maximumf %max3A_1084, %mul3A_1137 : vector<16xf32>
        %get3A_1139 = arith.index_cast %add3A_1124 : i32 to index
        %get3A_1140 = arith.constant 32 : index
        %get3A_1141 = tpu.vector_load %arg7[%get3A_1139, %get3A_1140] {strides = array<i32>} : memref<160x128xf32, #tpu.memory_space<vmem>>, vector<16xf32>,
        %mul3A_1142 = vector.broadcast %squeeze3A_1126 : f32 to vector<16xf32>
        %mul3A_1143 = arith.mulf %get3A_1141, %mul3A_1142 : vector<16xf32>
        %max3A_1144 = arith.maximumf %max3A_1090, %mul3A_1143 : vector<16xf32>
        %get3A_1145 = arith.index_cast %add3A_1124 : i32 to index
        %get3A_1146 = arith.constant 48 : index
        %get3A_1147 = tpu.vector_load %arg7[%get3A_1145, %get3A_1146] {strides = array<i32>} : memref<160x128xf32, #tpu.memory_space<vmem>>, vector<16xf32>,
        %mul3A_1148 = vector.broadcast %squeeze3A_1126 : f32 to vector<16xf32>
        %mul3A_1149 = arith.mulf %get3A_1147, %mul3A_1148 : vector<16xf32>
        %max3A_1150 = arith.maximumf %max3A_1096, %mul3A_1149 : vector<16xf32>
        %get3A_1151 = arith.index_cast %add3A_1124 : i32 to index
        %get3A_1152 = arith.constant 64 : index
        %get3A_1153 = tpu.vector_load %arg7[%get3A_1151, %get3A_1152] {strides = array<i32>} : memref<160x128xf32, #tpu.memory_space<vmem>>, vector<16xf32>,
        %mul3A_1154 = vector.broadcast %squeeze3A_1126 : f32 to vector<16xf32>
        %mul3A_1155 = arith.mulf %get3A_1153, %mul3A_1154 : vector<16xf32>
        %max3A_1156 = arith.maximumf %max3A_1102, %mul3A_1155 : vector<16xf32>
        %get3A_1157 = arith.index_cast %add3A_1124 : i32 to index
        %get3A_1158 = arith.constant 80 : index
        %get3A_1159 = tpu.vector_load %arg7[%get3A_1157, %get3A_1158] {strides = array<i32>} : memref<160x128xf32, #tpu.memory_space<vmem>>, vector<16xf32>,
        %mul3A_1160 = vector.broadcast %squeeze3A_1126 : f32 to vector<16xf32>
        %mul3A_1161 = arith.mulf %get3A_1159, %mul3A_1160 : vector<16xf32>
        %max3A_1162 = arith.maximumf %max3A_1108, %mul3A_1161 : vector<16xf32>
        %get3A_1163 = arith.index_cast %add3A_1124 : i32 to index
        %get3A_1164 = arith.constant 96 : index
        %get3A_1165 = tpu.vector_load %arg7[%get3A_1163, %get3A_1164] {strides = array<i32>} : memref<160x128xf32, #tpu.memory_space<vmem>>, vector<16xf32>,
        %mul3A_1166 = vector.broadcast %squeeze3A_1126 : f32 to vector<16xf32>
        %mul3A_1167 = arith.mulf %get3A_1165, %mul3A_1166 : vector<16xf32>
        %max3A_1168 = arith.maximumf %max3A_1114, %mul3A_1167 : vector<16xf32>
        %get3A_1169 = arith.index_cast %add3A_1124 : i32 to index
        %get3A_1170 = arith.constant 112 : index
        %get3A_1171 = tpu.vector_load %arg7[%get3A_1169, %get3A_1170] {strides = array<i32>} : memref<160x128xf32, #tpu.memory_space<vmem>>, vector<16xf32>,
        %mul3A_1172 = vector.broadcast %squeeze3A_1126 : f32 to vector<16xf32>
        %mul3A_1173 = arith.mulf %get3A_1171, %mul3A_1172 : vector<16xf32>
        %max3A_1174 = arith.maximumf %max3A_1120, %mul3A_1173 : vector<16xf32>
        %mul3A_1175 = arith.constant 20 : i32
        %mul3A_1176 = arith.muli %add3A_300, %mul3A_1175 : i32
        %add3A_1177 = arith.constant 16 : i32
        %add3A_1178 = arith.addi %mul3A_1176, %add3A_1177 : i32
        %slice3A_1179 = vector.extract_strided_slice %select_n3A_321 {offsets = [12], sizes = [1], strides = [1]} : vector<16xf32> to vector<1xf32>
        %squeeze3A_1180 = vector.extract %slice3A_1179[0] : f32 from vector<1xf32>
        %get3A_1181 = arith.index_cast %add3A_1178 : i32 to index
        %get3A_1182 = arith.constant 0 : index
        %get3A_1183 = tpu.vector_load %arg7[%get3A_1181, %get3A_1182] {strides = array<i32>} : memref<160x128xf32, #tpu.memory_space<vmem>>, vector<16xf32>,
        %mul3A_1184 = vector.broadcast %squeeze3A_1180 : f32 to vector<16xf32>
        %mul3A_1185 = arith.mulf %get3A_1183, %mul3A_1184 : vector<16xf32>
        %max3A_1186 = arith.maximumf %max3A_1132, %mul3A_1185 : vector<16xf32>
        %get3A_1187 = arith.index_cast %add3A_1178 : i32 to index
        %get3A_1188 = arith.constant 16 : index
        %get3A_1189 = tpu.vector_load %arg7[%get3A_1187, %get3A_1188] {strides = array<i32>} : memref<160x128xf32, #tpu.memory_space<vmem>>, vector<16xf32>,
        %mul3A_1190 = vector.broadcast %squeeze3A_1180 : f32 to vector<16xf32>
        %mul3A_1191 = arith.mulf %get3A_1189, %mul3A_1190 : vector<16xf32>
        %max3A_1192 = arith.maximumf %max3A_1138, %mul3A_1191 : vector<16xf32>
        %get3A_1193 = arith.index_cast %add3A_1178 : i32 to index
        %get3A_1194 = arith.constant 32 : index
        %get3A_1195 = tpu.vector_load %arg7[%get3A_1193, %get3A_1194] {strides = array<i32>} : memref<160x128xf32, #tpu.memory_space<vmem>>, vector<16xf32>,
        %mul3A_1196 = vector.broadcast %squeeze3A_1180 : f32 to vector<16xf32>
        %mul3A_1197 = arith.mulf %get3A_1195, %mul3A_1196 : vector<16xf32>
        %max3A_1198 = arith.maximumf %max3A_1144, %mul3A_1197 : vector<16xf32>
        %get3A_1199 = arith.index_cast %add3A_1178 : i32 to index
        %get3A_1200 = arith.constant 48 : index
        %get3A_1201 = tpu.vector_load %arg7[%get3A_1199, %get3A_1200] {strides = array<i32>} : memref<160x128xf32, #tpu.memory_space<vmem>>, vector<16xf32>,
        %mul3A_1202 = vector.broadcast %squeeze3A_1180 : f32 to vector<16xf32>
        %mul3A_1203 = arith.mulf %get3A_1201, %mul3A_1202 : vector<16xf32>
        %max3A_1204 = arith.maximumf %max3A_1150, %mul3A_1203 : vector<16xf32>
        %get3A_1205 = arith.index_cast %add3A_1178 : i32 to index
        %get3A_1206 = arith.constant 64 : index
        %get3A_1207 = tpu.vector_load %arg7[%get3A_1205, %get3A_1206] {strides = array<i32>} : memref<160x128xf32, #tpu.memory_space<vmem>>, vector<16xf32>,
        %mul3A_1208 = vector.broadcast %squeeze3A_1180 : f32 to vector<16xf32>
        %mul3A_1209 = arith.mulf %get3A_1207, %mul3A_1208 : vector<16xf32>
        %max3A_1210 = arith.maximumf %max3A_1156, %mul3A_1209 : vector<16xf32>
        %get3A_1211 = arith.index_cast %add3A_1178 : i32 to index
        %get3A_1212 = arith.constant 80 : index
        %get3A_1213 = tpu.vector_load %arg7[%get3A_1211, %get3A_1212] {strides = array<i32>} : memref<160x128xf32, #tpu.memory_space<vmem>>, vector<16xf32>,
        %mul3A_1214 = vector.broadcast %squeeze3A_1180 : f32 to vector<16xf32>
        %mul3A_1215 = arith.mulf %get3A_1213, %mul3A_1214 : vector<16xf32>
        %max3A_1216 = arith.maximumf %max3A_1162, %mul3A_1215 : vector<16xf32>
        %get3A_1217 = arith.index_cast %add3A_1178 : i32 to index
        %get3A_1218 = arith.constant 96 : index
        %get3A_1219 = tpu.vector_load %arg7[%get3A_1217, %get3A_1218] {strides = array<i32>} : memref<160x128xf32, #tpu.memory_space<vmem>>, vector<16xf32>,
        %mul3A_1220 = vector.broadcast %squeeze3A_1180 : f32 to vector<16xf32>
        %mul3A_1221 = arith.mulf %get3A_1219, %mul3A_1220 : vector<16xf32>
        %max3A_1222 = arith.maximumf %max3A_1168, %mul3A_1221 : vector<16xf32>
        %get3A_1223 = arith.index_cast %add3A_1178 : i32 to index
        %get3A_1224 = arith.constant 112 : index
        %get3A_1225 = tpu.vector_load %arg7[%get3A_1223, %get3A_1224] {strides = array<i32>} : memref<160x128xf32, #tpu.memory_space<vmem>>, vector<16xf32>,
        %mul3A_1226 = vector.broadcast %squeeze3A_1180 : f32 to vector<16xf32>
        %mul3A_1227 = arith.mulf %get3A_1225, %mul3A_1226 : vector<16xf32>
        %max3A_1228 = arith.maximumf %max3A_1174, %mul3A_1227 : vector<16xf32>
        %mul3A_1229 = arith.constant 20 : i32
        %mul3A_1230 = arith.muli %add3A_300, %mul3A_1229 : i32
        %add3A_1231 = arith.constant 17 : i32
        %add3A_1232 = arith.addi %mul3A_1230, %add3A_1231 : i32
        %slice3A_1233 = vector.extract_strided_slice %select_n3A_321 {offsets = [13], sizes = [1], strides = [1]} : vector<16xf32> to vector<1xf32>
        %squeeze3A_1234 = vector.extract %slice3A_1233[0] : f32 from vector<1xf32>
        %get3A_1235 = arith.index_cast %add3A_1232 : i32 to index
        %get3A_1236 = arith.constant 0 : index
        %get3A_1237 = tpu.vector_load %arg7[%get3A_1235, %get3A_1236] {strides = array<i32>} : memref<160x128xf32, #tpu.memory_space<vmem>>, vector<16xf32>,
        %mul3A_1238 = vector.broadcast %squeeze3A_1234 : f32 to vector<16xf32>
        %mul3A_1239 = arith.mulf %get3A_1237, %mul3A_1238 : vector<16xf32>
        %max3A_1240 = arith.maximumf %max3A_1186, %mul3A_1239 : vector<16xf32>
        %get3A_1241 = arith.index_cast %add3A_1232 : i32 to index
        %get3A_1242 = arith.constant 16 : index
        %get3A_1243 = tpu.vector_load %arg7[%get3A_1241, %get3A_1242] {strides = array<i32>} : memref<160x128xf32, #tpu.memory_space<vmem>>, vector<16xf32>,
        %mul3A_1244 = vector.broadcast %squeeze3A_1234 : f32 to vector<16xf32>
        %mul3A_1245 = arith.mulf %get3A_1243, %mul3A_1244 : vector<16xf32>
        %max3A_1246 = arith.maximumf %max3A_1192, %mul3A_1245 : vector<16xf32>
        %get3A_1247 = arith.index_cast %add3A_1232 : i32 to index
        %get3A_1248 = arith.constant 32 : index
        %get3A_1249 = tpu.vector_load %arg7[%get3A_1247, %get3A_1248] {strides = array<i32>} : memref<160x128xf32, #tpu.memory_space<vmem>>, vector<16xf32>,
        %mul3A_1250 = vector.broadcast %squeeze3A_1234 : f32 to vector<16xf32>
        %mul3A_1251 = arith.mulf %get3A_1249, %mul3A_1250 : vector<16xf32>
        %max3A_1252 = arith.maximumf %max3A_1198, %mul3A_1251 : vector<16xf32>
        %get3A_1253 = arith.index_cast %add3A_1232 : i32 to index
        %get3A_1254 = arith.constant 48 : index
        %get3A_1255 = tpu.vector_load %arg7[%get3A_1253, %get3A_1254] {strides = array<i32>} : memref<160x128xf32, #tpu.memory_space<vmem>>, vector<16xf32>,
        %mul3A_1256 = vector.broadcast %squeeze3A_1234 : f32 to vector<16xf32>
        %mul3A_1257 = arith.mulf %get3A_1255, %mul3A_1256 : vector<16xf32>
        %max3A_1258 = arith.maximumf %max3A_1204, %mul3A_1257 : vector<16xf32>
        %get3A_1259 = arith.index_cast %add3A_1232 : i32 to index
        %get3A_1260 = arith.constant 64 : index
        %get3A_1261 = tpu.vector_load %arg7[%get3A_1259, %get3A_1260] {strides = array<i32>} : memref<160x128xf32, #tpu.memory_space<vmem>>, vector<16xf32>,
        %mul3A_1262 = vector.broadcast %squeeze3A_1234 : f32 to vector<16xf32>
        %mul3A_1263 = arith.mulf %get3A_1261, %mul3A_1262 : vector<16xf32>
        %max3A_1264 = arith.maximumf %max3A_1210, %mul3A_1263 : vector<16xf32>
        %get3A_1265 = arith.index_cast %add3A_1232 : i32 to index
        %get3A_1266 = arith.constant 80 : index
        %get3A_1267 = tpu.vector_load %arg7[%get3A_1265, %get3A_1266] {strides = array<i32>} : memref<160x128xf32, #tpu.memory_space<vmem>>, vector<16xf32>,
        %mul3A_1268 = vector.broadcast %squeeze3A_1234 : f32 to vector<16xf32>
        %mul3A_1269 = arith.mulf %get3A_1267, %mul3A_1268 : vector<16xf32>
        %max3A_1270 = arith.maximumf %max3A_1216, %mul3A_1269 : vector<16xf32>
        %get3A_1271 = arith.index_cast %add3A_1232 : i32 to index
        %get3A_1272 = arith.constant 96 : index
        %get3A_1273 = tpu.vector_load %arg7[%get3A_1271, %get3A_1272] {strides = array<i32>} : memref<160x128xf32, #tpu.memory_space<vmem>>, vector<16xf32>,
        %mul3A_1274 = vector.broadcast %squeeze3A_1234 : f32 to vector<16xf32>
        %mul3A_1275 = arith.mulf %get3A_1273, %mul3A_1274 : vector<16xf32>
        %max3A_1276 = arith.maximumf %max3A_1222, %mul3A_1275 : vector<16xf32>
        %get3A_1277 = arith.index_cast %add3A_1232 : i32 to index
        %get3A_1278 = arith.constant 112 : index
        %get3A_1279 = tpu.vector_load %arg7[%get3A_1277, %get3A_1278] {strides = array<i32>} : memref<160x128xf32, #tpu.memory_space<vmem>>, vector<16xf32>,
        %mul3A_1280 = vector.broadcast %squeeze3A_1234 : f32 to vector<16xf32>
        %mul3A_1281 = arith.mulf %get3A_1279, %mul3A_1280 : vector<16xf32>
        %max3A_1282 = arith.maximumf %max3A_1228, %mul3A_1281 : vector<16xf32>
        %mul3A_1283 = arith.constant 20 : i32
        %mul3A_1284 = arith.muli %add3A_300, %mul3A_1283 : i32
        %add3A_1285 = arith.constant 18 : i32
        %add3A_1286 = arith.addi %mul3A_1284, %add3A_1285 : i32
        %slice3A_1287 = vector.extract_strided_slice %select_n3A_321 {offsets = [14], sizes = [1], strides = [1]} : vector<16xf32> to vector<1xf32>
        %squeeze3A_1288 = vector.extract %slice3A_1287[0] : f32 from vector<1xf32>
        %get3A_1289 = arith.index_cast %add3A_1286 : i32 to index
        %get3A_1290 = arith.constant 0 : index
        %get3A_1291 = tpu.vector_load %arg7[%get3A_1289, %get3A_1290] {strides = array<i32>} : memref<160x128xf32, #tpu.memory_space<vmem>>, vector<16xf32>,
        %mul3A_1292 = vector.broadcast %squeeze3A_1288 : f32 to vector<16xf32>
        %mul3A_1293 = arith.mulf %get3A_1291, %mul3A_1292 : vector<16xf32>
        %max3A_1294 = arith.maximumf %max3A_1240, %mul3A_1293 : vector<16xf32>
        %get3A_1295 = arith.index_cast %add3A_1286 : i32 to index
        %get3A_1296 = arith.constant 16 : index
        %get3A_1297 = tpu.vector_load %arg7[%get3A_1295, %get3A_1296] {strides = array<i32>} : memref<160x128xf32, #tpu.memory_space<vmem>>, vector<16xf32>,
        %mul3A_1298 = vector.broadcast %squeeze3A_1288 : f32 to vector<16xf32>
        %mul3A_1299 = arith.mulf %get3A_1297, %mul3A_1298 : vector<16xf32>
        %max3A_1300 = arith.maximumf %max3A_1246, %mul3A_1299 : vector<16xf32>
        %get3A_1301 = arith.index_cast %add3A_1286 : i32 to index
        %get3A_1302 = arith.constant 32 : index
        %get3A_1303 = tpu.vector_load %arg7[%get3A_1301, %get3A_1302] {strides = array<i32>} : memref<160x128xf32, #tpu.memory_space<vmem>>, vector<16xf32>,
        %mul3A_1304 = vector.broadcast %squeeze3A_1288 : f32 to vector<16xf32>
        %mul3A_1305 = arith.mulf %get3A_1303, %mul3A_1304 : vector<16xf32>
        %max3A_1306 = arith.maximumf %max3A_1252, %mul3A_1305 : vector<16xf32>
        %get3A_1307 = arith.index_cast %add3A_1286 : i32 to index
        %get3A_1308 = arith.constant 48 : index
        %get3A_1309 = tpu.vector_load %arg7[%get3A_1307, %get3A_1308] {strides = array<i32>} : memref<160x128xf32, #tpu.memory_space<vmem>>, vector<16xf32>,
        %mul3A_1310 = vector.broadcast %squeeze3A_1288 : f32 to vector<16xf32>
        %mul3A_1311 = arith.mulf %get3A_1309, %mul3A_1310 : vector<16xf32>
        %max3A_1312 = arith.maximumf %max3A_1258, %mul3A_1311 : vector<16xf32>
        %get3A_1313 = arith.index_cast %add3A_1286 : i32 to index
        %get3A_1314 = arith.constant 64 : index
        %get3A_1315 = tpu.vector_load %arg7[%get3A_1313, %get3A_1314] {strides = array<i32>} : memref<160x128xf32, #tpu.memory_space<vmem>>, vector<16xf32>,
        %mul3A_1316 = vector.broadcast %squeeze3A_1288 : f32 to vector<16xf32>
        %mul3A_1317 = arith.mulf %get3A_1315, %mul3A_1316 : vector<16xf32>
        %max3A_1318 = arith.maximumf %max3A_1264, %mul3A_1317 : vector<16xf32>
        %get3A_1319 = arith.index_cast %add3A_1286 : i32 to index
        %get3A_1320 = arith.constant 80 : index
        %get3A_1321 = tpu.vector_load %arg7[%get3A_1319, %get3A_1320] {strides = array<i32>} : memref<160x128xf32, #tpu.memory_space<vmem>>, vector<16xf32>,
        %mul3A_1322 = vector.broadcast %squeeze3A_1288 : f32 to vector<16xf32>
        %mul3A_1323 = arith.mulf %get3A_1321, %mul3A_1322 : vector<16xf32>
        %max3A_1324 = arith.maximumf %max3A_1270, %mul3A_1323 : vector<16xf32>
        %get3A_1325 = arith.index_cast %add3A_1286 : i32 to index
        %get3A_1326 = arith.constant 96 : index
        %get3A_1327 = tpu.vector_load %arg7[%get3A_1325, %get3A_1326] {strides = array<i32>} : memref<160x128xf32, #tpu.memory_space<vmem>>, vector<16xf32>,
        %mul3A_1328 = vector.broadcast %squeeze3A_1288 : f32 to vector<16xf32>
        %mul3A_1329 = arith.mulf %get3A_1327, %mul3A_1328 : vector<16xf32>
        %max3A_1330 = arith.maximumf %max3A_1276, %mul3A_1329 : vector<16xf32>
        %get3A_1331 = arith.index_cast %add3A_1286 : i32 to index
        %get3A_1332 = arith.constant 112 : index
        %get3A_1333 = tpu.vector_load %arg7[%get3A_1331, %get3A_1332] {strides = array<i32>} : memref<160x128xf32, #tpu.memory_space<vmem>>, vector<16xf32>,
        %mul3A_1334 = vector.broadcast %squeeze3A_1288 : f32 to vector<16xf32>
        %mul3A_1335 = arith.mulf %get3A_1333, %mul3A_1334 : vector<16xf32>
        %max3A_1336 = arith.maximumf %max3A_1282, %mul3A_1335 : vector<16xf32>
        %mul3A_1337 = arith.constant 20 : i32
        %mul3A_1338 = arith.muli %add3A_300, %mul3A_1337 : i32
        %add3A_1339 = arith.constant 19 : i32
        %add3A_1340 = arith.addi %mul3A_1338, %add3A_1339 : i32
        %slice3A_1341 = vector.extract_strided_slice %select_n3A_321 {offsets = [15], sizes = [1], strides = [1]} : vector<16xf32> to vector<1xf32>
        %squeeze3A_1342 = vector.extract %slice3A_1341[0] : f32 from vector<1xf32>
        %get3A_1343 = arith.index_cast %add3A_1340 : i32 to index
        %get3A_1344 = arith.constant 0 : index
        %get3A_1345 = tpu.vector_load %arg7[%get3A_1343, %get3A_1344] {strides = array<i32>} : memref<160x128xf32, #tpu.memory_space<vmem>>, vector<16xf32>,
        %mul3A_1346 = vector.broadcast %squeeze3A_1342 : f32 to vector<16xf32>
        %mul3A_1347 = arith.mulf %get3A_1345, %mul3A_1346 : vector<16xf32>
        %max3A_1348 = arith.maximumf %max3A_1294, %mul3A_1347 : vector<16xf32>
        %get3A_1349 = arith.index_cast %add3A_1340 : i32 to index
        %get3A_1350 = arith.constant 16 : index
        %get3A_1351 = tpu.vector_load %arg7[%get3A_1349, %get3A_1350] {strides = array<i32>} : memref<160x128xf32, #tpu.memory_space<vmem>>, vector<16xf32>,
        %mul3A_1352 = vector.broadcast %squeeze3A_1342 : f32 to vector<16xf32>
        %mul3A_1353 = arith.mulf %get3A_1351, %mul3A_1352 : vector<16xf32>
        %max3A_1354 = arith.maximumf %max3A_1300, %mul3A_1353 : vector<16xf32>
        %get3A_1355 = arith.index_cast %add3A_1340 : i32 to index
        %get3A_1356 = arith.constant 32 : index
        %get3A_1357 = tpu.vector_load %arg7[%get3A_1355, %get3A_1356] {strides = array<i32>} : memref<160x128xf32, #tpu.memory_space<vmem>>, vector<16xf32>,
        %mul3A_1358 = vector.broadcast %squeeze3A_1342 : f32 to vector<16xf32>
        %mul3A_1359 = arith.mulf %get3A_1357, %mul3A_1358 : vector<16xf32>
        %max3A_1360 = arith.maximumf %max3A_1306, %mul3A_1359 : vector<16xf32>
        %get3A_1361 = arith.index_cast %add3A_1340 : i32 to index
        %get3A_1362 = arith.constant 48 : index
        %get3A_1363 = tpu.vector_load %arg7[%get3A_1361, %get3A_1362] {strides = array<i32>} : memref<160x128xf32, #tpu.memory_space<vmem>>, vector<16xf32>,
        %mul3A_1364 = vector.broadcast %squeeze3A_1342 : f32 to vector<16xf32>
        %mul3A_1365 = arith.mulf %get3A_1363, %mul3A_1364 : vector<16xf32>
        %max3A_1366 = arith.maximumf %max3A_1312, %mul3A_1365 : vector<16xf32>
        %get3A_1367 = arith.index_cast %add3A_1340 : i32 to index
        %get3A_1368 = arith.constant 64 : index
        %get3A_1369 = tpu.vector_load %arg7[%get3A_1367, %get3A_1368] {strides = array<i32>} : memref<160x128xf32, #tpu.memory_space<vmem>>, vector<16xf32>,
        %mul3A_1370 = vector.broadcast %squeeze3A_1342 : f32 to vector<16xf32>
        %mul3A_1371 = arith.mulf %get3A_1369, %mul3A_1370 : vector<16xf32>
        %max3A_1372 = arith.maximumf %max3A_1318, %mul3A_1371 : vector<16xf32>
        %get3A_1373 = arith.index_cast %add3A_1340 : i32 to index
        %get3A_1374 = arith.constant 80 : index
        %get3A_1375 = tpu.vector_load %arg7[%get3A_1373, %get3A_1374] {strides = array<i32>} : memref<160x128xf32, #tpu.memory_space<vmem>>, vector<16xf32>,
        %mul3A_1376 = vector.broadcast %squeeze3A_1342 : f32 to vector<16xf32>
        %mul3A_1377 = arith.mulf %get3A_1375, %mul3A_1376 : vector<16xf32>
        %max3A_1378 = arith.maximumf %max3A_1324, %mul3A_1377 : vector<16xf32>
        %get3A_1379 = arith.index_cast %add3A_1340 : i32 to index
        %get3A_1380 = arith.constant 96 : index
        %get3A_1381 = tpu.vector_load %arg7[%get3A_1379, %get3A_1380] {strides = array<i32>} : memref<160x128xf32, #tpu.memory_space<vmem>>, vector<16xf32>,
        %mul3A_1382 = vector.broadcast %squeeze3A_1342 : f32 to vector<16xf32>
        %mul3A_1383 = arith.mulf %get3A_1381, %mul3A_1382 : vector<16xf32>
        %max3A_1384 = arith.maximumf %max3A_1330, %mul3A_1383 : vector<16xf32>
        %get3A_1385 = arith.index_cast %add3A_1340 : i32 to index
        %get3A_1386 = arith.constant 112 : index
        %get3A_1387 = tpu.vector_load %arg7[%get3A_1385, %get3A_1386] {strides = array<i32>} : memref<160x128xf32, #tpu.memory_space<vmem>>, vector<16xf32>,
        %mul3A_1388 = vector.broadcast %squeeze3A_1342 : f32 to vector<16xf32>
        %mul3A_1389 = arith.mulf %get3A_1387, %mul3A_1388 : vector<16xf32>
        %max3A_1390 = arith.maximumf %max3A_1336, %mul3A_1389 : vector<16xf32>
        %swap3A = arith.index_cast %add3A_300 : i32 to index
        %swap3A_1391 = arith.constant 0 : index
        %swap3A_1392 = tpu.vector_load %arg11[%swap3A, %swap3A_1391] {strides = array<i32>} : memref<8x128xf32, #tpu.memory_space<vmem>>, vector<16xf32>,
        tpu.vector_store %arg11[%swap3A, %swap3A_1391], %max3A_1348 {strides = array<i32>} : memref<8x128xf32, #tpu.memory_space<vmem>>, vector<16xf32>,
        %swap3A_1393 = arith.index_cast %add3A_300 : i32 to index
        %swap3A_1394 = arith.constant 16 : index
        %swap3A_1395 = tpu.vector_load %arg11[%swap3A_1393, %swap3A_1394] {strides = array<i32>} : memref<8x128xf32, #tpu.memory_space<vmem>>, vector<16xf32>,
        tpu.vector_store %arg11[%swap3A_1393, %swap3A_1394], %max3A_1354 {strides = array<i32>} : memref<8x128xf32, #tpu.memory_space<vmem>>, vector<16xf32>,
        %swap3A_1396 = arith.index_cast %add3A_300 : i32 to index
        %swap3A_1397 = arith.constant 32 : index
        %swap3A_1398 = tpu.vector_load %arg11[%swap3A_1396, %swap3A_1397] {strides = array<i32>} : memref<8x128xf32, #tpu.memory_space<vmem>>, vector<16xf32>,
        tpu.vector_store %arg11[%swap3A_1396, %swap3A_1397], %max3A_1360 {strides = array<i32>} : memref<8x128xf32, #tpu.memory_space<vmem>>, vector<16xf32>,
        %swap3A_1399 = arith.index_cast %add3A_300 : i32 to index
        %swap3A_1400 = arith.constant 48 : index
        %swap3A_1401 = tpu.vector_load %arg11[%swap3A_1399, %swap3A_1400] {strides = array<i32>} : memref<8x128xf32, #tpu.memory_space<vmem>>, vector<16xf32>,
        tpu.vector_store %arg11[%swap3A_1399, %swap3A_1400], %max3A_1366 {strides = array<i32>} : memref<8x128xf32, #tpu.memory_space<vmem>>, vector<16xf32>,
        %swap3A_1402 = arith.index_cast %add3A_300 : i32 to index
        %swap3A_1403 = arith.constant 64 : index
        %swap3A_1404 = tpu.vector_load %arg11[%swap3A_1402, %swap3A_1403] {strides = array<i32>} : memref<8x128xf32, #tpu.memory_space<vmem>>, vector<16xf32>,
        tpu.vector_store %arg11[%swap3A_1402, %swap3A_1403], %max3A_1372 {strides = array<i32>} : memref<8x128xf32, #tpu.memory_space<vmem>>, vector<16xf32>,
        %swap3A_1405 = arith.index_cast %add3A_300 : i32 to index
        %swap3A_1406 = arith.constant 80 : index
        %swap3A_1407 = tpu.vector_load %arg11[%swap3A_1405, %swap3A_1406] {strides = array<i32>} : memref<8x128xf32, #tpu.memory_space<vmem>>, vector<16xf32>,
        tpu.vector_store %arg11[%swap3A_1405, %swap3A_1406], %max3A_1378 {strides = array<i32>} : memref<8x128xf32, #tpu.memory_space<vmem>>, vector<16xf32>,
        %swap3A_1408 = arith.index_cast %add3A_300 : i32 to index
        %swap3A_1409 = arith.constant 96 : index
        %swap3A_1410 = tpu.vector_load %arg11[%swap3A_1408, %swap3A_1409] {strides = array<i32>} : memref<8x128xf32, #tpu.memory_space<vmem>>, vector<16xf32>,
        tpu.vector_store %arg11[%swap3A_1408, %swap3A_1409], %max3A_1384 {strides = array<i32>} : memref<8x128xf32, #tpu.memory_space<vmem>>, vector<16xf32>,
        %swap3A_1411 = arith.index_cast %add3A_300 : i32 to index
        %swap3A_1412 = arith.constant 112 : index
        %swap3A_1413 = tpu.vector_load %arg11[%swap3A_1411, %swap3A_1412] {strides = array<i32>} : memref<8x128xf32, #tpu.memory_space<vmem>>, vector<16xf32>,
        tpu.vector_store %arg11[%swap3A_1411, %swap3A_1412], %max3A_1390 {strides = array<i32>} : memref<8x128xf32, #tpu.memory_space<vmem>>, vector<16xf32>,
      }
      %scan3A_181 = arith.constant 8 : i32
      %add3A_182 = arith.constant 4 : i32
      %add3A_183 = arith.addi %add3A_147, %add3A_182 : i32
      %lt3A_184 = arith.constant 80 : i32
      %lt3A_185 = arith.cmpi slt, %add3A_183, %lt3A_184 : i32
      %convert_element_type3A_186 = arith.extui %lt3A_185 : i1 to i32
      %cond3A_187 = arith.constant 0 : i32
      %cond3A_188 = arith.cmpi ne, %convert_element_type3A_186, %cond3A_187 : i32
      scf.if %cond3A_188 {
        %add3A_296 = arith.constant 4 : i32
        %add3A_297 = arith.addi %add3A_147, %add3A_296 : i32
        %mul3A_298 = arith.constant 160 : i32
        %mul3A_299 = arith.muli %add3A_297, %mul3A_298 : i32
        %add3A_300 = arith.constant 0 : i32
        %add3A_301 = arith.addi %mul3A_299, %add3A_300 : i32
        %dma_start3A_302 = arith.constant 0 : i32
        %dma_start3A_303 = arith.constant 0 : i32
        %dma_start3A_304 = tpu.memref_slice %arg7[%dma_start3A_302, %dma_start3A_303] : memref<160x128xf32, #tpu.memory_space<vmem>> -> memref<80x128xf32, #tpu.memory_space<vmem>>
        %dma_start3A_305 = tpu.memref_slice %arg5[%add3A_301] : memref<12800xi32, #tpu.memory_space<vmem>> -> memref<80xi32, #tpu.memory_space<vmem>>
        %dma_start3A_306 = arith.constant 0 : i32
        %dma_start3A_307 = arith.constant 0 : i32
        %dma_start3A_308 = tpu.memref_slice %arg3[%dma_start3A_306, %dma_start3A_307] : memref<100000x128xf32, #tpu.memory_space<hbm>> -> memref<100000x128xf32, #tpu.memory_space<hbm>>
        tpu.enqueue_indirect_dma source(%dma_start3A_308 : memref<100000x128xf32, #tpu.memory_space<hbm>>) target(%dma_start3A_304 : memref<80x128xf32, #tpu.memory_space<vmem>>) offsets(%dma_start3A_305 : memref<80xi32, #tpu.memory_space<vmem>>) semaphore(%arg15 : memref<!tpu.dma_semaphore, #tpu.memory_space<semaphore_mem>>)
        %mul3A_309 = arith.constant 160 : i32
        %mul3A_310 = arith.muli %add3A_297, %mul3A_309 : i32
        %add3A_311 = arith.constant 80 : i32
        %add3A_312 = arith.addi %mul3A_310, %add3A_311 : i32
        %dma_start3A_313 = arith.constant 80 : i32
        %dma_start3A_314 = arith.constant 0 : i32
        %dma_start3A_315 = tpu.memref_slice %arg7[%dma_start3A_313, %dma_start3A_314] : memref<160x128xf32, #tpu.memory_space<vmem>> -> memref<80x128xf32, #tpu.memory_space<vmem>>
        %dma_start3A_316 = tpu.memref_slice %arg5[%add3A_312] : memref<12800xi32, #tpu.memory_space<vmem>> -> memref<80xi32, #tpu.memory_space<vmem>>
        %dma_start3A_317 = arith.constant 0 : i32
        %dma_start3A_318 = arith.constant 0 : i32
        %dma_start3A_319 = tpu.memref_slice %arg3[%dma_start3A_317, %dma_start3A_318] : memref<100000x128xf32, #tpu.memory_space<hbm>> -> memref<100000x128xf32, #tpu.memory_space<hbm>>
        tpu.enqueue_indirect_dma source(%dma_start3A_319 : memref<100000x128xf32, #tpu.memory_space<hbm>>) target(%dma_start3A_315 : memref<80x128xf32, #tpu.memory_space<vmem>>) offsets(%dma_start3A_316 : memref<80xi32, #tpu.memory_space<vmem>>) semaphore(%arg15 : memref<!tpu.dma_semaphore, #tpu.memory_space<semaphore_mem>>)
      } else {
      }
      %mul3A_189 = arith.constant 8 : i32
      %mul3A_190 = arith.muli %add3A_147, %mul3A_189 : i32
      %add3A_191 = arith.addi %mul3A_4, %mul3A_190 : i32
      %dma_start3A_192 = arith.constant 0 : i32
      %dma_start3A_193 = tpu.memref_slice %arg4[%add3A_191, %dma_start3A_192] : memref<20480x128xf32, #tpu.memory_space<hbm>> -> memref<8x128xf32, #tpu.memory_space<hbm>>
      %dma_start3A_194 = arith.constant 0 : i32
      %dma_start3A_195 = tpu.memref_slice %arg4[%add3A_191, %dma_start3A_194] : memref<20480x128xf32, #tpu.memory_space<hbm>> -> memref<8x128xf32, #tpu.memory_space<hbm>>
      tpu.enqueue_dma source(%arg11 : memref<8x128xf32, #tpu.memory_space<vmem>>) target(%dma_start3A_195 : memref<8x128xf32, #tpu.memory_space<hbm>>) target_semaphore(%arg19 : memref<!tpu.dma_semaphore, #tpu.memory_space<semaphore_mem>>)
      %add3A_196 = arith.constant 2 : i32
      %add3A_197 = arith.addi %add3A_99, %add3A_196 : i32
      %mul3A_198 = arith.constant 160 : i32
      %mul3A_199 = arith.muli %add3A_197, %mul3A_198 : i32
      %add3A_200 = arith.constant 0 : i32
      %add3A_201 = arith.addi %mul3A_199, %add3A_200 : i32
      %dma_wait3A_202 = arith.constant 0 : i32
      %dma_wait3A_203 = arith.constant 0 : i32
      %dma_wait3A_204 = tpu.memref_slice %arg8[%dma_wait3A_202, %dma_wait3A_203] : memref<160x128xf32, #tpu.memory_space<vmem>> -> memref<80x128xf32, #tpu.memory_space<vmem>>
      %dma_wait3A_205 = tpu.memref_slice %arg5[%add3A_201] : memref<12800xi32, #tpu.memory_space<vmem>> -> memref<80xi32, #tpu.memory_space<vmem>>
      %dma_wait3A_206 = arith.constant 0 : i32
      %dma_wait3A_207 = arith.constant 0 : i32
      %dma_wait3A_208 = tpu.memref_slice %arg3[%dma_wait3A_206, %dma_wait3A_207] : memref<100000x128xf32, #tpu.memory_space<hbm>> -> memref<100000x128xf32, #tpu.memory_space<hbm>>
      tpu.wait_indirect_dma semaphore(%arg16 : memref<!tpu.dma_semaphore, #tpu.memory_space<semaphore_mem>>) src(%dma_wait3A_208 : memref<100000x128xf32, #tpu.memory_space<hbm>>) dst(%dma_wait3A_204 : memref<80x128xf32, #tpu.memory_space<vmem>>)
      %mul3A_209 = arith.constant 160 : i32
      %mul3A_210 = arith.muli %add3A_197, %mul3A_209 : i32
      %add3A_211 = arith.constant 80 : i32
      %add3A_212 = arith.addi %mul3A_210, %add3A_211 : i32
      %dma_wait3A_213 = arith.constant 80 : i32
      %dma_wait3A_214 = arith.constant 0 : i32
      %dma_wait3A_215 = tpu.memref_slice %arg8[%dma_wait3A_213, %dma_wait3A_214] : memref<160x128xf32, #tpu.memory_space<vmem>> -> memref<80x128xf32, #tpu.memory_space<vmem>>
      %dma_wait3A_216 = tpu.memref_slice %arg5[%add3A_212] : memref<12800xi32, #tpu.memory_space<vmem>> -> memref<80xi32, #tpu.memory_space<vmem>>
      %dma_wait3A_217 = arith.constant 0 : i32
      %dma_wait3A_218 = arith.constant 0 : i32
      %dma_wait3A_219 = tpu.memref_slice %arg3[%dma_wait3A_217, %dma_wait3A_218] : memref<100000x128xf32, #tpu.memory_space<hbm>> -> memref<100000x128xf32, #tpu.memory_space<hbm>>
      tpu.wait_indirect_dma semaphore(%arg16 : memref<!tpu.dma_semaphore, #tpu.memory_space<semaphore_mem>>) src(%dma_wait3A_219 : memref<100000x128xf32, #tpu.memory_space<hbm>>) dst(%dma_wait3A_215 : memref<80x128xf32, #tpu.memory_space<vmem>>)
      %ge3A_220 = arith.constant 4 : i32
      %ge3A_221 = arith.cmpi sge, %add3A_197, %ge3A_220 : i32
      %convert_element_type3A_222 = arith.extui %ge3A_221 : i1 to i32
      %cond3A_223 = arith.constant 0 : i32
      %cond3A_224 = arith.cmpi ne, %convert_element_type3A_222, %cond3A_223 : i32
      scf.if %cond3A_224 {
        %sub3A = arith.constant 4 : i32
        %sub3A_296 = arith.subi %add3A_197, %sub3A : i32
        %mul3A_297 = arith.constant 8 : i32
        %mul3A_298 = arith.muli %sub3A_296, %mul3A_297 : i32
        %add3A_299 = arith.addi %mul3A_4, %mul3A_298 : i32
        %dma_wait3A_300 = arith.constant 0 : i32
        %dma_wait3A_301 = tpu.memref_slice %arg4[%add3A_299, %dma_wait3A_300] : memref<20480x128xf32, #tpu.memory_space<hbm>> -> memref<8x128xf32, #tpu.memory_space<hbm>>
        %dma_wait3A_302 = arith.constant 0 : i32
        %dma_wait3A_303 = tpu.memref_slice %arg4[%add3A_299, %dma_wait3A_302] : memref<20480x128xf32, #tpu.memory_space<hbm>> -> memref<8x128xf32, #tpu.memory_space<hbm>>
        tpu.wait_dma2 semaphore(%arg20 : memref<!tpu.dma_semaphore, #tpu.memory_space<semaphore_mem>>) src(%arg12 : memref<8x128xf32, #tpu.memory_space<vmem>>) dst(%dma_wait3A_303 : memref<8x128xf32, #tpu.memory_space<hbm>>)
      } else {
      }
      %mul3A_225 = arith.constant 160 : i32
      %mul3A_226 = arith.muli %add3A_197, %mul3A_225 : i32
      %scan3A_227 = arith.constant 0 : i32
      %scan3A_228 = arith.constant 8 : i32
      %scan3A_229 = arith.addi %scan3A_227, %scan3A_228 : i32
      %scan3A_230 = arith.constant 1 : i32
      scf.for %scan3A_296 = %scan3A_227 to %scan3A_229 step %scan3A_230  : i32 {
        %mul3A_297 = arith.constant 1 : i32
        %mul3A_298 = arith.muli %scan3A_296, %mul3A_297 : i32
        %add3A_299 = arith.constant 0 : i32
        %add3A_300 = arith.addi %add3A_299, %mul3A_298 : i32
        %mul3A_301 = arith.constant 20 : i32
        %mul3A_302 = arith.muli %add3A_300, %mul3A_301 : i32
        %add3A_303 = arith.addi %mul3A_226, %mul3A_302 : i32
        %get3A = arith.index_cast %add3A_303 : i32 to index
        %get3A_304 = tpu.vector_load %arg5[%get3A] {strides = array<i32>} : memref<12800xi32, #tpu.memory_space<vmem>>, vector<16xi32>,
        %add3A_305 = arith.constant 20 : i32
        %add3A_306 = arith.addi %add3A_303, %add3A_305 : i32
        %sub3A = arith.constant 16 : i32
        %sub3A_307 = arith.subi %add3A_306, %sub3A : i32
        %get3A_308 = arith.index_cast %sub3A_307 : i32 to index
        %get3A_309 = tpu.vector_load %arg5[%get3A_308] {strides = array<i32>} : memref<12800xi32, #tpu.memory_space<vmem>>, vector<16xi32>,
        %ne3A = arith.constant 0 : i32
        %ne3A_310 = vector.broadcast %ne3A : i32 to vector<16xi32>
        %ne3A_311 = arith.cmpi ne, %get3A_304, %ne3A_310 : vector<16xi32>
        %jit3A = arith.constant 1.000000e+00 : f32
        %jit3A_312 = arith.constant 0.000000e+00 : f32
        %broadcast_in_dim3A = vector.broadcast %jit3A : f32 to vector<16xf32>
        %broadcast_in_dim3A_313 = vector.broadcast %jit3A_312 : f32 to vector<16xf32>
        %select_n3A = arith.select %ne3A_311, %broadcast_in_dim3A, %broadcast_in_dim3A_313 : vector<16xi1>, vector<16xf32>
        %ne3A_314 = arith.constant 0 : i32
        %ne3A_315 = vector.broadcast %ne3A_314 : i32 to vector<16xi32>
        %ne3A_316 = arith.cmpi ne, %get3A_309, %ne3A_315 : vector<16xi32>
        %jit3A_317 = arith.constant 1.000000e+00 : f32
        %jit3A_318 = arith.constant 0.000000e+00 : f32
        %broadcast_in_dim3A_319 = vector.broadcast %jit3A_317 : f32 to vector<16xf32>
        %broadcast_in_dim3A_320 = vector.broadcast %jit3A_318 : f32 to vector<16xf32>
        %select_n3A_321 = arith.select %ne3A_316, %broadcast_in_dim3A_319, %broadcast_in_dim3A_320 : vector<16xi1>, vector<16xf32>
        %mul3A_322 = arith.constant 20 : i32
        %mul3A_323 = arith.muli %add3A_300, %mul3A_322 : i32
        %add3A_324 = arith.constant 0 : i32
        %add3A_325 = arith.addi %mul3A_323, %add3A_324 : i32
        %slice3A = vector.extract_strided_slice %select_n3A {offsets = [0], sizes = [1], strides = [1]} : vector<16xf32> to vector<1xf32>
        %squeeze3A = vector.extract %slice3A[0] : f32 from vector<1xf32>
        %get3A_326 = arith.index_cast %add3A_325 : i32 to index
        %get3A_327 = arith.constant 0 : index
        %get3A_328 = tpu.vector_load %arg8[%get3A_326, %get3A_327] {strides = array<i32>} : memref<160x128xf32, #tpu.memory_space<vmem>>, vector<16xf32>,
        %mul3A_329 = vector.broadcast %squeeze3A : f32 to vector<16xf32>
        %mul3A_330 = arith.mulf %get3A_328, %mul3A_329 : vector<16xf32>
        %get3A_331 = arith.index_cast %add3A_325 : i32 to index
        %get3A_332 = arith.constant 16 : index
        %get3A_333 = tpu.vector_load %arg8[%get3A_331, %get3A_332] {strides = array<i32>} : memref<160x128xf32, #tpu.memory_space<vmem>>, vector<16xf32>,
        %mul3A_334 = vector.broadcast %squeeze3A : f32 to vector<16xf32>
        %mul3A_335 = arith.mulf %get3A_333, %mul3A_334 : vector<16xf32>
        %get3A_336 = arith.index_cast %add3A_325 : i32 to index
        %get3A_337 = arith.constant 32 : index
        %get3A_338 = tpu.vector_load %arg8[%get3A_336, %get3A_337] {strides = array<i32>} : memref<160x128xf32, #tpu.memory_space<vmem>>, vector<16xf32>,
        %mul3A_339 = vector.broadcast %squeeze3A : f32 to vector<16xf32>
        %mul3A_340 = arith.mulf %get3A_338, %mul3A_339 : vector<16xf32>
        %get3A_341 = arith.index_cast %add3A_325 : i32 to index
        %get3A_342 = arith.constant 48 : index
        %get3A_343 = tpu.vector_load %arg8[%get3A_341, %get3A_342] {strides = array<i32>} : memref<160x128xf32, #tpu.memory_space<vmem>>, vector<16xf32>,
        %mul3A_344 = vector.broadcast %squeeze3A : f32 to vector<16xf32>
        %mul3A_345 = arith.mulf %get3A_343, %mul3A_344 : vector<16xf32>
        %get3A_346 = arith.index_cast %add3A_325 : i32 to index
        %get3A_347 = arith.constant 64 : index
        %get3A_348 = tpu.vector_load %arg8[%get3A_346, %get3A_347] {strides = array<i32>} : memref<160x128xf32, #tpu.memory_space<vmem>>, vector<16xf32>,
        %mul3A_349 = vector.broadcast %squeeze3A : f32 to vector<16xf32>
        %mul3A_350 = arith.mulf %get3A_348, %mul3A_349 : vector<16xf32>
        %get3A_351 = arith.index_cast %add3A_325 : i32 to index
        %get3A_352 = arith.constant 80 : index
        %get3A_353 = tpu.vector_load %arg8[%get3A_351, %get3A_352] {strides = array<i32>} : memref<160x128xf32, #tpu.memory_space<vmem>>, vector<16xf32>,
        %mul3A_354 = vector.broadcast %squeeze3A : f32 to vector<16xf32>
        %mul3A_355 = arith.mulf %get3A_353, %mul3A_354 : vector<16xf32>
        %get3A_356 = arith.index_cast %add3A_325 : i32 to index
        %get3A_357 = arith.constant 96 : index
        %get3A_358 = tpu.vector_load %arg8[%get3A_356, %get3A_357] {strides = array<i32>} : memref<160x128xf32, #tpu.memory_space<vmem>>, vector<16xf32>,
        %mul3A_359 = vector.broadcast %squeeze3A : f32 to vector<16xf32>
        %mul3A_360 = arith.mulf %get3A_358, %mul3A_359 : vector<16xf32>
        %get3A_361 = arith.index_cast %add3A_325 : i32 to index
        %get3A_362 = arith.constant 112 : index
        %get3A_363 = tpu.vector_load %arg8[%get3A_361, %get3A_362] {strides = array<i32>} : memref<160x128xf32, #tpu.memory_space<vmem>>, vector<16xf32>,
        %mul3A_364 = vector.broadcast %squeeze3A : f32 to vector<16xf32>
        %mul3A_365 = arith.mulf %get3A_363, %mul3A_364 : vector<16xf32>
        %mul3A_366 = arith.constant 20 : i32
        %mul3A_367 = arith.muli %add3A_300, %mul3A_366 : i32
        %add3A_368 = arith.constant 1 : i32
        %add3A_369 = arith.addi %mul3A_367, %add3A_368 : i32
        %slice3A_370 = vector.extract_strided_slice %select_n3A {offsets = [1], sizes = [1], strides = [1]} : vector<16xf32> to vector<1xf32>
        %squeeze3A_371 = vector.extract %slice3A_370[0] : f32 from vector<1xf32>
        %get3A_372 = arith.index_cast %add3A_369 : i32 to index
        %get3A_373 = arith.constant 0 : index
        %get3A_374 = tpu.vector_load %arg8[%get3A_372, %get3A_373] {strides = array<i32>} : memref<160x128xf32, #tpu.memory_space<vmem>>, vector<16xf32>,
        %mul3A_375 = vector.broadcast %squeeze3A_371 : f32 to vector<16xf32>
        %mul3A_376 = arith.mulf %get3A_374, %mul3A_375 : vector<16xf32>
        %max3A = arith.maximumf %mul3A_330, %mul3A_376 : vector<16xf32>
        %get3A_377 = arith.index_cast %add3A_369 : i32 to index
        %get3A_378 = arith.constant 16 : index
        %get3A_379 = tpu.vector_load %arg8[%get3A_377, %get3A_378] {strides = array<i32>} : memref<160x128xf32, #tpu.memory_space<vmem>>, vector<16xf32>,
        %mul3A_380 = vector.broadcast %squeeze3A_371 : f32 to vector<16xf32>
        %mul3A_381 = arith.mulf %get3A_379, %mul3A_380 : vector<16xf32>
        %max3A_382 = arith.maximumf %mul3A_335, %mul3A_381 : vector<16xf32>
        %get3A_383 = arith.index_cast %add3A_369 : i32 to index
        %get3A_384 = arith.constant 32 : index
        %get3A_385 = tpu.vector_load %arg8[%get3A_383, %get3A_384] {strides = array<i32>} : memref<160x128xf32, #tpu.memory_space<vmem>>, vector<16xf32>,
        %mul3A_386 = vector.broadcast %squeeze3A_371 : f32 to vector<16xf32>
        %mul3A_387 = arith.mulf %get3A_385, %mul3A_386 : vector<16xf32>
        %max3A_388 = arith.maximumf %mul3A_340, %mul3A_387 : vector<16xf32>
        %get3A_389 = arith.index_cast %add3A_369 : i32 to index
        %get3A_390 = arith.constant 48 : index
        %get3A_391 = tpu.vector_load %arg8[%get3A_389, %get3A_390] {strides = array<i32>} : memref<160x128xf32, #tpu.memory_space<vmem>>, vector<16xf32>,
        %mul3A_392 = vector.broadcast %squeeze3A_371 : f32 to vector<16xf32>
        %mul3A_393 = arith.mulf %get3A_391, %mul3A_392 : vector<16xf32>
        %max3A_394 = arith.maximumf %mul3A_345, %mul3A_393 : vector<16xf32>
        %get3A_395 = arith.index_cast %add3A_369 : i32 to index
        %get3A_396 = arith.constant 64 : index
        %get3A_397 = tpu.vector_load %arg8[%get3A_395, %get3A_396] {strides = array<i32>} : memref<160x128xf32, #tpu.memory_space<vmem>>, vector<16xf32>,
        %mul3A_398 = vector.broadcast %squeeze3A_371 : f32 to vector<16xf32>
        %mul3A_399 = arith.mulf %get3A_397, %mul3A_398 : vector<16xf32>
        %max3A_400 = arith.maximumf %mul3A_350, %mul3A_399 : vector<16xf32>
        %get3A_401 = arith.index_cast %add3A_369 : i32 to index
        %get3A_402 = arith.constant 80 : index
        %get3A_403 = tpu.vector_load %arg8[%get3A_401, %get3A_402] {strides = array<i32>} : memref<160x128xf32, #tpu.memory_space<vmem>>, vector<16xf32>,
        %mul3A_404 = vector.broadcast %squeeze3A_371 : f32 to vector<16xf32>
        %mul3A_405 = arith.mulf %get3A_403, %mul3A_404 : vector<16xf32>
        %max3A_406 = arith.maximumf %mul3A_355, %mul3A_405 : vector<16xf32>
        %get3A_407 = arith.index_cast %add3A_369 : i32 to index
        %get3A_408 = arith.constant 96 : index
        %get3A_409 = tpu.vector_load %arg8[%get3A_407, %get3A_408] {strides = array<i32>} : memref<160x128xf32, #tpu.memory_space<vmem>>, vector<16xf32>,
        %mul3A_410 = vector.broadcast %squeeze3A_371 : f32 to vector<16xf32>
        %mul3A_411 = arith.mulf %get3A_409, %mul3A_410 : vector<16xf32>
        %max3A_412 = arith.maximumf %mul3A_360, %mul3A_411 : vector<16xf32>
        %get3A_413 = arith.index_cast %add3A_369 : i32 to index
        %get3A_414 = arith.constant 112 : index
        %get3A_415 = tpu.vector_load %arg8[%get3A_413, %get3A_414] {strides = array<i32>} : memref<160x128xf32, #tpu.memory_space<vmem>>, vector<16xf32>,
        %mul3A_416 = vector.broadcast %squeeze3A_371 : f32 to vector<16xf32>
        %mul3A_417 = arith.mulf %get3A_415, %mul3A_416 : vector<16xf32>
        %max3A_418 = arith.maximumf %mul3A_365, %mul3A_417 : vector<16xf32>
        %mul3A_419 = arith.constant 20 : i32
        %mul3A_420 = arith.muli %add3A_300, %mul3A_419 : i32
        %add3A_421 = arith.constant 2 : i32
        %add3A_422 = arith.addi %mul3A_420, %add3A_421 : i32
        %slice3A_423 = vector.extract_strided_slice %select_n3A {offsets = [2], sizes = [1], strides = [1]} : vector<16xf32> to vector<1xf32>
        %squeeze3A_424 = vector.extract %slice3A_423[0] : f32 from vector<1xf32>
        %get3A_425 = arith.index_cast %add3A_422 : i32 to index
        %get3A_426 = arith.constant 0 : index
        %get3A_427 = tpu.vector_load %arg8[%get3A_425, %get3A_426] {strides = array<i32>} : memref<160x128xf32, #tpu.memory_space<vmem>>, vector<16xf32>,
        %mul3A_428 = vector.broadcast %squeeze3A_424 : f32 to vector<16xf32>
        %mul3A_429 = arith.mulf %get3A_427, %mul3A_428 : vector<16xf32>
        %max3A_430 = arith.maximumf %max3A, %mul3A_429 : vector<16xf32>
        %get3A_431 = arith.index_cast %add3A_422 : i32 to index
        %get3A_432 = arith.constant 16 : index
        %get3A_433 = tpu.vector_load %arg8[%get3A_431, %get3A_432] {strides = array<i32>} : memref<160x128xf32, #tpu.memory_space<vmem>>, vector<16xf32>,
        %mul3A_434 = vector.broadcast %squeeze3A_424 : f32 to vector<16xf32>
        %mul3A_435 = arith.mulf %get3A_433, %mul3A_434 : vector<16xf32>
        %max3A_436 = arith.maximumf %max3A_382, %mul3A_435 : vector<16xf32>
        %get3A_437 = arith.index_cast %add3A_422 : i32 to index
        %get3A_438 = arith.constant 32 : index
        %get3A_439 = tpu.vector_load %arg8[%get3A_437, %get3A_438] {strides = array<i32>} : memref<160x128xf32, #tpu.memory_space<vmem>>, vector<16xf32>,
        %mul3A_440 = vector.broadcast %squeeze3A_424 : f32 to vector<16xf32>
        %mul3A_441 = arith.mulf %get3A_439, %mul3A_440 : vector<16xf32>
        %max3A_442 = arith.maximumf %max3A_388, %mul3A_441 : vector<16xf32>
        %get3A_443 = arith.index_cast %add3A_422 : i32 to index
        %get3A_444 = arith.constant 48 : index
        %get3A_445 = tpu.vector_load %arg8[%get3A_443, %get3A_444] {strides = array<i32>} : memref<160x128xf32, #tpu.memory_space<vmem>>, vector<16xf32>,
        %mul3A_446 = vector.broadcast %squeeze3A_424 : f32 to vector<16xf32>
        %mul3A_447 = arith.mulf %get3A_445, %mul3A_446 : vector<16xf32>
        %max3A_448 = arith.maximumf %max3A_394, %mul3A_447 : vector<16xf32>
        %get3A_449 = arith.index_cast %add3A_422 : i32 to index
        %get3A_450 = arith.constant 64 : index
        %get3A_451 = tpu.vector_load %arg8[%get3A_449, %get3A_450] {strides = array<i32>} : memref<160x128xf32, #tpu.memory_space<vmem>>, vector<16xf32>,
        %mul3A_452 = vector.broadcast %squeeze3A_424 : f32 to vector<16xf32>
        %mul3A_453 = arith.mulf %get3A_451, %mul3A_452 : vector<16xf32>
        %max3A_454 = arith.maximumf %max3A_400, %mul3A_453 : vector<16xf32>
        %get3A_455 = arith.index_cast %add3A_422 : i32 to index
        %get3A_456 = arith.constant 80 : index
        %get3A_457 = tpu.vector_load %arg8[%get3A_455, %get3A_456] {strides = array<i32>} : memref<160x128xf32, #tpu.memory_space<vmem>>, vector<16xf32>,
        %mul3A_458 = vector.broadcast %squeeze3A_424 : f32 to vector<16xf32>
        %mul3A_459 = arith.mulf %get3A_457, %mul3A_458 : vector<16xf32>
        %max3A_460 = arith.maximumf %max3A_406, %mul3A_459 : vector<16xf32>
        %get3A_461 = arith.index_cast %add3A_422 : i32 to index
        %get3A_462 = arith.constant 96 : index
        %get3A_463 = tpu.vector_load %arg8[%get3A_461, %get3A_462] {strides = array<i32>} : memref<160x128xf32, #tpu.memory_space<vmem>>, vector<16xf32>,
        %mul3A_464 = vector.broadcast %squeeze3A_424 : f32 to vector<16xf32>
        %mul3A_465 = arith.mulf %get3A_463, %mul3A_464 : vector<16xf32>
        %max3A_466 = arith.maximumf %max3A_412, %mul3A_465 : vector<16xf32>
        %get3A_467 = arith.index_cast %add3A_422 : i32 to index
        %get3A_468 = arith.constant 112 : index
        %get3A_469 = tpu.vector_load %arg8[%get3A_467, %get3A_468] {strides = array<i32>} : memref<160x128xf32, #tpu.memory_space<vmem>>, vector<16xf32>,
        %mul3A_470 = vector.broadcast %squeeze3A_424 : f32 to vector<16xf32>
        %mul3A_471 = arith.mulf %get3A_469, %mul3A_470 : vector<16xf32>
        %max3A_472 = arith.maximumf %max3A_418, %mul3A_471 : vector<16xf32>
        %mul3A_473 = arith.constant 20 : i32
        %mul3A_474 = arith.muli %add3A_300, %mul3A_473 : i32
        %add3A_475 = arith.constant 3 : i32
        %add3A_476 = arith.addi %mul3A_474, %add3A_475 : i32
        %slice3A_477 = vector.extract_strided_slice %select_n3A {offsets = [3], sizes = [1], strides = [1]} : vector<16xf32> to vector<1xf32>
        %squeeze3A_478 = vector.extract %slice3A_477[0] : f32 from vector<1xf32>
        %get3A_479 = arith.index_cast %add3A_476 : i32 to index
        %get3A_480 = arith.constant 0 : index
        %get3A_481 = tpu.vector_load %arg8[%get3A_479, %get3A_480] {strides = array<i32>} : memref<160x128xf32, #tpu.memory_space<vmem>>, vector<16xf32>,
        %mul3A_482 = vector.broadcast %squeeze3A_478 : f32 to vector<16xf32>
        %mul3A_483 = arith.mulf %get3A_481, %mul3A_482 : vector<16xf32>
        %max3A_484 = arith.maximumf %max3A_430, %mul3A_483 : vector<16xf32>
        %get3A_485 = arith.index_cast %add3A_476 : i32 to index
        %get3A_486 = arith.constant 16 : index
        %get3A_487 = tpu.vector_load %arg8[%get3A_485, %get3A_486] {strides = array<i32>} : memref<160x128xf32, #tpu.memory_space<vmem>>, vector<16xf32>,
        %mul3A_488 = vector.broadcast %squeeze3A_478 : f32 to vector<16xf32>
        %mul3A_489 = arith.mulf %get3A_487, %mul3A_488 : vector<16xf32>
        %max3A_490 = arith.maximumf %max3A_436, %mul3A_489 : vector<16xf32>
        %get3A_491 = arith.index_cast %add3A_476 : i32 to index
        %get3A_492 = arith.constant 32 : index
        %get3A_493 = tpu.vector_load %arg8[%get3A_491, %get3A_492] {strides = array<i32>} : memref<160x128xf32, #tpu.memory_space<vmem>>, vector<16xf32>,
        %mul3A_494 = vector.broadcast %squeeze3A_478 : f32 to vector<16xf32>
        %mul3A_495 = arith.mulf %get3A_493, %mul3A_494 : vector<16xf32>
        %max3A_496 = arith.maximumf %max3A_442, %mul3A_495 : vector<16xf32>
        %get3A_497 = arith.index_cast %add3A_476 : i32 to index
        %get3A_498 = arith.constant 48 : index
        %get3A_499 = tpu.vector_load %arg8[%get3A_497, %get3A_498] {strides = array<i32>} : memref<160x128xf32, #tpu.memory_space<vmem>>, vector<16xf32>,
        %mul3A_500 = vector.broadcast %squeeze3A_478 : f32 to vector<16xf32>
        %mul3A_501 = arith.mulf %get3A_499, %mul3A_500 : vector<16xf32>
        %max3A_502 = arith.maximumf %max3A_448, %mul3A_501 : vector<16xf32>
        %get3A_503 = arith.index_cast %add3A_476 : i32 to index
        %get3A_504 = arith.constant 64 : index
        %get3A_505 = tpu.vector_load %arg8[%get3A_503, %get3A_504] {strides = array<i32>} : memref<160x128xf32, #tpu.memory_space<vmem>>, vector<16xf32>,
        %mul3A_506 = vector.broadcast %squeeze3A_478 : f32 to vector<16xf32>
        %mul3A_507 = arith.mulf %get3A_505, %mul3A_506 : vector<16xf32>
        %max3A_508 = arith.maximumf %max3A_454, %mul3A_507 : vector<16xf32>
        %get3A_509 = arith.index_cast %add3A_476 : i32 to index
        %get3A_510 = arith.constant 80 : index
        %get3A_511 = tpu.vector_load %arg8[%get3A_509, %get3A_510] {strides = array<i32>} : memref<160x128xf32, #tpu.memory_space<vmem>>, vector<16xf32>,
        %mul3A_512 = vector.broadcast %squeeze3A_478 : f32 to vector<16xf32>
        %mul3A_513 = arith.mulf %get3A_511, %mul3A_512 : vector<16xf32>
        %max3A_514 = arith.maximumf %max3A_460, %mul3A_513 : vector<16xf32>
        %get3A_515 = arith.index_cast %add3A_476 : i32 to index
        %get3A_516 = arith.constant 96 : index
        %get3A_517 = tpu.vector_load %arg8[%get3A_515, %get3A_516] {strides = array<i32>} : memref<160x128xf32, #tpu.memory_space<vmem>>, vector<16xf32>,
        %mul3A_518 = vector.broadcast %squeeze3A_478 : f32 to vector<16xf32>
        %mul3A_519 = arith.mulf %get3A_517, %mul3A_518 : vector<16xf32>
        %max3A_520 = arith.maximumf %max3A_466, %mul3A_519 : vector<16xf32>
        %get3A_521 = arith.index_cast %add3A_476 : i32 to index
        %get3A_522 = arith.constant 112 : index
        %get3A_523 = tpu.vector_load %arg8[%get3A_521, %get3A_522] {strides = array<i32>} : memref<160x128xf32, #tpu.memory_space<vmem>>, vector<16xf32>,
        %mul3A_524 = vector.broadcast %squeeze3A_478 : f32 to vector<16xf32>
        %mul3A_525 = arith.mulf %get3A_523, %mul3A_524 : vector<16xf32>
        %max3A_526 = arith.maximumf %max3A_472, %mul3A_525 : vector<16xf32>
        %mul3A_527 = arith.constant 20 : i32
        %mul3A_528 = arith.muli %add3A_300, %mul3A_527 : i32
        %add3A_529 = arith.constant 4 : i32
        %add3A_530 = arith.addi %mul3A_528, %add3A_529 : i32
        %slice3A_531 = vector.extract_strided_slice %select_n3A {offsets = [4], sizes = [1], strides = [1]} : vector<16xf32> to vector<1xf32>
        %squeeze3A_532 = vector.extract %slice3A_531[0] : f32 from vector<1xf32>
        %get3A_533 = arith.index_cast %add3A_530 : i32 to index
        %get3A_534 = arith.constant 0 : index
        %get3A_535 = tpu.vector_load %arg8[%get3A_533, %get3A_534] {strides = array<i32>} : memref<160x128xf32, #tpu.memory_space<vmem>>, vector<16xf32>,
        %mul3A_536 = vector.broadcast %squeeze3A_532 : f32 to vector<16xf32>
        %mul3A_537 = arith.mulf %get3A_535, %mul3A_536 : vector<16xf32>
        %max3A_538 = arith.maximumf %max3A_484, %mul3A_537 : vector<16xf32>
        %get3A_539 = arith.index_cast %add3A_530 : i32 to index
        %get3A_540 = arith.constant 16 : index
        %get3A_541 = tpu.vector_load %arg8[%get3A_539, %get3A_540] {strides = array<i32>} : memref<160x128xf32, #tpu.memory_space<vmem>>, vector<16xf32>,
        %mul3A_542 = vector.broadcast %squeeze3A_532 : f32 to vector<16xf32>
        %mul3A_543 = arith.mulf %get3A_541, %mul3A_542 : vector<16xf32>
        %max3A_544 = arith.maximumf %max3A_490, %mul3A_543 : vector<16xf32>
        %get3A_545 = arith.index_cast %add3A_530 : i32 to index
        %get3A_546 = arith.constant 32 : index
        %get3A_547 = tpu.vector_load %arg8[%get3A_545, %get3A_546] {strides = array<i32>} : memref<160x128xf32, #tpu.memory_space<vmem>>, vector<16xf32>,
        %mul3A_548 = vector.broadcast %squeeze3A_532 : f32 to vector<16xf32>
        %mul3A_549 = arith.mulf %get3A_547, %mul3A_548 : vector<16xf32>
        %max3A_550 = arith.maximumf %max3A_496, %mul3A_549 : vector<16xf32>
        %get3A_551 = arith.index_cast %add3A_530 : i32 to index
        %get3A_552 = arith.constant 48 : index
        %get3A_553 = tpu.vector_load %arg8[%get3A_551, %get3A_552] {strides = array<i32>} : memref<160x128xf32, #tpu.memory_space<vmem>>, vector<16xf32>,
        %mul3A_554 = vector.broadcast %squeeze3A_532 : f32 to vector<16xf32>
        %mul3A_555 = arith.mulf %get3A_553, %mul3A_554 : vector<16xf32>
        %max3A_556 = arith.maximumf %max3A_502, %mul3A_555 : vector<16xf32>
        %get3A_557 = arith.index_cast %add3A_530 : i32 to index
        %get3A_558 = arith.constant 64 : index
        %get3A_559 = tpu.vector_load %arg8[%get3A_557, %get3A_558] {strides = array<i32>} : memref<160x128xf32, #tpu.memory_space<vmem>>, vector<16xf32>,
        %mul3A_560 = vector.broadcast %squeeze3A_532 : f32 to vector<16xf32>
        %mul3A_561 = arith.mulf %get3A_559, %mul3A_560 : vector<16xf32>
        %max3A_562 = arith.maximumf %max3A_508, %mul3A_561 : vector<16xf32>
        %get3A_563 = arith.index_cast %add3A_530 : i32 to index
        %get3A_564 = arith.constant 80 : index
        %get3A_565 = tpu.vector_load %arg8[%get3A_563, %get3A_564] {strides = array<i32>} : memref<160x128xf32, #tpu.memory_space<vmem>>, vector<16xf32>,
        %mul3A_566 = vector.broadcast %squeeze3A_532 : f32 to vector<16xf32>
        %mul3A_567 = arith.mulf %get3A_565, %mul3A_566 : vector<16xf32>
        %max3A_568 = arith.maximumf %max3A_514, %mul3A_567 : vector<16xf32>
        %get3A_569 = arith.index_cast %add3A_530 : i32 to index
        %get3A_570 = arith.constant 96 : index
        %get3A_571 = tpu.vector_load %arg8[%get3A_569, %get3A_570] {strides = array<i32>} : memref<160x128xf32, #tpu.memory_space<vmem>>, vector<16xf32>,
        %mul3A_572 = vector.broadcast %squeeze3A_532 : f32 to vector<16xf32>
        %mul3A_573 = arith.mulf %get3A_571, %mul3A_572 : vector<16xf32>
        %max3A_574 = arith.maximumf %max3A_520, %mul3A_573 : vector<16xf32>
        %get3A_575 = arith.index_cast %add3A_530 : i32 to index
        %get3A_576 = arith.constant 112 : index
        %get3A_577 = tpu.vector_load %arg8[%get3A_575, %get3A_576] {strides = array<i32>} : memref<160x128xf32, #tpu.memory_space<vmem>>, vector<16xf32>,
        %mul3A_578 = vector.broadcast %squeeze3A_532 : f32 to vector<16xf32>
        %mul3A_579 = arith.mulf %get3A_577, %mul3A_578 : vector<16xf32>
        %max3A_580 = arith.maximumf %max3A_526, %mul3A_579 : vector<16xf32>
        %mul3A_581 = arith.constant 20 : i32
        %mul3A_582 = arith.muli %add3A_300, %mul3A_581 : i32
        %add3A_583 = arith.constant 5 : i32
        %add3A_584 = arith.addi %mul3A_582, %add3A_583 : i32
        %slice3A_585 = vector.extract_strided_slice %select_n3A {offsets = [5], sizes = [1], strides = [1]} : vector<16xf32> to vector<1xf32>
        %squeeze3A_586 = vector.extract %slice3A_585[0] : f32 from vector<1xf32>
        %get3A_587 = arith.index_cast %add3A_584 : i32 to index
        %get3A_588 = arith.constant 0 : index
        %get3A_589 = tpu.vector_load %arg8[%get3A_587, %get3A_588] {strides = array<i32>} : memref<160x128xf32, #tpu.memory_space<vmem>>, vector<16xf32>,
        %mul3A_590 = vector.broadcast %squeeze3A_586 : f32 to vector<16xf32>
        %mul3A_591 = arith.mulf %get3A_589, %mul3A_590 : vector<16xf32>
        %max3A_592 = arith.maximumf %max3A_538, %mul3A_591 : vector<16xf32>
        %get3A_593 = arith.index_cast %add3A_584 : i32 to index
        %get3A_594 = arith.constant 16 : index
        %get3A_595 = tpu.vector_load %arg8[%get3A_593, %get3A_594] {strides = array<i32>} : memref<160x128xf32, #tpu.memory_space<vmem>>, vector<16xf32>,
        %mul3A_596 = vector.broadcast %squeeze3A_586 : f32 to vector<16xf32>
        %mul3A_597 = arith.mulf %get3A_595, %mul3A_596 : vector<16xf32>
        %max3A_598 = arith.maximumf %max3A_544, %mul3A_597 : vector<16xf32>
        %get3A_599 = arith.index_cast %add3A_584 : i32 to index
        %get3A_600 = arith.constant 32 : index
        %get3A_601 = tpu.vector_load %arg8[%get3A_599, %get3A_600] {strides = array<i32>} : memref<160x128xf32, #tpu.memory_space<vmem>>, vector<16xf32>,
        %mul3A_602 = vector.broadcast %squeeze3A_586 : f32 to vector<16xf32>
        %mul3A_603 = arith.mulf %get3A_601, %mul3A_602 : vector<16xf32>
        %max3A_604 = arith.maximumf %max3A_550, %mul3A_603 : vector<16xf32>
        %get3A_605 = arith.index_cast %add3A_584 : i32 to index
        %get3A_606 = arith.constant 48 : index
        %get3A_607 = tpu.vector_load %arg8[%get3A_605, %get3A_606] {strides = array<i32>} : memref<160x128xf32, #tpu.memory_space<vmem>>, vector<16xf32>,
        %mul3A_608 = vector.broadcast %squeeze3A_586 : f32 to vector<16xf32>
        %mul3A_609 = arith.mulf %get3A_607, %mul3A_608 : vector<16xf32>
        %max3A_610 = arith.maximumf %max3A_556, %mul3A_609 : vector<16xf32>
        %get3A_611 = arith.index_cast %add3A_584 : i32 to index
        %get3A_612 = arith.constant 64 : index
        %get3A_613 = tpu.vector_load %arg8[%get3A_611, %get3A_612] {strides = array<i32>} : memref<160x128xf32, #tpu.memory_space<vmem>>, vector<16xf32>,
        %mul3A_614 = vector.broadcast %squeeze3A_586 : f32 to vector<16xf32>
        %mul3A_615 = arith.mulf %get3A_613, %mul3A_614 : vector<16xf32>
        %max3A_616 = arith.maximumf %max3A_562, %mul3A_615 : vector<16xf32>
        %get3A_617 = arith.index_cast %add3A_584 : i32 to index
        %get3A_618 = arith.constant 80 : index
        %get3A_619 = tpu.vector_load %arg8[%get3A_617, %get3A_618] {strides = array<i32>} : memref<160x128xf32, #tpu.memory_space<vmem>>, vector<16xf32>,
        %mul3A_620 = vector.broadcast %squeeze3A_586 : f32 to vector<16xf32>
        %mul3A_621 = arith.mulf %get3A_619, %mul3A_620 : vector<16xf32>
        %max3A_622 = arith.maximumf %max3A_568, %mul3A_621 : vector<16xf32>
        %get3A_623 = arith.index_cast %add3A_584 : i32 to index
        %get3A_624 = arith.constant 96 : index
        %get3A_625 = tpu.vector_load %arg8[%get3A_623, %get3A_624] {strides = array<i32>} : memref<160x128xf32, #tpu.memory_space<vmem>>, vector<16xf32>,
        %mul3A_626 = vector.broadcast %squeeze3A_586 : f32 to vector<16xf32>
        %mul3A_627 = arith.mulf %get3A_625, %mul3A_626 : vector<16xf32>
        %max3A_628 = arith.maximumf %max3A_574, %mul3A_627 : vector<16xf32>
        %get3A_629 = arith.index_cast %add3A_584 : i32 to index
        %get3A_630 = arith.constant 112 : index
        %get3A_631 = tpu.vector_load %arg8[%get3A_629, %get3A_630] {strides = array<i32>} : memref<160x128xf32, #tpu.memory_space<vmem>>, vector<16xf32>,
        %mul3A_632 = vector.broadcast %squeeze3A_586 : f32 to vector<16xf32>
        %mul3A_633 = arith.mulf %get3A_631, %mul3A_632 : vector<16xf32>
        %max3A_634 = arith.maximumf %max3A_580, %mul3A_633 : vector<16xf32>
        %mul3A_635 = arith.constant 20 : i32
        %mul3A_636 = arith.muli %add3A_300, %mul3A_635 : i32
        %add3A_637 = arith.constant 6 : i32
        %add3A_638 = arith.addi %mul3A_636, %add3A_637 : i32
        %slice3A_639 = vector.extract_strided_slice %select_n3A {offsets = [6], sizes = [1], strides = [1]} : vector<16xf32> to vector<1xf32>
        %squeeze3A_640 = vector.extract %slice3A_639[0] : f32 from vector<1xf32>
        %get3A_641 = arith.index_cast %add3A_638 : i32 to index
        %get3A_642 = arith.constant 0 : index
        %get3A_643 = tpu.vector_load %arg8[%get3A_641, %get3A_642] {strides = array<i32>} : memref<160x128xf32, #tpu.memory_space<vmem>>, vector<16xf32>,
        %mul3A_644 = vector.broadcast %squeeze3A_640 : f32 to vector<16xf32>
        %mul3A_645 = arith.mulf %get3A_643, %mul3A_644 : vector<16xf32>
        %max3A_646 = arith.maximumf %max3A_592, %mul3A_645 : vector<16xf32>
        %get3A_647 = arith.index_cast %add3A_638 : i32 to index
        %get3A_648 = arith.constant 16 : index
        %get3A_649 = tpu.vector_load %arg8[%get3A_647, %get3A_648] {strides = array<i32>} : memref<160x128xf32, #tpu.memory_space<vmem>>, vector<16xf32>,
        %mul3A_650 = vector.broadcast %squeeze3A_640 : f32 to vector<16xf32>
        %mul3A_651 = arith.mulf %get3A_649, %mul3A_650 : vector<16xf32>
        %max3A_652 = arith.maximumf %max3A_598, %mul3A_651 : vector<16xf32>
        %get3A_653 = arith.index_cast %add3A_638 : i32 to index
        %get3A_654 = arith.constant 32 : index
        %get3A_655 = tpu.vector_load %arg8[%get3A_653, %get3A_654] {strides = array<i32>} : memref<160x128xf32, #tpu.memory_space<vmem>>, vector<16xf32>,
        %mul3A_656 = vector.broadcast %squeeze3A_640 : f32 to vector<16xf32>
        %mul3A_657 = arith.mulf %get3A_655, %mul3A_656 : vector<16xf32>
        %max3A_658 = arith.maximumf %max3A_604, %mul3A_657 : vector<16xf32>
        %get3A_659 = arith.index_cast %add3A_638 : i32 to index
        %get3A_660 = arith.constant 48 : index
        %get3A_661 = tpu.vector_load %arg8[%get3A_659, %get3A_660] {strides = array<i32>} : memref<160x128xf32, #tpu.memory_space<vmem>>, vector<16xf32>,
        %mul3A_662 = vector.broadcast %squeeze3A_640 : f32 to vector<16xf32>
        %mul3A_663 = arith.mulf %get3A_661, %mul3A_662 : vector<16xf32>
        %max3A_664 = arith.maximumf %max3A_610, %mul3A_663 : vector<16xf32>
        %get3A_665 = arith.index_cast %add3A_638 : i32 to index
        %get3A_666 = arith.constant 64 : index
        %get3A_667 = tpu.vector_load %arg8[%get3A_665, %get3A_666] {strides = array<i32>} : memref<160x128xf32, #tpu.memory_space<vmem>>, vector<16xf32>,
        %mul3A_668 = vector.broadcast %squeeze3A_640 : f32 to vector<16xf32>
        %mul3A_669 = arith.mulf %get3A_667, %mul3A_668 : vector<16xf32>
        %max3A_670 = arith.maximumf %max3A_616, %mul3A_669 : vector<16xf32>
        %get3A_671 = arith.index_cast %add3A_638 : i32 to index
        %get3A_672 = arith.constant 80 : index
        %get3A_673 = tpu.vector_load %arg8[%get3A_671, %get3A_672] {strides = array<i32>} : memref<160x128xf32, #tpu.memory_space<vmem>>, vector<16xf32>,
        %mul3A_674 = vector.broadcast %squeeze3A_640 : f32 to vector<16xf32>
        %mul3A_675 = arith.mulf %get3A_673, %mul3A_674 : vector<16xf32>
        %max3A_676 = arith.maximumf %max3A_622, %mul3A_675 : vector<16xf32>
        %get3A_677 = arith.index_cast %add3A_638 : i32 to index
        %get3A_678 = arith.constant 96 : index
        %get3A_679 = tpu.vector_load %arg8[%get3A_677, %get3A_678] {strides = array<i32>} : memref<160x128xf32, #tpu.memory_space<vmem>>, vector<16xf32>,
        %mul3A_680 = vector.broadcast %squeeze3A_640 : f32 to vector<16xf32>
        %mul3A_681 = arith.mulf %get3A_679, %mul3A_680 : vector<16xf32>
        %max3A_682 = arith.maximumf %max3A_628, %mul3A_681 : vector<16xf32>
        %get3A_683 = arith.index_cast %add3A_638 : i32 to index
        %get3A_684 = arith.constant 112 : index
        %get3A_685 = tpu.vector_load %arg8[%get3A_683, %get3A_684] {strides = array<i32>} : memref<160x128xf32, #tpu.memory_space<vmem>>, vector<16xf32>,
        %mul3A_686 = vector.broadcast %squeeze3A_640 : f32 to vector<16xf32>
        %mul3A_687 = arith.mulf %get3A_685, %mul3A_686 : vector<16xf32>
        %max3A_688 = arith.maximumf %max3A_634, %mul3A_687 : vector<16xf32>
        %mul3A_689 = arith.constant 20 : i32
        %mul3A_690 = arith.muli %add3A_300, %mul3A_689 : i32
        %add3A_691 = arith.constant 7 : i32
        %add3A_692 = arith.addi %mul3A_690, %add3A_691 : i32
        %slice3A_693 = vector.extract_strided_slice %select_n3A {offsets = [7], sizes = [1], strides = [1]} : vector<16xf32> to vector<1xf32>
        %squeeze3A_694 = vector.extract %slice3A_693[0] : f32 from vector<1xf32>
        %get3A_695 = arith.index_cast %add3A_692 : i32 to index
        %get3A_696 = arith.constant 0 : index
        %get3A_697 = tpu.vector_load %arg8[%get3A_695, %get3A_696] {strides = array<i32>} : memref<160x128xf32, #tpu.memory_space<vmem>>, vector<16xf32>,
        %mul3A_698 = vector.broadcast %squeeze3A_694 : f32 to vector<16xf32>
        %mul3A_699 = arith.mulf %get3A_697, %mul3A_698 : vector<16xf32>
        %max3A_700 = arith.maximumf %max3A_646, %mul3A_699 : vector<16xf32>
        %get3A_701 = arith.index_cast %add3A_692 : i32 to index
        %get3A_702 = arith.constant 16 : index
        %get3A_703 = tpu.vector_load %arg8[%get3A_701, %get3A_702] {strides = array<i32>} : memref<160x128xf32, #tpu.memory_space<vmem>>, vector<16xf32>,
        %mul3A_704 = vector.broadcast %squeeze3A_694 : f32 to vector<16xf32>
        %mul3A_705 = arith.mulf %get3A_703, %mul3A_704 : vector<16xf32>
        %max3A_706 = arith.maximumf %max3A_652, %mul3A_705 : vector<16xf32>
        %get3A_707 = arith.index_cast %add3A_692 : i32 to index
        %get3A_708 = arith.constant 32 : index
        %get3A_709 = tpu.vector_load %arg8[%get3A_707, %get3A_708] {strides = array<i32>} : memref<160x128xf32, #tpu.memory_space<vmem>>, vector<16xf32>,
        %mul3A_710 = vector.broadcast %squeeze3A_694 : f32 to vector<16xf32>
        %mul3A_711 = arith.mulf %get3A_709, %mul3A_710 : vector<16xf32>
        %max3A_712 = arith.maximumf %max3A_658, %mul3A_711 : vector<16xf32>
        %get3A_713 = arith.index_cast %add3A_692 : i32 to index
        %get3A_714 = arith.constant 48 : index
        %get3A_715 = tpu.vector_load %arg8[%get3A_713, %get3A_714] {strides = array<i32>} : memref<160x128xf32, #tpu.memory_space<vmem>>, vector<16xf32>,
        %mul3A_716 = vector.broadcast %squeeze3A_694 : f32 to vector<16xf32>
        %mul3A_717 = arith.mulf %get3A_715, %mul3A_716 : vector<16xf32>
        %max3A_718 = arith.maximumf %max3A_664, %mul3A_717 : vector<16xf32>
        %get3A_719 = arith.index_cast %add3A_692 : i32 to index
        %get3A_720 = arith.constant 64 : index
        %get3A_721 = tpu.vector_load %arg8[%get3A_719, %get3A_720] {strides = array<i32>} : memref<160x128xf32, #tpu.memory_space<vmem>>, vector<16xf32>,
        %mul3A_722 = vector.broadcast %squeeze3A_694 : f32 to vector<16xf32>
        %mul3A_723 = arith.mulf %get3A_721, %mul3A_722 : vector<16xf32>
        %max3A_724 = arith.maximumf %max3A_670, %mul3A_723 : vector<16xf32>
        %get3A_725 = arith.index_cast %add3A_692 : i32 to index
        %get3A_726 = arith.constant 80 : index
        %get3A_727 = tpu.vector_load %arg8[%get3A_725, %get3A_726] {strides = array<i32>} : memref<160x128xf32, #tpu.memory_space<vmem>>, vector<16xf32>,
        %mul3A_728 = vector.broadcast %squeeze3A_694 : f32 to vector<16xf32>
        %mul3A_729 = arith.mulf %get3A_727, %mul3A_728 : vector<16xf32>
        %max3A_730 = arith.maximumf %max3A_676, %mul3A_729 : vector<16xf32>
        %get3A_731 = arith.index_cast %add3A_692 : i32 to index
        %get3A_732 = arith.constant 96 : index
        %get3A_733 = tpu.vector_load %arg8[%get3A_731, %get3A_732] {strides = array<i32>} : memref<160x128xf32, #tpu.memory_space<vmem>>, vector<16xf32>,
        %mul3A_734 = vector.broadcast %squeeze3A_694 : f32 to vector<16xf32>
        %mul3A_735 = arith.mulf %get3A_733, %mul3A_734 : vector<16xf32>
        %max3A_736 = arith.maximumf %max3A_682, %mul3A_735 : vector<16xf32>
        %get3A_737 = arith.index_cast %add3A_692 : i32 to index
        %get3A_738 = arith.constant 112 : index
        %get3A_739 = tpu.vector_load %arg8[%get3A_737, %get3A_738] {strides = array<i32>} : memref<160x128xf32, #tpu.memory_space<vmem>>, vector<16xf32>,
        %mul3A_740 = vector.broadcast %squeeze3A_694 : f32 to vector<16xf32>
        %mul3A_741 = arith.mulf %get3A_739, %mul3A_740 : vector<16xf32>
        %max3A_742 = arith.maximumf %max3A_688, %mul3A_741 : vector<16xf32>
        %mul3A_743 = arith.constant 20 : i32
        %mul3A_744 = arith.muli %add3A_300, %mul3A_743 : i32
        %add3A_745 = arith.constant 8 : i32
        %add3A_746 = arith.addi %mul3A_744, %add3A_745 : i32
        %slice3A_747 = vector.extract_strided_slice %select_n3A {offsets = [8], sizes = [1], strides = [1]} : vector<16xf32> to vector<1xf32>
        %squeeze3A_748 = vector.extract %slice3A_747[0] : f32 from vector<1xf32>
        %get3A_749 = arith.index_cast %add3A_746 : i32 to index
        %get3A_750 = arith.constant 0 : index
        %get3A_751 = tpu.vector_load %arg8[%get3A_749, %get3A_750] {strides = array<i32>} : memref<160x128xf32, #tpu.memory_space<vmem>>, vector<16xf32>,
        %mul3A_752 = vector.broadcast %squeeze3A_748 : f32 to vector<16xf32>
        %mul3A_753 = arith.mulf %get3A_751, %mul3A_752 : vector<16xf32>
        %max3A_754 = arith.maximumf %max3A_700, %mul3A_753 : vector<16xf32>
        %get3A_755 = arith.index_cast %add3A_746 : i32 to index
        %get3A_756 = arith.constant 16 : index
        %get3A_757 = tpu.vector_load %arg8[%get3A_755, %get3A_756] {strides = array<i32>} : memref<160x128xf32, #tpu.memory_space<vmem>>, vector<16xf32>,
        %mul3A_758 = vector.broadcast %squeeze3A_748 : f32 to vector<16xf32>
        %mul3A_759 = arith.mulf %get3A_757, %mul3A_758 : vector<16xf32>
        %max3A_760 = arith.maximumf %max3A_706, %mul3A_759 : vector<16xf32>
        %get3A_761 = arith.index_cast %add3A_746 : i32 to index
        %get3A_762 = arith.constant 32 : index
        %get3A_763 = tpu.vector_load %arg8[%get3A_761, %get3A_762] {strides = array<i32>} : memref<160x128xf32, #tpu.memory_space<vmem>>, vector<16xf32>,
        %mul3A_764 = vector.broadcast %squeeze3A_748 : f32 to vector<16xf32>
        %mul3A_765 = arith.mulf %get3A_763, %mul3A_764 : vector<16xf32>
        %max3A_766 = arith.maximumf %max3A_712, %mul3A_765 : vector<16xf32>
        %get3A_767 = arith.index_cast %add3A_746 : i32 to index
        %get3A_768 = arith.constant 48 : index
        %get3A_769 = tpu.vector_load %arg8[%get3A_767, %get3A_768] {strides = array<i32>} : memref<160x128xf32, #tpu.memory_space<vmem>>, vector<16xf32>,
        %mul3A_770 = vector.broadcast %squeeze3A_748 : f32 to vector<16xf32>
        %mul3A_771 = arith.mulf %get3A_769, %mul3A_770 : vector<16xf32>
        %max3A_772 = arith.maximumf %max3A_718, %mul3A_771 : vector<16xf32>
        %get3A_773 = arith.index_cast %add3A_746 : i32 to index
        %get3A_774 = arith.constant 64 : index
        %get3A_775 = tpu.vector_load %arg8[%get3A_773, %get3A_774] {strides = array<i32>} : memref<160x128xf32, #tpu.memory_space<vmem>>, vector<16xf32>,
        %mul3A_776 = vector.broadcast %squeeze3A_748 : f32 to vector<16xf32>
        %mul3A_777 = arith.mulf %get3A_775, %mul3A_776 : vector<16xf32>
        %max3A_778 = arith.maximumf %max3A_724, %mul3A_777 : vector<16xf32>
        %get3A_779 = arith.index_cast %add3A_746 : i32 to index
        %get3A_780 = arith.constant 80 : index
        %get3A_781 = tpu.vector_load %arg8[%get3A_779, %get3A_780] {strides = array<i32>} : memref<160x128xf32, #tpu.memory_space<vmem>>, vector<16xf32>,
        %mul3A_782 = vector.broadcast %squeeze3A_748 : f32 to vector<16xf32>
        %mul3A_783 = arith.mulf %get3A_781, %mul3A_782 : vector<16xf32>
        %max3A_784 = arith.maximumf %max3A_730, %mul3A_783 : vector<16xf32>
        %get3A_785 = arith.index_cast %add3A_746 : i32 to index
        %get3A_786 = arith.constant 96 : index
        %get3A_787 = tpu.vector_load %arg8[%get3A_785, %get3A_786] {strides = array<i32>} : memref<160x128xf32, #tpu.memory_space<vmem>>, vector<16xf32>,
        %mul3A_788 = vector.broadcast %squeeze3A_748 : f32 to vector<16xf32>
        %mul3A_789 = arith.mulf %get3A_787, %mul3A_788 : vector<16xf32>
        %max3A_790 = arith.maximumf %max3A_736, %mul3A_789 : vector<16xf32>
        %get3A_791 = arith.index_cast %add3A_746 : i32 to index
        %get3A_792 = arith.constant 112 : index
        %get3A_793 = tpu.vector_load %arg8[%get3A_791, %get3A_792] {strides = array<i32>} : memref<160x128xf32, #tpu.memory_space<vmem>>, vector<16xf32>,
        %mul3A_794 = vector.broadcast %squeeze3A_748 : f32 to vector<16xf32>
        %mul3A_795 = arith.mulf %get3A_793, %mul3A_794 : vector<16xf32>
        %max3A_796 = arith.maximumf %max3A_742, %mul3A_795 : vector<16xf32>
        %mul3A_797 = arith.constant 20 : i32
        %mul3A_798 = arith.muli %add3A_300, %mul3A_797 : i32
        %add3A_799 = arith.constant 9 : i32
        %add3A_800 = arith.addi %mul3A_798, %add3A_799 : i32
        %slice3A_801 = vector.extract_strided_slice %select_n3A {offsets = [9], sizes = [1], strides = [1]} : vector<16xf32> to vector<1xf32>
        %squeeze3A_802 = vector.extract %slice3A_801[0] : f32 from vector<1xf32>
        %get3A_803 = arith.index_cast %add3A_800 : i32 to index
        %get3A_804 = arith.constant 0 : index
        %get3A_805 = tpu.vector_load %arg8[%get3A_803, %get3A_804] {strides = array<i32>} : memref<160x128xf32, #tpu.memory_space<vmem>>, vector<16xf32>,
        %mul3A_806 = vector.broadcast %squeeze3A_802 : f32 to vector<16xf32>
        %mul3A_807 = arith.mulf %get3A_805, %mul3A_806 : vector<16xf32>
        %max3A_808 = arith.maximumf %max3A_754, %mul3A_807 : vector<16xf32>
        %get3A_809 = arith.index_cast %add3A_800 : i32 to index
        %get3A_810 = arith.constant 16 : index
        %get3A_811 = tpu.vector_load %arg8[%get3A_809, %get3A_810] {strides = array<i32>} : memref<160x128xf32, #tpu.memory_space<vmem>>, vector<16xf32>,
        %mul3A_812 = vector.broadcast %squeeze3A_802 : f32 to vector<16xf32>
        %mul3A_813 = arith.mulf %get3A_811, %mul3A_812 : vector<16xf32>
        %max3A_814 = arith.maximumf %max3A_760, %mul3A_813 : vector<16xf32>
        %get3A_815 = arith.index_cast %add3A_800 : i32 to index
        %get3A_816 = arith.constant 32 : index
        %get3A_817 = tpu.vector_load %arg8[%get3A_815, %get3A_816] {strides = array<i32>} : memref<160x128xf32, #tpu.memory_space<vmem>>, vector<16xf32>,
        %mul3A_818 = vector.broadcast %squeeze3A_802 : f32 to vector<16xf32>
        %mul3A_819 = arith.mulf %get3A_817, %mul3A_818 : vector<16xf32>
        %max3A_820 = arith.maximumf %max3A_766, %mul3A_819 : vector<16xf32>
        %get3A_821 = arith.index_cast %add3A_800 : i32 to index
        %get3A_822 = arith.constant 48 : index
        %get3A_823 = tpu.vector_load %arg8[%get3A_821, %get3A_822] {strides = array<i32>} : memref<160x128xf32, #tpu.memory_space<vmem>>, vector<16xf32>,
        %mul3A_824 = vector.broadcast %squeeze3A_802 : f32 to vector<16xf32>
        %mul3A_825 = arith.mulf %get3A_823, %mul3A_824 : vector<16xf32>
        %max3A_826 = arith.maximumf %max3A_772, %mul3A_825 : vector<16xf32>
        %get3A_827 = arith.index_cast %add3A_800 : i32 to index
        %get3A_828 = arith.constant 64 : index
        %get3A_829 = tpu.vector_load %arg8[%get3A_827, %get3A_828] {strides = array<i32>} : memref<160x128xf32, #tpu.memory_space<vmem>>, vector<16xf32>,
        %mul3A_830 = vector.broadcast %squeeze3A_802 : f32 to vector<16xf32>
        %mul3A_831 = arith.mulf %get3A_829, %mul3A_830 : vector<16xf32>
        %max3A_832 = arith.maximumf %max3A_778, %mul3A_831 : vector<16xf32>
        %get3A_833 = arith.index_cast %add3A_800 : i32 to index
        %get3A_834 = arith.constant 80 : index
        %get3A_835 = tpu.vector_load %arg8[%get3A_833, %get3A_834] {strides = array<i32>} : memref<160x128xf32, #tpu.memory_space<vmem>>, vector<16xf32>,
        %mul3A_836 = vector.broadcast %squeeze3A_802 : f32 to vector<16xf32>
        %mul3A_837 = arith.mulf %get3A_835, %mul3A_836 : vector<16xf32>
        %max3A_838 = arith.maximumf %max3A_784, %mul3A_837 : vector<16xf32>
        %get3A_839 = arith.index_cast %add3A_800 : i32 to index
        %get3A_840 = arith.constant 96 : index
        %get3A_841 = tpu.vector_load %arg8[%get3A_839, %get3A_840] {strides = array<i32>} : memref<160x128xf32, #tpu.memory_space<vmem>>, vector<16xf32>,
        %mul3A_842 = vector.broadcast %squeeze3A_802 : f32 to vector<16xf32>
        %mul3A_843 = arith.mulf %get3A_841, %mul3A_842 : vector<16xf32>
        %max3A_844 = arith.maximumf %max3A_790, %mul3A_843 : vector<16xf32>
        %get3A_845 = arith.index_cast %add3A_800 : i32 to index
        %get3A_846 = arith.constant 112 : index
        %get3A_847 = tpu.vector_load %arg8[%get3A_845, %get3A_846] {strides = array<i32>} : memref<160x128xf32, #tpu.memory_space<vmem>>, vector<16xf32>,
        %mul3A_848 = vector.broadcast %squeeze3A_802 : f32 to vector<16xf32>
        %mul3A_849 = arith.mulf %get3A_847, %mul3A_848 : vector<16xf32>
        %max3A_850 = arith.maximumf %max3A_796, %mul3A_849 : vector<16xf32>
        %mul3A_851 = arith.constant 20 : i32
        %mul3A_852 = arith.muli %add3A_300, %mul3A_851 : i32
        %add3A_853 = arith.constant 10 : i32
        %add3A_854 = arith.addi %mul3A_852, %add3A_853 : i32
        %slice3A_855 = vector.extract_strided_slice %select_n3A {offsets = [10], sizes = [1], strides = [1]} : vector<16xf32> to vector<1xf32>
        %squeeze3A_856 = vector.extract %slice3A_855[0] : f32 from vector<1xf32>
        %get3A_857 = arith.index_cast %add3A_854 : i32 to index
        %get3A_858 = arith.constant 0 : index
        %get3A_859 = tpu.vector_load %arg8[%get3A_857, %get3A_858] {strides = array<i32>} : memref<160x128xf32, #tpu.memory_space<vmem>>, vector<16xf32>,
        %mul3A_860 = vector.broadcast %squeeze3A_856 : f32 to vector<16xf32>
        %mul3A_861 = arith.mulf %get3A_859, %mul3A_860 : vector<16xf32>
        %max3A_862 = arith.maximumf %max3A_808, %mul3A_861 : vector<16xf32>
        %get3A_863 = arith.index_cast %add3A_854 : i32 to index
        %get3A_864 = arith.constant 16 : index
        %get3A_865 = tpu.vector_load %arg8[%get3A_863, %get3A_864] {strides = array<i32>} : memref<160x128xf32, #tpu.memory_space<vmem>>, vector<16xf32>,
        %mul3A_866 = vector.broadcast %squeeze3A_856 : f32 to vector<16xf32>
        %mul3A_867 = arith.mulf %get3A_865, %mul3A_866 : vector<16xf32>
        %max3A_868 = arith.maximumf %max3A_814, %mul3A_867 : vector<16xf32>
        %get3A_869 = arith.index_cast %add3A_854 : i32 to index
        %get3A_870 = arith.constant 32 : index
        %get3A_871 = tpu.vector_load %arg8[%get3A_869, %get3A_870] {strides = array<i32>} : memref<160x128xf32, #tpu.memory_space<vmem>>, vector<16xf32>,
        %mul3A_872 = vector.broadcast %squeeze3A_856 : f32 to vector<16xf32>
        %mul3A_873 = arith.mulf %get3A_871, %mul3A_872 : vector<16xf32>
        %max3A_874 = arith.maximumf %max3A_820, %mul3A_873 : vector<16xf32>
        %get3A_875 = arith.index_cast %add3A_854 : i32 to index
        %get3A_876 = arith.constant 48 : index
        %get3A_877 = tpu.vector_load %arg8[%get3A_875, %get3A_876] {strides = array<i32>} : memref<160x128xf32, #tpu.memory_space<vmem>>, vector<16xf32>,
        %mul3A_878 = vector.broadcast %squeeze3A_856 : f32 to vector<16xf32>
        %mul3A_879 = arith.mulf %get3A_877, %mul3A_878 : vector<16xf32>
        %max3A_880 = arith.maximumf %max3A_826, %mul3A_879 : vector<16xf32>
        %get3A_881 = arith.index_cast %add3A_854 : i32 to index
        %get3A_882 = arith.constant 64 : index
        %get3A_883 = tpu.vector_load %arg8[%get3A_881, %get3A_882] {strides = array<i32>} : memref<160x128xf32, #tpu.memory_space<vmem>>, vector<16xf32>,
        %mul3A_884 = vector.broadcast %squeeze3A_856 : f32 to vector<16xf32>
        %mul3A_885 = arith.mulf %get3A_883, %mul3A_884 : vector<16xf32>
        %max3A_886 = arith.maximumf %max3A_832, %mul3A_885 : vector<16xf32>
        %get3A_887 = arith.index_cast %add3A_854 : i32 to index
        %get3A_888 = arith.constant 80 : index
        %get3A_889 = tpu.vector_load %arg8[%get3A_887, %get3A_888] {strides = array<i32>} : memref<160x128xf32, #tpu.memory_space<vmem>>, vector<16xf32>,
        %mul3A_890 = vector.broadcast %squeeze3A_856 : f32 to vector<16xf32>
        %mul3A_891 = arith.mulf %get3A_889, %mul3A_890 : vector<16xf32>
        %max3A_892 = arith.maximumf %max3A_838, %mul3A_891 : vector<16xf32>
        %get3A_893 = arith.index_cast %add3A_854 : i32 to index
        %get3A_894 = arith.constant 96 : index
        %get3A_895 = tpu.vector_load %arg8[%get3A_893, %get3A_894] {strides = array<i32>} : memref<160x128xf32, #tpu.memory_space<vmem>>, vector<16xf32>,
        %mul3A_896 = vector.broadcast %squeeze3A_856 : f32 to vector<16xf32>
        %mul3A_897 = arith.mulf %get3A_895, %mul3A_896 : vector<16xf32>
        %max3A_898 = arith.maximumf %max3A_844, %mul3A_897 : vector<16xf32>
        %get3A_899 = arith.index_cast %add3A_854 : i32 to index
        %get3A_900 = arith.constant 112 : index
        %get3A_901 = tpu.vector_load %arg8[%get3A_899, %get3A_900] {strides = array<i32>} : memref<160x128xf32, #tpu.memory_space<vmem>>, vector<16xf32>,
        %mul3A_902 = vector.broadcast %squeeze3A_856 : f32 to vector<16xf32>
        %mul3A_903 = arith.mulf %get3A_901, %mul3A_902 : vector<16xf32>
        %max3A_904 = arith.maximumf %max3A_850, %mul3A_903 : vector<16xf32>
        %mul3A_905 = arith.constant 20 : i32
        %mul3A_906 = arith.muli %add3A_300, %mul3A_905 : i32
        %add3A_907 = arith.constant 11 : i32
        %add3A_908 = arith.addi %mul3A_906, %add3A_907 : i32
        %slice3A_909 = vector.extract_strided_slice %select_n3A {offsets = [11], sizes = [1], strides = [1]} : vector<16xf32> to vector<1xf32>
        %squeeze3A_910 = vector.extract %slice3A_909[0] : f32 from vector<1xf32>
        %get3A_911 = arith.index_cast %add3A_908 : i32 to index
        %get3A_912 = arith.constant 0 : index
        %get3A_913 = tpu.vector_load %arg8[%get3A_911, %get3A_912] {strides = array<i32>} : memref<160x128xf32, #tpu.memory_space<vmem>>, vector<16xf32>,
        %mul3A_914 = vector.broadcast %squeeze3A_910 : f32 to vector<16xf32>
        %mul3A_915 = arith.mulf %get3A_913, %mul3A_914 : vector<16xf32>
        %max3A_916 = arith.maximumf %max3A_862, %mul3A_915 : vector<16xf32>
        %get3A_917 = arith.index_cast %add3A_908 : i32 to index
        %get3A_918 = arith.constant 16 : index
        %get3A_919 = tpu.vector_load %arg8[%get3A_917, %get3A_918] {strides = array<i32>} : memref<160x128xf32, #tpu.memory_space<vmem>>, vector<16xf32>,
        %mul3A_920 = vector.broadcast %squeeze3A_910 : f32 to vector<16xf32>
        %mul3A_921 = arith.mulf %get3A_919, %mul3A_920 : vector<16xf32>
        %max3A_922 = arith.maximumf %max3A_868, %mul3A_921 : vector<16xf32>
        %get3A_923 = arith.index_cast %add3A_908 : i32 to index
        %get3A_924 = arith.constant 32 : index
        %get3A_925 = tpu.vector_load %arg8[%get3A_923, %get3A_924] {strides = array<i32>} : memref<160x128xf32, #tpu.memory_space<vmem>>, vector<16xf32>,
        %mul3A_926 = vector.broadcast %squeeze3A_910 : f32 to vector<16xf32>
        %mul3A_927 = arith.mulf %get3A_925, %mul3A_926 : vector<16xf32>
        %max3A_928 = arith.maximumf %max3A_874, %mul3A_927 : vector<16xf32>
        %get3A_929 = arith.index_cast %add3A_908 : i32 to index
        %get3A_930 = arith.constant 48 : index
        %get3A_931 = tpu.vector_load %arg8[%get3A_929, %get3A_930] {strides = array<i32>} : memref<160x128xf32, #tpu.memory_space<vmem>>, vector<16xf32>,
        %mul3A_932 = vector.broadcast %squeeze3A_910 : f32 to vector<16xf32>
        %mul3A_933 = arith.mulf %get3A_931, %mul3A_932 : vector<16xf32>
        %max3A_934 = arith.maximumf %max3A_880, %mul3A_933 : vector<16xf32>
        %get3A_935 = arith.index_cast %add3A_908 : i32 to index
        %get3A_936 = arith.constant 64 : index
        %get3A_937 = tpu.vector_load %arg8[%get3A_935, %get3A_936] {strides = array<i32>} : memref<160x128xf32, #tpu.memory_space<vmem>>, vector<16xf32>,
        %mul3A_938 = vector.broadcast %squeeze3A_910 : f32 to vector<16xf32>
        %mul3A_939 = arith.mulf %get3A_937, %mul3A_938 : vector<16xf32>
        %max3A_940 = arith.maximumf %max3A_886, %mul3A_939 : vector<16xf32>
        %get3A_941 = arith.index_cast %add3A_908 : i32 to index
        %get3A_942 = arith.constant 80 : index
        %get3A_943 = tpu.vector_load %arg8[%get3A_941, %get3A_942] {strides = array<i32>} : memref<160x128xf32, #tpu.memory_space<vmem>>, vector<16xf32>,
        %mul3A_944 = vector.broadcast %squeeze3A_910 : f32 to vector<16xf32>
        %mul3A_945 = arith.mulf %get3A_943, %mul3A_944 : vector<16xf32>
        %max3A_946 = arith.maximumf %max3A_892, %mul3A_945 : vector<16xf32>
        %get3A_947 = arith.index_cast %add3A_908 : i32 to index
        %get3A_948 = arith.constant 96 : index
        %get3A_949 = tpu.vector_load %arg8[%get3A_947, %get3A_948] {strides = array<i32>} : memref<160x128xf32, #tpu.memory_space<vmem>>, vector<16xf32>,
        %mul3A_950 = vector.broadcast %squeeze3A_910 : f32 to vector<16xf32>
        %mul3A_951 = arith.mulf %get3A_949, %mul3A_950 : vector<16xf32>
        %max3A_952 = arith.maximumf %max3A_898, %mul3A_951 : vector<16xf32>
        %get3A_953 = arith.index_cast %add3A_908 : i32 to index
        %get3A_954 = arith.constant 112 : index
        %get3A_955 = tpu.vector_load %arg8[%get3A_953, %get3A_954] {strides = array<i32>} : memref<160x128xf32, #tpu.memory_space<vmem>>, vector<16xf32>,
        %mul3A_956 = vector.broadcast %squeeze3A_910 : f32 to vector<16xf32>
        %mul3A_957 = arith.mulf %get3A_955, %mul3A_956 : vector<16xf32>
        %max3A_958 = arith.maximumf %max3A_904, %mul3A_957 : vector<16xf32>
        %mul3A_959 = arith.constant 20 : i32
        %mul3A_960 = arith.muli %add3A_300, %mul3A_959 : i32
        %add3A_961 = arith.constant 12 : i32
        %add3A_962 = arith.addi %mul3A_960, %add3A_961 : i32
        %slice3A_963 = vector.extract_strided_slice %select_n3A {offsets = [12], sizes = [1], strides = [1]} : vector<16xf32> to vector<1xf32>
        %squeeze3A_964 = vector.extract %slice3A_963[0] : f32 from vector<1xf32>
        %get3A_965 = arith.index_cast %add3A_962 : i32 to index
        %get3A_966 = arith.constant 0 : index
        %get3A_967 = tpu.vector_load %arg8[%get3A_965, %get3A_966] {strides = array<i32>} : memref<160x128xf32, #tpu.memory_space<vmem>>, vector<16xf32>,
        %mul3A_968 = vector.broadcast %squeeze3A_964 : f32 to vector<16xf32>
        %mul3A_969 = arith.mulf %get3A_967, %mul3A_968 : vector<16xf32>
        %max3A_970 = arith.maximumf %max3A_916, %mul3A_969 : vector<16xf32>
        %get3A_971 = arith.index_cast %add3A_962 : i32 to index
        %get3A_972 = arith.constant 16 : index
        %get3A_973 = tpu.vector_load %arg8[%get3A_971, %get3A_972] {strides = array<i32>} : memref<160x128xf32, #tpu.memory_space<vmem>>, vector<16xf32>,
        %mul3A_974 = vector.broadcast %squeeze3A_964 : f32 to vector<16xf32>
        %mul3A_975 = arith.mulf %get3A_973, %mul3A_974 : vector<16xf32>
        %max3A_976 = arith.maximumf %max3A_922, %mul3A_975 : vector<16xf32>
        %get3A_977 = arith.index_cast %add3A_962 : i32 to index
        %get3A_978 = arith.constant 32 : index
        %get3A_979 = tpu.vector_load %arg8[%get3A_977, %get3A_978] {strides = array<i32>} : memref<160x128xf32, #tpu.memory_space<vmem>>, vector<16xf32>,
        %mul3A_980 = vector.broadcast %squeeze3A_964 : f32 to vector<16xf32>
        %mul3A_981 = arith.mulf %get3A_979, %mul3A_980 : vector<16xf32>
        %max3A_982 = arith.maximumf %max3A_928, %mul3A_981 : vector<16xf32>
        %get3A_983 = arith.index_cast %add3A_962 : i32 to index
        %get3A_984 = arith.constant 48 : index
        %get3A_985 = tpu.vector_load %arg8[%get3A_983, %get3A_984] {strides = array<i32>} : memref<160x128xf32, #tpu.memory_space<vmem>>, vector<16xf32>,
        %mul3A_986 = vector.broadcast %squeeze3A_964 : f32 to vector<16xf32>
        %mul3A_987 = arith.mulf %get3A_985, %mul3A_986 : vector<16xf32>
        %max3A_988 = arith.maximumf %max3A_934, %mul3A_987 : vector<16xf32>
        %get3A_989 = arith.index_cast %add3A_962 : i32 to index
        %get3A_990 = arith.constant 64 : index
        %get3A_991 = tpu.vector_load %arg8[%get3A_989, %get3A_990] {strides = array<i32>} : memref<160x128xf32, #tpu.memory_space<vmem>>, vector<16xf32>,
        %mul3A_992 = vector.broadcast %squeeze3A_964 : f32 to vector<16xf32>
        %mul3A_993 = arith.mulf %get3A_991, %mul3A_992 : vector<16xf32>
        %max3A_994 = arith.maximumf %max3A_940, %mul3A_993 : vector<16xf32>
        %get3A_995 = arith.index_cast %add3A_962 : i32 to index
        %get3A_996 = arith.constant 80 : index
        %get3A_997 = tpu.vector_load %arg8[%get3A_995, %get3A_996] {strides = array<i32>} : memref<160x128xf32, #tpu.memory_space<vmem>>, vector<16xf32>,
        %mul3A_998 = vector.broadcast %squeeze3A_964 : f32 to vector<16xf32>
        %mul3A_999 = arith.mulf %get3A_997, %mul3A_998 : vector<16xf32>
        %max3A_1000 = arith.maximumf %max3A_946, %mul3A_999 : vector<16xf32>
        %get3A_1001 = arith.index_cast %add3A_962 : i32 to index
        %get3A_1002 = arith.constant 96 : index
        %get3A_1003 = tpu.vector_load %arg8[%get3A_1001, %get3A_1002] {strides = array<i32>} : memref<160x128xf32, #tpu.memory_space<vmem>>, vector<16xf32>,
        %mul3A_1004 = vector.broadcast %squeeze3A_964 : f32 to vector<16xf32>
        %mul3A_1005 = arith.mulf %get3A_1003, %mul3A_1004 : vector<16xf32>
        %max3A_1006 = arith.maximumf %max3A_952, %mul3A_1005 : vector<16xf32>
        %get3A_1007 = arith.index_cast %add3A_962 : i32 to index
        %get3A_1008 = arith.constant 112 : index
        %get3A_1009 = tpu.vector_load %arg8[%get3A_1007, %get3A_1008] {strides = array<i32>} : memref<160x128xf32, #tpu.memory_space<vmem>>, vector<16xf32>,
        %mul3A_1010 = vector.broadcast %squeeze3A_964 : f32 to vector<16xf32>
        %mul3A_1011 = arith.mulf %get3A_1009, %mul3A_1010 : vector<16xf32>
        %max3A_1012 = arith.maximumf %max3A_958, %mul3A_1011 : vector<16xf32>
        %mul3A_1013 = arith.constant 20 : i32
        %mul3A_1014 = arith.muli %add3A_300, %mul3A_1013 : i32
        %add3A_1015 = arith.constant 13 : i32
        %add3A_1016 = arith.addi %mul3A_1014, %add3A_1015 : i32
        %slice3A_1017 = vector.extract_strided_slice %select_n3A {offsets = [13], sizes = [1], strides = [1]} : vector<16xf32> to vector<1xf32>
        %squeeze3A_1018 = vector.extract %slice3A_1017[0] : f32 from vector<1xf32>
        %get3A_1019 = arith.index_cast %add3A_1016 : i32 to index
        %get3A_1020 = arith.constant 0 : index
        %get3A_1021 = tpu.vector_load %arg8[%get3A_1019, %get3A_1020] {strides = array<i32>} : memref<160x128xf32, #tpu.memory_space<vmem>>, vector<16xf32>,
        %mul3A_1022 = vector.broadcast %squeeze3A_1018 : f32 to vector<16xf32>
        %mul3A_1023 = arith.mulf %get3A_1021, %mul3A_1022 : vector<16xf32>
        %max3A_1024 = arith.maximumf %max3A_970, %mul3A_1023 : vector<16xf32>
        %get3A_1025 = arith.index_cast %add3A_1016 : i32 to index
        %get3A_1026 = arith.constant 16 : index
        %get3A_1027 = tpu.vector_load %arg8[%get3A_1025, %get3A_1026] {strides = array<i32>} : memref<160x128xf32, #tpu.memory_space<vmem>>, vector<16xf32>,
        %mul3A_1028 = vector.broadcast %squeeze3A_1018 : f32 to vector<16xf32>
        %mul3A_1029 = arith.mulf %get3A_1027, %mul3A_1028 : vector<16xf32>
        %max3A_1030 = arith.maximumf %max3A_976, %mul3A_1029 : vector<16xf32>
        %get3A_1031 = arith.index_cast %add3A_1016 : i32 to index
        %get3A_1032 = arith.constant 32 : index
        %get3A_1033 = tpu.vector_load %arg8[%get3A_1031, %get3A_1032] {strides = array<i32>} : memref<160x128xf32, #tpu.memory_space<vmem>>, vector<16xf32>,
        %mul3A_1034 = vector.broadcast %squeeze3A_1018 : f32 to vector<16xf32>
        %mul3A_1035 = arith.mulf %get3A_1033, %mul3A_1034 : vector<16xf32>
        %max3A_1036 = arith.maximumf %max3A_982, %mul3A_1035 : vector<16xf32>
        %get3A_1037 = arith.index_cast %add3A_1016 : i32 to index
        %get3A_1038 = arith.constant 48 : index
        %get3A_1039 = tpu.vector_load %arg8[%get3A_1037, %get3A_1038] {strides = array<i32>} : memref<160x128xf32, #tpu.memory_space<vmem>>, vector<16xf32>,
        %mul3A_1040 = vector.broadcast %squeeze3A_1018 : f32 to vector<16xf32>
        %mul3A_1041 = arith.mulf %get3A_1039, %mul3A_1040 : vector<16xf32>
        %max3A_1042 = arith.maximumf %max3A_988, %mul3A_1041 : vector<16xf32>
        %get3A_1043 = arith.index_cast %add3A_1016 : i32 to index
        %get3A_1044 = arith.constant 64 : index
        %get3A_1045 = tpu.vector_load %arg8[%get3A_1043, %get3A_1044] {strides = array<i32>} : memref<160x128xf32, #tpu.memory_space<vmem>>, vector<16xf32>,
        %mul3A_1046 = vector.broadcast %squeeze3A_1018 : f32 to vector<16xf32>
        %mul3A_1047 = arith.mulf %get3A_1045, %mul3A_1046 : vector<16xf32>
        %max3A_1048 = arith.maximumf %max3A_994, %mul3A_1047 : vector<16xf32>
        %get3A_1049 = arith.index_cast %add3A_1016 : i32 to index
        %get3A_1050 = arith.constant 80 : index
        %get3A_1051 = tpu.vector_load %arg8[%get3A_1049, %get3A_1050] {strides = array<i32>} : memref<160x128xf32, #tpu.memory_space<vmem>>, vector<16xf32>,
        %mul3A_1052 = vector.broadcast %squeeze3A_1018 : f32 to vector<16xf32>
        %mul3A_1053 = arith.mulf %get3A_1051, %mul3A_1052 : vector<16xf32>
        %max3A_1054 = arith.maximumf %max3A_1000, %mul3A_1053 : vector<16xf32>
        %get3A_1055 = arith.index_cast %add3A_1016 : i32 to index
        %get3A_1056 = arith.constant 96 : index
        %get3A_1057 = tpu.vector_load %arg8[%get3A_1055, %get3A_1056] {strides = array<i32>} : memref<160x128xf32, #tpu.memory_space<vmem>>, vector<16xf32>,
        %mul3A_1058 = vector.broadcast %squeeze3A_1018 : f32 to vector<16xf32>
        %mul3A_1059 = arith.mulf %get3A_1057, %mul3A_1058 : vector<16xf32>
        %max3A_1060 = arith.maximumf %max3A_1006, %mul3A_1059 : vector<16xf32>
        %get3A_1061 = arith.index_cast %add3A_1016 : i32 to index
        %get3A_1062 = arith.constant 112 : index
        %get3A_1063 = tpu.vector_load %arg8[%get3A_1061, %get3A_1062] {strides = array<i32>} : memref<160x128xf32, #tpu.memory_space<vmem>>, vector<16xf32>,
        %mul3A_1064 = vector.broadcast %squeeze3A_1018 : f32 to vector<16xf32>
        %mul3A_1065 = arith.mulf %get3A_1063, %mul3A_1064 : vector<16xf32>
        %max3A_1066 = arith.maximumf %max3A_1012, %mul3A_1065 : vector<16xf32>
        %mul3A_1067 = arith.constant 20 : i32
        %mul3A_1068 = arith.muli %add3A_300, %mul3A_1067 : i32
        %add3A_1069 = arith.constant 14 : i32
        %add3A_1070 = arith.addi %mul3A_1068, %add3A_1069 : i32
        %slice3A_1071 = vector.extract_strided_slice %select_n3A {offsets = [14], sizes = [1], strides = [1]} : vector<16xf32> to vector<1xf32>
        %squeeze3A_1072 = vector.extract %slice3A_1071[0] : f32 from vector<1xf32>
        %get3A_1073 = arith.index_cast %add3A_1070 : i32 to index
        %get3A_1074 = arith.constant 0 : index
        %get3A_1075 = tpu.vector_load %arg8[%get3A_1073, %get3A_1074] {strides = array<i32>} : memref<160x128xf32, #tpu.memory_space<vmem>>, vector<16xf32>,
        %mul3A_1076 = vector.broadcast %squeeze3A_1072 : f32 to vector<16xf32>
        %mul3A_1077 = arith.mulf %get3A_1075, %mul3A_1076 : vector<16xf32>
        %max3A_1078 = arith.maximumf %max3A_1024, %mul3A_1077 : vector<16xf32>
        %get3A_1079 = arith.index_cast %add3A_1070 : i32 to index
        %get3A_1080 = arith.constant 16 : index
        %get3A_1081 = tpu.vector_load %arg8[%get3A_1079, %get3A_1080] {strides = array<i32>} : memref<160x128xf32, #tpu.memory_space<vmem>>, vector<16xf32>,
        %mul3A_1082 = vector.broadcast %squeeze3A_1072 : f32 to vector<16xf32>
        %mul3A_1083 = arith.mulf %get3A_1081, %mul3A_1082 : vector<16xf32>
        %max3A_1084 = arith.maximumf %max3A_1030, %mul3A_1083 : vector<16xf32>
        %get3A_1085 = arith.index_cast %add3A_1070 : i32 to index
        %get3A_1086 = arith.constant 32 : index
        %get3A_1087 = tpu.vector_load %arg8[%get3A_1085, %get3A_1086] {strides = array<i32>} : memref<160x128xf32, #tpu.memory_space<vmem>>, vector<16xf32>,
        %mul3A_1088 = vector.broadcast %squeeze3A_1072 : f32 to vector<16xf32>
        %mul3A_1089 = arith.mulf %get3A_1087, %mul3A_1088 : vector<16xf32>
        %max3A_1090 = arith.maximumf %max3A_1036, %mul3A_1089 : vector<16xf32>
        %get3A_1091 = arith.index_cast %add3A_1070 : i32 to index
        %get3A_1092 = arith.constant 48 : index
        %get3A_1093 = tpu.vector_load %arg8[%get3A_1091, %get3A_1092] {strides = array<i32>} : memref<160x128xf32, #tpu.memory_space<vmem>>, vector<16xf32>,
        %mul3A_1094 = vector.broadcast %squeeze3A_1072 : f32 to vector<16xf32>
        %mul3A_1095 = arith.mulf %get3A_1093, %mul3A_1094 : vector<16xf32>
        %max3A_1096 = arith.maximumf %max3A_1042, %mul3A_1095 : vector<16xf32>
        %get3A_1097 = arith.index_cast %add3A_1070 : i32 to index
        %get3A_1098 = arith.constant 64 : index
        %get3A_1099 = tpu.vector_load %arg8[%get3A_1097, %get3A_1098] {strides = array<i32>} : memref<160x128xf32, #tpu.memory_space<vmem>>, vector<16xf32>,
        %mul3A_1100 = vector.broadcast %squeeze3A_1072 : f32 to vector<16xf32>
        %mul3A_1101 = arith.mulf %get3A_1099, %mul3A_1100 : vector<16xf32>
        %max3A_1102 = arith.maximumf %max3A_1048, %mul3A_1101 : vector<16xf32>
        %get3A_1103 = arith.index_cast %add3A_1070 : i32 to index
        %get3A_1104 = arith.constant 80 : index
        %get3A_1105 = tpu.vector_load %arg8[%get3A_1103, %get3A_1104] {strides = array<i32>} : memref<160x128xf32, #tpu.memory_space<vmem>>, vector<16xf32>,
        %mul3A_1106 = vector.broadcast %squeeze3A_1072 : f32 to vector<16xf32>
        %mul3A_1107 = arith.mulf %get3A_1105, %mul3A_1106 : vector<16xf32>
        %max3A_1108 = arith.maximumf %max3A_1054, %mul3A_1107 : vector<16xf32>
        %get3A_1109 = arith.index_cast %add3A_1070 : i32 to index
        %get3A_1110 = arith.constant 96 : index
        %get3A_1111 = tpu.vector_load %arg8[%get3A_1109, %get3A_1110] {strides = array<i32>} : memref<160x128xf32, #tpu.memory_space<vmem>>, vector<16xf32>,
        %mul3A_1112 = vector.broadcast %squeeze3A_1072 : f32 to vector<16xf32>
        %mul3A_1113 = arith.mulf %get3A_1111, %mul3A_1112 : vector<16xf32>
        %max3A_1114 = arith.maximumf %max3A_1060, %mul3A_1113 : vector<16xf32>
        %get3A_1115 = arith.index_cast %add3A_1070 : i32 to index
        %get3A_1116 = arith.constant 112 : index
        %get3A_1117 = tpu.vector_load %arg8[%get3A_1115, %get3A_1116] {strides = array<i32>} : memref<160x128xf32, #tpu.memory_space<vmem>>, vector<16xf32>,
        %mul3A_1118 = vector.broadcast %squeeze3A_1072 : f32 to vector<16xf32>
        %mul3A_1119 = arith.mulf %get3A_1117, %mul3A_1118 : vector<16xf32>
        %max3A_1120 = arith.maximumf %max3A_1066, %mul3A_1119 : vector<16xf32>
        %mul3A_1121 = arith.constant 20 : i32
        %mul3A_1122 = arith.muli %add3A_300, %mul3A_1121 : i32
        %add3A_1123 = arith.constant 15 : i32
        %add3A_1124 = arith.addi %mul3A_1122, %add3A_1123 : i32
        %slice3A_1125 = vector.extract_strided_slice %select_n3A {offsets = [15], sizes = [1], strides = [1]} : vector<16xf32> to vector<1xf32>
        %squeeze3A_1126 = vector.extract %slice3A_1125[0] : f32 from vector<1xf32>
        %get3A_1127 = arith.index_cast %add3A_1124 : i32 to index
        %get3A_1128 = arith.constant 0 : index
        %get3A_1129 = tpu.vector_load %arg8[%get3A_1127, %get3A_1128] {strides = array<i32>} : memref<160x128xf32, #tpu.memory_space<vmem>>, vector<16xf32>,
        %mul3A_1130 = vector.broadcast %squeeze3A_1126 : f32 to vector<16xf32>
        %mul3A_1131 = arith.mulf %get3A_1129, %mul3A_1130 : vector<16xf32>
        %max3A_1132 = arith.maximumf %max3A_1078, %mul3A_1131 : vector<16xf32>
        %get3A_1133 = arith.index_cast %add3A_1124 : i32 to index
        %get3A_1134 = arith.constant 16 : index
        %get3A_1135 = tpu.vector_load %arg8[%get3A_1133, %get3A_1134] {strides = array<i32>} : memref<160x128xf32, #tpu.memory_space<vmem>>, vector<16xf32>,
        %mul3A_1136 = vector.broadcast %squeeze3A_1126 : f32 to vector<16xf32>
        %mul3A_1137 = arith.mulf %get3A_1135, %mul3A_1136 : vector<16xf32>
        %max3A_1138 = arith.maximumf %max3A_1084, %mul3A_1137 : vector<16xf32>
        %get3A_1139 = arith.index_cast %add3A_1124 : i32 to index
        %get3A_1140 = arith.constant 32 : index
        %get3A_1141 = tpu.vector_load %arg8[%get3A_1139, %get3A_1140] {strides = array<i32>} : memref<160x128xf32, #tpu.memory_space<vmem>>, vector<16xf32>,
        %mul3A_1142 = vector.broadcast %squeeze3A_1126 : f32 to vector<16xf32>
        %mul3A_1143 = arith.mulf %get3A_1141, %mul3A_1142 : vector<16xf32>
        %max3A_1144 = arith.maximumf %max3A_1090, %mul3A_1143 : vector<16xf32>
        %get3A_1145 = arith.index_cast %add3A_1124 : i32 to index
        %get3A_1146 = arith.constant 48 : index
        %get3A_1147 = tpu.vector_load %arg8[%get3A_1145, %get3A_1146] {strides = array<i32>} : memref<160x128xf32, #tpu.memory_space<vmem>>, vector<16xf32>,
        %mul3A_1148 = vector.broadcast %squeeze3A_1126 : f32 to vector<16xf32>
        %mul3A_1149 = arith.mulf %get3A_1147, %mul3A_1148 : vector<16xf32>
        %max3A_1150 = arith.maximumf %max3A_1096, %mul3A_1149 : vector<16xf32>
        %get3A_1151 = arith.index_cast %add3A_1124 : i32 to index
        %get3A_1152 = arith.constant 64 : index
        %get3A_1153 = tpu.vector_load %arg8[%get3A_1151, %get3A_1152] {strides = array<i32>} : memref<160x128xf32, #tpu.memory_space<vmem>>, vector<16xf32>,
        %mul3A_1154 = vector.broadcast %squeeze3A_1126 : f32 to vector<16xf32>
        %mul3A_1155 = arith.mulf %get3A_1153, %mul3A_1154 : vector<16xf32>
        %max3A_1156 = arith.maximumf %max3A_1102, %mul3A_1155 : vector<16xf32>
        %get3A_1157 = arith.index_cast %add3A_1124 : i32 to index
        %get3A_1158 = arith.constant 80 : index
        %get3A_1159 = tpu.vector_load %arg8[%get3A_1157, %get3A_1158] {strides = array<i32>} : memref<160x128xf32, #tpu.memory_space<vmem>>, vector<16xf32>,
        %mul3A_1160 = vector.broadcast %squeeze3A_1126 : f32 to vector<16xf32>
        %mul3A_1161 = arith.mulf %get3A_1159, %mul3A_1160 : vector<16xf32>
        %max3A_1162 = arith.maximumf %max3A_1108, %mul3A_1161 : vector<16xf32>
        %get3A_1163 = arith.index_cast %add3A_1124 : i32 to index
        %get3A_1164 = arith.constant 96 : index
        %get3A_1165 = tpu.vector_load %arg8[%get3A_1163, %get3A_1164] {strides = array<i32>} : memref<160x128xf32, #tpu.memory_space<vmem>>, vector<16xf32>,
        %mul3A_1166 = vector.broadcast %squeeze3A_1126 : f32 to vector<16xf32>
        %mul3A_1167 = arith.mulf %get3A_1165, %mul3A_1166 : vector<16xf32>
        %max3A_1168 = arith.maximumf %max3A_1114, %mul3A_1167 : vector<16xf32>
        %get3A_1169 = arith.index_cast %add3A_1124 : i32 to index
        %get3A_1170 = arith.constant 112 : index
        %get3A_1171 = tpu.vector_load %arg8[%get3A_1169, %get3A_1170] {strides = array<i32>} : memref<160x128xf32, #tpu.memory_space<vmem>>, vector<16xf32>,
        %mul3A_1172 = vector.broadcast %squeeze3A_1126 : f32 to vector<16xf32>
        %mul3A_1173 = arith.mulf %get3A_1171, %mul3A_1172 : vector<16xf32>
        %max3A_1174 = arith.maximumf %max3A_1120, %mul3A_1173 : vector<16xf32>
        %mul3A_1175 = arith.constant 20 : i32
        %mul3A_1176 = arith.muli %add3A_300, %mul3A_1175 : i32
        %add3A_1177 = arith.constant 16 : i32
        %add3A_1178 = arith.addi %mul3A_1176, %add3A_1177 : i32
        %slice3A_1179 = vector.extract_strided_slice %select_n3A_321 {offsets = [12], sizes = [1], strides = [1]} : vector<16xf32> to vector<1xf32>
        %squeeze3A_1180 = vector.extract %slice3A_1179[0] : f32 from vector<1xf32>
        %get3A_1181 = arith.index_cast %add3A_1178 : i32 to index
        %get3A_1182 = arith.constant 0 : index
        %get3A_1183 = tpu.vector_load %arg8[%get3A_1181, %get3A_1182] {strides = array<i32>} : memref<160x128xf32, #tpu.memory_space<vmem>>, vector<16xf32>,
        %mul3A_1184 = vector.broadcast %squeeze3A_1180 : f32 to vector<16xf32>
        %mul3A_1185 = arith.mulf %get3A_1183, %mul3A_1184 : vector<16xf32>
        %max3A_1186 = arith.maximumf %max3A_1132, %mul3A_1185 : vector<16xf32>
        %get3A_1187 = arith.index_cast %add3A_1178 : i32 to index
        %get3A_1188 = arith.constant 16 : index
        %get3A_1189 = tpu.vector_load %arg8[%get3A_1187, %get3A_1188] {strides = array<i32>} : memref<160x128xf32, #tpu.memory_space<vmem>>, vector<16xf32>,
        %mul3A_1190 = vector.broadcast %squeeze3A_1180 : f32 to vector<16xf32>
        %mul3A_1191 = arith.mulf %get3A_1189, %mul3A_1190 : vector<16xf32>
        %max3A_1192 = arith.maximumf %max3A_1138, %mul3A_1191 : vector<16xf32>
        %get3A_1193 = arith.index_cast %add3A_1178 : i32 to index
        %get3A_1194 = arith.constant 32 : index
        %get3A_1195 = tpu.vector_load %arg8[%get3A_1193, %get3A_1194] {strides = array<i32>} : memref<160x128xf32, #tpu.memory_space<vmem>>, vector<16xf32>,
        %mul3A_1196 = vector.broadcast %squeeze3A_1180 : f32 to vector<16xf32>
        %mul3A_1197 = arith.mulf %get3A_1195, %mul3A_1196 : vector<16xf32>
        %max3A_1198 = arith.maximumf %max3A_1144, %mul3A_1197 : vector<16xf32>
        %get3A_1199 = arith.index_cast %add3A_1178 : i32 to index
        %get3A_1200 = arith.constant 48 : index
        %get3A_1201 = tpu.vector_load %arg8[%get3A_1199, %get3A_1200] {strides = array<i32>} : memref<160x128xf32, #tpu.memory_space<vmem>>, vector<16xf32>,
        %mul3A_1202 = vector.broadcast %squeeze3A_1180 : f32 to vector<16xf32>
        %mul3A_1203 = arith.mulf %get3A_1201, %mul3A_1202 : vector<16xf32>
        %max3A_1204 = arith.maximumf %max3A_1150, %mul3A_1203 : vector<16xf32>
        %get3A_1205 = arith.index_cast %add3A_1178 : i32 to index
        %get3A_1206 = arith.constant 64 : index
        %get3A_1207 = tpu.vector_load %arg8[%get3A_1205, %get3A_1206] {strides = array<i32>} : memref<160x128xf32, #tpu.memory_space<vmem>>, vector<16xf32>,
        %mul3A_1208 = vector.broadcast %squeeze3A_1180 : f32 to vector<16xf32>
        %mul3A_1209 = arith.mulf %get3A_1207, %mul3A_1208 : vector<16xf32>
        %max3A_1210 = arith.maximumf %max3A_1156, %mul3A_1209 : vector<16xf32>
        %get3A_1211 = arith.index_cast %add3A_1178 : i32 to index
        %get3A_1212 = arith.constant 80 : index
        %get3A_1213 = tpu.vector_load %arg8[%get3A_1211, %get3A_1212] {strides = array<i32>} : memref<160x128xf32, #tpu.memory_space<vmem>>, vector<16xf32>,
        %mul3A_1214 = vector.broadcast %squeeze3A_1180 : f32 to vector<16xf32>
        %mul3A_1215 = arith.mulf %get3A_1213, %mul3A_1214 : vector<16xf32>
        %max3A_1216 = arith.maximumf %max3A_1162, %mul3A_1215 : vector<16xf32>
        %get3A_1217 = arith.index_cast %add3A_1178 : i32 to index
        %get3A_1218 = arith.constant 96 : index
        %get3A_1219 = tpu.vector_load %arg8[%get3A_1217, %get3A_1218] {strides = array<i32>} : memref<160x128xf32, #tpu.memory_space<vmem>>, vector<16xf32>,
        %mul3A_1220 = vector.broadcast %squeeze3A_1180 : f32 to vector<16xf32>
        %mul3A_1221 = arith.mulf %get3A_1219, %mul3A_1220 : vector<16xf32>
        %max3A_1222 = arith.maximumf %max3A_1168, %mul3A_1221 : vector<16xf32>
        %get3A_1223 = arith.index_cast %add3A_1178 : i32 to index
        %get3A_1224 = arith.constant 112 : index
        %get3A_1225 = tpu.vector_load %arg8[%get3A_1223, %get3A_1224] {strides = array<i32>} : memref<160x128xf32, #tpu.memory_space<vmem>>, vector<16xf32>,
        %mul3A_1226 = vector.broadcast %squeeze3A_1180 : f32 to vector<16xf32>
        %mul3A_1227 = arith.mulf %get3A_1225, %mul3A_1226 : vector<16xf32>
        %max3A_1228 = arith.maximumf %max3A_1174, %mul3A_1227 : vector<16xf32>
        %mul3A_1229 = arith.constant 20 : i32
        %mul3A_1230 = arith.muli %add3A_300, %mul3A_1229 : i32
        %add3A_1231 = arith.constant 17 : i32
        %add3A_1232 = arith.addi %mul3A_1230, %add3A_1231 : i32
        %slice3A_1233 = vector.extract_strided_slice %select_n3A_321 {offsets = [13], sizes = [1], strides = [1]} : vector<16xf32> to vector<1xf32>
        %squeeze3A_1234 = vector.extract %slice3A_1233[0] : f32 from vector<1xf32>
        %get3A_1235 = arith.index_cast %add3A_1232 : i32 to index
        %get3A_1236 = arith.constant 0 : index
        %get3A_1237 = tpu.vector_load %arg8[%get3A_1235, %get3A_1236] {strides = array<i32>} : memref<160x128xf32, #tpu.memory_space<vmem>>, vector<16xf32>,
        %mul3A_1238 = vector.broadcast %squeeze3A_1234 : f32 to vector<16xf32>
        %mul3A_1239 = arith.mulf %get3A_1237, %mul3A_1238 : vector<16xf32>
        %max3A_1240 = arith.maximumf %max3A_1186, %mul3A_1239 : vector<16xf32>
        %get3A_1241 = arith.index_cast %add3A_1232 : i32 to index
        %get3A_1242 = arith.constant 16 : index
        %get3A_1243 = tpu.vector_load %arg8[%get3A_1241, %get3A_1242] {strides = array<i32>} : memref<160x128xf32, #tpu.memory_space<vmem>>, vector<16xf32>,
        %mul3A_1244 = vector.broadcast %squeeze3A_1234 : f32 to vector<16xf32>
        %mul3A_1245 = arith.mulf %get3A_1243, %mul3A_1244 : vector<16xf32>
        %max3A_1246 = arith.maximumf %max3A_1192, %mul3A_1245 : vector<16xf32>
        %get3A_1247 = arith.index_cast %add3A_1232 : i32 to index
        %get3A_1248 = arith.constant 32 : index
        %get3A_1249 = tpu.vector_load %arg8[%get3A_1247, %get3A_1248] {strides = array<i32>} : memref<160x128xf32, #tpu.memory_space<vmem>>, vector<16xf32>,
        %mul3A_1250 = vector.broadcast %squeeze3A_1234 : f32 to vector<16xf32>
        %mul3A_1251 = arith.mulf %get3A_1249, %mul3A_1250 : vector<16xf32>
        %max3A_1252 = arith.maximumf %max3A_1198, %mul3A_1251 : vector<16xf32>
        %get3A_1253 = arith.index_cast %add3A_1232 : i32 to index
        %get3A_1254 = arith.constant 48 : index
        %get3A_1255 = tpu.vector_load %arg8[%get3A_1253, %get3A_1254] {strides = array<i32>} : memref<160x128xf32, #tpu.memory_space<vmem>>, vector<16xf32>,
        %mul3A_1256 = vector.broadcast %squeeze3A_1234 : f32 to vector<16xf32>
        %mul3A_1257 = arith.mulf %get3A_1255, %mul3A_1256 : vector<16xf32>
        %max3A_1258 = arith.maximumf %max3A_1204, %mul3A_1257 : vector<16xf32>
        %get3A_1259 = arith.index_cast %add3A_1232 : i32 to index
        %get3A_1260 = arith.constant 64 : index
        %get3A_1261 = tpu.vector_load %arg8[%get3A_1259, %get3A_1260] {strides = array<i32>} : memref<160x128xf32, #tpu.memory_space<vmem>>, vector<16xf32>,
        %mul3A_1262 = vector.broadcast %squeeze3A_1234 : f32 to vector<16xf32>
        %mul3A_1263 = arith.mulf %get3A_1261, %mul3A_1262 : vector<16xf32>
        %max3A_1264 = arith.maximumf %max3A_1210, %mul3A_1263 : vector<16xf32>
        %get3A_1265 = arith.index_cast %add3A_1232 : i32 to index
        %get3A_1266 = arith.constant 80 : index
        %get3A_1267 = tpu.vector_load %arg8[%get3A_1265, %get3A_1266] {strides = array<i32>} : memref<160x128xf32, #tpu.memory_space<vmem>>, vector<16xf32>,
        %mul3A_1268 = vector.broadcast %squeeze3A_1234 : f32 to vector<16xf32>
        %mul3A_1269 = arith.mulf %get3A_1267, %mul3A_1268 : vector<16xf32>
        %max3A_1270 = arith.maximumf %max3A_1216, %mul3A_1269 : vector<16xf32>
        %get3A_1271 = arith.index_cast %add3A_1232 : i32 to index
        %get3A_1272 = arith.constant 96 : index
        %get3A_1273 = tpu.vector_load %arg8[%get3A_1271, %get3A_1272] {strides = array<i32>} : memref<160x128xf32, #tpu.memory_space<vmem>>, vector<16xf32>,
        %mul3A_1274 = vector.broadcast %squeeze3A_1234 : f32 to vector<16xf32>
        %mul3A_1275 = arith.mulf %get3A_1273, %mul3A_1274 : vector<16xf32>
        %max3A_1276 = arith.maximumf %max3A_1222, %mul3A_1275 : vector<16xf32>
        %get3A_1277 = arith.index_cast %add3A_1232 : i32 to index
        %get3A_1278 = arith.constant 112 : index
        %get3A_1279 = tpu.vector_load %arg8[%get3A_1277, %get3A_1278] {strides = array<i32>} : memref<160x128xf32, #tpu.memory_space<vmem>>, vector<16xf32>,
        %mul3A_1280 = vector.broadcast %squeeze3A_1234 : f32 to vector<16xf32>
        %mul3A_1281 = arith.mulf %get3A_1279, %mul3A_1280 : vector<16xf32>
        %max3A_1282 = arith.maximumf %max3A_1228, %mul3A_1281 : vector<16xf32>
        %mul3A_1283 = arith.constant 20 : i32
        %mul3A_1284 = arith.muli %add3A_300, %mul3A_1283 : i32
        %add3A_1285 = arith.constant 18 : i32
        %add3A_1286 = arith.addi %mul3A_1284, %add3A_1285 : i32
        %slice3A_1287 = vector.extract_strided_slice %select_n3A_321 {offsets = [14], sizes = [1], strides = [1]} : vector<16xf32> to vector<1xf32>
        %squeeze3A_1288 = vector.extract %slice3A_1287[0] : f32 from vector<1xf32>
        %get3A_1289 = arith.index_cast %add3A_1286 : i32 to index
        %get3A_1290 = arith.constant 0 : index
        %get3A_1291 = tpu.vector_load %arg8[%get3A_1289, %get3A_1290] {strides = array<i32>} : memref<160x128xf32, #tpu.memory_space<vmem>>, vector<16xf32>,
        %mul3A_1292 = vector.broadcast %squeeze3A_1288 : f32 to vector<16xf32>
        %mul3A_1293 = arith.mulf %get3A_1291, %mul3A_1292 : vector<16xf32>
        %max3A_1294 = arith.maximumf %max3A_1240, %mul3A_1293 : vector<16xf32>
        %get3A_1295 = arith.index_cast %add3A_1286 : i32 to index
        %get3A_1296 = arith.constant 16 : index
        %get3A_1297 = tpu.vector_load %arg8[%get3A_1295, %get3A_1296] {strides = array<i32>} : memref<160x128xf32, #tpu.memory_space<vmem>>, vector<16xf32>,
        %mul3A_1298 = vector.broadcast %squeeze3A_1288 : f32 to vector<16xf32>
        %mul3A_1299 = arith.mulf %get3A_1297, %mul3A_1298 : vector<16xf32>
        %max3A_1300 = arith.maximumf %max3A_1246, %mul3A_1299 : vector<16xf32>
        %get3A_1301 = arith.index_cast %add3A_1286 : i32 to index
        %get3A_1302 = arith.constant 32 : index
        %get3A_1303 = tpu.vector_load %arg8[%get3A_1301, %get3A_1302] {strides = array<i32>} : memref<160x128xf32, #tpu.memory_space<vmem>>, vector<16xf32>,
        %mul3A_1304 = vector.broadcast %squeeze3A_1288 : f32 to vector<16xf32>
        %mul3A_1305 = arith.mulf %get3A_1303, %mul3A_1304 : vector<16xf32>
        %max3A_1306 = arith.maximumf %max3A_1252, %mul3A_1305 : vector<16xf32>
        %get3A_1307 = arith.index_cast %add3A_1286 : i32 to index
        %get3A_1308 = arith.constant 48 : index
        %get3A_1309 = tpu.vector_load %arg8[%get3A_1307, %get3A_1308] {strides = array<i32>} : memref<160x128xf32, #tpu.memory_space<vmem>>, vector<16xf32>,
        %mul3A_1310 = vector.broadcast %squeeze3A_1288 : f32 to vector<16xf32>
        %mul3A_1311 = arith.mulf %get3A_1309, %mul3A_1310 : vector<16xf32>
        %max3A_1312 = arith.maximumf %max3A_1258, %mul3A_1311 : vector<16xf32>
        %get3A_1313 = arith.index_cast %add3A_1286 : i32 to index
        %get3A_1314 = arith.constant 64 : index
        %get3A_1315 = tpu.vector_load %arg8[%get3A_1313, %get3A_1314] {strides = array<i32>} : memref<160x128xf32, #tpu.memory_space<vmem>>, vector<16xf32>,
        %mul3A_1316 = vector.broadcast %squeeze3A_1288 : f32 to vector<16xf32>
        %mul3A_1317 = arith.mulf %get3A_1315, %mul3A_1316 : vector<16xf32>
        %max3A_1318 = arith.maximumf %max3A_1264, %mul3A_1317 : vector<16xf32>
        %get3A_1319 = arith.index_cast %add3A_1286 : i32 to index
        %get3A_1320 = arith.constant 80 : index
        %get3A_1321 = tpu.vector_load %arg8[%get3A_1319, %get3A_1320] {strides = array<i32>} : memref<160x128xf32, #tpu.memory_space<vmem>>, vector<16xf32>,
        %mul3A_1322 = vector.broadcast %squeeze3A_1288 : f32 to vector<16xf32>
        %mul3A_1323 = arith.mulf %get3A_1321, %mul3A_1322 : vector<16xf32>
        %max3A_1324 = arith.maximumf %max3A_1270, %mul3A_1323 : vector<16xf32>
        %get3A_1325 = arith.index_cast %add3A_1286 : i32 to index
        %get3A_1326 = arith.constant 96 : index
        %get3A_1327 = tpu.vector_load %arg8[%get3A_1325, %get3A_1326] {strides = array<i32>} : memref<160x128xf32, #tpu.memory_space<vmem>>, vector<16xf32>,
        %mul3A_1328 = vector.broadcast %squeeze3A_1288 : f32 to vector<16xf32>
        %mul3A_1329 = arith.mulf %get3A_1327, %mul3A_1328 : vector<16xf32>
        %max3A_1330 = arith.maximumf %max3A_1276, %mul3A_1329 : vector<16xf32>
        %get3A_1331 = arith.index_cast %add3A_1286 : i32 to index
        %get3A_1332 = arith.constant 112 : index
        %get3A_1333 = tpu.vector_load %arg8[%get3A_1331, %get3A_1332] {strides = array<i32>} : memref<160x128xf32, #tpu.memory_space<vmem>>, vector<16xf32>,
        %mul3A_1334 = vector.broadcast %squeeze3A_1288 : f32 to vector<16xf32>
        %mul3A_1335 = arith.mulf %get3A_1333, %mul3A_1334 : vector<16xf32>
        %max3A_1336 = arith.maximumf %max3A_1282, %mul3A_1335 : vector<16xf32>
        %mul3A_1337 = arith.constant 20 : i32
        %mul3A_1338 = arith.muli %add3A_300, %mul3A_1337 : i32
        %add3A_1339 = arith.constant 19 : i32
        %add3A_1340 = arith.addi %mul3A_1338, %add3A_1339 : i32
        %slice3A_1341 = vector.extract_strided_slice %select_n3A_321 {offsets = [15], sizes = [1], strides = [1]} : vector<16xf32> to vector<1xf32>
        %squeeze3A_1342 = vector.extract %slice3A_1341[0] : f32 from vector<1xf32>
        %get3A_1343 = arith.index_cast %add3A_1340 : i32 to index
        %get3A_1344 = arith.constant 0 : index
        %get3A_1345 = tpu.vector_load %arg8[%get3A_1343, %get3A_1344] {strides = array<i32>} : memref<160x128xf32, #tpu.memory_space<vmem>>, vector<16xf32>,
        %mul3A_1346 = vector.broadcast %squeeze3A_1342 : f32 to vector<16xf32>
        %mul3A_1347 = arith.mulf %get3A_1345, %mul3A_1346 : vector<16xf32>
        %max3A_1348 = arith.maximumf %max3A_1294, %mul3A_1347 : vector<16xf32>
        %get3A_1349 = arith.index_cast %add3A_1340 : i32 to index
        %get3A_1350 = arith.constant 16 : index
        %get3A_1351 = tpu.vector_load %arg8[%get3A_1349, %get3A_1350] {strides = array<i32>} : memref<160x128xf32, #tpu.memory_space<vmem>>, vector<16xf32>,
        %mul3A_1352 = vector.broadcast %squeeze3A_1342 : f32 to vector<16xf32>
        %mul3A_1353 = arith.mulf %get3A_1351, %mul3A_1352 : vector<16xf32>
        %max3A_1354 = arith.maximumf %max3A_1300, %mul3A_1353 : vector<16xf32>
        %get3A_1355 = arith.index_cast %add3A_1340 : i32 to index
        %get3A_1356 = arith.constant 32 : index
        %get3A_1357 = tpu.vector_load %arg8[%get3A_1355, %get3A_1356] {strides = array<i32>} : memref<160x128xf32, #tpu.memory_space<vmem>>, vector<16xf32>,
        %mul3A_1358 = vector.broadcast %squeeze3A_1342 : f32 to vector<16xf32>
        %mul3A_1359 = arith.mulf %get3A_1357, %mul3A_1358 : vector<16xf32>
        %max3A_1360 = arith.maximumf %max3A_1306, %mul3A_1359 : vector<16xf32>
        %get3A_1361 = arith.index_cast %add3A_1340 : i32 to index
        %get3A_1362 = arith.constant 48 : index
        %get3A_1363 = tpu.vector_load %arg8[%get3A_1361, %get3A_1362] {strides = array<i32>} : memref<160x128xf32, #tpu.memory_space<vmem>>, vector<16xf32>,
        %mul3A_1364 = vector.broadcast %squeeze3A_1342 : f32 to vector<16xf32>
        %mul3A_1365 = arith.mulf %get3A_1363, %mul3A_1364 : vector<16xf32>
        %max3A_1366 = arith.maximumf %max3A_1312, %mul3A_1365 : vector<16xf32>
        %get3A_1367 = arith.index_cast %add3A_1340 : i32 to index
        %get3A_1368 = arith.constant 64 : index
        %get3A_1369 = tpu.vector_load %arg8[%get3A_1367, %get3A_1368] {strides = array<i32>} : memref<160x128xf32, #tpu.memory_space<vmem>>, vector<16xf32>,
        %mul3A_1370 = vector.broadcast %squeeze3A_1342 : f32 to vector<16xf32>
        %mul3A_1371 = arith.mulf %get3A_1369, %mul3A_1370 : vector<16xf32>
        %max3A_1372 = arith.maximumf %max3A_1318, %mul3A_1371 : vector<16xf32>
        %get3A_1373 = arith.index_cast %add3A_1340 : i32 to index
        %get3A_1374 = arith.constant 80 : index
        %get3A_1375 = tpu.vector_load %arg8[%get3A_1373, %get3A_1374] {strides = array<i32>} : memref<160x128xf32, #tpu.memory_space<vmem>>, vector<16xf32>,
        %mul3A_1376 = vector.broadcast %squeeze3A_1342 : f32 to vector<16xf32>
        %mul3A_1377 = arith.mulf %get3A_1375, %mul3A_1376 : vector<16xf32>
        %max3A_1378 = arith.maximumf %max3A_1324, %mul3A_1377 : vector<16xf32>
        %get3A_1379 = arith.index_cast %add3A_1340 : i32 to index
        %get3A_1380 = arith.constant 96 : index
        %get3A_1381 = tpu.vector_load %arg8[%get3A_1379, %get3A_1380] {strides = array<i32>} : memref<160x128xf32, #tpu.memory_space<vmem>>, vector<16xf32>,
        %mul3A_1382 = vector.broadcast %squeeze3A_1342 : f32 to vector<16xf32>
        %mul3A_1383 = arith.mulf %get3A_1381, %mul3A_1382 : vector<16xf32>
        %max3A_1384 = arith.maximumf %max3A_1330, %mul3A_1383 : vector<16xf32>
        %get3A_1385 = arith.index_cast %add3A_1340 : i32 to index
        %get3A_1386 = arith.constant 112 : index
        %get3A_1387 = tpu.vector_load %arg8[%get3A_1385, %get3A_1386] {strides = array<i32>} : memref<160x128xf32, #tpu.memory_space<vmem>>, vector<16xf32>,
        %mul3A_1388 = vector.broadcast %squeeze3A_1342 : f32 to vector<16xf32>
        %mul3A_1389 = arith.mulf %get3A_1387, %mul3A_1388 : vector<16xf32>
        %max3A_1390 = arith.maximumf %max3A_1336, %mul3A_1389 : vector<16xf32>
        %swap3A = arith.index_cast %add3A_300 : i32 to index
        %swap3A_1391 = arith.constant 0 : index
        %swap3A_1392 = tpu.vector_load %arg12[%swap3A, %swap3A_1391] {strides = array<i32>} : memref<8x128xf32, #tpu.memory_space<vmem>>, vector<16xf32>,
        tpu.vector_store %arg12[%swap3A, %swap3A_1391], %max3A_1348 {strides = array<i32>} : memref<8x128xf32, #tpu.memory_space<vmem>>, vector<16xf32>,
        %swap3A_1393 = arith.index_cast %add3A_300 : i32 to index
        %swap3A_1394 = arith.constant 16 : index
        %swap3A_1395 = tpu.vector_load %arg12[%swap3A_1393, %swap3A_1394] {strides = array<i32>} : memref<8x128xf32, #tpu.memory_space<vmem>>, vector<16xf32>,
        tpu.vector_store %arg12[%swap3A_1393, %swap3A_1394], %max3A_1354 {strides = array<i32>} : memref<8x128xf32, #tpu.memory_space<vmem>>, vector<16xf32>,
        %swap3A_1396 = arith.index_cast %add3A_300 : i32 to index
        %swap3A_1397 = arith.constant 32 : index
        %swap3A_1398 = tpu.vector_load %arg12[%swap3A_1396, %swap3A_1397] {strides = array<i32>} : memref<8x128xf32, #tpu.memory_space<vmem>>, vector<16xf32>,
        tpu.vector_store %arg12[%swap3A_1396, %swap3A_1397], %max3A_1360 {strides = array<i32>} : memref<8x128xf32, #tpu.memory_space<vmem>>, vector<16xf32>,
        %swap3A_1399 = arith.index_cast %add3A_300 : i32 to index
        %swap3A_1400 = arith.constant 48 : index
        %swap3A_1401 = tpu.vector_load %arg12[%swap3A_1399, %swap3A_1400] {strides = array<i32>} : memref<8x128xf32, #tpu.memory_space<vmem>>, vector<16xf32>,
        tpu.vector_store %arg12[%swap3A_1399, %swap3A_1400], %max3A_1366 {strides = array<i32>} : memref<8x128xf32, #tpu.memory_space<vmem>>, vector<16xf32>,
        %swap3A_1402 = arith.index_cast %add3A_300 : i32 to index
        %swap3A_1403 = arith.constant 64 : index
        %swap3A_1404 = tpu.vector_load %arg12[%swap3A_1402, %swap3A_1403] {strides = array<i32>} : memref<8x128xf32, #tpu.memory_space<vmem>>, vector<16xf32>,
        tpu.vector_store %arg12[%swap3A_1402, %swap3A_1403], %max3A_1372 {strides = array<i32>} : memref<8x128xf32, #tpu.memory_space<vmem>>, vector<16xf32>,
        %swap3A_1405 = arith.index_cast %add3A_300 : i32 to index
        %swap3A_1406 = arith.constant 80 : index
        %swap3A_1407 = tpu.vector_load %arg12[%swap3A_1405, %swap3A_1406] {strides = array<i32>} : memref<8x128xf32, #tpu.memory_space<vmem>>, vector<16xf32>,
        tpu.vector_store %arg12[%swap3A_1405, %swap3A_1406], %max3A_1378 {strides = array<i32>} : memref<8x128xf32, #tpu.memory_space<vmem>>, vector<16xf32>,
        %swap3A_1408 = arith.index_cast %add3A_300 : i32 to index
        %swap3A_1409 = arith.constant 96 : index
        %swap3A_1410 = tpu.vector_load %arg12[%swap3A_1408, %swap3A_1409] {strides = array<i32>} : memref<8x128xf32, #tpu.memory_space<vmem>>, vector<16xf32>,
        tpu.vector_store %arg12[%swap3A_1408, %swap3A_1409], %max3A_1384 {strides = array<i32>} : memref<8x128xf32, #tpu.memory_space<vmem>>, vector<16xf32>,
        %swap3A_1411 = arith.index_cast %add3A_300 : i32 to index
        %swap3A_1412 = arith.constant 112 : index
        %swap3A_1413 = tpu.vector_load %arg12[%swap3A_1411, %swap3A_1412] {strides = array<i32>} : memref<8x128xf32, #tpu.memory_space<vmem>>, vector<16xf32>,
        tpu.vector_store %arg12[%swap3A_1411, %swap3A_1412], %max3A_1390 {strides = array<i32>} : memref<8x128xf32, #tpu.memory_space<vmem>>, vector<16xf32>,
      }
      %scan3A_231 = arith.constant 8 : i32
      %add3A_232 = arith.constant 4 : i32
      %add3A_233 = arith.addi %add3A_197, %add3A_232 : i32
      %lt3A_234 = arith.constant 80 : i32
      %lt3A_235 = arith.cmpi slt, %add3A_233, %lt3A_234 : i32
      %convert_element_type3A_236 = arith.extui %lt3A_235 : i1 to i32
      %cond3A_237 = arith.constant 0 : i32
      %cond3A_238 = arith.cmpi ne, %convert_element_type3A_236, %cond3A_237 : i32
      scf.if %cond3A_238 {
        %add3A_296 = arith.constant 4 : i32
        %add3A_297 = arith.addi %add3A_197, %add3A_296 : i32
        %mul3A_298 = arith.constant 160 : i32
        %mul3A_299 = arith.muli %add3A_297, %mul3A_298 : i32
        %add3A_300 = arith.constant 0 : i32
        %add3A_301 = arith.addi %mul3A_299, %add3A_300 : i32
        %dma_start3A_302 = arith.constant 0 : i32
        %dma_start3A_303 = arith.constant 0 : i32
        %dma_start3A_304 = tpu.memref_slice %arg8[%dma_start3A_302, %dma_start3A_303] : memref<160x128xf32, #tpu.memory_space<vmem>> -> memref<80x128xf32, #tpu.memory_space<vmem>>
        %dma_start3A_305 = tpu.memref_slice %arg5[%add3A_301] : memref<12800xi32, #tpu.memory_space<vmem>> -> memref<80xi32, #tpu.memory_space<vmem>>
        %dma_start3A_306 = arith.constant 0 : i32
        %dma_start3A_307 = arith.constant 0 : i32
        %dma_start3A_308 = tpu.memref_slice %arg3[%dma_start3A_306, %dma_start3A_307] : memref<100000x128xf32, #tpu.memory_space<hbm>> -> memref<100000x128xf32, #tpu.memory_space<hbm>>
        tpu.enqueue_indirect_dma source(%dma_start3A_308 : memref<100000x128xf32, #tpu.memory_space<hbm>>) target(%dma_start3A_304 : memref<80x128xf32, #tpu.memory_space<vmem>>) offsets(%dma_start3A_305 : memref<80xi32, #tpu.memory_space<vmem>>) semaphore(%arg16 : memref<!tpu.dma_semaphore, #tpu.memory_space<semaphore_mem>>)
        %mul3A_309 = arith.constant 160 : i32
        %mul3A_310 = arith.muli %add3A_297, %mul3A_309 : i32
        %add3A_311 = arith.constant 80 : i32
        %add3A_312 = arith.addi %mul3A_310, %add3A_311 : i32
        %dma_start3A_313 = arith.constant 80 : i32
        %dma_start3A_314 = arith.constant 0 : i32
        %dma_start3A_315 = tpu.memref_slice %arg8[%dma_start3A_313, %dma_start3A_314] : memref<160x128xf32, #tpu.memory_space<vmem>> -> memref<80x128xf32, #tpu.memory_space<vmem>>
        %dma_start3A_316 = tpu.memref_slice %arg5[%add3A_312] : memref<12800xi32, #tpu.memory_space<vmem>> -> memref<80xi32, #tpu.memory_space<vmem>>
        %dma_start3A_317 = arith.constant 0 : i32
        %dma_start3A_318 = arith.constant 0 : i32
        %dma_start3A_319 = tpu.memref_slice %arg3[%dma_start3A_317, %dma_start3A_318] : memref<100000x128xf32, #tpu.memory_space<hbm>> -> memref<100000x128xf32, #tpu.memory_space<hbm>>
        tpu.enqueue_indirect_dma source(%dma_start3A_319 : memref<100000x128xf32, #tpu.memory_space<hbm>>) target(%dma_start3A_315 : memref<80x128xf32, #tpu.memory_space<vmem>>) offsets(%dma_start3A_316 : memref<80xi32, #tpu.memory_space<vmem>>) semaphore(%arg16 : memref<!tpu.dma_semaphore, #tpu.memory_space<semaphore_mem>>)
      } else {
      }
      %mul3A_239 = arith.constant 8 : i32
      %mul3A_240 = arith.muli %add3A_197, %mul3A_239 : i32
      %add3A_241 = arith.addi %mul3A_4, %mul3A_240 : i32
      %dma_start3A_242 = arith.constant 0 : i32
      %dma_start3A_243 = tpu.memref_slice %arg4[%add3A_241, %dma_start3A_242] : memref<20480x128xf32, #tpu.memory_space<hbm>> -> memref<8x128xf32, #tpu.memory_space<hbm>>
      %dma_start3A_244 = arith.constant 0 : i32
      %dma_start3A_245 = tpu.memref_slice %arg4[%add3A_241, %dma_start3A_244] : memref<20480x128xf32, #tpu.memory_space<hbm>> -> memref<8x128xf32, #tpu.memory_space<hbm>>
      tpu.enqueue_dma source(%arg12 : memref<8x128xf32, #tpu.memory_space<vmem>>) target(%dma_start3A_245 : memref<8x128xf32, #tpu.memory_space<hbm>>) target_semaphore(%arg20 : memref<!tpu.dma_semaphore, #tpu.memory_space<semaphore_mem>>)
      %add3A_246 = arith.constant 3 : i32
      %add3A_247 = arith.addi %add3A_99, %add3A_246 : i32
      %mul3A_248 = arith.constant 160 : i32
      %mul3A_249 = arith.muli %add3A_247, %mul3A_248 : i32
      %add3A_250 = arith.constant 0 : i32
      %add3A_251 = arith.addi %mul3A_249, %add3A_250 : i32
      %dma_wait3A_252 = arith.constant 0 : i32
      %dma_wait3A_253 = arith.constant 0 : i32
      %dma_wait3A_254 = tpu.memref_slice %arg9[%dma_wait3A_252, %dma_wait3A_253] : memref<160x128xf32, #tpu.memory_space<vmem>> -> memref<80x128xf32, #tpu.memory_space<vmem>>
      %dma_wait3A_255 = tpu.memref_slice %arg5[%add3A_251] : memref<12800xi32, #tpu.memory_space<vmem>> -> memref<80xi32, #tpu.memory_space<vmem>>
      %dma_wait3A_256 = arith.constant 0 : i32
      %dma_wait3A_257 = arith.constant 0 : i32
      %dma_wait3A_258 = tpu.memref_slice %arg3[%dma_wait3A_256, %dma_wait3A_257] : memref<100000x128xf32, #tpu.memory_space<hbm>> -> memref<100000x128xf32, #tpu.memory_space<hbm>>
      tpu.wait_indirect_dma semaphore(%arg17 : memref<!tpu.dma_semaphore, #tpu.memory_space<semaphore_mem>>) src(%dma_wait3A_258 : memref<100000x128xf32, #tpu.memory_space<hbm>>) dst(%dma_wait3A_254 : memref<80x128xf32, #tpu.memory_space<vmem>>)
      %mul3A_259 = arith.constant 160 : i32
      %mul3A_260 = arith.muli %add3A_247, %mul3A_259 : i32
      %add3A_261 = arith.constant 80 : i32
      %add3A_262 = arith.addi %mul3A_260, %add3A_261 : i32
      %dma_wait3A_263 = arith.constant 80 : i32
      %dma_wait3A_264 = arith.constant 0 : i32
      %dma_wait3A_265 = tpu.memref_slice %arg9[%dma_wait3A_263, %dma_wait3A_264] : memref<160x128xf32, #tpu.memory_space<vmem>> -> memref<80x128xf32, #tpu.memory_space<vmem>>
      %dma_wait3A_266 = tpu.memref_slice %arg5[%add3A_262] : memref<12800xi32, #tpu.memory_space<vmem>> -> memref<80xi32, #tpu.memory_space<vmem>>
      %dma_wait3A_267 = arith.constant 0 : i32
      %dma_wait3A_268 = arith.constant 0 : i32
      %dma_wait3A_269 = tpu.memref_slice %arg3[%dma_wait3A_267, %dma_wait3A_268] : memref<100000x128xf32, #tpu.memory_space<hbm>> -> memref<100000x128xf32, #tpu.memory_space<hbm>>
      tpu.wait_indirect_dma semaphore(%arg17 : memref<!tpu.dma_semaphore, #tpu.memory_space<semaphore_mem>>) src(%dma_wait3A_269 : memref<100000x128xf32, #tpu.memory_space<hbm>>) dst(%dma_wait3A_265 : memref<80x128xf32, #tpu.memory_space<vmem>>)
      %ge3A_270 = arith.constant 4 : i32
      %ge3A_271 = arith.cmpi sge, %add3A_247, %ge3A_270 : i32
      %convert_element_type3A_272 = arith.extui %ge3A_271 : i1 to i32
      %cond3A_273 = arith.constant 0 : i32
      %cond3A_274 = arith.cmpi ne, %convert_element_type3A_272, %cond3A_273 : i32
      scf.if %cond3A_274 {
        %sub3A = arith.constant 4 : i32
        %sub3A_296 = arith.subi %add3A_247, %sub3A : i32
        %mul3A_297 = arith.constant 8 : i32
        %mul3A_298 = arith.muli %sub3A_296, %mul3A_297 : i32
        %add3A_299 = arith.addi %mul3A_4, %mul3A_298 : i32
        %dma_wait3A_300 = arith.constant 0 : i32
        %dma_wait3A_301 = tpu.memref_slice %arg4[%add3A_299, %dma_wait3A_300] : memref<20480x128xf32, #tpu.memory_space<hbm>> -> memref<8x128xf32, #tpu.memory_space<hbm>>
        %dma_wait3A_302 = arith.constant 0 : i32
        %dma_wait3A_303 = tpu.memref_slice %arg4[%add3A_299, %dma_wait3A_302] : memref<20480x128xf32, #tpu.memory_space<hbm>> -> memref<8x128xf32, #tpu.memory_space<hbm>>
        tpu.wait_dma2 semaphore(%arg21 : memref<!tpu.dma_semaphore, #tpu.memory_space<semaphore_mem>>) src(%arg13 : memref<8x128xf32, #tpu.memory_space<vmem>>) dst(%dma_wait3A_303 : memref<8x128xf32, #tpu.memory_space<hbm>>)
      } else {
      }
      %mul3A_275 = arith.constant 160 : i32
      %mul3A_276 = arith.muli %add3A_247, %mul3A_275 : i32
      %scan3A_277 = arith.constant 0 : i32
      %scan3A_278 = arith.constant 8 : i32
      %scan3A_279 = arith.addi %scan3A_277, %scan3A_278 : i32
      %scan3A_280 = arith.constant 1 : i32
      scf.for %scan3A_296 = %scan3A_277 to %scan3A_279 step %scan3A_280  : i32 {
        %mul3A_297 = arith.constant 1 : i32
        %mul3A_298 = arith.muli %scan3A_296, %mul3A_297 : i32
        %add3A_299 = arith.constant 0 : i32
        %add3A_300 = arith.addi %add3A_299, %mul3A_298 : i32
        %mul3A_301 = arith.constant 20 : i32
        %mul3A_302 = arith.muli %add3A_300, %mul3A_301 : i32
        %add3A_303 = arith.addi %mul3A_276, %mul3A_302 : i32
        %get3A = arith.index_cast %add3A_303 : i32 to index
        %get3A_304 = tpu.vector_load %arg5[%get3A] {strides = array<i32>} : memref<12800xi32, #tpu.memory_space<vmem>>, vector<16xi32>,
        %add3A_305 = arith.constant 20 : i32
        %add3A_306 = arith.addi %add3A_303, %add3A_305 : i32
        %sub3A = arith.constant 16 : i32
        %sub3A_307 = arith.subi %add3A_306, %sub3A : i32
        %get3A_308 = arith.index_cast %sub3A_307 : i32 to index
        %get3A_309 = tpu.vector_load %arg5[%get3A_308] {strides = array<i32>} : memref<12800xi32, #tpu.memory_space<vmem>>, vector<16xi32>,
        %ne3A = arith.constant 0 : i32
        %ne3A_310 = vector.broadcast %ne3A : i32 to vector<16xi32>
        %ne3A_311 = arith.cmpi ne, %get3A_304, %ne3A_310 : vector<16xi32>
        %jit3A = arith.constant 1.000000e+00 : f32
        %jit3A_312 = arith.constant 0.000000e+00 : f32
        %broadcast_in_dim3A = vector.broadcast %jit3A : f32 to vector<16xf32>
        %broadcast_in_dim3A_313 = vector.broadcast %jit3A_312 : f32 to vector<16xf32>
        %select_n3A = arith.select %ne3A_311, %broadcast_in_dim3A, %broadcast_in_dim3A_313 : vector<16xi1>, vector<16xf32>
        %ne3A_314 = arith.constant 0 : i32
        %ne3A_315 = vector.broadcast %ne3A_314 : i32 to vector<16xi32>
        %ne3A_316 = arith.cmpi ne, %get3A_309, %ne3A_315 : vector<16xi32>
        %jit3A_317 = arith.constant 1.000000e+00 : f32
        %jit3A_318 = arith.constant 0.000000e+00 : f32
        %broadcast_in_dim3A_319 = vector.broadcast %jit3A_317 : f32 to vector<16xf32>
        %broadcast_in_dim3A_320 = vector.broadcast %jit3A_318 : f32 to vector<16xf32>
        %select_n3A_321 = arith.select %ne3A_316, %broadcast_in_dim3A_319, %broadcast_in_dim3A_320 : vector<16xi1>, vector<16xf32>
        %mul3A_322 = arith.constant 20 : i32
        %mul3A_323 = arith.muli %add3A_300, %mul3A_322 : i32
        %add3A_324 = arith.constant 0 : i32
        %add3A_325 = arith.addi %mul3A_323, %add3A_324 : i32
        %slice3A = vector.extract_strided_slice %select_n3A {offsets = [0], sizes = [1], strides = [1]} : vector<16xf32> to vector<1xf32>
        %squeeze3A = vector.extract %slice3A[0] : f32 from vector<1xf32>
        %get3A_326 = arith.index_cast %add3A_325 : i32 to index
        %get3A_327 = arith.constant 0 : index
        %get3A_328 = tpu.vector_load %arg9[%get3A_326, %get3A_327] {strides = array<i32>} : memref<160x128xf32, #tpu.memory_space<vmem>>, vector<16xf32>,
        %mul3A_329 = vector.broadcast %squeeze3A : f32 to vector<16xf32>
        %mul3A_330 = arith.mulf %get3A_328, %mul3A_329 : vector<16xf32>
        %get3A_331 = arith.index_cast %add3A_325 : i32 to index
        %get3A_332 = arith.constant 16 : index
        %get3A_333 = tpu.vector_load %arg9[%get3A_331, %get3A_332] {strides = array<i32>} : memref<160x128xf32, #tpu.memory_space<vmem>>, vector<16xf32>,
        %mul3A_334 = vector.broadcast %squeeze3A : f32 to vector<16xf32>
        %mul3A_335 = arith.mulf %get3A_333, %mul3A_334 : vector<16xf32>
        %get3A_336 = arith.index_cast %add3A_325 : i32 to index
        %get3A_337 = arith.constant 32 : index
        %get3A_338 = tpu.vector_load %arg9[%get3A_336, %get3A_337] {strides = array<i32>} : memref<160x128xf32, #tpu.memory_space<vmem>>, vector<16xf32>,
        %mul3A_339 = vector.broadcast %squeeze3A : f32 to vector<16xf32>
        %mul3A_340 = arith.mulf %get3A_338, %mul3A_339 : vector<16xf32>
        %get3A_341 = arith.index_cast %add3A_325 : i32 to index
        %get3A_342 = arith.constant 48 : index
        %get3A_343 = tpu.vector_load %arg9[%get3A_341, %get3A_342] {strides = array<i32>} : memref<160x128xf32, #tpu.memory_space<vmem>>, vector<16xf32>,
        %mul3A_344 = vector.broadcast %squeeze3A : f32 to vector<16xf32>
        %mul3A_345 = arith.mulf %get3A_343, %mul3A_344 : vector<16xf32>
        %get3A_346 = arith.index_cast %add3A_325 : i32 to index
        %get3A_347 = arith.constant 64 : index
        %get3A_348 = tpu.vector_load %arg9[%get3A_346, %get3A_347] {strides = array<i32>} : memref<160x128xf32, #tpu.memory_space<vmem>>, vector<16xf32>,
        %mul3A_349 = vector.broadcast %squeeze3A : f32 to vector<16xf32>
        %mul3A_350 = arith.mulf %get3A_348, %mul3A_349 : vector<16xf32>
        %get3A_351 = arith.index_cast %add3A_325 : i32 to index
        %get3A_352 = arith.constant 80 : index
        %get3A_353 = tpu.vector_load %arg9[%get3A_351, %get3A_352] {strides = array<i32>} : memref<160x128xf32, #tpu.memory_space<vmem>>, vector<16xf32>,
        %mul3A_354 = vector.broadcast %squeeze3A : f32 to vector<16xf32>
        %mul3A_355 = arith.mulf %get3A_353, %mul3A_354 : vector<16xf32>
        %get3A_356 = arith.index_cast %add3A_325 : i32 to index
        %get3A_357 = arith.constant 96 : index
        %get3A_358 = tpu.vector_load %arg9[%get3A_356, %get3A_357] {strides = array<i32>} : memref<160x128xf32, #tpu.memory_space<vmem>>, vector<16xf32>,
        %mul3A_359 = vector.broadcast %squeeze3A : f32 to vector<16xf32>
        %mul3A_360 = arith.mulf %get3A_358, %mul3A_359 : vector<16xf32>
        %get3A_361 = arith.index_cast %add3A_325 : i32 to index
        %get3A_362 = arith.constant 112 : index
        %get3A_363 = tpu.vector_load %arg9[%get3A_361, %get3A_362] {strides = array<i32>} : memref<160x128xf32, #tpu.memory_space<vmem>>, vector<16xf32>,
        %mul3A_364 = vector.broadcast %squeeze3A : f32 to vector<16xf32>
        %mul3A_365 = arith.mulf %get3A_363, %mul3A_364 : vector<16xf32>
        %mul3A_366 = arith.constant 20 : i32
        %mul3A_367 = arith.muli %add3A_300, %mul3A_366 : i32
        %add3A_368 = arith.constant 1 : i32
        %add3A_369 = arith.addi %mul3A_367, %add3A_368 : i32
        %slice3A_370 = vector.extract_strided_slice %select_n3A {offsets = [1], sizes = [1], strides = [1]} : vector<16xf32> to vector<1xf32>
        %squeeze3A_371 = vector.extract %slice3A_370[0] : f32 from vector<1xf32>
        %get3A_372 = arith.index_cast %add3A_369 : i32 to index
        %get3A_373 = arith.constant 0 : index
        %get3A_374 = tpu.vector_load %arg9[%get3A_372, %get3A_373] {strides = array<i32>} : memref<160x128xf32, #tpu.memory_space<vmem>>, vector<16xf32>,
        %mul3A_375 = vector.broadcast %squeeze3A_371 : f32 to vector<16xf32>
        %mul3A_376 = arith.mulf %get3A_374, %mul3A_375 : vector<16xf32>
        %max3A = arith.maximumf %mul3A_330, %mul3A_376 : vector<16xf32>
        %get3A_377 = arith.index_cast %add3A_369 : i32 to index
        %get3A_378 = arith.constant 16 : index
        %get3A_379 = tpu.vector_load %arg9[%get3A_377, %get3A_378] {strides = array<i32>} : memref<160x128xf32, #tpu.memory_space<vmem>>, vector<16xf32>,
        %mul3A_380 = vector.broadcast %squeeze3A_371 : f32 to vector<16xf32>
        %mul3A_381 = arith.mulf %get3A_379, %mul3A_380 : vector<16xf32>
        %max3A_382 = arith.maximumf %mul3A_335, %mul3A_381 : vector<16xf32>
        %get3A_383 = arith.index_cast %add3A_369 : i32 to index
        %get3A_384 = arith.constant 32 : index
        %get3A_385 = tpu.vector_load %arg9[%get3A_383, %get3A_384] {strides = array<i32>} : memref<160x128xf32, #tpu.memory_space<vmem>>, vector<16xf32>,
        %mul3A_386 = vector.broadcast %squeeze3A_371 : f32 to vector<16xf32>
        %mul3A_387 = arith.mulf %get3A_385, %mul3A_386 : vector<16xf32>
        %max3A_388 = arith.maximumf %mul3A_340, %mul3A_387 : vector<16xf32>
        %get3A_389 = arith.index_cast %add3A_369 : i32 to index
        %get3A_390 = arith.constant 48 : index
        %get3A_391 = tpu.vector_load %arg9[%get3A_389, %get3A_390] {strides = array<i32>} : memref<160x128xf32, #tpu.memory_space<vmem>>, vector<16xf32>,
        %mul3A_392 = vector.broadcast %squeeze3A_371 : f32 to vector<16xf32>
        %mul3A_393 = arith.mulf %get3A_391, %mul3A_392 : vector<16xf32>
        %max3A_394 = arith.maximumf %mul3A_345, %mul3A_393 : vector<16xf32>
        %get3A_395 = arith.index_cast %add3A_369 : i32 to index
        %get3A_396 = arith.constant 64 : index
        %get3A_397 = tpu.vector_load %arg9[%get3A_395, %get3A_396] {strides = array<i32>} : memref<160x128xf32, #tpu.memory_space<vmem>>, vector<16xf32>,
        %mul3A_398 = vector.broadcast %squeeze3A_371 : f32 to vector<16xf32>
        %mul3A_399 = arith.mulf %get3A_397, %mul3A_398 : vector<16xf32>
        %max3A_400 = arith.maximumf %mul3A_350, %mul3A_399 : vector<16xf32>
        %get3A_401 = arith.index_cast %add3A_369 : i32 to index
        %get3A_402 = arith.constant 80 : index
        %get3A_403 = tpu.vector_load %arg9[%get3A_401, %get3A_402] {strides = array<i32>} : memref<160x128xf32, #tpu.memory_space<vmem>>, vector<16xf32>,
        %mul3A_404 = vector.broadcast %squeeze3A_371 : f32 to vector<16xf32>
        %mul3A_405 = arith.mulf %get3A_403, %mul3A_404 : vector<16xf32>
        %max3A_406 = arith.maximumf %mul3A_355, %mul3A_405 : vector<16xf32>
        %get3A_407 = arith.index_cast %add3A_369 : i32 to index
        %get3A_408 = arith.constant 96 : index
        %get3A_409 = tpu.vector_load %arg9[%get3A_407, %get3A_408] {strides = array<i32>} : memref<160x128xf32, #tpu.memory_space<vmem>>, vector<16xf32>,
        %mul3A_410 = vector.broadcast %squeeze3A_371 : f32 to vector<16xf32>
        %mul3A_411 = arith.mulf %get3A_409, %mul3A_410 : vector<16xf32>
        %max3A_412 = arith.maximumf %mul3A_360, %mul3A_411 : vector<16xf32>
        %get3A_413 = arith.index_cast %add3A_369 : i32 to index
        %get3A_414 = arith.constant 112 : index
        %get3A_415 = tpu.vector_load %arg9[%get3A_413, %get3A_414] {strides = array<i32>} : memref<160x128xf32, #tpu.memory_space<vmem>>, vector<16xf32>,
        %mul3A_416 = vector.broadcast %squeeze3A_371 : f32 to vector<16xf32>
        %mul3A_417 = arith.mulf %get3A_415, %mul3A_416 : vector<16xf32>
        %max3A_418 = arith.maximumf %mul3A_365, %mul3A_417 : vector<16xf32>
        %mul3A_419 = arith.constant 20 : i32
        %mul3A_420 = arith.muli %add3A_300, %mul3A_419 : i32
        %add3A_421 = arith.constant 2 : i32
        %add3A_422 = arith.addi %mul3A_420, %add3A_421 : i32
        %slice3A_423 = vector.extract_strided_slice %select_n3A {offsets = [2], sizes = [1], strides = [1]} : vector<16xf32> to vector<1xf32>
        %squeeze3A_424 = vector.extract %slice3A_423[0] : f32 from vector<1xf32>
        %get3A_425 = arith.index_cast %add3A_422 : i32 to index
        %get3A_426 = arith.constant 0 : index
        %get3A_427 = tpu.vector_load %arg9[%get3A_425, %get3A_426] {strides = array<i32>} : memref<160x128xf32, #tpu.memory_space<vmem>>, vector<16xf32>,
        %mul3A_428 = vector.broadcast %squeeze3A_424 : f32 to vector<16xf32>
        %mul3A_429 = arith.mulf %get3A_427, %mul3A_428 : vector<16xf32>
        %max3A_430 = arith.maximumf %max3A, %mul3A_429 : vector<16xf32>
        %get3A_431 = arith.index_cast %add3A_422 : i32 to index
        %get3A_432 = arith.constant 16 : index
        %get3A_433 = tpu.vector_load %arg9[%get3A_431, %get3A_432] {strides = array<i32>} : memref<160x128xf32, #tpu.memory_space<vmem>>, vector<16xf32>,
        %mul3A_434 = vector.broadcast %squeeze3A_424 : f32 to vector<16xf32>
        %mul3A_435 = arith.mulf %get3A_433, %mul3A_434 : vector<16xf32>
        %max3A_436 = arith.maximumf %max3A_382, %mul3A_435 : vector<16xf32>
        %get3A_437 = arith.index_cast %add3A_422 : i32 to index
        %get3A_438 = arith.constant 32 : index
        %get3A_439 = tpu.vector_load %arg9[%get3A_437, %get3A_438] {strides = array<i32>} : memref<160x128xf32, #tpu.memory_space<vmem>>, vector<16xf32>,
        %mul3A_440 = vector.broadcast %squeeze3A_424 : f32 to vector<16xf32>
        %mul3A_441 = arith.mulf %get3A_439, %mul3A_440 : vector<16xf32>
        %max3A_442 = arith.maximumf %max3A_388, %mul3A_441 : vector<16xf32>
        %get3A_443 = arith.index_cast %add3A_422 : i32 to index
        %get3A_444 = arith.constant 48 : index
        %get3A_445 = tpu.vector_load %arg9[%get3A_443, %get3A_444] {strides = array<i32>} : memref<160x128xf32, #tpu.memory_space<vmem>>, vector<16xf32>,
        %mul3A_446 = vector.broadcast %squeeze3A_424 : f32 to vector<16xf32>
        %mul3A_447 = arith.mulf %get3A_445, %mul3A_446 : vector<16xf32>
        %max3A_448 = arith.maximumf %max3A_394, %mul3A_447 : vector<16xf32>
        %get3A_449 = arith.index_cast %add3A_422 : i32 to index
        %get3A_450 = arith.constant 64 : index
        %get3A_451 = tpu.vector_load %arg9[%get3A_449, %get3A_450] {strides = array<i32>} : memref<160x128xf32, #tpu.memory_space<vmem>>, vector<16xf32>,
        %mul3A_452 = vector.broadcast %squeeze3A_424 : f32 to vector<16xf32>
        %mul3A_453 = arith.mulf %get3A_451, %mul3A_452 : vector<16xf32>
        %max3A_454 = arith.maximumf %max3A_400, %mul3A_453 : vector<16xf32>
        %get3A_455 = arith.index_cast %add3A_422 : i32 to index
        %get3A_456 = arith.constant 80 : index
        %get3A_457 = tpu.vector_load %arg9[%get3A_455, %get3A_456] {strides = array<i32>} : memref<160x128xf32, #tpu.memory_space<vmem>>, vector<16xf32>,
        %mul3A_458 = vector.broadcast %squeeze3A_424 : f32 to vector<16xf32>
        %mul3A_459 = arith.mulf %get3A_457, %mul3A_458 : vector<16xf32>
        %max3A_460 = arith.maximumf %max3A_406, %mul3A_459 : vector<16xf32>
        %get3A_461 = arith.index_cast %add3A_422 : i32 to index
        %get3A_462 = arith.constant 96 : index
        %get3A_463 = tpu.vector_load %arg9[%get3A_461, %get3A_462] {strides = array<i32>} : memref<160x128xf32, #tpu.memory_space<vmem>>, vector<16xf32>,
        %mul3A_464 = vector.broadcast %squeeze3A_424 : f32 to vector<16xf32>
        %mul3A_465 = arith.mulf %get3A_463, %mul3A_464 : vector<16xf32>
        %max3A_466 = arith.maximumf %max3A_412, %mul3A_465 : vector<16xf32>
        %get3A_467 = arith.index_cast %add3A_422 : i32 to index
        %get3A_468 = arith.constant 112 : index
        %get3A_469 = tpu.vector_load %arg9[%get3A_467, %get3A_468] {strides = array<i32>} : memref<160x128xf32, #tpu.memory_space<vmem>>, vector<16xf32>,
        %mul3A_470 = vector.broadcast %squeeze3A_424 : f32 to vector<16xf32>
        %mul3A_471 = arith.mulf %get3A_469, %mul3A_470 : vector<16xf32>
        %max3A_472 = arith.maximumf %max3A_418, %mul3A_471 : vector<16xf32>
        %mul3A_473 = arith.constant 20 : i32
        %mul3A_474 = arith.muli %add3A_300, %mul3A_473 : i32
        %add3A_475 = arith.constant 3 : i32
        %add3A_476 = arith.addi %mul3A_474, %add3A_475 : i32
        %slice3A_477 = vector.extract_strided_slice %select_n3A {offsets = [3], sizes = [1], strides = [1]} : vector<16xf32> to vector<1xf32>
        %squeeze3A_478 = vector.extract %slice3A_477[0] : f32 from vector<1xf32>
        %get3A_479 = arith.index_cast %add3A_476 : i32 to index
        %get3A_480 = arith.constant 0 : index
        %get3A_481 = tpu.vector_load %arg9[%get3A_479, %get3A_480] {strides = array<i32>} : memref<160x128xf32, #tpu.memory_space<vmem>>, vector<16xf32>,
        %mul3A_482 = vector.broadcast %squeeze3A_478 : f32 to vector<16xf32>
        %mul3A_483 = arith.mulf %get3A_481, %mul3A_482 : vector<16xf32>
        %max3A_484 = arith.maximumf %max3A_430, %mul3A_483 : vector<16xf32>
        %get3A_485 = arith.index_cast %add3A_476 : i32 to index
        %get3A_486 = arith.constant 16 : index
        %get3A_487 = tpu.vector_load %arg9[%get3A_485, %get3A_486] {strides = array<i32>} : memref<160x128xf32, #tpu.memory_space<vmem>>, vector<16xf32>,
        %mul3A_488 = vector.broadcast %squeeze3A_478 : f32 to vector<16xf32>
        %mul3A_489 = arith.mulf %get3A_487, %mul3A_488 : vector<16xf32>
        %max3A_490 = arith.maximumf %max3A_436, %mul3A_489 : vector<16xf32>
        %get3A_491 = arith.index_cast %add3A_476 : i32 to index
        %get3A_492 = arith.constant 32 : index
        %get3A_493 = tpu.vector_load %arg9[%get3A_491, %get3A_492] {strides = array<i32>} : memref<160x128xf32, #tpu.memory_space<vmem>>, vector<16xf32>,
        %mul3A_494 = vector.broadcast %squeeze3A_478 : f32 to vector<16xf32>
        %mul3A_495 = arith.mulf %get3A_493, %mul3A_494 : vector<16xf32>
        %max3A_496 = arith.maximumf %max3A_442, %mul3A_495 : vector<16xf32>
        %get3A_497 = arith.index_cast %add3A_476 : i32 to index
        %get3A_498 = arith.constant 48 : index
        %get3A_499 = tpu.vector_load %arg9[%get3A_497, %get3A_498] {strides = array<i32>} : memref<160x128xf32, #tpu.memory_space<vmem>>, vector<16xf32>,
        %mul3A_500 = vector.broadcast %squeeze3A_478 : f32 to vector<16xf32>
        %mul3A_501 = arith.mulf %get3A_499, %mul3A_500 : vector<16xf32>
        %max3A_502 = arith.maximumf %max3A_448, %mul3A_501 : vector<16xf32>
        %get3A_503 = arith.index_cast %add3A_476 : i32 to index
        %get3A_504 = arith.constant 64 : index
        %get3A_505 = tpu.vector_load %arg9[%get3A_503, %get3A_504] {strides = array<i32>} : memref<160x128xf32, #tpu.memory_space<vmem>>, vector<16xf32>,
        %mul3A_506 = vector.broadcast %squeeze3A_478 : f32 to vector<16xf32>
        %mul3A_507 = arith.mulf %get3A_505, %mul3A_506 : vector<16xf32>
        %max3A_508 = arith.maximumf %max3A_454, %mul3A_507 : vector<16xf32>
        %get3A_509 = arith.index_cast %add3A_476 : i32 to index
        %get3A_510 = arith.constant 80 : index
        %get3A_511 = tpu.vector_load %arg9[%get3A_509, %get3A_510] {strides = array<i32>} : memref<160x128xf32, #tpu.memory_space<vmem>>, vector<16xf32>,
        %mul3A_512 = vector.broadcast %squeeze3A_478 : f32 to vector<16xf32>
        %mul3A_513 = arith.mulf %get3A_511, %mul3A_512 : vector<16xf32>
        %max3A_514 = arith.maximumf %max3A_460, %mul3A_513 : vector<16xf32>
        %get3A_515 = arith.index_cast %add3A_476 : i32 to index
        %get3A_516 = arith.constant 96 : index
        %get3A_517 = tpu.vector_load %arg9[%get3A_515, %get3A_516] {strides = array<i32>} : memref<160x128xf32, #tpu.memory_space<vmem>>, vector<16xf32>,
        %mul3A_518 = vector.broadcast %squeeze3A_478 : f32 to vector<16xf32>
        %mul3A_519 = arith.mulf %get3A_517, %mul3A_518 : vector<16xf32>
        %max3A_520 = arith.maximumf %max3A_466, %mul3A_519 : vector<16xf32>
        %get3A_521 = arith.index_cast %add3A_476 : i32 to index
        %get3A_522 = arith.constant 112 : index
        %get3A_523 = tpu.vector_load %arg9[%get3A_521, %get3A_522] {strides = array<i32>} : memref<160x128xf32, #tpu.memory_space<vmem>>, vector<16xf32>,
        %mul3A_524 = vector.broadcast %squeeze3A_478 : f32 to vector<16xf32>
        %mul3A_525 = arith.mulf %get3A_523, %mul3A_524 : vector<16xf32>
        %max3A_526 = arith.maximumf %max3A_472, %mul3A_525 : vector<16xf32>
        %mul3A_527 = arith.constant 20 : i32
        %mul3A_528 = arith.muli %add3A_300, %mul3A_527 : i32
        %add3A_529 = arith.constant 4 : i32
        %add3A_530 = arith.addi %mul3A_528, %add3A_529 : i32
        %slice3A_531 = vector.extract_strided_slice %select_n3A {offsets = [4], sizes = [1], strides = [1]} : vector<16xf32> to vector<1xf32>
        %squeeze3A_532 = vector.extract %slice3A_531[0] : f32 from vector<1xf32>
        %get3A_533 = arith.index_cast %add3A_530 : i32 to index
        %get3A_534 = arith.constant 0 : index
        %get3A_535 = tpu.vector_load %arg9[%get3A_533, %get3A_534] {strides = array<i32>} : memref<160x128xf32, #tpu.memory_space<vmem>>, vector<16xf32>,
        %mul3A_536 = vector.broadcast %squeeze3A_532 : f32 to vector<16xf32>
        %mul3A_537 = arith.mulf %get3A_535, %mul3A_536 : vector<16xf32>
        %max3A_538 = arith.maximumf %max3A_484, %mul3A_537 : vector<16xf32>
        %get3A_539 = arith.index_cast %add3A_530 : i32 to index
        %get3A_540 = arith.constant 16 : index
        %get3A_541 = tpu.vector_load %arg9[%get3A_539, %get3A_540] {strides = array<i32>} : memref<160x128xf32, #tpu.memory_space<vmem>>, vector<16xf32>,
        %mul3A_542 = vector.broadcast %squeeze3A_532 : f32 to vector<16xf32>
        %mul3A_543 = arith.mulf %get3A_541, %mul3A_542 : vector<16xf32>
        %max3A_544 = arith.maximumf %max3A_490, %mul3A_543 : vector<16xf32>
        %get3A_545 = arith.index_cast %add3A_530 : i32 to index
        %get3A_546 = arith.constant 32 : index
        %get3A_547 = tpu.vector_load %arg9[%get3A_545, %get3A_546] {strides = array<i32>} : memref<160x128xf32, #tpu.memory_space<vmem>>, vector<16xf32>,
        %mul3A_548 = vector.broadcast %squeeze3A_532 : f32 to vector<16xf32>
        %mul3A_549 = arith.mulf %get3A_547, %mul3A_548 : vector<16xf32>
        %max3A_550 = arith.maximumf %max3A_496, %mul3A_549 : vector<16xf32>
        %get3A_551 = arith.index_cast %add3A_530 : i32 to index
        %get3A_552 = arith.constant 48 : index
        %get3A_553 = tpu.vector_load %arg9[%get3A_551, %get3A_552] {strides = array<i32>} : memref<160x128xf32, #tpu.memory_space<vmem>>, vector<16xf32>,
        %mul3A_554 = vector.broadcast %squeeze3A_532 : f32 to vector<16xf32>
        %mul3A_555 = arith.mulf %get3A_553, %mul3A_554 : vector<16xf32>
        %max3A_556 = arith.maximumf %max3A_502, %mul3A_555 : vector<16xf32>
        %get3A_557 = arith.index_cast %add3A_530 : i32 to index
        %get3A_558 = arith.constant 64 : index
        %get3A_559 = tpu.vector_load %arg9[%get3A_557, %get3A_558] {strides = array<i32>} : memref<160x128xf32, #tpu.memory_space<vmem>>, vector<16xf32>,
        %mul3A_560 = vector.broadcast %squeeze3A_532 : f32 to vector<16xf32>
        %mul3A_561 = arith.mulf %get3A_559, %mul3A_560 : vector<16xf32>
        %max3A_562 = arith.maximumf %max3A_508, %mul3A_561 : vector<16xf32>
        %get3A_563 = arith.index_cast %add3A_530 : i32 to index
        %get3A_564 = arith.constant 80 : index
        %get3A_565 = tpu.vector_load %arg9[%get3A_563, %get3A_564] {strides = array<i32>} : memref<160x128xf32, #tpu.memory_space<vmem>>, vector<16xf32>,
        %mul3A_566 = vector.broadcast %squeeze3A_532 : f32 to vector<16xf32>
        %mul3A_567 = arith.mulf %get3A_565, %mul3A_566 : vector<16xf32>
        %max3A_568 = arith.maximumf %max3A_514, %mul3A_567 : vector<16xf32>
        %get3A_569 = arith.index_cast %add3A_530 : i32 to index
        %get3A_570 = arith.constant 96 : index
        %get3A_571 = tpu.vector_load %arg9[%get3A_569, %get3A_570] {strides = array<i32>} : memref<160x128xf32, #tpu.memory_space<vmem>>, vector<16xf32>,
        %mul3A_572 = vector.broadcast %squeeze3A_532 : f32 to vector<16xf32>
        %mul3A_573 = arith.mulf %get3A_571, %mul3A_572 : vector<16xf32>
        %max3A_574 = arith.maximumf %max3A_520, %mul3A_573 : vector<16xf32>
        %get3A_575 = arith.index_cast %add3A_530 : i32 to index
        %get3A_576 = arith.constant 112 : index
        %get3A_577 = tpu.vector_load %arg9[%get3A_575, %get3A_576] {strides = array<i32>} : memref<160x128xf32, #tpu.memory_space<vmem>>, vector<16xf32>,
        %mul3A_578 = vector.broadcast %squeeze3A_532 : f32 to vector<16xf32>
        %mul3A_579 = arith.mulf %get3A_577, %mul3A_578 : vector<16xf32>
        %max3A_580 = arith.maximumf %max3A_526, %mul3A_579 : vector<16xf32>
        %mul3A_581 = arith.constant 20 : i32
        %mul3A_582 = arith.muli %add3A_300, %mul3A_581 : i32
        %add3A_583 = arith.constant 5 : i32
        %add3A_584 = arith.addi %mul3A_582, %add3A_583 : i32
        %slice3A_585 = vector.extract_strided_slice %select_n3A {offsets = [5], sizes = [1], strides = [1]} : vector<16xf32> to vector<1xf32>
        %squeeze3A_586 = vector.extract %slice3A_585[0] : f32 from vector<1xf32>
        %get3A_587 = arith.index_cast %add3A_584 : i32 to index
        %get3A_588 = arith.constant 0 : index
        %get3A_589 = tpu.vector_load %arg9[%get3A_587, %get3A_588] {strides = array<i32>} : memref<160x128xf32, #tpu.memory_space<vmem>>, vector<16xf32>,
        %mul3A_590 = vector.broadcast %squeeze3A_586 : f32 to vector<16xf32>
        %mul3A_591 = arith.mulf %get3A_589, %mul3A_590 : vector<16xf32>
        %max3A_592 = arith.maximumf %max3A_538, %mul3A_591 : vector<16xf32>
        %get3A_593 = arith.index_cast %add3A_584 : i32 to index
        %get3A_594 = arith.constant 16 : index
        %get3A_595 = tpu.vector_load %arg9[%get3A_593, %get3A_594] {strides = array<i32>} : memref<160x128xf32, #tpu.memory_space<vmem>>, vector<16xf32>,
        %mul3A_596 = vector.broadcast %squeeze3A_586 : f32 to vector<16xf32>
        %mul3A_597 = arith.mulf %get3A_595, %mul3A_596 : vector<16xf32>
        %max3A_598 = arith.maximumf %max3A_544, %mul3A_597 : vector<16xf32>
        %get3A_599 = arith.index_cast %add3A_584 : i32 to index
        %get3A_600 = arith.constant 32 : index
        %get3A_601 = tpu.vector_load %arg9[%get3A_599, %get3A_600] {strides = array<i32>} : memref<160x128xf32, #tpu.memory_space<vmem>>, vector<16xf32>,
        %mul3A_602 = vector.broadcast %squeeze3A_586 : f32 to vector<16xf32>
        %mul3A_603 = arith.mulf %get3A_601, %mul3A_602 : vector<16xf32>
        %max3A_604 = arith.maximumf %max3A_550, %mul3A_603 : vector<16xf32>
        %get3A_605 = arith.index_cast %add3A_584 : i32 to index
        %get3A_606 = arith.constant 48 : index
        %get3A_607 = tpu.vector_load %arg9[%get3A_605, %get3A_606] {strides = array<i32>} : memref<160x128xf32, #tpu.memory_space<vmem>>, vector<16xf32>,
        %mul3A_608 = vector.broadcast %squeeze3A_586 : f32 to vector<16xf32>
        %mul3A_609 = arith.mulf %get3A_607, %mul3A_608 : vector<16xf32>
        %max3A_610 = arith.maximumf %max3A_556, %mul3A_609 : vector<16xf32>
        %get3A_611 = arith.index_cast %add3A_584 : i32 to index
        %get3A_612 = arith.constant 64 : index
        %get3A_613 = tpu.vector_load %arg9[%get3A_611, %get3A_612] {strides = array<i32>} : memref<160x128xf32, #tpu.memory_space<vmem>>, vector<16xf32>,
        %mul3A_614 = vector.broadcast %squeeze3A_586 : f32 to vector<16xf32>
        %mul3A_615 = arith.mulf %get3A_613, %mul3A_614 : vector<16xf32>
        %max3A_616 = arith.maximumf %max3A_562, %mul3A_615 : vector<16xf32>
        %get3A_617 = arith.index_cast %add3A_584 : i32 to index
        %get3A_618 = arith.constant 80 : index
        %get3A_619 = tpu.vector_load %arg9[%get3A_617, %get3A_618] {strides = array<i32>} : memref<160x128xf32, #tpu.memory_space<vmem>>, vector<16xf32>,
        %mul3A_620 = vector.broadcast %squeeze3A_586 : f32 to vector<16xf32>
        %mul3A_621 = arith.mulf %get3A_619, %mul3A_620 : vector<16xf32>
        %max3A_622 = arith.maximumf %max3A_568, %mul3A_621 : vector<16xf32>
        %get3A_623 = arith.index_cast %add3A_584 : i32 to index
        %get3A_624 = arith.constant 96 : index
        %get3A_625 = tpu.vector_load %arg9[%get3A_623, %get3A_624] {strides = array<i32>} : memref<160x128xf32, #tpu.memory_space<vmem>>, vector<16xf32>,
        %mul3A_626 = vector.broadcast %squeeze3A_586 : f32 to vector<16xf32>
        %mul3A_627 = arith.mulf %get3A_625, %mul3A_626 : vector<16xf32>
        %max3A_628 = arith.maximumf %max3A_574, %mul3A_627 : vector<16xf32>
        %get3A_629 = arith.index_cast %add3A_584 : i32 to index
        %get3A_630 = arith.constant 112 : index
        %get3A_631 = tpu.vector_load %arg9[%get3A_629, %get3A_630] {strides = array<i32>} : memref<160x128xf32, #tpu.memory_space<vmem>>, vector<16xf32>,
        %mul3A_632 = vector.broadcast %squeeze3A_586 : f32 to vector<16xf32>
        %mul3A_633 = arith.mulf %get3A_631, %mul3A_632 : vector<16xf32>
        %max3A_634 = arith.maximumf %max3A_580, %mul3A_633 : vector<16xf32>
        %mul3A_635 = arith.constant 20 : i32
        %mul3A_636 = arith.muli %add3A_300, %mul3A_635 : i32
        %add3A_637 = arith.constant 6 : i32
        %add3A_638 = arith.addi %mul3A_636, %add3A_637 : i32
        %slice3A_639 = vector.extract_strided_slice %select_n3A {offsets = [6], sizes = [1], strides = [1]} : vector<16xf32> to vector<1xf32>
        %squeeze3A_640 = vector.extract %slice3A_639[0] : f32 from vector<1xf32>
        %get3A_641 = arith.index_cast %add3A_638 : i32 to index
        %get3A_642 = arith.constant 0 : index
        %get3A_643 = tpu.vector_load %arg9[%get3A_641, %get3A_642] {strides = array<i32>} : memref<160x128xf32, #tpu.memory_space<vmem>>, vector<16xf32>,
        %mul3A_644 = vector.broadcast %squeeze3A_640 : f32 to vector<16xf32>
        %mul3A_645 = arith.mulf %get3A_643, %mul3A_644 : vector<16xf32>
        %max3A_646 = arith.maximumf %max3A_592, %mul3A_645 : vector<16xf32>
        %get3A_647 = arith.index_cast %add3A_638 : i32 to index
        %get3A_648 = arith.constant 16 : index
        %get3A_649 = tpu.vector_load %arg9[%get3A_647, %get3A_648] {strides = array<i32>} : memref<160x128xf32, #tpu.memory_space<vmem>>, vector<16xf32>,
        %mul3A_650 = vector.broadcast %squeeze3A_640 : f32 to vector<16xf32>
        %mul3A_651 = arith.mulf %get3A_649, %mul3A_650 : vector<16xf32>
        %max3A_652 = arith.maximumf %max3A_598, %mul3A_651 : vector<16xf32>
        %get3A_653 = arith.index_cast %add3A_638 : i32 to index
        %get3A_654 = arith.constant 32 : index
        %get3A_655 = tpu.vector_load %arg9[%get3A_653, %get3A_654] {strides = array<i32>} : memref<160x128xf32, #tpu.memory_space<vmem>>, vector<16xf32>,
        %mul3A_656 = vector.broadcast %squeeze3A_640 : f32 to vector<16xf32>
        %mul3A_657 = arith.mulf %get3A_655, %mul3A_656 : vector<16xf32>
        %max3A_658 = arith.maximumf %max3A_604, %mul3A_657 : vector<16xf32>
        %get3A_659 = arith.index_cast %add3A_638 : i32 to index
        %get3A_660 = arith.constant 48 : index
        %get3A_661 = tpu.vector_load %arg9[%get3A_659, %get3A_660] {strides = array<i32>} : memref<160x128xf32, #tpu.memory_space<vmem>>, vector<16xf32>,
        %mul3A_662 = vector.broadcast %squeeze3A_640 : f32 to vector<16xf32>
        %mul3A_663 = arith.mulf %get3A_661, %mul3A_662 : vector<16xf32>
        %max3A_664 = arith.maximumf %max3A_610, %mul3A_663 : vector<16xf32>
        %get3A_665 = arith.index_cast %add3A_638 : i32 to index
        %get3A_666 = arith.constant 64 : index
        %get3A_667 = tpu.vector_load %arg9[%get3A_665, %get3A_666] {strides = array<i32>} : memref<160x128xf32, #tpu.memory_space<vmem>>, vector<16xf32>,
        %mul3A_668 = vector.broadcast %squeeze3A_640 : f32 to vector<16xf32>
        %mul3A_669 = arith.mulf %get3A_667, %mul3A_668 : vector<16xf32>
        %max3A_670 = arith.maximumf %max3A_616, %mul3A_669 : vector<16xf32>
        %get3A_671 = arith.index_cast %add3A_638 : i32 to index
        %get3A_672 = arith.constant 80 : index
        %get3A_673 = tpu.vector_load %arg9[%get3A_671, %get3A_672] {strides = array<i32>} : memref<160x128xf32, #tpu.memory_space<vmem>>, vector<16xf32>,
        %mul3A_674 = vector.broadcast %squeeze3A_640 : f32 to vector<16xf32>
        %mul3A_675 = arith.mulf %get3A_673, %mul3A_674 : vector<16xf32>
        %max3A_676 = arith.maximumf %max3A_622, %mul3A_675 : vector<16xf32>
        %get3A_677 = arith.index_cast %add3A_638 : i32 to index
        %get3A_678 = arith.constant 96 : index
        %get3A_679 = tpu.vector_load %arg9[%get3A_677, %get3A_678] {strides = array<i32>} : memref<160x128xf32, #tpu.memory_space<vmem>>, vector<16xf32>,
        %mul3A_680 = vector.broadcast %squeeze3A_640 : f32 to vector<16xf32>
        %mul3A_681 = arith.mulf %get3A_679, %mul3A_680 : vector<16xf32>
        %max3A_682 = arith.maximumf %max3A_628, %mul3A_681 : vector<16xf32>
        %get3A_683 = arith.index_cast %add3A_638 : i32 to index
        %get3A_684 = arith.constant 112 : index
        %get3A_685 = tpu.vector_load %arg9[%get3A_683, %get3A_684] {strides = array<i32>} : memref<160x128xf32, #tpu.memory_space<vmem>>, vector<16xf32>,
        %mul3A_686 = vector.broadcast %squeeze3A_640 : f32 to vector<16xf32>
        %mul3A_687 = arith.mulf %get3A_685, %mul3A_686 : vector<16xf32>
        %max3A_688 = arith.maximumf %max3A_634, %mul3A_687 : vector<16xf32>
        %mul3A_689 = arith.constant 20 : i32
        %mul3A_690 = arith.muli %add3A_300, %mul3A_689 : i32
        %add3A_691 = arith.constant 7 : i32
        %add3A_692 = arith.addi %mul3A_690, %add3A_691 : i32
        %slice3A_693 = vector.extract_strided_slice %select_n3A {offsets = [7], sizes = [1], strides = [1]} : vector<16xf32> to vector<1xf32>
        %squeeze3A_694 = vector.extract %slice3A_693[0] : f32 from vector<1xf32>
        %get3A_695 = arith.index_cast %add3A_692 : i32 to index
        %get3A_696 = arith.constant 0 : index
        %get3A_697 = tpu.vector_load %arg9[%get3A_695, %get3A_696] {strides = array<i32>} : memref<160x128xf32, #tpu.memory_space<vmem>>, vector<16xf32>,
        %mul3A_698 = vector.broadcast %squeeze3A_694 : f32 to vector<16xf32>
        %mul3A_699 = arith.mulf %get3A_697, %mul3A_698 : vector<16xf32>
        %max3A_700 = arith.maximumf %max3A_646, %mul3A_699 : vector<16xf32>
        %get3A_701 = arith.index_cast %add3A_692 : i32 to index
        %get3A_702 = arith.constant 16 : index
        %get3A_703 = tpu.vector_load %arg9[%get3A_701, %get3A_702] {strides = array<i32>} : memref<160x128xf32, #tpu.memory_space<vmem>>, vector<16xf32>,
        %mul3A_704 = vector.broadcast %squeeze3A_694 : f32 to vector<16xf32>
        %mul3A_705 = arith.mulf %get3A_703, %mul3A_704 : vector<16xf32>
        %max3A_706 = arith.maximumf %max3A_652, %mul3A_705 : vector<16xf32>
        %get3A_707 = arith.index_cast %add3A_692 : i32 to index
        %get3A_708 = arith.constant 32 : index
        %get3A_709 = tpu.vector_load %arg9[%get3A_707, %get3A_708] {strides = array<i32>} : memref<160x128xf32, #tpu.memory_space<vmem>>, vector<16xf32>,
        %mul3A_710 = vector.broadcast %squeeze3A_694 : f32 to vector<16xf32>
        %mul3A_711 = arith.mulf %get3A_709, %mul3A_710 : vector<16xf32>
        %max3A_712 = arith.maximumf %max3A_658, %mul3A_711 : vector<16xf32>
        %get3A_713 = arith.index_cast %add3A_692 : i32 to index
        %get3A_714 = arith.constant 48 : index
        %get3A_715 = tpu.vector_load %arg9[%get3A_713, %get3A_714] {strides = array<i32>} : memref<160x128xf32, #tpu.memory_space<vmem>>, vector<16xf32>,
        %mul3A_716 = vector.broadcast %squeeze3A_694 : f32 to vector<16xf32>
        %mul3A_717 = arith.mulf %get3A_715, %mul3A_716 : vector<16xf32>
        %max3A_718 = arith.maximumf %max3A_664, %mul3A_717 : vector<16xf32>
        %get3A_719 = arith.index_cast %add3A_692 : i32 to index
        %get3A_720 = arith.constant 64 : index
        %get3A_721 = tpu.vector_load %arg9[%get3A_719, %get3A_720] {strides = array<i32>} : memref<160x128xf32, #tpu.memory_space<vmem>>, vector<16xf32>,
        %mul3A_722 = vector.broadcast %squeeze3A_694 : f32 to vector<16xf32>
        %mul3A_723 = arith.mulf %get3A_721, %mul3A_722 : vector<16xf32>
        %max3A_724 = arith.maximumf %max3A_670, %mul3A_723 : vector<16xf32>
        %get3A_725 = arith.index_cast %add3A_692 : i32 to index
        %get3A_726 = arith.constant 80 : index
        %get3A_727 = tpu.vector_load %arg9[%get3A_725, %get3A_726] {strides = array<i32>} : memref<160x128xf32, #tpu.memory_space<vmem>>, vector<16xf32>,
        %mul3A_728 = vector.broadcast %squeeze3A_694 : f32 to vector<16xf32>
        %mul3A_729 = arith.mulf %get3A_727, %mul3A_728 : vector<16xf32>
        %max3A_730 = arith.maximumf %max3A_676, %mul3A_729 : vector<16xf32>
        %get3A_731 = arith.index_cast %add3A_692 : i32 to index
        %get3A_732 = arith.constant 96 : index
        %get3A_733 = tpu.vector_load %arg9[%get3A_731, %get3A_732] {strides = array<i32>} : memref<160x128xf32, #tpu.memory_space<vmem>>, vector<16xf32>,
        %mul3A_734 = vector.broadcast %squeeze3A_694 : f32 to vector<16xf32>
        %mul3A_735 = arith.mulf %get3A_733, %mul3A_734 : vector<16xf32>
        %max3A_736 = arith.maximumf %max3A_682, %mul3A_735 : vector<16xf32>
        %get3A_737 = arith.index_cast %add3A_692 : i32 to index
        %get3A_738 = arith.constant 112 : index
        %get3A_739 = tpu.vector_load %arg9[%get3A_737, %get3A_738] {strides = array<i32>} : memref<160x128xf32, #tpu.memory_space<vmem>>, vector<16xf32>,
        %mul3A_740 = vector.broadcast %squeeze3A_694 : f32 to vector<16xf32>
        %mul3A_741 = arith.mulf %get3A_739, %mul3A_740 : vector<16xf32>
        %max3A_742 = arith.maximumf %max3A_688, %mul3A_741 : vector<16xf32>
        %mul3A_743 = arith.constant 20 : i32
        %mul3A_744 = arith.muli %add3A_300, %mul3A_743 : i32
        %add3A_745 = arith.constant 8 : i32
        %add3A_746 = arith.addi %mul3A_744, %add3A_745 : i32
        %slice3A_747 = vector.extract_strided_slice %select_n3A {offsets = [8], sizes = [1], strides = [1]} : vector<16xf32> to vector<1xf32>
        %squeeze3A_748 = vector.extract %slice3A_747[0] : f32 from vector<1xf32>
        %get3A_749 = arith.index_cast %add3A_746 : i32 to index
        %get3A_750 = arith.constant 0 : index
        %get3A_751 = tpu.vector_load %arg9[%get3A_749, %get3A_750] {strides = array<i32>} : memref<160x128xf32, #tpu.memory_space<vmem>>, vector<16xf32>,
        %mul3A_752 = vector.broadcast %squeeze3A_748 : f32 to vector<16xf32>
        %mul3A_753 = arith.mulf %get3A_751, %mul3A_752 : vector<16xf32>
        %max3A_754 = arith.maximumf %max3A_700, %mul3A_753 : vector<16xf32>
        %get3A_755 = arith.index_cast %add3A_746 : i32 to index
        %get3A_756 = arith.constant 16 : index
        %get3A_757 = tpu.vector_load %arg9[%get3A_755, %get3A_756] {strides = array<i32>} : memref<160x128xf32, #tpu.memory_space<vmem>>, vector<16xf32>,
        %mul3A_758 = vector.broadcast %squeeze3A_748 : f32 to vector<16xf32>
        %mul3A_759 = arith.mulf %get3A_757, %mul3A_758 : vector<16xf32>
        %max3A_760 = arith.maximumf %max3A_706, %mul3A_759 : vector<16xf32>
        %get3A_761 = arith.index_cast %add3A_746 : i32 to index
        %get3A_762 = arith.constant 32 : index
        %get3A_763 = tpu.vector_load %arg9[%get3A_761, %get3A_762] {strides = array<i32>} : memref<160x128xf32, #tpu.memory_space<vmem>>, vector<16xf32>,
        %mul3A_764 = vector.broadcast %squeeze3A_748 : f32 to vector<16xf32>
        %mul3A_765 = arith.mulf %get3A_763, %mul3A_764 : vector<16xf32>
        %max3A_766 = arith.maximumf %max3A_712, %mul3A_765 : vector<16xf32>
        %get3A_767 = arith.index_cast %add3A_746 : i32 to index
        %get3A_768 = arith.constant 48 : index
        %get3A_769 = tpu.vector_load %arg9[%get3A_767, %get3A_768] {strides = array<i32>} : memref<160x128xf32, #tpu.memory_space<vmem>>, vector<16xf32>,
        %mul3A_770 = vector.broadcast %squeeze3A_748 : f32 to vector<16xf32>
        %mul3A_771 = arith.mulf %get3A_769, %mul3A_770 : vector<16xf32>
        %max3A_772 = arith.maximumf %max3A_718, %mul3A_771 : vector<16xf32>
        %get3A_773 = arith.index_cast %add3A_746 : i32 to index
        %get3A_774 = arith.constant 64 : index
        %get3A_775 = tpu.vector_load %arg9[%get3A_773, %get3A_774] {strides = array<i32>} : memref<160x128xf32, #tpu.memory_space<vmem>>, vector<16xf32>,
        %mul3A_776 = vector.broadcast %squeeze3A_748 : f32 to vector<16xf32>
        %mul3A_777 = arith.mulf %get3A_775, %mul3A_776 : vector<16xf32>
        %max3A_778 = arith.maximumf %max3A_724, %mul3A_777 : vector<16xf32>
        %get3A_779 = arith.index_cast %add3A_746 : i32 to index
        %get3A_780 = arith.constant 80 : index
        %get3A_781 = tpu.vector_load %arg9[%get3A_779, %get3A_780] {strides = array<i32>} : memref<160x128xf32, #tpu.memory_space<vmem>>, vector<16xf32>,
        %mul3A_782 = vector.broadcast %squeeze3A_748 : f32 to vector<16xf32>
        %mul3A_783 = arith.mulf %get3A_781, %mul3A_782 : vector<16xf32>
        %max3A_784 = arith.maximumf %max3A_730, %mul3A_783 : vector<16xf32>
        %get3A_785 = arith.index_cast %add3A_746 : i32 to index
        %get3A_786 = arith.constant 96 : index
        %get3A_787 = tpu.vector_load %arg9[%get3A_785, %get3A_786] {strides = array<i32>} : memref<160x128xf32, #tpu.memory_space<vmem>>, vector<16xf32>,
        %mul3A_788 = vector.broadcast %squeeze3A_748 : f32 to vector<16xf32>
        %mul3A_789 = arith.mulf %get3A_787, %mul3A_788 : vector<16xf32>
        %max3A_790 = arith.maximumf %max3A_736, %mul3A_789 : vector<16xf32>
        %get3A_791 = arith.index_cast %add3A_746 : i32 to index
        %get3A_792 = arith.constant 112 : index
        %get3A_793 = tpu.vector_load %arg9[%get3A_791, %get3A_792] {strides = array<i32>} : memref<160x128xf32, #tpu.memory_space<vmem>>, vector<16xf32>,
        %mul3A_794 = vector.broadcast %squeeze3A_748 : f32 to vector<16xf32>
        %mul3A_795 = arith.mulf %get3A_793, %mul3A_794 : vector<16xf32>
        %max3A_796 = arith.maximumf %max3A_742, %mul3A_795 : vector<16xf32>
        %mul3A_797 = arith.constant 20 : i32
        %mul3A_798 = arith.muli %add3A_300, %mul3A_797 : i32
        %add3A_799 = arith.constant 9 : i32
        %add3A_800 = arith.addi %mul3A_798, %add3A_799 : i32
        %slice3A_801 = vector.extract_strided_slice %select_n3A {offsets = [9], sizes = [1], strides = [1]} : vector<16xf32> to vector<1xf32>
        %squeeze3A_802 = vector.extract %slice3A_801[0] : f32 from vector<1xf32>
        %get3A_803 = arith.index_cast %add3A_800 : i32 to index
        %get3A_804 = arith.constant 0 : index
        %get3A_805 = tpu.vector_load %arg9[%get3A_803, %get3A_804] {strides = array<i32>} : memref<160x128xf32, #tpu.memory_space<vmem>>, vector<16xf32>,
        %mul3A_806 = vector.broadcast %squeeze3A_802 : f32 to vector<16xf32>
        %mul3A_807 = arith.mulf %get3A_805, %mul3A_806 : vector<16xf32>
        %max3A_808 = arith.maximumf %max3A_754, %mul3A_807 : vector<16xf32>
        %get3A_809 = arith.index_cast %add3A_800 : i32 to index
        %get3A_810 = arith.constant 16 : index
        %get3A_811 = tpu.vector_load %arg9[%get3A_809, %get3A_810] {strides = array<i32>} : memref<160x128xf32, #tpu.memory_space<vmem>>, vector<16xf32>,
        %mul3A_812 = vector.broadcast %squeeze3A_802 : f32 to vector<16xf32>
        %mul3A_813 = arith.mulf %get3A_811, %mul3A_812 : vector<16xf32>
        %max3A_814 = arith.maximumf %max3A_760, %mul3A_813 : vector<16xf32>
        %get3A_815 = arith.index_cast %add3A_800 : i32 to index
        %get3A_816 = arith.constant 32 : index
        %get3A_817 = tpu.vector_load %arg9[%get3A_815, %get3A_816] {strides = array<i32>} : memref<160x128xf32, #tpu.memory_space<vmem>>, vector<16xf32>,
        %mul3A_818 = vector.broadcast %squeeze3A_802 : f32 to vector<16xf32>
        %mul3A_819 = arith.mulf %get3A_817, %mul3A_818 : vector<16xf32>
        %max3A_820 = arith.maximumf %max3A_766, %mul3A_819 : vector<16xf32>
        %get3A_821 = arith.index_cast %add3A_800 : i32 to index
        %get3A_822 = arith.constant 48 : index
        %get3A_823 = tpu.vector_load %arg9[%get3A_821, %get3A_822] {strides = array<i32>} : memref<160x128xf32, #tpu.memory_space<vmem>>, vector<16xf32>,
        %mul3A_824 = vector.broadcast %squeeze3A_802 : f32 to vector<16xf32>
        %mul3A_825 = arith.mulf %get3A_823, %mul3A_824 : vector<16xf32>
        %max3A_826 = arith.maximumf %max3A_772, %mul3A_825 : vector<16xf32>
        %get3A_827 = arith.index_cast %add3A_800 : i32 to index
        %get3A_828 = arith.constant 64 : index
        %get3A_829 = tpu.vector_load %arg9[%get3A_827, %get3A_828] {strides = array<i32>} : memref<160x128xf32, #tpu.memory_space<vmem>>, vector<16xf32>,
        %mul3A_830 = vector.broadcast %squeeze3A_802 : f32 to vector<16xf32>
        %mul3A_831 = arith.mulf %get3A_829, %mul3A_830 : vector<16xf32>
        %max3A_832 = arith.maximumf %max3A_778, %mul3A_831 : vector<16xf32>
        %get3A_833 = arith.index_cast %add3A_800 : i32 to index
        %get3A_834 = arith.constant 80 : index
        %get3A_835 = tpu.vector_load %arg9[%get3A_833, %get3A_834] {strides = array<i32>} : memref<160x128xf32, #tpu.memory_space<vmem>>, vector<16xf32>,
        %mul3A_836 = vector.broadcast %squeeze3A_802 : f32 to vector<16xf32>
        %mul3A_837 = arith.mulf %get3A_835, %mul3A_836 : vector<16xf32>
        %max3A_838 = arith.maximumf %max3A_784, %mul3A_837 : vector<16xf32>
        %get3A_839 = arith.index_cast %add3A_800 : i32 to index
        %get3A_840 = arith.constant 96 : index
        %get3A_841 = tpu.vector_load %arg9[%get3A_839, %get3A_840] {strides = array<i32>} : memref<160x128xf32, #tpu.memory_space<vmem>>, vector<16xf32>,
        %mul3A_842 = vector.broadcast %squeeze3A_802 : f32 to vector<16xf32>
        %mul3A_843 = arith.mulf %get3A_841, %mul3A_842 : vector<16xf32>
        %max3A_844 = arith.maximumf %max3A_790, %mul3A_843 : vector<16xf32>
        %get3A_845 = arith.index_cast %add3A_800 : i32 to index
        %get3A_846 = arith.constant 112 : index
        %get3A_847 = tpu.vector_load %arg9[%get3A_845, %get3A_846] {strides = array<i32>} : memref<160x128xf32, #tpu.memory_space<vmem>>, vector<16xf32>,
        %mul3A_848 = vector.broadcast %squeeze3A_802 : f32 to vector<16xf32>
        %mul3A_849 = arith.mulf %get3A_847, %mul3A_848 : vector<16xf32>
        %max3A_850 = arith.maximumf %max3A_796, %mul3A_849 : vector<16xf32>
        %mul3A_851 = arith.constant 20 : i32
        %mul3A_852 = arith.muli %add3A_300, %mul3A_851 : i32
        %add3A_853 = arith.constant 10 : i32
        %add3A_854 = arith.addi %mul3A_852, %add3A_853 : i32
        %slice3A_855 = vector.extract_strided_slice %select_n3A {offsets = [10], sizes = [1], strides = [1]} : vector<16xf32> to vector<1xf32>
        %squeeze3A_856 = vector.extract %slice3A_855[0] : f32 from vector<1xf32>
        %get3A_857 = arith.index_cast %add3A_854 : i32 to index
        %get3A_858 = arith.constant 0 : index
        %get3A_859 = tpu.vector_load %arg9[%get3A_857, %get3A_858] {strides = array<i32>} : memref<160x128xf32, #tpu.memory_space<vmem>>, vector<16xf32>,
        %mul3A_860 = vector.broadcast %squeeze3A_856 : f32 to vector<16xf32>
        %mul3A_861 = arith.mulf %get3A_859, %mul3A_860 : vector<16xf32>
        %max3A_862 = arith.maximumf %max3A_808, %mul3A_861 : vector<16xf32>
        %get3A_863 = arith.index_cast %add3A_854 : i32 to index
        %get3A_864 = arith.constant 16 : index
        %get3A_865 = tpu.vector_load %arg9[%get3A_863, %get3A_864] {strides = array<i32>} : memref<160x128xf32, #tpu.memory_space<vmem>>, vector<16xf32>,
        %mul3A_866 = vector.broadcast %squeeze3A_856 : f32 to vector<16xf32>
        %mul3A_867 = arith.mulf %get3A_865, %mul3A_866 : vector<16xf32>
        %max3A_868 = arith.maximumf %max3A_814, %mul3A_867 : vector<16xf32>
        %get3A_869 = arith.index_cast %add3A_854 : i32 to index
        %get3A_870 = arith.constant 32 : index
        %get3A_871 = tpu.vector_load %arg9[%get3A_869, %get3A_870] {strides = array<i32>} : memref<160x128xf32, #tpu.memory_space<vmem>>, vector<16xf32>,
        %mul3A_872 = vector.broadcast %squeeze3A_856 : f32 to vector<16xf32>
        %mul3A_873 = arith.mulf %get3A_871, %mul3A_872 : vector<16xf32>
        %max3A_874 = arith.maximumf %max3A_820, %mul3A_873 : vector<16xf32>
        %get3A_875 = arith.index_cast %add3A_854 : i32 to index
        %get3A_876 = arith.constant 48 : index
        %get3A_877 = tpu.vector_load %arg9[%get3A_875, %get3A_876] {strides = array<i32>} : memref<160x128xf32, #tpu.memory_space<vmem>>, vector<16xf32>,
        %mul3A_878 = vector.broadcast %squeeze3A_856 : f32 to vector<16xf32>
        %mul3A_879 = arith.mulf %get3A_877, %mul3A_878 : vector<16xf32>
        %max3A_880 = arith.maximumf %max3A_826, %mul3A_879 : vector<16xf32>
        %get3A_881 = arith.index_cast %add3A_854 : i32 to index
        %get3A_882 = arith.constant 64 : index
        %get3A_883 = tpu.vector_load %arg9[%get3A_881, %get3A_882] {strides = array<i32>} : memref<160x128xf32, #tpu.memory_space<vmem>>, vector<16xf32>,
        %mul3A_884 = vector.broadcast %squeeze3A_856 : f32 to vector<16xf32>
        %mul3A_885 = arith.mulf %get3A_883, %mul3A_884 : vector<16xf32>
        %max3A_886 = arith.maximumf %max3A_832, %mul3A_885 : vector<16xf32>
        %get3A_887 = arith.index_cast %add3A_854 : i32 to index
        %get3A_888 = arith.constant 80 : index
        %get3A_889 = tpu.vector_load %arg9[%get3A_887, %get3A_888] {strides = array<i32>} : memref<160x128xf32, #tpu.memory_space<vmem>>, vector<16xf32>,
        %mul3A_890 = vector.broadcast %squeeze3A_856 : f32 to vector<16xf32>
        %mul3A_891 = arith.mulf %get3A_889, %mul3A_890 : vector<16xf32>
        %max3A_892 = arith.maximumf %max3A_838, %mul3A_891 : vector<16xf32>
        %get3A_893 = arith.index_cast %add3A_854 : i32 to index
        %get3A_894 = arith.constant 96 : index
        %get3A_895 = tpu.vector_load %arg9[%get3A_893, %get3A_894] {strides = array<i32>} : memref<160x128xf32, #tpu.memory_space<vmem>>, vector<16xf32>,
        %mul3A_896 = vector.broadcast %squeeze3A_856 : f32 to vector<16xf32>
        %mul3A_897 = arith.mulf %get3A_895, %mul3A_896 : vector<16xf32>
        %max3A_898 = arith.maximumf %max3A_844, %mul3A_897 : vector<16xf32>
        %get3A_899 = arith.index_cast %add3A_854 : i32 to index
        %get3A_900 = arith.constant 112 : index
        %get3A_901 = tpu.vector_load %arg9[%get3A_899, %get3A_900] {strides = array<i32>} : memref<160x128xf32, #tpu.memory_space<vmem>>, vector<16xf32>,
        %mul3A_902 = vector.broadcast %squeeze3A_856 : f32 to vector<16xf32>
        %mul3A_903 = arith.mulf %get3A_901, %mul3A_902 : vector<16xf32>
        %max3A_904 = arith.maximumf %max3A_850, %mul3A_903 : vector<16xf32>
        %mul3A_905 = arith.constant 20 : i32
        %mul3A_906 = arith.muli %add3A_300, %mul3A_905 : i32
        %add3A_907 = arith.constant 11 : i32
        %add3A_908 = arith.addi %mul3A_906, %add3A_907 : i32
        %slice3A_909 = vector.extract_strided_slice %select_n3A {offsets = [11], sizes = [1], strides = [1]} : vector<16xf32> to vector<1xf32>
        %squeeze3A_910 = vector.extract %slice3A_909[0] : f32 from vector<1xf32>
        %get3A_911 = arith.index_cast %add3A_908 : i32 to index
        %get3A_912 = arith.constant 0 : index
        %get3A_913 = tpu.vector_load %arg9[%get3A_911, %get3A_912] {strides = array<i32>} : memref<160x128xf32, #tpu.memory_space<vmem>>, vector<16xf32>,
        %mul3A_914 = vector.broadcast %squeeze3A_910 : f32 to vector<16xf32>
        %mul3A_915 = arith.mulf %get3A_913, %mul3A_914 : vector<16xf32>
        %max3A_916 = arith.maximumf %max3A_862, %mul3A_915 : vector<16xf32>
        %get3A_917 = arith.index_cast %add3A_908 : i32 to index
        %get3A_918 = arith.constant 16 : index
        %get3A_919 = tpu.vector_load %arg9[%get3A_917, %get3A_918] {strides = array<i32>} : memref<160x128xf32, #tpu.memory_space<vmem>>, vector<16xf32>,
        %mul3A_920 = vector.broadcast %squeeze3A_910 : f32 to vector<16xf32>
        %mul3A_921 = arith.mulf %get3A_919, %mul3A_920 : vector<16xf32>
        %max3A_922 = arith.maximumf %max3A_868, %mul3A_921 : vector<16xf32>
        %get3A_923 = arith.index_cast %add3A_908 : i32 to index
        %get3A_924 = arith.constant 32 : index
        %get3A_925 = tpu.vector_load %arg9[%get3A_923, %get3A_924] {strides = array<i32>} : memref<160x128xf32, #tpu.memory_space<vmem>>, vector<16xf32>,
        %mul3A_926 = vector.broadcast %squeeze3A_910 : f32 to vector<16xf32>
        %mul3A_927 = arith.mulf %get3A_925, %mul3A_926 : vector<16xf32>
        %max3A_928 = arith.maximumf %max3A_874, %mul3A_927 : vector<16xf32>
        %get3A_929 = arith.index_cast %add3A_908 : i32 to index
        %get3A_930 = arith.constant 48 : index
        %get3A_931 = tpu.vector_load %arg9[%get3A_929, %get3A_930] {strides = array<i32>} : memref<160x128xf32, #tpu.memory_space<vmem>>, vector<16xf32>,
        %mul3A_932 = vector.broadcast %squeeze3A_910 : f32 to vector<16xf32>
        %mul3A_933 = arith.mulf %get3A_931, %mul3A_932 : vector<16xf32>
        %max3A_934 = arith.maximumf %max3A_880, %mul3A_933 : vector<16xf32>
        %get3A_935 = arith.index_cast %add3A_908 : i32 to index
        %get3A_936 = arith.constant 64 : index
        %get3A_937 = tpu.vector_load %arg9[%get3A_935, %get3A_936] {strides = array<i32>} : memref<160x128xf32, #tpu.memory_space<vmem>>, vector<16xf32>,
        %mul3A_938 = vector.broadcast %squeeze3A_910 : f32 to vector<16xf32>
        %mul3A_939 = arith.mulf %get3A_937, %mul3A_938 : vector<16xf32>
        %max3A_940 = arith.maximumf %max3A_886, %mul3A_939 : vector<16xf32>
        %get3A_941 = arith.index_cast %add3A_908 : i32 to index
        %get3A_942 = arith.constant 80 : index
        %get3A_943 = tpu.vector_load %arg9[%get3A_941, %get3A_942] {strides = array<i32>} : memref<160x128xf32, #tpu.memory_space<vmem>>, vector<16xf32>,
        %mul3A_944 = vector.broadcast %squeeze3A_910 : f32 to vector<16xf32>
        %mul3A_945 = arith.mulf %get3A_943, %mul3A_944 : vector<16xf32>
        %max3A_946 = arith.maximumf %max3A_892, %mul3A_945 : vector<16xf32>
        %get3A_947 = arith.index_cast %add3A_908 : i32 to index
        %get3A_948 = arith.constant 96 : index
        %get3A_949 = tpu.vector_load %arg9[%get3A_947, %get3A_948] {strides = array<i32>} : memref<160x128xf32, #tpu.memory_space<vmem>>, vector<16xf32>,
        %mul3A_950 = vector.broadcast %squeeze3A_910 : f32 to vector<16xf32>
        %mul3A_951 = arith.mulf %get3A_949, %mul3A_950 : vector<16xf32>
        %max3A_952 = arith.maximumf %max3A_898, %mul3A_951 : vector<16xf32>
        %get3A_953 = arith.index_cast %add3A_908 : i32 to index
        %get3A_954 = arith.constant 112 : index
        %get3A_955 = tpu.vector_load %arg9[%get3A_953, %get3A_954] {strides = array<i32>} : memref<160x128xf32, #tpu.memory_space<vmem>>, vector<16xf32>,
        %mul3A_956 = vector.broadcast %squeeze3A_910 : f32 to vector<16xf32>
        %mul3A_957 = arith.mulf %get3A_955, %mul3A_956 : vector<16xf32>
        %max3A_958 = arith.maximumf %max3A_904, %mul3A_957 : vector<16xf32>
        %mul3A_959 = arith.constant 20 : i32
        %mul3A_960 = arith.muli %add3A_300, %mul3A_959 : i32
        %add3A_961 = arith.constant 12 : i32
        %add3A_962 = arith.addi %mul3A_960, %add3A_961 : i32
        %slice3A_963 = vector.extract_strided_slice %select_n3A {offsets = [12], sizes = [1], strides = [1]} : vector<16xf32> to vector<1xf32>
        %squeeze3A_964 = vector.extract %slice3A_963[0] : f32 from vector<1xf32>
        %get3A_965 = arith.index_cast %add3A_962 : i32 to index
        %get3A_966 = arith.constant 0 : index
        %get3A_967 = tpu.vector_load %arg9[%get3A_965, %get3A_966] {strides = array<i32>} : memref<160x128xf32, #tpu.memory_space<vmem>>, vector<16xf32>,
        %mul3A_968 = vector.broadcast %squeeze3A_964 : f32 to vector<16xf32>
        %mul3A_969 = arith.mulf %get3A_967, %mul3A_968 : vector<16xf32>
        %max3A_970 = arith.maximumf %max3A_916, %mul3A_969 : vector<16xf32>
        %get3A_971 = arith.index_cast %add3A_962 : i32 to index
        %get3A_972 = arith.constant 16 : index
        %get3A_973 = tpu.vector_load %arg9[%get3A_971, %get3A_972] {strides = array<i32>} : memref<160x128xf32, #tpu.memory_space<vmem>>, vector<16xf32>,
        %mul3A_974 = vector.broadcast %squeeze3A_964 : f32 to vector<16xf32>
        %mul3A_975 = arith.mulf %get3A_973, %mul3A_974 : vector<16xf32>
        %max3A_976 = arith.maximumf %max3A_922, %mul3A_975 : vector<16xf32>
        %get3A_977 = arith.index_cast %add3A_962 : i32 to index
        %get3A_978 = arith.constant 32 : index
        %get3A_979 = tpu.vector_load %arg9[%get3A_977, %get3A_978] {strides = array<i32>} : memref<160x128xf32, #tpu.memory_space<vmem>>, vector<16xf32>,
        %mul3A_980 = vector.broadcast %squeeze3A_964 : f32 to vector<16xf32>
        %mul3A_981 = arith.mulf %get3A_979, %mul3A_980 : vector<16xf32>
        %max3A_982 = arith.maximumf %max3A_928, %mul3A_981 : vector<16xf32>
        %get3A_983 = arith.index_cast %add3A_962 : i32 to index
        %get3A_984 = arith.constant 48 : index
        %get3A_985 = tpu.vector_load %arg9[%get3A_983, %get3A_984] {strides = array<i32>} : memref<160x128xf32, #tpu.memory_space<vmem>>, vector<16xf32>,
        %mul3A_986 = vector.broadcast %squeeze3A_964 : f32 to vector<16xf32>
        %mul3A_987 = arith.mulf %get3A_985, %mul3A_986 : vector<16xf32>
        %max3A_988 = arith.maximumf %max3A_934, %mul3A_987 : vector<16xf32>
        %get3A_989 = arith.index_cast %add3A_962 : i32 to index
        %get3A_990 = arith.constant 64 : index
        %get3A_991 = tpu.vector_load %arg9[%get3A_989, %get3A_990] {strides = array<i32>} : memref<160x128xf32, #tpu.memory_space<vmem>>, vector<16xf32>,
        %mul3A_992 = vector.broadcast %squeeze3A_964 : f32 to vector<16xf32>
        %mul3A_993 = arith.mulf %get3A_991, %mul3A_992 : vector<16xf32>
        %max3A_994 = arith.maximumf %max3A_940, %mul3A_993 : vector<16xf32>
        %get3A_995 = arith.index_cast %add3A_962 : i32 to index
        %get3A_996 = arith.constant 80 : index
        %get3A_997 = tpu.vector_load %arg9[%get3A_995, %get3A_996] {strides = array<i32>} : memref<160x128xf32, #tpu.memory_space<vmem>>, vector<16xf32>,
        %mul3A_998 = vector.broadcast %squeeze3A_964 : f32 to vector<16xf32>
        %mul3A_999 = arith.mulf %get3A_997, %mul3A_998 : vector<16xf32>
        %max3A_1000 = arith.maximumf %max3A_946, %mul3A_999 : vector<16xf32>
        %get3A_1001 = arith.index_cast %add3A_962 : i32 to index
        %get3A_1002 = arith.constant 96 : index
        %get3A_1003 = tpu.vector_load %arg9[%get3A_1001, %get3A_1002] {strides = array<i32>} : memref<160x128xf32, #tpu.memory_space<vmem>>, vector<16xf32>,
        %mul3A_1004 = vector.broadcast %squeeze3A_964 : f32 to vector<16xf32>
        %mul3A_1005 = arith.mulf %get3A_1003, %mul3A_1004 : vector<16xf32>
        %max3A_1006 = arith.maximumf %max3A_952, %mul3A_1005 : vector<16xf32>
        %get3A_1007 = arith.index_cast %add3A_962 : i32 to index
        %get3A_1008 = arith.constant 112 : index
        %get3A_1009 = tpu.vector_load %arg9[%get3A_1007, %get3A_1008] {strides = array<i32>} : memref<160x128xf32, #tpu.memory_space<vmem>>, vector<16xf32>,
        %mul3A_1010 = vector.broadcast %squeeze3A_964 : f32 to vector<16xf32>
        %mul3A_1011 = arith.mulf %get3A_1009, %mul3A_1010 : vector<16xf32>
        %max3A_1012 = arith.maximumf %max3A_958, %mul3A_1011 : vector<16xf32>
        %mul3A_1013 = arith.constant 20 : i32
        %mul3A_1014 = arith.muli %add3A_300, %mul3A_1013 : i32
        %add3A_1015 = arith.constant 13 : i32
        %add3A_1016 = arith.addi %mul3A_1014, %add3A_1015 : i32
        %slice3A_1017 = vector.extract_strided_slice %select_n3A {offsets = [13], sizes = [1], strides = [1]} : vector<16xf32> to vector<1xf32>
        %squeeze3A_1018 = vector.extract %slice3A_1017[0] : f32 from vector<1xf32>
        %get3A_1019 = arith.index_cast %add3A_1016 : i32 to index
        %get3A_1020 = arith.constant 0 : index
        %get3A_1021 = tpu.vector_load %arg9[%get3A_1019, %get3A_1020] {strides = array<i32>} : memref<160x128xf32, #tpu.memory_space<vmem>>, vector<16xf32>,
        %mul3A_1022 = vector.broadcast %squeeze3A_1018 : f32 to vector<16xf32>
        %mul3A_1023 = arith.mulf %get3A_1021, %mul3A_1022 : vector<16xf32>
        %max3A_1024 = arith.maximumf %max3A_970, %mul3A_1023 : vector<16xf32>
        %get3A_1025 = arith.index_cast %add3A_1016 : i32 to index
        %get3A_1026 = arith.constant 16 : index
        %get3A_1027 = tpu.vector_load %arg9[%get3A_1025, %get3A_1026] {strides = array<i32>} : memref<160x128xf32, #tpu.memory_space<vmem>>, vector<16xf32>,
        %mul3A_1028 = vector.broadcast %squeeze3A_1018 : f32 to vector<16xf32>
        %mul3A_1029 = arith.mulf %get3A_1027, %mul3A_1028 : vector<16xf32>
        %max3A_1030 = arith.maximumf %max3A_976, %mul3A_1029 : vector<16xf32>
        %get3A_1031 = arith.index_cast %add3A_1016 : i32 to index
        %get3A_1032 = arith.constant 32 : index
        %get3A_1033 = tpu.vector_load %arg9[%get3A_1031, %get3A_1032] {strides = array<i32>} : memref<160x128xf32, #tpu.memory_space<vmem>>, vector<16xf32>,
        %mul3A_1034 = vector.broadcast %squeeze3A_1018 : f32 to vector<16xf32>
        %mul3A_1035 = arith.mulf %get3A_1033, %mul3A_1034 : vector<16xf32>
        %max3A_1036 = arith.maximumf %max3A_982, %mul3A_1035 : vector<16xf32>
        %get3A_1037 = arith.index_cast %add3A_1016 : i32 to index
        %get3A_1038 = arith.constant 48 : index
        %get3A_1039 = tpu.vector_load %arg9[%get3A_1037, %get3A_1038] {strides = array<i32>} : memref<160x128xf32, #tpu.memory_space<vmem>>, vector<16xf32>,
        %mul3A_1040 = vector.broadcast %squeeze3A_1018 : f32 to vector<16xf32>
        %mul3A_1041 = arith.mulf %get3A_1039, %mul3A_1040 : vector<16xf32>
        %max3A_1042 = arith.maximumf %max3A_988, %mul3A_1041 : vector<16xf32>
        %get3A_1043 = arith.index_cast %add3A_1016 : i32 to index
        %get3A_1044 = arith.constant 64 : index
        %get3A_1045 = tpu.vector_load %arg9[%get3A_1043, %get3A_1044] {strides = array<i32>} : memref<160x128xf32, #tpu.memory_space<vmem>>, vector<16xf32>,
        %mul3A_1046 = vector.broadcast %squeeze3A_1018 : f32 to vector<16xf32>
        %mul3A_1047 = arith.mulf %get3A_1045, %mul3A_1046 : vector<16xf32>
        %max3A_1048 = arith.maximumf %max3A_994, %mul3A_1047 : vector<16xf32>
        %get3A_1049 = arith.index_cast %add3A_1016 : i32 to index
        %get3A_1050 = arith.constant 80 : index
        %get3A_1051 = tpu.vector_load %arg9[%get3A_1049, %get3A_1050] {strides = array<i32>} : memref<160x128xf32, #tpu.memory_space<vmem>>, vector<16xf32>,
        %mul3A_1052 = vector.broadcast %squeeze3A_1018 : f32 to vector<16xf32>
        %mul3A_1053 = arith.mulf %get3A_1051, %mul3A_1052 : vector<16xf32>
        %max3A_1054 = arith.maximumf %max3A_1000, %mul3A_1053 : vector<16xf32>
        %get3A_1055 = arith.index_cast %add3A_1016 : i32 to index
        %get3A_1056 = arith.constant 96 : index
        %get3A_1057 = tpu.vector_load %arg9[%get3A_1055, %get3A_1056] {strides = array<i32>} : memref<160x128xf32, #tpu.memory_space<vmem>>, vector<16xf32>,
        %mul3A_1058 = vector.broadcast %squeeze3A_1018 : f32 to vector<16xf32>
        %mul3A_1059 = arith.mulf %get3A_1057, %mul3A_1058 : vector<16xf32>
        %max3A_1060 = arith.maximumf %max3A_1006, %mul3A_1059 : vector<16xf32>
        %get3A_1061 = arith.index_cast %add3A_1016 : i32 to index
        %get3A_1062 = arith.constant 112 : index
        %get3A_1063 = tpu.vector_load %arg9[%get3A_1061, %get3A_1062] {strides = array<i32>} : memref<160x128xf32, #tpu.memory_space<vmem>>, vector<16xf32>,
        %mul3A_1064 = vector.broadcast %squeeze3A_1018 : f32 to vector<16xf32>
        %mul3A_1065 = arith.mulf %get3A_1063, %mul3A_1064 : vector<16xf32>
        %max3A_1066 = arith.maximumf %max3A_1012, %mul3A_1065 : vector<16xf32>
        %mul3A_1067 = arith.constant 20 : i32
        %mul3A_1068 = arith.muli %add3A_300, %mul3A_1067 : i32
        %add3A_1069 = arith.constant 14 : i32
        %add3A_1070 = arith.addi %mul3A_1068, %add3A_1069 : i32
        %slice3A_1071 = vector.extract_strided_slice %select_n3A {offsets = [14], sizes = [1], strides = [1]} : vector<16xf32> to vector<1xf32>
        %squeeze3A_1072 = vector.extract %slice3A_1071[0] : f32 from vector<1xf32>
        %get3A_1073 = arith.index_cast %add3A_1070 : i32 to index
        %get3A_1074 = arith.constant 0 : index
        %get3A_1075 = tpu.vector_load %arg9[%get3A_1073, %get3A_1074] {strides = array<i32>} : memref<160x128xf32, #tpu.memory_space<vmem>>, vector<16xf32>,
        %mul3A_1076 = vector.broadcast %squeeze3A_1072 : f32 to vector<16xf32>
        %mul3A_1077 = arith.mulf %get3A_1075, %mul3A_1076 : vector<16xf32>
        %max3A_1078 = arith.maximumf %max3A_1024, %mul3A_1077 : vector<16xf32>
        %get3A_1079 = arith.index_cast %add3A_1070 : i32 to index
        %get3A_1080 = arith.constant 16 : index
        %get3A_1081 = tpu.vector_load %arg9[%get3A_1079, %get3A_1080] {strides = array<i32>} : memref<160x128xf32, #tpu.memory_space<vmem>>, vector<16xf32>,
        %mul3A_1082 = vector.broadcast %squeeze3A_1072 : f32 to vector<16xf32>
        %mul3A_1083 = arith.mulf %get3A_1081, %mul3A_1082 : vector<16xf32>
        %max3A_1084 = arith.maximumf %max3A_1030, %mul3A_1083 : vector<16xf32>
        %get3A_1085 = arith.index_cast %add3A_1070 : i32 to index
        %get3A_1086 = arith.constant 32 : index
        %get3A_1087 = tpu.vector_load %arg9[%get3A_1085, %get3A_1086] {strides = array<i32>} : memref<160x128xf32, #tpu.memory_space<vmem>>, vector<16xf32>,
        %mul3A_1088 = vector.broadcast %squeeze3A_1072 : f32 to vector<16xf32>
        %mul3A_1089 = arith.mulf %get3A_1087, %mul3A_1088 : vector<16xf32>
        %max3A_1090 = arith.maximumf %max3A_1036, %mul3A_1089 : vector<16xf32>
        %get3A_1091 = arith.index_cast %add3A_1070 : i32 to index
        %get3A_1092 = arith.constant 48 : index
        %get3A_1093 = tpu.vector_load %arg9[%get3A_1091, %get3A_1092] {strides = array<i32>} : memref<160x128xf32, #tpu.memory_space<vmem>>, vector<16xf32>,
        %mul3A_1094 = vector.broadcast %squeeze3A_1072 : f32 to vector<16xf32>
        %mul3A_1095 = arith.mulf %get3A_1093, %mul3A_1094 : vector<16xf32>
        %max3A_1096 = arith.maximumf %max3A_1042, %mul3A_1095 : vector<16xf32>
        %get3A_1097 = arith.index_cast %add3A_1070 : i32 to index
        %get3A_1098 = arith.constant 64 : index
        %get3A_1099 = tpu.vector_load %arg9[%get3A_1097, %get3A_1098] {strides = array<i32>} : memref<160x128xf32, #tpu.memory_space<vmem>>, vector<16xf32>,
        %mul3A_1100 = vector.broadcast %squeeze3A_1072 : f32 to vector<16xf32>
        %mul3A_1101 = arith.mulf %get3A_1099, %mul3A_1100 : vector<16xf32>
        %max3A_1102 = arith.maximumf %max3A_1048, %mul3A_1101 : vector<16xf32>
        %get3A_1103 = arith.index_cast %add3A_1070 : i32 to index
        %get3A_1104 = arith.constant 80 : index
        %get3A_1105 = tpu.vector_load %arg9[%get3A_1103, %get3A_1104] {strides = array<i32>} : memref<160x128xf32, #tpu.memory_space<vmem>>, vector<16xf32>,
        %mul3A_1106 = vector.broadcast %squeeze3A_1072 : f32 to vector<16xf32>
        %mul3A_1107 = arith.mulf %get3A_1105, %mul3A_1106 : vector<16xf32>
        %max3A_1108 = arith.maximumf %max3A_1054, %mul3A_1107 : vector<16xf32>
        %get3A_1109 = arith.index_cast %add3A_1070 : i32 to index
        %get3A_1110 = arith.constant 96 : index
        %get3A_1111 = tpu.vector_load %arg9[%get3A_1109, %get3A_1110] {strides = array<i32>} : memref<160x128xf32, #tpu.memory_space<vmem>>, vector<16xf32>,
        %mul3A_1112 = vector.broadcast %squeeze3A_1072 : f32 to vector<16xf32>
        %mul3A_1113 = arith.mulf %get3A_1111, %mul3A_1112 : vector<16xf32>
        %max3A_1114 = arith.maximumf %max3A_1060, %mul3A_1113 : vector<16xf32>
        %get3A_1115 = arith.index_cast %add3A_1070 : i32 to index
        %get3A_1116 = arith.constant 112 : index
        %get3A_1117 = tpu.vector_load %arg9[%get3A_1115, %get3A_1116] {strides = array<i32>} : memref<160x128xf32, #tpu.memory_space<vmem>>, vector<16xf32>,
        %mul3A_1118 = vector.broadcast %squeeze3A_1072 : f32 to vector<16xf32>
        %mul3A_1119 = arith.mulf %get3A_1117, %mul3A_1118 : vector<16xf32>
        %max3A_1120 = arith.maximumf %max3A_1066, %mul3A_1119 : vector<16xf32>
        %mul3A_1121 = arith.constant 20 : i32
        %mul3A_1122 = arith.muli %add3A_300, %mul3A_1121 : i32
        %add3A_1123 = arith.constant 15 : i32
        %add3A_1124 = arith.addi %mul3A_1122, %add3A_1123 : i32
        %slice3A_1125 = vector.extract_strided_slice %select_n3A {offsets = [15], sizes = [1], strides = [1]} : vector<16xf32> to vector<1xf32>
        %squeeze3A_1126 = vector.extract %slice3A_1125[0] : f32 from vector<1xf32>
        %get3A_1127 = arith.index_cast %add3A_1124 : i32 to index
        %get3A_1128 = arith.constant 0 : index
        %get3A_1129 = tpu.vector_load %arg9[%get3A_1127, %get3A_1128] {strides = array<i32>} : memref<160x128xf32, #tpu.memory_space<vmem>>, vector<16xf32>,
        %mul3A_1130 = vector.broadcast %squeeze3A_1126 : f32 to vector<16xf32>
        %mul3A_1131 = arith.mulf %get3A_1129, %mul3A_1130 : vector<16xf32>
        %max3A_1132 = arith.maximumf %max3A_1078, %mul3A_1131 : vector<16xf32>
        %get3A_1133 = arith.index_cast %add3A_1124 : i32 to index
        %get3A_1134 = arith.constant 16 : index
        %get3A_1135 = tpu.vector_load %arg9[%get3A_1133, %get3A_1134] {strides = array<i32>} : memref<160x128xf32, #tpu.memory_space<vmem>>, vector<16xf32>,
        %mul3A_1136 = vector.broadcast %squeeze3A_1126 : f32 to vector<16xf32>
        %mul3A_1137 = arith.mulf %get3A_1135, %mul3A_1136 : vector<16xf32>
        %max3A_1138 = arith.maximumf %max3A_1084, %mul3A_1137 : vector<16xf32>
        %get3A_1139 = arith.index_cast %add3A_1124 : i32 to index
        %get3A_1140 = arith.constant 32 : index
        %get3A_1141 = tpu.vector_load %arg9[%get3A_1139, %get3A_1140] {strides = array<i32>} : memref<160x128xf32, #tpu.memory_space<vmem>>, vector<16xf32>,
        %mul3A_1142 = vector.broadcast %squeeze3A_1126 : f32 to vector<16xf32>
        %mul3A_1143 = arith.mulf %get3A_1141, %mul3A_1142 : vector<16xf32>
        %max3A_1144 = arith.maximumf %max3A_1090, %mul3A_1143 : vector<16xf32>
        %get3A_1145 = arith.index_cast %add3A_1124 : i32 to index
        %get3A_1146 = arith.constant 48 : index
        %get3A_1147 = tpu.vector_load %arg9[%get3A_1145, %get3A_1146] {strides = array<i32>} : memref<160x128xf32, #tpu.memory_space<vmem>>, vector<16xf32>,
        %mul3A_1148 = vector.broadcast %squeeze3A_1126 : f32 to vector<16xf32>
        %mul3A_1149 = arith.mulf %get3A_1147, %mul3A_1148 : vector<16xf32>
        %max3A_1150 = arith.maximumf %max3A_1096, %mul3A_1149 : vector<16xf32>
        %get3A_1151 = arith.index_cast %add3A_1124 : i32 to index
        %get3A_1152 = arith.constant 64 : index
        %get3A_1153 = tpu.vector_load %arg9[%get3A_1151, %get3A_1152] {strides = array<i32>} : memref<160x128xf32, #tpu.memory_space<vmem>>, vector<16xf32>,
        %mul3A_1154 = vector.broadcast %squeeze3A_1126 : f32 to vector<16xf32>
        %mul3A_1155 = arith.mulf %get3A_1153, %mul3A_1154 : vector<16xf32>
        %max3A_1156 = arith.maximumf %max3A_1102, %mul3A_1155 : vector<16xf32>
        %get3A_1157 = arith.index_cast %add3A_1124 : i32 to index
        %get3A_1158 = arith.constant 80 : index
        %get3A_1159 = tpu.vector_load %arg9[%get3A_1157, %get3A_1158] {strides = array<i32>} : memref<160x128xf32, #tpu.memory_space<vmem>>, vector<16xf32>,
        %mul3A_1160 = vector.broadcast %squeeze3A_1126 : f32 to vector<16xf32>
        %mul3A_1161 = arith.mulf %get3A_1159, %mul3A_1160 : vector<16xf32>
        %max3A_1162 = arith.maximumf %max3A_1108, %mul3A_1161 : vector<16xf32>
        %get3A_1163 = arith.index_cast %add3A_1124 : i32 to index
        %get3A_1164 = arith.constant 96 : index
        %get3A_1165 = tpu.vector_load %arg9[%get3A_1163, %get3A_1164] {strides = array<i32>} : memref<160x128xf32, #tpu.memory_space<vmem>>, vector<16xf32>,
        %mul3A_1166 = vector.broadcast %squeeze3A_1126 : f32 to vector<16xf32>
        %mul3A_1167 = arith.mulf %get3A_1165, %mul3A_1166 : vector<16xf32>
        %max3A_1168 = arith.maximumf %max3A_1114, %mul3A_1167 : vector<16xf32>
        %get3A_1169 = arith.index_cast %add3A_1124 : i32 to index
        %get3A_1170 = arith.constant 112 : index
        %get3A_1171 = tpu.vector_load %arg9[%get3A_1169, %get3A_1170] {strides = array<i32>} : memref<160x128xf32, #tpu.memory_space<vmem>>, vector<16xf32>,
        %mul3A_1172 = vector.broadcast %squeeze3A_1126 : f32 to vector<16xf32>
        %mul3A_1173 = arith.mulf %get3A_1171, %mul3A_1172 : vector<16xf32>
        %max3A_1174 = arith.maximumf %max3A_1120, %mul3A_1173 : vector<16xf32>
        %mul3A_1175 = arith.constant 20 : i32
        %mul3A_1176 = arith.muli %add3A_300, %mul3A_1175 : i32
        %add3A_1177 = arith.constant 16 : i32
        %add3A_1178 = arith.addi %mul3A_1176, %add3A_1177 : i32
        %slice3A_1179 = vector.extract_strided_slice %select_n3A_321 {offsets = [12], sizes = [1], strides = [1]} : vector<16xf32> to vector<1xf32>
        %squeeze3A_1180 = vector.extract %slice3A_1179[0] : f32 from vector<1xf32>
        %get3A_1181 = arith.index_cast %add3A_1178 : i32 to index
        %get3A_1182 = arith.constant 0 : index
        %get3A_1183 = tpu.vector_load %arg9[%get3A_1181, %get3A_1182] {strides = array<i32>} : memref<160x128xf32, #tpu.memory_space<vmem>>, vector<16xf32>,
        %mul3A_1184 = vector.broadcast %squeeze3A_1180 : f32 to vector<16xf32>
        %mul3A_1185 = arith.mulf %get3A_1183, %mul3A_1184 : vector<16xf32>
        %max3A_1186 = arith.maximumf %max3A_1132, %mul3A_1185 : vector<16xf32>
        %get3A_1187 = arith.index_cast %add3A_1178 : i32 to index
        %get3A_1188 = arith.constant 16 : index
        %get3A_1189 = tpu.vector_load %arg9[%get3A_1187, %get3A_1188] {strides = array<i32>} : memref<160x128xf32, #tpu.memory_space<vmem>>, vector<16xf32>,
        %mul3A_1190 = vector.broadcast %squeeze3A_1180 : f32 to vector<16xf32>
        %mul3A_1191 = arith.mulf %get3A_1189, %mul3A_1190 : vector<16xf32>
        %max3A_1192 = arith.maximumf %max3A_1138, %mul3A_1191 : vector<16xf32>
        %get3A_1193 = arith.index_cast %add3A_1178 : i32 to index
        %get3A_1194 = arith.constant 32 : index
        %get3A_1195 = tpu.vector_load %arg9[%get3A_1193, %get3A_1194] {strides = array<i32>} : memref<160x128xf32, #tpu.memory_space<vmem>>, vector<16xf32>,
        %mul3A_1196 = vector.broadcast %squeeze3A_1180 : f32 to vector<16xf32>
        %mul3A_1197 = arith.mulf %get3A_1195, %mul3A_1196 : vector<16xf32>
        %max3A_1198 = arith.maximumf %max3A_1144, %mul3A_1197 : vector<16xf32>
        %get3A_1199 = arith.index_cast %add3A_1178 : i32 to index
        %get3A_1200 = arith.constant 48 : index
        %get3A_1201 = tpu.vector_load %arg9[%get3A_1199, %get3A_1200] {strides = array<i32>} : memref<160x128xf32, #tpu.memory_space<vmem>>, vector<16xf32>,
        %mul3A_1202 = vector.broadcast %squeeze3A_1180 : f32 to vector<16xf32>
        %mul3A_1203 = arith.mulf %get3A_1201, %mul3A_1202 : vector<16xf32>
        %max3A_1204 = arith.maximumf %max3A_1150, %mul3A_1203 : vector<16xf32>
        %get3A_1205 = arith.index_cast %add3A_1178 : i32 to index
        %get3A_1206 = arith.constant 64 : index
        %get3A_1207 = tpu.vector_load %arg9[%get3A_1205, %get3A_1206] {strides = array<i32>} : memref<160x128xf32, #tpu.memory_space<vmem>>, vector<16xf32>,
        %mul3A_1208 = vector.broadcast %squeeze3A_1180 : f32 to vector<16xf32>
        %mul3A_1209 = arith.mulf %get3A_1207, %mul3A_1208 : vector<16xf32>
        %max3A_1210 = arith.maximumf %max3A_1156, %mul3A_1209 : vector<16xf32>
        %get3A_1211 = arith.index_cast %add3A_1178 : i32 to index
        %get3A_1212 = arith.constant 80 : index
        %get3A_1213 = tpu.vector_load %arg9[%get3A_1211, %get3A_1212] {strides = array<i32>} : memref<160x128xf32, #tpu.memory_space<vmem>>, vector<16xf32>,
        %mul3A_1214 = vector.broadcast %squeeze3A_1180 : f32 to vector<16xf32>
        %mul3A_1215 = arith.mulf %get3A_1213, %mul3A_1214 : vector<16xf32>
        %max3A_1216 = arith.maximumf %max3A_1162, %mul3A_1215 : vector<16xf32>
        %get3A_1217 = arith.index_cast %add3A_1178 : i32 to index
        %get3A_1218 = arith.constant 96 : index
        %get3A_1219 = tpu.vector_load %arg9[%get3A_1217, %get3A_1218] {strides = array<i32>} : memref<160x128xf32, #tpu.memory_space<vmem>>, vector<16xf32>,
        %mul3A_1220 = vector.broadcast %squeeze3A_1180 : f32 to vector<16xf32>
        %mul3A_1221 = arith.mulf %get3A_1219, %mul3A_1220 : vector<16xf32>
        %max3A_1222 = arith.maximumf %max3A_1168, %mul3A_1221 : vector<16xf32>
        %get3A_1223 = arith.index_cast %add3A_1178 : i32 to index
        %get3A_1224 = arith.constant 112 : index
        %get3A_1225 = tpu.vector_load %arg9[%get3A_1223, %get3A_1224] {strides = array<i32>} : memref<160x128xf32, #tpu.memory_space<vmem>>, vector<16xf32>,
        %mul3A_1226 = vector.broadcast %squeeze3A_1180 : f32 to vector<16xf32>
        %mul3A_1227 = arith.mulf %get3A_1225, %mul3A_1226 : vector<16xf32>
        %max3A_1228 = arith.maximumf %max3A_1174, %mul3A_1227 : vector<16xf32>
        %mul3A_1229 = arith.constant 20 : i32
        %mul3A_1230 = arith.muli %add3A_300, %mul3A_1229 : i32
        %add3A_1231 = arith.constant 17 : i32
        %add3A_1232 = arith.addi %mul3A_1230, %add3A_1231 : i32
        %slice3A_1233 = vector.extract_strided_slice %select_n3A_321 {offsets = [13], sizes = [1], strides = [1]} : vector<16xf32> to vector<1xf32>
        %squeeze3A_1234 = vector.extract %slice3A_1233[0] : f32 from vector<1xf32>
        %get3A_1235 = arith.index_cast %add3A_1232 : i32 to index
        %get3A_1236 = arith.constant 0 : index
        %get3A_1237 = tpu.vector_load %arg9[%get3A_1235, %get3A_1236] {strides = array<i32>} : memref<160x128xf32, #tpu.memory_space<vmem>>, vector<16xf32>,
        %mul3A_1238 = vector.broadcast %squeeze3A_1234 : f32 to vector<16xf32>
        %mul3A_1239 = arith.mulf %get3A_1237, %mul3A_1238 : vector<16xf32>
        %max3A_1240 = arith.maximumf %max3A_1186, %mul3A_1239 : vector<16xf32>
        %get3A_1241 = arith.index_cast %add3A_1232 : i32 to index
        %get3A_1242 = arith.constant 16 : index
        %get3A_1243 = tpu.vector_load %arg9[%get3A_1241, %get3A_1242] {strides = array<i32>} : memref<160x128xf32, #tpu.memory_space<vmem>>, vector<16xf32>,
        %mul3A_1244 = vector.broadcast %squeeze3A_1234 : f32 to vector<16xf32>
        %mul3A_1245 = arith.mulf %get3A_1243, %mul3A_1244 : vector<16xf32>
        %max3A_1246 = arith.maximumf %max3A_1192, %mul3A_1245 : vector<16xf32>
        %get3A_1247 = arith.index_cast %add3A_1232 : i32 to index
        %get3A_1248 = arith.constant 32 : index
        %get3A_1249 = tpu.vector_load %arg9[%get3A_1247, %get3A_1248] {strides = array<i32>} : memref<160x128xf32, #tpu.memory_space<vmem>>, vector<16xf32>,
        %mul3A_1250 = vector.broadcast %squeeze3A_1234 : f32 to vector<16xf32>
        %mul3A_1251 = arith.mulf %get3A_1249, %mul3A_1250 : vector<16xf32>
        %max3A_1252 = arith.maximumf %max3A_1198, %mul3A_1251 : vector<16xf32>
        %get3A_1253 = arith.index_cast %add3A_1232 : i32 to index
        %get3A_1254 = arith.constant 48 : index
        %get3A_1255 = tpu.vector_load %arg9[%get3A_1253, %get3A_1254] {strides = array<i32>} : memref<160x128xf32, #tpu.memory_space<vmem>>, vector<16xf32>,
        %mul3A_1256 = vector.broadcast %squeeze3A_1234 : f32 to vector<16xf32>
        %mul3A_1257 = arith.mulf %get3A_1255, %mul3A_1256 : vector<16xf32>
        %max3A_1258 = arith.maximumf %max3A_1204, %mul3A_1257 : vector<16xf32>
        %get3A_1259 = arith.index_cast %add3A_1232 : i32 to index
        %get3A_1260 = arith.constant 64 : index
        %get3A_1261 = tpu.vector_load %arg9[%get3A_1259, %get3A_1260] {strides = array<i32>} : memref<160x128xf32, #tpu.memory_space<vmem>>, vector<16xf32>,
        %mul3A_1262 = vector.broadcast %squeeze3A_1234 : f32 to vector<16xf32>
        %mul3A_1263 = arith.mulf %get3A_1261, %mul3A_1262 : vector<16xf32>
        %max3A_1264 = arith.maximumf %max3A_1210, %mul3A_1263 : vector<16xf32>
        %get3A_1265 = arith.index_cast %add3A_1232 : i32 to index
        %get3A_1266 = arith.constant 80 : index
        %get3A_1267 = tpu.vector_load %arg9[%get3A_1265, %get3A_1266] {strides = array<i32>} : memref<160x128xf32, #tpu.memory_space<vmem>>, vector<16xf32>,
        %mul3A_1268 = vector.broadcast %squeeze3A_1234 : f32 to vector<16xf32>
        %mul3A_1269 = arith.mulf %get3A_1267, %mul3A_1268 : vector<16xf32>
        %max3A_1270 = arith.maximumf %max3A_1216, %mul3A_1269 : vector<16xf32>
        %get3A_1271 = arith.index_cast %add3A_1232 : i32 to index
        %get3A_1272 = arith.constant 96 : index
        %get3A_1273 = tpu.vector_load %arg9[%get3A_1271, %get3A_1272] {strides = array<i32>} : memref<160x128xf32, #tpu.memory_space<vmem>>, vector<16xf32>,
        %mul3A_1274 = vector.broadcast %squeeze3A_1234 : f32 to vector<16xf32>
        %mul3A_1275 = arith.mulf %get3A_1273, %mul3A_1274 : vector<16xf32>
        %max3A_1276 = arith.maximumf %max3A_1222, %mul3A_1275 : vector<16xf32>
        %get3A_1277 = arith.index_cast %add3A_1232 : i32 to index
        %get3A_1278 = arith.constant 112 : index
        %get3A_1279 = tpu.vector_load %arg9[%get3A_1277, %get3A_1278] {strides = array<i32>} : memref<160x128xf32, #tpu.memory_space<vmem>>, vector<16xf32>,
        %mul3A_1280 = vector.broadcast %squeeze3A_1234 : f32 to vector<16xf32>
        %mul3A_1281 = arith.mulf %get3A_1279, %mul3A_1280 : vector<16xf32>
        %max3A_1282 = arith.maximumf %max3A_1228, %mul3A_1281 : vector<16xf32>
        %mul3A_1283 = arith.constant 20 : i32
        %mul3A_1284 = arith.muli %add3A_300, %mul3A_1283 : i32
        %add3A_1285 = arith.constant 18 : i32
        %add3A_1286 = arith.addi %mul3A_1284, %add3A_1285 : i32
        %slice3A_1287 = vector.extract_strided_slice %select_n3A_321 {offsets = [14], sizes = [1], strides = [1]} : vector<16xf32> to vector<1xf32>
        %squeeze3A_1288 = vector.extract %slice3A_1287[0] : f32 from vector<1xf32>
        %get3A_1289 = arith.index_cast %add3A_1286 : i32 to index
        %get3A_1290 = arith.constant 0 : index
        %get3A_1291 = tpu.vector_load %arg9[%get3A_1289, %get3A_1290] {strides = array<i32>} : memref<160x128xf32, #tpu.memory_space<vmem>>, vector<16xf32>,
        %mul3A_1292 = vector.broadcast %squeeze3A_1288 : f32 to vector<16xf32>
        %mul3A_1293 = arith.mulf %get3A_1291, %mul3A_1292 : vector<16xf32>
        %max3A_1294 = arith.maximumf %max3A_1240, %mul3A_1293 : vector<16xf32>
        %get3A_1295 = arith.index_cast %add3A_1286 : i32 to index
        %get3A_1296 = arith.constant 16 : index
        %get3A_1297 = tpu.vector_load %arg9[%get3A_1295, %get3A_1296] {strides = array<i32>} : memref<160x128xf32, #tpu.memory_space<vmem>>, vector<16xf32>,
        %mul3A_1298 = vector.broadcast %squeeze3A_1288 : f32 to vector<16xf32>
        %mul3A_1299 = arith.mulf %get3A_1297, %mul3A_1298 : vector<16xf32>
        %max3A_1300 = arith.maximumf %max3A_1246, %mul3A_1299 : vector<16xf32>
        %get3A_1301 = arith.index_cast %add3A_1286 : i32 to index
        %get3A_1302 = arith.constant 32 : index
        %get3A_1303 = tpu.vector_load %arg9[%get3A_1301, %get3A_1302] {strides = array<i32>} : memref<160x128xf32, #tpu.memory_space<vmem>>, vector<16xf32>,
        %mul3A_1304 = vector.broadcast %squeeze3A_1288 : f32 to vector<16xf32>
        %mul3A_1305 = arith.mulf %get3A_1303, %mul3A_1304 : vector<16xf32>
        %max3A_1306 = arith.maximumf %max3A_1252, %mul3A_1305 : vector<16xf32>
        %get3A_1307 = arith.index_cast %add3A_1286 : i32 to index
        %get3A_1308 = arith.constant 48 : index
        %get3A_1309 = tpu.vector_load %arg9[%get3A_1307, %get3A_1308] {strides = array<i32>} : memref<160x128xf32, #tpu.memory_space<vmem>>, vector<16xf32>,
        %mul3A_1310 = vector.broadcast %squeeze3A_1288 : f32 to vector<16xf32>
        %mul3A_1311 = arith.mulf %get3A_1309, %mul3A_1310 : vector<16xf32>
        %max3A_1312 = arith.maximumf %max3A_1258, %mul3A_1311 : vector<16xf32>
        %get3A_1313 = arith.index_cast %add3A_1286 : i32 to index
        %get3A_1314 = arith.constant 64 : index
        %get3A_1315 = tpu.vector_load %arg9[%get3A_1313, %get3A_1314] {strides = array<i32>} : memref<160x128xf32, #tpu.memory_space<vmem>>, vector<16xf32>,
        %mul3A_1316 = vector.broadcast %squeeze3A_1288 : f32 to vector<16xf32>
        %mul3A_1317 = arith.mulf %get3A_1315, %mul3A_1316 : vector<16xf32>
        %max3A_1318 = arith.maximumf %max3A_1264, %mul3A_1317 : vector<16xf32>
        %get3A_1319 = arith.index_cast %add3A_1286 : i32 to index
        %get3A_1320 = arith.constant 80 : index
        %get3A_1321 = tpu.vector_load %arg9[%get3A_1319, %get3A_1320] {strides = array<i32>} : memref<160x128xf32, #tpu.memory_space<vmem>>, vector<16xf32>,
        %mul3A_1322 = vector.broadcast %squeeze3A_1288 : f32 to vector<16xf32>
        %mul3A_1323 = arith.mulf %get3A_1321, %mul3A_1322 : vector<16xf32>
        %max3A_1324 = arith.maximumf %max3A_1270, %mul3A_1323 : vector<16xf32>
        %get3A_1325 = arith.index_cast %add3A_1286 : i32 to index
        %get3A_1326 = arith.constant 96 : index
        %get3A_1327 = tpu.vector_load %arg9[%get3A_1325, %get3A_1326] {strides = array<i32>} : memref<160x128xf32, #tpu.memory_space<vmem>>, vector<16xf32>,
        %mul3A_1328 = vector.broadcast %squeeze3A_1288 : f32 to vector<16xf32>
        %mul3A_1329 = arith.mulf %get3A_1327, %mul3A_1328 : vector<16xf32>
        %max3A_1330 = arith.maximumf %max3A_1276, %mul3A_1329 : vector<16xf32>
        %get3A_1331 = arith.index_cast %add3A_1286 : i32 to index
        %get3A_1332 = arith.constant 112 : index
        %get3A_1333 = tpu.vector_load %arg9[%get3A_1331, %get3A_1332] {strides = array<i32>} : memref<160x128xf32, #tpu.memory_space<vmem>>, vector<16xf32>,
        %mul3A_1334 = vector.broadcast %squeeze3A_1288 : f32 to vector<16xf32>
        %mul3A_1335 = arith.mulf %get3A_1333, %mul3A_1334 : vector<16xf32>
        %max3A_1336 = arith.maximumf %max3A_1282, %mul3A_1335 : vector<16xf32>
        %mul3A_1337 = arith.constant 20 : i32
        %mul3A_1338 = arith.muli %add3A_300, %mul3A_1337 : i32
        %add3A_1339 = arith.constant 19 : i32
        %add3A_1340 = arith.addi %mul3A_1338, %add3A_1339 : i32
        %slice3A_1341 = vector.extract_strided_slice %select_n3A_321 {offsets = [15], sizes = [1], strides = [1]} : vector<16xf32> to vector<1xf32>
        %squeeze3A_1342 = vector.extract %slice3A_1341[0] : f32 from vector<1xf32>
        %get3A_1343 = arith.index_cast %add3A_1340 : i32 to index
        %get3A_1344 = arith.constant 0 : index
        %get3A_1345 = tpu.vector_load %arg9[%get3A_1343, %get3A_1344] {strides = array<i32>} : memref<160x128xf32, #tpu.memory_space<vmem>>, vector<16xf32>,
        %mul3A_1346 = vector.broadcast %squeeze3A_1342 : f32 to vector<16xf32>
        %mul3A_1347 = arith.mulf %get3A_1345, %mul3A_1346 : vector<16xf32>
        %max3A_1348 = arith.maximumf %max3A_1294, %mul3A_1347 : vector<16xf32>
        %get3A_1349 = arith.index_cast %add3A_1340 : i32 to index
        %get3A_1350 = arith.constant 16 : index
        %get3A_1351 = tpu.vector_load %arg9[%get3A_1349, %get3A_1350] {strides = array<i32>} : memref<160x128xf32, #tpu.memory_space<vmem>>, vector<16xf32>,
        %mul3A_1352 = vector.broadcast %squeeze3A_1342 : f32 to vector<16xf32>
        %mul3A_1353 = arith.mulf %get3A_1351, %mul3A_1352 : vector<16xf32>
        %max3A_1354 = arith.maximumf %max3A_1300, %mul3A_1353 : vector<16xf32>
        %get3A_1355 = arith.index_cast %add3A_1340 : i32 to index
        %get3A_1356 = arith.constant 32 : index
        %get3A_1357 = tpu.vector_load %arg9[%get3A_1355, %get3A_1356] {strides = array<i32>} : memref<160x128xf32, #tpu.memory_space<vmem>>, vector<16xf32>,
        %mul3A_1358 = vector.broadcast %squeeze3A_1342 : f32 to vector<16xf32>
        %mul3A_1359 = arith.mulf %get3A_1357, %mul3A_1358 : vector<16xf32>
        %max3A_1360 = arith.maximumf %max3A_1306, %mul3A_1359 : vector<16xf32>
        %get3A_1361 = arith.index_cast %add3A_1340 : i32 to index
        %get3A_1362 = arith.constant 48 : index
        %get3A_1363 = tpu.vector_load %arg9[%get3A_1361, %get3A_1362] {strides = array<i32>} : memref<160x128xf32, #tpu.memory_space<vmem>>, vector<16xf32>,
        %mul3A_1364 = vector.broadcast %squeeze3A_1342 : f32 to vector<16xf32>
        %mul3A_1365 = arith.mulf %get3A_1363, %mul3A_1364 : vector<16xf32>
        %max3A_1366 = arith.maximumf %max3A_1312, %mul3A_1365 : vector<16xf32>
        %get3A_1367 = arith.index_cast %add3A_1340 : i32 to index
        %get3A_1368 = arith.constant 64 : index
        %get3A_1369 = tpu.vector_load %arg9[%get3A_1367, %get3A_1368] {strides = array<i32>} : memref<160x128xf32, #tpu.memory_space<vmem>>, vector<16xf32>,
        %mul3A_1370 = vector.broadcast %squeeze3A_1342 : f32 to vector<16xf32>
        %mul3A_1371 = arith.mulf %get3A_1369, %mul3A_1370 : vector<16xf32>
        %max3A_1372 = arith.maximumf %max3A_1318, %mul3A_1371 : vector<16xf32>
        %get3A_1373 = arith.index_cast %add3A_1340 : i32 to index
        %get3A_1374 = arith.constant 80 : index
        %get3A_1375 = tpu.vector_load %arg9[%get3A_1373, %get3A_1374] {strides = array<i32>} : memref<160x128xf32, #tpu.memory_space<vmem>>, vector<16xf32>,
        %mul3A_1376 = vector.broadcast %squeeze3A_1342 : f32 to vector<16xf32>
        %mul3A_1377 = arith.mulf %get3A_1375, %mul3A_1376 : vector<16xf32>
        %max3A_1378 = arith.maximumf %max3A_1324, %mul3A_1377 : vector<16xf32>
        %get3A_1379 = arith.index_cast %add3A_1340 : i32 to index
        %get3A_1380 = arith.constant 96 : index
        %get3A_1381 = tpu.vector_load %arg9[%get3A_1379, %get3A_1380] {strides = array<i32>} : memref<160x128xf32, #tpu.memory_space<vmem>>, vector<16xf32>,
        %mul3A_1382 = vector.broadcast %squeeze3A_1342 : f32 to vector<16xf32>
        %mul3A_1383 = arith.mulf %get3A_1381, %mul3A_1382 : vector<16xf32>
        %max3A_1384 = arith.maximumf %max3A_1330, %mul3A_1383 : vector<16xf32>
        %get3A_1385 = arith.index_cast %add3A_1340 : i32 to index
        %get3A_1386 = arith.constant 112 : index
        %get3A_1387 = tpu.vector_load %arg9[%get3A_1385, %get3A_1386] {strides = array<i32>} : memref<160x128xf32, #tpu.memory_space<vmem>>, vector<16xf32>,
        %mul3A_1388 = vector.broadcast %squeeze3A_1342 : f32 to vector<16xf32>
        %mul3A_1389 = arith.mulf %get3A_1387, %mul3A_1388 : vector<16xf32>
        %max3A_1390 = arith.maximumf %max3A_1336, %mul3A_1389 : vector<16xf32>
        %swap3A = arith.index_cast %add3A_300 : i32 to index
        %swap3A_1391 = arith.constant 0 : index
        %swap3A_1392 = tpu.vector_load %arg13[%swap3A, %swap3A_1391] {strides = array<i32>} : memref<8x128xf32, #tpu.memory_space<vmem>>, vector<16xf32>,
        tpu.vector_store %arg13[%swap3A, %swap3A_1391], %max3A_1348 {strides = array<i32>} : memref<8x128xf32, #tpu.memory_space<vmem>>, vector<16xf32>,
        %swap3A_1393 = arith.index_cast %add3A_300 : i32 to index
        %swap3A_1394 = arith.constant 16 : index
        %swap3A_1395 = tpu.vector_load %arg13[%swap3A_1393, %swap3A_1394] {strides = array<i32>} : memref<8x128xf32, #tpu.memory_space<vmem>>, vector<16xf32>,
        tpu.vector_store %arg13[%swap3A_1393, %swap3A_1394], %max3A_1354 {strides = array<i32>} : memref<8x128xf32, #tpu.memory_space<vmem>>, vector<16xf32>,
        %swap3A_1396 = arith.index_cast %add3A_300 : i32 to index
        %swap3A_1397 = arith.constant 32 : index
        %swap3A_1398 = tpu.vector_load %arg13[%swap3A_1396, %swap3A_1397] {strides = array<i32>} : memref<8x128xf32, #tpu.memory_space<vmem>>, vector<16xf32>,
        tpu.vector_store %arg13[%swap3A_1396, %swap3A_1397], %max3A_1360 {strides = array<i32>} : memref<8x128xf32, #tpu.memory_space<vmem>>, vector<16xf32>,
        %swap3A_1399 = arith.index_cast %add3A_300 : i32 to index
        %swap3A_1400 = arith.constant 48 : index
        %swap3A_1401 = tpu.vector_load %arg13[%swap3A_1399, %swap3A_1400] {strides = array<i32>} : memref<8x128xf32, #tpu.memory_space<vmem>>, vector<16xf32>,
        tpu.vector_store %arg13[%swap3A_1399, %swap3A_1400], %max3A_1366 {strides = array<i32>} : memref<8x128xf32, #tpu.memory_space<vmem>>, vector<16xf32>,
        %swap3A_1402 = arith.index_cast %add3A_300 : i32 to index
        %swap3A_1403 = arith.constant 64 : index
        %swap3A_1404 = tpu.vector_load %arg13[%swap3A_1402, %swap3A_1403] {strides = array<i32>} : memref<8x128xf32, #tpu.memory_space<vmem>>, vector<16xf32>,
        tpu.vector_store %arg13[%swap3A_1402, %swap3A_1403], %max3A_1372 {strides = array<i32>} : memref<8x128xf32, #tpu.memory_space<vmem>>, vector<16xf32>,
        %swap3A_1405 = arith.index_cast %add3A_300 : i32 to index
        %swap3A_1406 = arith.constant 80 : index
        %swap3A_1407 = tpu.vector_load %arg13[%swap3A_1405, %swap3A_1406] {strides = array<i32>} : memref<8x128xf32, #tpu.memory_space<vmem>>, vector<16xf32>,
        tpu.vector_store %arg13[%swap3A_1405, %swap3A_1406], %max3A_1378 {strides = array<i32>} : memref<8x128xf32, #tpu.memory_space<vmem>>, vector<16xf32>,
        %swap3A_1408 = arith.index_cast %add3A_300 : i32 to index
        %swap3A_1409 = arith.constant 96 : index
        %swap3A_1410 = tpu.vector_load %arg13[%swap3A_1408, %swap3A_1409] {strides = array<i32>} : memref<8x128xf32, #tpu.memory_space<vmem>>, vector<16xf32>,
        tpu.vector_store %arg13[%swap3A_1408, %swap3A_1409], %max3A_1384 {strides = array<i32>} : memref<8x128xf32, #tpu.memory_space<vmem>>, vector<16xf32>,
        %swap3A_1411 = arith.index_cast %add3A_300 : i32 to index
        %swap3A_1412 = arith.constant 112 : index
        %swap3A_1413 = tpu.vector_load %arg13[%swap3A_1411, %swap3A_1412] {strides = array<i32>} : memref<8x128xf32, #tpu.memory_space<vmem>>, vector<16xf32>,
        tpu.vector_store %arg13[%swap3A_1411, %swap3A_1412], %max3A_1390 {strides = array<i32>} : memref<8x128xf32, #tpu.memory_space<vmem>>, vector<16xf32>,
      }
      %scan3A_281 = arith.constant 8 : i32
      %add3A_282 = arith.constant 4 : i32
      %add3A_283 = arith.addi %add3A_247, %add3A_282 : i32
      %lt3A_284 = arith.constant 80 : i32
      %lt3A_285 = arith.cmpi slt, %add3A_283, %lt3A_284 : i32
      %convert_element_type3A_286 = arith.extui %lt3A_285 : i1 to i32
      %cond3A_287 = arith.constant 0 : i32
      %cond3A_288 = arith.cmpi ne, %convert_element_type3A_286, %cond3A_287 : i32
      scf.if %cond3A_288 {
        %add3A_296 = arith.constant 4 : i32
        %add3A_297 = arith.addi %add3A_247, %add3A_296 : i32
        %mul3A_298 = arith.constant 160 : i32
        %mul3A_299 = arith.muli %add3A_297, %mul3A_298 : i32
        %add3A_300 = arith.constant 0 : i32
        %add3A_301 = arith.addi %mul3A_299, %add3A_300 : i32
        %dma_start3A_302 = arith.constant 0 : i32
        %dma_start3A_303 = arith.constant 0 : i32
        %dma_start3A_304 = tpu.memref_slice %arg9[%dma_start3A_302, %dma_start3A_303] : memref<160x128xf32, #tpu.memory_space<vmem>> -> memref<80x128xf32, #tpu.memory_space<vmem>>
        %dma_start3A_305 = tpu.memref_slice %arg5[%add3A_301] : memref<12800xi32, #tpu.memory_space<vmem>> -> memref<80xi32, #tpu.memory_space<vmem>>
        %dma_start3A_306 = arith.constant 0 : i32
        %dma_start3A_307 = arith.constant 0 : i32
        %dma_start3A_308 = tpu.memref_slice %arg3[%dma_start3A_306, %dma_start3A_307] : memref<100000x128xf32, #tpu.memory_space<hbm>> -> memref<100000x128xf32, #tpu.memory_space<hbm>>
        tpu.enqueue_indirect_dma source(%dma_start3A_308 : memref<100000x128xf32, #tpu.memory_space<hbm>>) target(%dma_start3A_304 : memref<80x128xf32, #tpu.memory_space<vmem>>) offsets(%dma_start3A_305 : memref<80xi32, #tpu.memory_space<vmem>>) semaphore(%arg17 : memref<!tpu.dma_semaphore, #tpu.memory_space<semaphore_mem>>)
        %mul3A_309 = arith.constant 160 : i32
        %mul3A_310 = arith.muli %add3A_297, %mul3A_309 : i32
        %add3A_311 = arith.constant 80 : i32
        %add3A_312 = arith.addi %mul3A_310, %add3A_311 : i32
        %dma_start3A_313 = arith.constant 80 : i32
        %dma_start3A_314 = arith.constant 0 : i32
        %dma_start3A_315 = tpu.memref_slice %arg9[%dma_start3A_313, %dma_start3A_314] : memref<160x128xf32, #tpu.memory_space<vmem>> -> memref<80x128xf32, #tpu.memory_space<vmem>>
        %dma_start3A_316 = tpu.memref_slice %arg5[%add3A_312] : memref<12800xi32, #tpu.memory_space<vmem>> -> memref<80xi32, #tpu.memory_space<vmem>>
        %dma_start3A_317 = arith.constant 0 : i32
        %dma_start3A_318 = arith.constant 0 : i32
        %dma_start3A_319 = tpu.memref_slice %arg3[%dma_start3A_317, %dma_start3A_318] : memref<100000x128xf32, #tpu.memory_space<hbm>> -> memref<100000x128xf32, #tpu.memory_space<hbm>>
        tpu.enqueue_indirect_dma source(%dma_start3A_319 : memref<100000x128xf32, #tpu.memory_space<hbm>>) target(%dma_start3A_315 : memref<80x128xf32, #tpu.memory_space<vmem>>) offsets(%dma_start3A_316 : memref<80xi32, #tpu.memory_space<vmem>>) semaphore(%arg17 : memref<!tpu.dma_semaphore, #tpu.memory_space<semaphore_mem>>)
      } else {
      }
      %mul3A_289 = arith.constant 8 : i32
      %mul3A_290 = arith.muli %add3A_247, %mul3A_289 : i32
      %add3A_291 = arith.addi %mul3A_4, %mul3A_290 : i32
      %dma_start3A_292 = arith.constant 0 : i32
      %dma_start3A_293 = tpu.memref_slice %arg4[%add3A_291, %dma_start3A_292] : memref<20480x128xf32, #tpu.memory_space<hbm>> -> memref<8x128xf32, #tpu.memory_space<hbm>>
      %dma_start3A_294 = arith.constant 0 : i32
      %dma_start3A_295 = tpu.memref_slice %arg4[%add3A_291, %dma_start3A_294] : memref<20480x128xf32, #tpu.memory_space<hbm>> -> memref<8x128xf32, #tpu.memory_space<hbm>>
      tpu.enqueue_dma source(%arg13 : memref<8x128xf32, #tpu.memory_space<vmem>>) target(%dma_start3A_295 : memref<8x128xf32, #tpu.memory_space<hbm>>) target_semaphore(%arg21 : memref<!tpu.dma_semaphore, #tpu.memory_space<semaphore_mem>>)
    }
    %scan3A_71 = arith.constant 20 : i32
    %add3A_72 = arith.constant 608 : i32
    %add3A_73 = arith.addi %mul3A_4, %add3A_72 : i32
    %dma_wait3A = arith.constant 0 : i32
    %dma_wait3A_74 = tpu.memref_slice %arg4[%add3A_73, %dma_wait3A] : memref<20480x128xf32, #tpu.memory_space<hbm>> -> memref<8x128xf32, #tpu.memory_space<hbm>>
    %dma_wait3A_75 = arith.constant 0 : i32
    %dma_wait3A_76 = tpu.memref_slice %arg4[%add3A_73, %dma_wait3A_75] : memref<20480x128xf32, #tpu.memory_space<hbm>> -> memref<8x128xf32, #tpu.memory_space<hbm>>
    tpu.wait_dma2 semaphore(%arg18 : memref<!tpu.dma_semaphore, #tpu.memory_space<semaphore_mem>>) src(%arg10 : memref<8x128xf32, #tpu.memory_space<vmem>>) dst(%dma_wait3A_76 : memref<8x128xf32, #tpu.memory_space<hbm>>)
    %add3A_77 = arith.constant 616 : i32
    %add3A_78 = arith.addi %mul3A_4, %add3A_77 : i32
    %dma_wait3A_79 = arith.constant 0 : i32
    %dma_wait3A_80 = tpu.memref_slice %arg4[%add3A_78, %dma_wait3A_79] : memref<20480x128xf32, #tpu.memory_space<hbm>> -> memref<8x128xf32, #tpu.memory_space<hbm>>
    %dma_wait3A_81 = arith.constant 0 : i32
    %dma_wait3A_82 = tpu.memref_slice %arg4[%add3A_78, %dma_wait3A_81] : memref<20480x128xf32, #tpu.memory_space<hbm>> -> memref<8x128xf32, #tpu.memory_space<hbm>>
    tpu.wait_dma2 semaphore(%arg19 : memref<!tpu.dma_semaphore, #tpu.memory_space<semaphore_mem>>) src(%arg11 : memref<8x128xf32, #tpu.memory_space<vmem>>) dst(%dma_wait3A_82 : memref<8x128xf32, #tpu.memory_space<hbm>>)
    %add3A_83 = arith.constant 624 : i32
    %add3A_84 = arith.addi %mul3A_4, %add3A_83 : i32
    %dma_wait3A_85 = arith.constant 0 : i32
    %dma_wait3A_86 = tpu.memref_slice %arg4[%add3A_84, %dma_wait3A_85] : memref<20480x128xf32, #tpu.memory_space<hbm>> -> memref<8x128xf32, #tpu.memory_space<hbm>>
    %dma_wait3A_87 = arith.constant 0 : i32
    %dma_wait3A_88 = tpu.memref_slice %arg4[%add3A_84, %dma_wait3A_87] : memref<20480x128xf32, #tpu.memory_space<hbm>> -> memref<8x128xf32, #tpu.memory_space<hbm>>
    tpu.wait_dma2 semaphore(%arg20 : memref<!tpu.dma_semaphore, #tpu.memory_space<semaphore_mem>>) src(%arg12 : memref<8x128xf32, #tpu.memory_space<vmem>>) dst(%dma_wait3A_88 : memref<8x128xf32, #tpu.memory_space<hbm>>)
    %add3A_89 = arith.constant 632 : i32
    %add3A_90 = arith.addi %mul3A_4, %add3A_89 : i32
    %dma_wait3A_91 = arith.constant 0 : i32
    %dma_wait3A_92 = tpu.memref_slice %arg4[%add3A_90, %dma_wait3A_91] : memref<20480x128xf32, #tpu.memory_space<hbm>> -> memref<8x128xf32, #tpu.memory_space<hbm>>
    %dma_wait3A_93 = arith.constant 0 : i32
    %dma_wait3A_94 = tpu.memref_slice %arg4[%add3A_90, %dma_wait3A_93] : memref<20480x128xf32, #tpu.memory_space<hbm>> -> memref<8x128xf32, #tpu.memory_space<hbm>>
    tpu.wait_dma2 semaphore(%arg21 : memref<!tpu.dma_semaphore, #tpu.memory_space<semaphore_mem>>) src(%arg13 : memref<8x128xf32, #tpu.memory_space<vmem>>) dst(%dma_wait3A_94 : memref<8x128xf32, #tpu.memory_space<hbm>>)
    return
  }
}

</mosaic_0001>

<sc_bundles>
// kernel: kernel.3.cloned.1.call-start
scs
__scs_entry_jumppad:
0x0: {  	(pc) =	sbr.rel $0x88, $3  }
0x1: {  	(tag) =	ssettag $0x0;
	lr =	simm.s32 $0x1  }
0x2: {  	[smem:$0x3F9F] =	sst lr;
	_ =	strace $0xD0000000  }
0x3: {  	_ = 	snop  }
0x4: {  	_ = 	snop  }
0x5: {  	_ = 	snop  }
0x6: {  	_ = 	snop  }
0x7: {  	_ = 	snop  }
__scs_overlays_trampoline_lowered:
0x8: {  	[smem:$0x3FAE] =	sst s0  }
0x9: {  	[smem:$0x3FAF] =	sst s1  }
0xa: {  	[smem:$0x3FB0] =	sst s2  }
0xb: {  	[smem:$0x3FB1] =	sst s3  }
0xc: {  	[smem:$0x3FB2] =	sst s4  }
0xd: {  	[smem:$0x3FB3] =	sst s5  }
0xe: {  	[smem:$0x3FB4] =	sst s6  }
0xf: {  	[smem:$0x3FB5] =	sst s7  }
0x10: {  	[smem:$0x3FB6] =	sst s8  }
0x11: {  	[smem:$0x3FB7] =	sst s9;
	s0 =	simm.s32 @!p0 $0x0  }
0x12: {  	s1 =	sld [smem:$0x3F9D];
	s0 =	simm.s32 @p0 $0x1  }
0x13: {  	[smem:$0x3FB8] =	sst s0;
	s0 =	simm.s32 @!p1 $0x0  }
0x14: {  	s2 =	sld [smem:$0x3F9C];
	s0 =	simm.s32 @p1 $0x1  }
0x15: {  	[smem:$0x3FB9] =	sst s0;
	s0 =	simm.s32 @!p2 $0x0  }
0x16: {  	s3 =	sld [smem:$0x3FDB];
	s0 =	simm.s32 @p2 $0x1  }
0x17: {  	s4 =	simm.s32 $0x1BF5;
	[smem:$0x3FBB] =	sst s0  }
0x18: {  	s0 =	sld [smem:$0x3F9E];
	_ =	swait.ge [sflag:s4], $0x0  }
0x19: {  	s7 =	sld [smem:$0x3F9F]  }
0x1a: {  	s8 =	sadd.s32 $0xFFFFE003, lr  }
0x1b: {  	s9 =	sadd.s32 $0xFFFFFEF7, lr;
	s5 =	simm.s32 $0xFFFFFFFF;
	p2 =	slt.u32 s8, $0xFFFFF086  }
0x1c: {  	p1 =	slt.u32 s9, $0xF7A;
	s5 =	simm.s32 @!p2 $0x0  }
0x1d: {  	s5 =	simm.s32 @p1 $0x1;
	p0 =	seq.s32 s7, s2  }
0x1e: {  	s7 =	smul.u32 @!p0 $0xF7A, s2;
	p2 =	seq.s32 @!p0 s5, $0x0  }
0x1f: {  	s9 =	smul.u32 $0xF7A, s1;
	s8 =	simm.s32 @!p0 $0x1BF5;
	p2 =	por !p2, p0  }
0x20: {  	[sflag:s8] =	ssyncset.s32 @!p0 $0xFFFFF086;
	s6 =	sadd.s32 @!p0 s3, s7;
	s7 =	simm.s32 @!p0 $0x108  }
0x21: {  	s3 =	sadd.s32 s3, s9;
	s6 =	sadd.s32 @!p0 $0x88, s6;
	s7 =	simm.s32 @p2 $0x1082  }
0x22: {  	[simem:s7], [sflag:s8] =	dma.local @!p0 [hbm:s6], $0xF7A  }
0x23: {  	s9 =	sor.u32 $0xD0000000, s2;
	s6 =	simm.s32 $0x108;
	_ =	swait.ge @!p0 [sflag:s8], $0x0  }
0x24: {  	s3 =	sadd.s32 $0x88, s3;
	s6 =	simm.s32 @!p1 $0x1082;
	[sflag:s4] =	ssyncset.s32 $0xFFFFF086  }
0x25: {  	[simem:s6], [sflag:s4] =	dma.local [hbm:s3], $0xF7A  }
0x26: {  	[smem:$0x3F9F] =	sst s1;
	(tag) =	ssettag s2;
	_ =	strace s9  }
0x27: {  	s1 =	sld [smem:$0x3FAF]  }
0x28: {  	s2 =	sld [smem:$0x3FB0]  }
0x29: {  	s4 =	sld [smem:$0x3FB2]  }
0x2a: {  	p0 =	seq.s32 s5, $0x0;
	s5 =	sld [smem:$0x3FB3]  }
0x2b: {  	s6 =	sld [smem:$0x3FB4]  }
0x2c: {  	s7 =	sld [smem:$0x3FB5]  }
0x2d: {  	s3 =	simm.s32 $0x108;
	s8 =	sld [smem:$0x3FB6]  }
0x2e: {  	s3 =	simm.s32 @!p0 $0x1082;
	s9 =	sld [smem:$0x3FB7]  }
0x2f: {  	lr =	sadd.s32 s0, s3;
	s0 =	sld [smem:$0x3FAE]  }
0x30: {  	s3 =	sld [smem:$0x3FB1]  }
0x31: {  	[smem:$0x3FBA] =	sst s10  }
0x32: {  	s10 =	sld [smem:$0x3FB8];
	_ =	sdelay $0x3  }
0x33: {  	p0 =	seq.s32 s10, $0x1;
	s10 =	sld [smem:$0x3FBA];
	_ =	sdelay $0x3  }
0x34: {  	[smem:$0x3FBA] =	sst s10  }
0x35: {  	s10 =	sld [smem:$0x3FB9];
	_ =	sdelay $0x3  }
0x36: {  	p1 =	seq.s32 s10, $0x1;
	s10 =	sld [smem:$0x3FBA];
	_ =	sdelay $0x3  }
0x37: {  	[smem:$0x3FBA] =	sst s10  }
0x38: {  	s10 =	sld [smem:$0x3FBB]  }
0x39: {  	_ = 	snop;
	(pc) =	sbr.ind lr, $3  }
0x3a: {  	_ = 	snop  }
0x3b: {  	_ = 	snop  }
0x3c: {  	p2 =	seq.s32 s10, $0x1;
	s10 =	sld [smem:$0x3FBA]  }
0x3d: {  	_ =	shalt  }
0x3e: {  	_ =	shalt  }
0x3f: {  	_ =	shalt  }
0x40: {  	_ =	shalt  }
0x41: {  	_ =	shalt  }
0x42: {  	_ =	shalt  }
0x43: {  	_ =	shalt  }
0x44: {  	_ =	shalt  }
0x45: {  	_ =	shalt  }
0x46: {  	_ =	shalt  }
0x47: {  	_ =	shalt  }
0x48: {  	_ =	shalt  }
0x49: {  	_ =	shalt  }
0x4a: {  	_ =	shalt  }
0x4b: {  	_ =	shalt  }
0x4c: {  	_ =	shalt  }
0x4d: {  	_ =	shalt  }
0x4e: {  	_ =	shalt  }
0x4f: {  	_ =	shalt  }
0x50: {  	_ =	shalt  }
0x51: {  	_ =	shalt  }
0x52: {  	_ =	shalt  }
0x53: {  	_ =	shalt  }
0x54: {  	_ =	shalt  }
0x55: {  	_ =	shalt  }
0x56: {  	_ =	shalt  }
0x57: {  	_ =	shalt  }
0x58: {  	_ =	shalt  }
0x59: {  	_ =	shalt  }
0x5a: {  	_ =	shalt  }
0x5b: {  	_ =	shalt  }
0x5c: {  	_ =	shalt  }
0x5d: {  	_ =	shalt  }
0x5e: {  	_ =	shalt  }
0x5f: {  	_ =	shalt  }
0x60: {  	_ =	shalt  }
0x61: {  	_ =	shalt  }
0x62: {  	_ =	shalt  }
0x63: {  	_ =	shalt  }
0x64: {  	_ =	shalt  }
0x65: {  	_ =	shalt  }
0x66: {  	_ =	shalt  }
0x67: {  	_ =	shalt  }
0x68: {  	_ =	shalt  }
0x69: {  	_ =	shalt  }
0x6a: {  	_ =	shalt  }
0x6b: {  	_ =	shalt  }
0x6c: {  	_ =	shalt  }
0x6d: {  	_ =	shalt  }
0x6e: {  	_ =	shalt  }
0x6f: {  	_ =	shalt  }
0x70: {  	_ =	shalt  }
0x71: {  	_ =	shalt  }
0x72: {  	_ =	shalt  }
0x73: {  	_ =	shalt  }
0x74: {  	_ =	shalt  }
0x75: {  	_ =	shalt  }
0x76: {  	_ =	shalt  }
0x77: {  	_ =	shalt  }
0x78: {  	_ =	shalt  }
0x79: {  	_ =	shalt  }
0x7a: {  	_ =	shalt  }
0x7b: {  	_ =	shalt  }
0x7c: {  	_ =	shalt  }
0x7d: {  	_ =	shalt  }
0x7e: {  	_ =	shalt  }
0x7f: {  	_ =	shalt  }
0x80: {  	_ =	shalt  }
0x81: {  	_ =	shalt  }
0x82: {  	_ =	shalt  }
0x83: {  	_ =	shalt  }
0x84: {  	_ =	shalt  }
0x85: {  	_ =	shalt  }
0x86: {  	_ =	shalt  }
0x87: {  	_ =	shalt  }
.Lfunc_end0:
.L_simem_size_0:
called_computation_lowered:
.L_overlay_start_0:
0x88: {  	s2 =	sld [smem:$0x3FD9]  }
0x89: {  	s3 =	sld [smem:$0x3FFE];
	_ =	sdelay $0x1  }
0x8a: {  	s1 =	srdreg.scid  }
0x8b: {  	s0 =	sand.u32 $0x1, s1  }
0x8c: {  	s17 =	sshll.u32 s0, $0xA;
	s2 =	sadd.s32 s3, s2  }
0x8d: {  	s2 =	sadd.s32 s2, s17  }
0x8e: {  	[smem:$0x3FC6] =	sst s2  }
0x8f: {  	_ = 	snop  }
0x90: {  	s2 =	sld [smem:$0x3FC8]  }
0x91: {  	s18 =	sld [smem:$0x3FD0];
	(tm) =	ssettm $0x1  }
0x92: {  	s4 =	sld [smem:$0x3FFB];
	_ =	sdelay $0x3  }
0x93: {  	_ =	strace s4  }
0x94: {  	s4 =	sld [smem:$0x3FFC];
	_ =	sdelay $0x3  }
0x95: {  	_ =	strace s4  }
0x96: {  	s4 =	sld [smem:$0x3FFD];
	_ =	sdelay $0x3  }
0x97: {  	_ =	strace s4  }
0x98: {  	_ =	strace $0x8FFFFFFF  }
0x99: {  	s19 =	sld [smem:$0x3FDB];
	_ =	sdelay $0x1  }
0x9a: {  	s5 =	simm.s32 $_scs_section_size  }
0x9b: {  	s6 =	simm.s32 $_size__tile_overlayer_lowered;
	s7 =	simm.s32 $_tile_overlayer_lowered  }
0x9c: {  	s22 =	simm.s32 $0x1BFF;
	s21 =	sshll.u32 s7, $0x1;
	s4 =	sadd.s32 s5, s19  }
0x9d: {  	s8 =	simm.s32 $0x0;
	s20 =	sshll.u32 s6, $0x1;
	s6 =	sadd.s32 s21, s4  }
0x9e: {  	[timem:s8], [sflag:s22] =	dma.local [hbm:s6], s20  }
0x9f: {  	_ =	swait.ge [sflag:s22], s20  }
0xa0: {  	s5 =	ssub.s32 $0x0, s20;
	[sflag:s22] =	ssyncset.done $0x0  }
0xa1: {  	[sflag:s22] =	ssyncadd.s32 s5;
	_ =	sdelay $0x1  }
0xa2: {  	s23 =	simm.s32 $0x1B8B  }
0xa3: {  	_ =	swait.ge [sflag:s23], $0x1  }
0xa4: {  	[sflag:s23] =	ssyncset.done $0x0  }
0xa5: {  	s25 =	simm.s32 $0x1B8E;
	s24 =	sld [smem:$0x3FFE];
	[sflag:s23] =	ssyncadd.s32 $0xFFFFFFFF  }
0xa6: {  	s26 =	simm.s32 $execute0_lowered;
	[smem:$0x3FD2] =	sst s25  }
0xa7: {  	s6 =	sshll.u32 s26, $0x1;
	_ =	strace $0x80000046;
	[dreg:$0x1] =	wrdreg $0xFFFFFFFF  }
0xa8: {  	s28 =	simm.s32 $_size_execute0_lowered;
	s4 =	sadd.s32 s4, s6;
	[dreg:$0x0] =	wrdreg $0x0  }
0xa9: {  	s6 =	sshll.u32 s28, $0x1;
	[dreg:$0x2] =	wrdreg s4  }
0xaa: {  	[dreg:$0x3] =	wrdreg s6  }
0xab: {  	[dreg:$0x4] =	wrdreg $0xC0  }
0xac: {  	_ =	task [dreg:s8], $0x5FFFF  }
0xad: {  	[dreg:$0x1] =	wrdreg $0xFFFFFFFF  }
0xae: {  	[dreg:$0x0] =	wrdreg $0x60  }
0xaf: {  	[dreg:$0x2] =	wrdreg s24  }
0xb0: {  	[dreg:$0x3] =	wrdreg s2  }
0xb1: {  	[dreg:$0x4] =	wrdreg s18  }
0xb2: {  	[dreg:$0x5] =	wrdreg $0x9  }
0xb3: {  	_ =	task.clear_ibuf [dreg:s8], $0x6FFFF;
	_ =	strace $0x90000046  }
0xb4: {  	s29 =	simm.s32 $0x9;
	_ =	strace $0x80000048  }
0xb5: {  	_ =	swait.ge [sflag:s29], $0x1  }
0xb6: {  	[sflag:s29] =	ssyncadd.s32 $0xFFFFFFFF  }
0xb7: {  	_ =	strace $0x90000048  }
0xb8: {  	_ =	sfence  }
0xb9: {  	s30 =	sld [smem:$0x0];
	_ =	sdelay $0x2  }
0xba: {  	s31 =	sshll.u32 s1, $0xD;
	s1 =	sshrl.u32 s1, $0x2  }
0xbb: {  	s3 =	sand.u32 $0x4000, s31;
	s1 =	sadd.s32 s1, s30  }
0xbc: {  	s0 =	sor.u32 s3, s0;
	s1 =	sshll.u32 s1, $0x11  }
0xbd: {  	s0 =	sor.u32 s1, s0  }
0xbe: {  	s0 =	sadd.s32 $0x8F2B, s0  }
0xbf: {  	[sflag:s0] =	ssyncadd.remote.s32 $0x1  }
0xc0: {  	_ =	sfence.sel $0xFFFF  }
0xc1: {  	[dreg:$0x0] =	wrdreg $0xFFFFFFFF;
	(pc) =	sbr.abs _section_cstart, $3  }
0xc2: {  	[dreg:$0x1] =	wrdreg $0xFFFFFFFF  }
0xc3: {  	_ =	task.clear_ibuf [dreg:s8], $0x2FFFF;
	_ =	strace $0x9FFFFFFF  }
0xc4: {  	(tm) =	ssettm $0x7FFFFFFF  }
0xc5: {  	_ =	shalt  }
tec
execute0_lowered:
.L_overlay_start_1:
0x0: {  	(tag) =	ssettag $0x1  }
0x1: {  	s0 =	rddreg [dreg:$0x0]  }
0x2: {  	s1 =	srdreg.scid;
	s3 =	stileid.u32  }
0x3: {  	s2 =	rddreg [dreg:$0x1];
	s21 =	simm.s32 $0x1;
	s22 =	simm.s32 $0x17200  }
0x4: {  	s23 =	simm.s32 $0x2;
	s24 =	simm.s32 $0x17600;
	s25 =	simm.s32 $0x3  }
0x5: {  	s26 =	simm.s32 $0x17A00;
	s1 =	sand.u32 $0x1, s1;
	s4 =	sshll.u32 s3, $0x1  }
0x6: {  	s28 =	simm.s32 $0x4;
	s5 =	sor.u32 s1, s4;
	s1 =	ssub.s32 $0x2, s1  }
0x7: {  	s29 =	simm.s32 $0x17E00;
	s6 =	smul.u32 $0x640, s5;
	s30 =	sshrl.u32 s1, $0x1  }
0x8: {  	s3 =	rddreg [dreg:$0x2];
	s4 =	simm.s32 $0x0;
	s1 =	ssub.s32 s1, s30  }
0x9: {  	[smem:$0x7FF] =	sst s4;
	s0 =	sadd.s32 s6, s0;
	s31 =	smax.u32 s1, $0x1  }
0xa: {  	_ =	strace $0x80000047;
	s0 =	sadd.s32 $0x400, s0;
	[dreg:$0x5] =	wrdreg s31  }
0xb: {  	v56 =	vimm.f32 $1.000000000e+00;
	s10 =	simm.s32 $0x0;
	s6 =	smul.u32 $0x14000, s5;
	[dreg:$0x4] =	wrdreg s0  }
.LBB2_1:
0xc: {  	s0 =	rddreg [dreg:$0x4];
	s8 =	simm.s32 $0x9  }
0xd: {  	[tilespmem:s4], [sflag:$0x9] =	stream.linear.gather [hbm4b:s0+s4], $0x3200, $0x38;
	[tilespmem:$0x18200] =	vst v63  }
0xe: {  	_ =	swait.ge [sflag:s8], $0x3200  }
0xf: {  	[sflag:s8] =	ssyncset.done $0x0  }
0x10: {  	s9 =	simm.s32 $0x50;
	s1 =	simm.s32 $0x3200;
	[sflag:s8] =	ssyncadd.s32 $0xFFFFCE00  }
0x11: {  	[tilespmem:s1], [sflag:$0x1] =	stream.indirect.gather [hbm4b:s2+s9], $0x80, s4, s9, $0xb8;
	[tilespmem:$0x18200] =	vst v63  }
0x12: {  	s14 =	simm.s32 $0x5A00  }
0x13: {  	[tilespmem:s14], [sflag:$0x1] =	stream.indirect.gather [hbm4b:s2+s9], $0x80, s9, s9, $0xb8;
	[tilespmem:$0x18200] =	vst v63  }
0x14: {  	s11 =	simm.s32 $0xA0;
	s15 =	simm.s32 $0x8200;
	s16 =	simm.s32 $0xF0  }
0x15: {  	[tilespmem:s15], [sflag:$0x2] =	stream.indirect.gather [hbm4b:s2+s9], $0x80, s11, s9, $0xb8;
	[tilespmem:$0x18200] =	vst v63  }
0x16: {  	s5 =	simm.s32 $0xAA00;
	s12 =	simm.s32 $0x140;
	s17 =	simm.s32 $0xD200  }
0x17: {  	[tilespmem:s5], [sflag:$0x2] =	stream.indirect.gather [hbm4b:s2+s9], $0x80, s16, s9, $0xb8;
	[tilespmem:$0x18200] =	vst v63  }
0x18: {  	s18 =	simm.s32 $0x190;
	s19 =	simm.s32 $0xFA00;
	s13 =	simm.s32 $0x1E0  }
0x19: {  	[tilespmem:s17], [sflag:$0x3] =	stream.indirect.gather [hbm4b:s2+s9], $0x80, s12, s9, $0xb8;
	[tilespmem:$0x18200] =	vst v63  }
0x1a: {  	s20 =	simm.s32 $0x12200;
	s30 =	simm.s32 $0x230;
	s31 =	simm.s32 $0x14A00  }
0x1b: {  	[tilespmem:s19], [sflag:$0x3] =	stream.indirect.gather [hbm4b:s2+s9], $0x80, s18, s9, $0xb8;
	[tilespmem:$0x18200] =	vst v63  }
0x1c: {  	s1 =	simm.s32 $0xA4;
	s15 =	simm.s32 $0x144;
	s16 =	simm.s32 $0x1E4  }
0x1d: {  	[tilespmem:s20], [sflag:$0x4] =	stream.indirect.gather [hbm4b:s2+s9], $0x80, s13, s9, $0xb8;
	[tilespmem:$0x18200] =	vst v63  }
0x1e: {  	s17 =	simm.s32 $0x0;
	s18 =	simm.s32 $0x4;
	s19 =	simm.s32 $0x0  }
0x1f: {  	[tilespmem:s31], [sflag:$0x4] =	stream.indirect.gather [hbm4b:s2+s9], $0x80, s30, s9, $0xb8;
	[tilespmem:$0x18200] =	vst v63  }
.LBB2_2:
0x20: {  	_ =	swait.ge [sflag:s21], $0x2800  }
0x21: {  	[sflag:s21] =	ssyncset.done $0x0  }
0x22: {  	[sflag:s21] =	ssyncadd.s32 $0xFFFFD800  }
0x23: {  	_ =	swait.ge [sflag:s21], $0x2800  }
0x24: {  	p0 =	seq.s32 s19, $0x0;
	[sflag:s21] =	ssyncset.done $0x0  }
0x25: {  	s7 =	simm.s32 @!p0 $0x5;
	[sflag:s21] =	ssyncadd.s32 $0xFFFFD800  }
0x26: {  	s5 =	sshll.u32 s19, $0x2;
	s20 =	smul.u32 $0x280, s19;
	_ =	swait.ge @!p0 [sflag:s7], $0x400  }
0x27: {  	s8 =	simm.s32 $0x17240;
	s30 =	simm.s32 $0x3700;
	[sflag:s7] =	ssyncset.done @!p0 $0x0  }
0x28: {  	s31 =	smov.u32 s18;
	[sflag:s7] =	ssyncadd.s32 @!p0 $0xFFFFFC00;
	s7 =	simm.s32 $0x0  }
.LBB2_3:
0x29: {  	v1 =	vld [tilespmem:s31+$0x0]  }
0x2a: {  	v3 =	vld [tilespmem:s30+$0xFFFFFB00]  }
0x2b: {  	v5 =	vld [tilespmem:s30+$0xFFFFFB10]  }
0x2c: {  	v6 =	vld [tilespmem:s30+$0xFFFFFB20]  }
0x2d: {  	v7 =	vld [tilespmem:s30+$0xFFFFFB30]  }
0x2e: {  	v8 =	vld [tilespmem:s30+$0xFFFFFB40]  }
0x2f: {  	v9 =	vld [tilespmem:s30+$0xFFFFFB50]  }
0x30: {  	v11 =	vld [tilespmem:s30+$0xFFFFFB60]  }
0x31: {  	v12 =	vld [tilespmem:s30+$0xFFFFFB70]  }
0x32: {  	v13 =	vld [tilespmem:s30+$0xFFFFFB80]  }
0x33: {  	v18 =	vld [tilespmem:s30+$0xFFFFFB90]  }
0x34: {  	v20 =	vld [tilespmem:s30+$0xFFFFFBA0]  }
0x35: {  	v21 =	vld [tilespmem:s30+$0xFFFFFBB0]  }
0x36: {  	v22 =	vld [tilespmem:s30+$0xFFFFFBC0]  }
0x37: {  	v23 =	vld [tilespmem:s30+$0xFFFFFBD0]  }
0x38: {  	v24 =	vld [tilespmem:s30+$0xFFFFFBE0]  }
0x39: {  	v25 =	vld [tilespmem:s30+$0xFFFFFBF0]  }
0x3a: {  	v26 =	vld [tilespmem:s30+$0xFFFFFC00]  }
0x3b: {  	v27 =	vld [tilespmem:s30+$0xFFFFFC10]  }
0x3c: {  	v28 =	vld [tilespmem:s30+$0xFFFFFC20]  }
0x3d: {  	v29 =	vld [tilespmem:s30+$0xFFFFFC30]  }
0x3e: {  	v30 =	vld [tilespmem:s30+$0xFFFFFC40]  }
0x3f: {  	v31 =	vld [tilespmem:s30+$0xFFFFFC50]  }
0x40: {  	v32 =	vld [tilespmem:s30+$0xFFFFFC60]  }
0x41: {  	v33 =	vld [tilespmem:s30+$0xFFFFFC70]  }
0x42: {  	v34 =	vld [tilespmem:s30+$0xFFFFFC80]  }
0x43: {  	v35 =	vld [tilespmem:s30+$0xFFFFFC90]  }
0x44: {  	v36 =	vld [tilespmem:s30+$0xFFFFFCA0]  }
0x45: {  	v37 =	vld [tilespmem:s30+$0xFFFFFCB0]  }
0x46: {  	v38 =	vld [tilespmem:s30+$0xFFFFFCC0]  }
0x47: {  	v39 =	vld [tilespmem:s30+$0xFFFFFCD0]  }
0x48: {  	v40 =	vld [tilespmem:s30+$0xFFFFFCE0]  }
0x49: {  	v41 =	vld [tilespmem:s30+$0xFFFFFCF0]  }
0x4a: {  	v42 =	vld [tilespmem:s30+$0xFFFFFD00]  }
0x4b: {  	v43 =	vld [tilespmem:s30+$0xFFFFFD10]  }
0x4c: {  	v44 =	vld [tilespmem:s30+$0xFFFFFD20]  }
0x4d: {  	v45 =	vld [tilespmem:s30+$0xFFFFFD30]  }
0x4e: {  	v46 =	vld [tilespmem:s30+$0xFFFFFD40]  }
0x4f: {  	v47 =	vld [tilespmem:s30+$0xFFFFFD50]  }
0x50: {  	v48 =	vld [tilespmem:s30+$0xFFFFFD60]  }
0x51: {  	v49 =	vld [tilespmem:s30+$0xFFFFFD70]  }
0x52: {  	v50 =	vld [tilespmem:s30+$0xFFFFFD80]  }
0x53: {  	s14 =	sadd.s32 s7, s17;
	v51 =	vld [tilespmem:s30+$0xFFFFFD90]  }
0x54: {  	s0 =	sand.u32 $0x4, s7;
	v52 =	vld [tilespmem:s30+$0xFFFFFDA0];
	s14 =	sand.u32 $0xFFF8, s14  }
0x55: {  	v53 =	vld [tilespmem:s30+$0xFFFFFDB0];
	s0 =	sor.u32 s0, s14  }
0x56: {  	v2 =	vld [tilespmem:s0+$0x0]  }
0x57: {  	v54 =	vld [tilespmem:s30+$0xFFFFFDC0]  }
0x58: {  	v55 =	vld [tilespmem:s30+$0xFFFFFDD0]  }
0x59: {  	v19 =	vld [tilespmem:s30+$0xFFFFFDE0]  }
0x5a: {  	v15 =	vld [tilespmem:s30+$0xFFFFFDF0]  }
0x5b: {  	v16 =	vld [tilespmem:s30+$0xFFFFFE00];
	vm0 =	veq.s32 v2, $0x0  }
0x5c: {  	v14 =	vld [tilespmem:s30+$0xFFFFFE10];
	v2 =	vsel vm0, $0x0, v56  }
0x5d: {  	v17 =	vld [tilespmem:s30+$0xFFFFFE20];
	v56 =	vbroadcast v2, $0x0  }
0x5e: {  	v10 =	vld [tilespmem:s30+$0xFFFFFE30]  }
0x5f: {  	v4 =	vld [tilespmem:s30+$0xFFFFFE40];
	v62 =	vbroadcast v2, $0x1;
	v57 =	vmul.f32 v56, v3  }
0x60: {  	v58 =	vmul.f32 v56, v5;
	v5 =	vld [tilespmem:s30+$0xFFFFFE50];
	v59 =	vmul.f32 v6, v56  }
0x61: {  	v60 =	vmul.f32 v7, v56;
	v3 =	vld [tilespmem:s30+$0xFFFFFE60];
	v61 =	vmul.f32 v8, v56  }
0x62: {  	v6 =	vld [tilespmem:s30+$0xFFFFFE70];
	v63 =	vmul.f32 v9, v56;
	v0 =	vmul.f32 v11, v56  }
0x63: {  	v7 =	vld [tilespmem:s30+$0xFFFFFE80];
	v9 =	vmul.f32 v13, v62;
	v18 =	vmul.f32 v18, v62  }
0x64: {  	v11 =	vld [tilespmem:s30+$0xFFFFFE90];
	v56 =	vmul.f32 v12, v56;
	v20 =	vmul.f32 v20, v62  }
0x65: {  	v8 =	vld [tilespmem:s30+$0xFFFFFEA0];
	v13 =	vmul.f32 v21, v62;
	v25 =	vmul.f32 v25, v62  }
0x66: {  	v12 =	vld [tilespmem:s30+$0xFFFFFEC0];
	v57 =	vmax.f32 v57, v9;
	v58 =	vmax.f32 v58, v18;
	v21 =	vmax.f32 v59, v20  }
0x67: {  	v9 =	vld [tilespmem:s30+$0xFFFFFEB0];
	v18 =	vmul.f32 v22, v62;
	v22 =	vbroadcast v2, $0x2;
	v59 =	vmax.f32 v60, v13  }
0x68: {  	v60 =	vmul.f32 v23, v62;
	v23 =	vmul.f32 v24, v62;
	v13 =	vld [tilespmem:s30+$0xFFFFFED0];
	v25 =	vmax.f32 v56, v25  }
0x69: {  	v20 =	vld [tilespmem:s30+$0xFFFFFEF0];
	v24 =	vmax.f32 v61, v18;
	v26 =	vmul.f32 v26, v22;
	v62 =	vmul.f32 v27, v22  }
0x6a: {  	v56 =	vld [tilespmem:s30+$0xFFFFFF10];
	v60 =	vmax.f32 v63, v60;
	v63 =	vmul.f32 v28, v22;
	v29 =	vmul.f32 v29, v22  }
0x6b: {  	v18 =	vld [tilespmem:s30+$0xFFFFFEE0];
	v0 =	vmax.f32 v0, v23;
	v30 =	vmul.f32 v30, v22;
	v61 =	vmul.f32 v31, v22  }
0x6c: {  	v28 =	vld [tilespmem:s30+$0xFFFFFF00];
	v31 =	vbroadcast v2, $0x3;
	v26 =	vmax.f32 v57, v26;
	v23 =	vmax.f32 v58, v62  }
0x6d: {  	v21 =	vmax.f32 v21, v63;
	v57 =	vld [tilespmem:s30+$0xFFFFFF20];
	v62 =	vmul.f32 v32, v22;
	v22 =	vmul.f32 v33, v22  }
0x6e: {  	v29 =	vmax.f32 v59, v29;
	v32 =	vld [tilespmem:s30+$0xFFFFFF30];
	v63 =	vmul.f32 v34, v31;
	v58 =	vmul.f32 v35, v31  }
0x6f: {  	v27 =	vmax.f32 v60, v61;
	v34 =	vld [tilespmem:s30+$0xFFFFFF40];
	v59 =	vmul.f32 v36, v31;
	v60 =	vmul.f32 v37, v31  }
0x70: {  	v24 =	vmax.f32 v24, v30;
	v36 =	vld [tilespmem:s30+$0xFFFFFF50];
	v61 =	vmul.f32 v38, v31;
	v37 =	vbroadcast v2, $0x4  }
0x71: {  	v33 =	vld [tilespmem:s30+$0xFFFFFF60];
	v0 =	vmax.f32 v0, v62;
	v22 =	vmax.f32 v25, v22;
	v25 =	vmax.f32 v26, v63  }
0x72: {  	v35 =	vld [tilespmem:s30+$0xFFFFFF70];
	v23 =	vmax.f32 v23, v58;
	v62 =	vmul.f32 v39, v31;
	v63 =	vmul.f32 v40, v31  }
0x73: {  	v38 =	vld [tilespmem:s30+$0xFFFFFF80];
	v21 =	vmax.f32 v21, v59;
	v31 =	vmul.f32 v41, v31;
	v58 =	vmul.f32 v42, v37  }
0x74: {  	v30 =	vld [tilespmem:s30+$0x50];
	v26 =	vmax.f32 v29, v60;
	v59 =	vmul.f32 v43, v37;
	v60 =	vmul.f32 v44, v37  }
0x75: {  	v24 =	vmax.f32 v24, v61;
	v39 =	vld [tilespmem:s30+$0xFFFFFF90];
	v61 =	vmul.f32 v45, v37;
	v42 =	vbroadcast v2, $0x5  }
0x76: {  	v41 =	vld [tilespmem:s30+$0xFFFFFFA0];
	v48 =	vmul.f32 v48, v37;
	v49 =	vmul.f32 v49, v37;
	v27 =	vmax.f32 v27, v62  }
0x77: {  	v40 =	vld [tilespmem:s30+$0xFFFFFFC0];
	v0 =	vmax.f32 v0, v63;
	v25 =	vmax.f32 v25, v58;
	v62 =	vmul.f32 v46, v37  }
0x78: {  	v43 =	vld [tilespmem:s30+$0xFFFFFFD0];
	v23 =	vmax.f32 v23, v59;
	v63 =	vmul.f32 v47, v37;
	v50 =	vmul.f32 v50, v42  }
0x79: {  	v45 =	vld [tilespmem:s30+$0xFFFFFFE0];
	v21 =	vmax.f32 v21, v60;
	v58 =	vmul.f32 v51, v42;
	v59 =	vmul.f32 v52, v42  }
0x7a: {  	v44 =	vld [tilespmem:s30+$0x0];
	v26 =	vmax.f32 v26, v61;
	v60 =	vmul.f32 v53, v42;
	v61 =	vmul.f32 v54, v42  }
0x7b: {  	v29 =	vld [tilespmem:s30+$0x40];
	v22 =	vmax.f32 v22, v31;
	v19 =	vmul.f32 v19, v42;
	v15 =	vmul.f32 v15, v42  }
0x7c: {  	v31 =	vld [tilespmem:s30+$0xFFFFFFB0];
	v52 =	vbroadcast v2, $0x7;
	v0 =	vmax.f32 v0, v48;
	v22 =	vmax.f32 v22, v49  }
0x7d: {  	v46 =	vld [tilespmem:s30+$0xFFFFFFF0];
	v24 =	vmax.f32 v24, v62;
	v27 =	vmax.f32 v27, v63;
	v62 =	vmul.f32 v55, v42  }
0x7e: {  	v37 =	vld [tilespmem:s30+$0x10];
	v25 =	vmax.f32 v25, v50;
	v63 =	vbroadcast v2, $0x6;
	v7 =	vmul.f32 v7, v52  }
0x7f: {  	v48 =	vld [tilespmem:s30+$0x20];
	v26 =	vmax.f32 v26, v60;
	v11 =	vmul.f32 v11, v52;
	v60 =	vmul.f32 v8, v52  }
0x80: {  	v50 =	vld [tilespmem:s30+$0x30];
	v9 =	vmul.f32 v9, v52;
	v24 =	vmax.f32 v24, v61;
	v61 =	vbroadcast v2, $0x8  }
0x81: {  	v0 =	vmax.f32 v0, v19;
	v19 =	vld [tilespmem:s30+$0x60];
	v16 =	vmul.f32 v16, v63;
	v14 =	vmul.f32 v14, v63  }
0x82: {  	v15 =	vmax.f32 v22, v15;
	v22 =	vld [tilespmem:s30+$0x70];
	v17 =	vmul.f32 v17, v63;
	v10 =	vmul.f32 v10, v63  }
0x83: {  	v8 =	vld [tilespmem:s30+$0xC0];
	v4 =	vmul.f32 v4, v63;
	v5 =	vmul.f32 v5, v63  }
0x84: {  	v27 =	vmax.f32 v27, v62;
	v3 =	vmul.f32 v3, v63;
	v62 =	vmul.f32 v13, v52;
	v13 =	vld [tilespmem:s30+$0x110]  }
0x85: {  	v6 =	vmul.f32 v6, v63;
	v63 =	vmul.f32 v18, v52;
	v18 =	vld [tilespmem:s30+$0x120]  }
0x86: {  	v12 =	vmul.f32 v12, v52;
	v49 =	vmul.f32 v32, v61;
	v32 =	vld [tilespmem:s30+$0x140]  }
0x87: {  	v23 =	vmax.f32 v23, v58;
	v28 =	vmul.f32 v28, v61;
	v54 =	vmul.f32 v33, v61;
	v33 =	vld [tilespmem:s30+$0x160]  }
0x88: {  	v21 =	vmax.f32 v21, v59;
	v42 =	vmul.f32 v56, v61;
	v55 =	vmul.f32 v35, v61;
	v35 =	vld [tilespmem:s30+$0x170]  }
0x89: {  	v47 =	vmul.f32 v57, v61;
	v51 =	vmul.f32 v34, v61;
	v17 =	vmax.f32 v21, v17;
	v21 =	vld [tilespmem:s30+$0x80]  }
0x8a: {  	v16 =	vmax.f32 v25, v16;
	v14 =	vmax.f32 v23, v14;
	v10 =	vmax.f32 v26, v10;
	v25 =	vld [tilespmem:s30+$0x90]  }
0x8b: {  	v4 =	vmax.f32 v24, v4;
	v24 =	vld [tilespmem:s30+$0xA0];
	v5 =	vmax.f32 v27, v5;
	v0 =	vmax.f32 v0, v3  }
0x8c: {  	v26 =	vld [tilespmem:s30+$0xB0];
	v53 =	vmax.f32 v15, v6;
	v27 =	vmul.f32 v20, v52;
	v52 =	vmul.f32 v36, v61  }
0x8d: {  	v20 =	vld [tilespmem:s30+$0x100];
	v7 =	vmax.f32 v16, v7;
	v11 =	vmax.f32 v14, v11;
	v6 =	vmax.f32 v17, v60  }
0x8e: {  	v23 =	vld [tilespmem:s30+$0x150];
	v9 =	vmax.f32 v10, v9;
	v4 =	vmax.f32 v4, v12;
	v5 =	vmax.f32 v5, v62  }
0x8f: {  	v15 =	vld [tilespmem:s30+$0x180];
	v0 =	vmax.f32 v0, v63;
	v63 =	vbroadcast v2, $0xA;
	v3 =	vmax.f32 v53, v27  }
0x90: {  	v36 =	vld [tilespmem:s30+$0x1A0];
	v53 =	vbroadcast v2, $0x9;
	v4 =	vmax.f32 v4, v51;
	v51 =	vbroadcast v2, $0xB  }
0x91: {  	v14 =	vld [tilespmem:s30+$0xD0];
	v6 =	vmax.f32 v6, v47;
	v47 =	vmul.f32 v44, v63;
	v37 =	vmul.f32 v37, v63  }
0x92: {  	v16 =	vld [tilespmem:s30+$0xE0];
	v9 =	vmax.f32 v9, v49;
	v48 =	vmul.f32 v48, v63;
	v49 =	vmul.f32 v50, v63  }
0x93: {  	v17 =	vld [tilespmem:s30+$0xF0];
	v5 =	vmax.f32 v5, v52;
	v50 =	vmul.f32 v29, v63;
	v52 =	vmul.f32 v30, v63  }
0x94: {  	v12 =	vld [tilespmem:s30+$0x260];
	v19 =	vmul.f32 v19, v63;
	v57 =	vmul.f32 v38, v53  }
0x95: {  	vm15 =	veq.s32 v1, $0x0;
	v27 =	vld [tilespmem:s30+$0x130];
	v58 =	vmul.f32 v39, v53;
	v59 =	vmul.f32 v41, v53  }
0x96: {  	v10 =	vmax.f32 v11, v42;
	v42 =	vld [tilespmem:s30+$0x2B0];
	v60 =	vmul.f32 v31, v53;
	v61 =	vmul.f32 v40, v53  }
0x97: {  	v56 =	vimm.f32 $1.000000000e+00;
	v30 =	vld [tilespmem:s30+$0x200];
	v62 =	vmul.f32 v43, v53;
	v45 =	vmul.f32 v45, v53  }
0x98: {  	v7 =	vmax.f32 v7, v28;
	v44 =	vld [tilespmem:s30+$0x2C0];
	v28 =	vmul.f32 v46, v53;
	v53 =	vmul.f32 v22, v63  }
0x99: {  	v0 =	vmax.f32 v0, v54;
	v31 =	vld [tilespmem:s30+$0x190];
	v8 =	vmul.f32 v8, v51;
	v41 =	vbroadcast v2, $0xD  }
0x9a: {  	v3 =	vmax.f32 v3, v55;
	v38 =	vld [tilespmem:s30+$0x1B0];
	v21 =	vmul.f32 v21, v51;
	v54 =	vmul.f32 v25, v51  }
0x9b: {  	v39 =	vld [tilespmem:s30+$0x1C0];
	v55 =	vmul.f32 v24, v51;
	v7 =	vmax.f32 v7, v57;
	v10 =	vmax.f32 v10, v58  }
0x9c: {  	v40 =	vld [tilespmem:s30+$0x1F0];
	v6 =	vmax.f32 v6, v59;
	v9 =	vmax.f32 v9, v60;
	v4 =	vmax.f32 v4, v61  }
0x9d: {  	v22 =	vld [tilespmem:s30+$0x210];
	v5 =	vmax.f32 v5, v62;
	v57 =	vmul.f32 v26, v51;
	v58 =	vmul.f32 v14, v51  }
0x9e: {  	v24 =	vld [tilespmem:s30+$0x240];
	v0 =	vmax.f32 v0, v45;
	v59 =	vbroadcast v2, $0xC;
	v60 =	vmul.f32 v16, v51  }
0x9f: {  	v25 =	vld [tilespmem:s30+$0x250];
	v3 =	vmax.f32 v3, v28;
	v61 =	vmul.f32 v17, v51;
	v45 =	vmul.f32 v15, v41  }
0xa0: {  	v28 =	vld [tilespmem:s30+$0x1D0];
	v7 =	vmax.f32 v7, v47;
	v10 =	vmax.f32 v10, v37;
	v6 =	vmax.f32 v6, v48  }
0xa1: {  	v17 =	vld [tilespmem:s30+$0x270];
	v9 =	vmax.f32 v9, v49;
	v4 =	vmax.f32 v4, v50;
	v5 =	vmax.f32 v5, v52  }
0xa2: {  	v16 =	vld [tilespmem:s30+$0x290];
	v0 =	vmax.f32 v0, v19;
	v3 =	vmax.f32 v3, v53;
	v47 =	vmul.f32 v36, v41  }
0xa3: {  	v15 =	vld [tilespmem:s30+$0x2F0];
	v52 =	vbroadcast v2, $0xE;
	v2 =	vbroadcast v2, $0xF;
	v7 =	vmax.f32 v7, v21  }
0xa4: {  	v37 =	vld [tilespmem:s30+$0x1E0];
	v10 =	vmax.f32 v10, v54;
	v62 =	vmul.f32 v20, v59;
	v63 =	vmul.f32 v13, v59  }
0xa5: {  	v19 =	vld [tilespmem:s30+$0x220];
	v6 =	vmax.f32 v6, v55;
	v26 =	vmul.f32 v18, v59;
	v29 =	vmul.f32 v27, v59  }
0xa6: {  	v50 =	vld [tilespmem:s30+$0x300];
	v9 =	vmax.f32 v9, v57;
	v32 =	vmul.f32 v32, v59;
	v34 =	vmul.f32 v23, v59  }
0xa7: {  	v53 =	vld [tilespmem:s30+$0x310];
	v4 =	vmax.f32 v4, v8;
	v43 =	vmul.f32 v33, v59;
	v14 =	vmul.f32 v35, v59  }
0xa8: {  	v21 =	vld [tilespmem:s30+$0x230];
	v5 =	vmax.f32 v5, v58;
	v46 =	vmul.f32 v31, v41;
	v48 =	vmul.f32 v38, v41  }
0xa9: {  	v0 =	vmax.f32 v0, v60;
	v18 =	vld [tilespmem:s30+$0x280];
	v49 =	vmul.f32 v39, v41;
	v54 =	vmul.f32 v40, v41  }
0xaa: {  	v3 =	vmax.f32 v3, v61;
	v13 =	vld [tilespmem:s30+$0x2A0];
	v57 =	vmul.f32 v30, v52;
	v22 =	vmul.f32 v22, v52  }
0xab: {  	v27 =	vld [tilespmem:s30+$0x2D0];
	v42 =	vmul.f32 v42, v2;
	v44 =	vmul.f32 v44, v2;
	v7 =	vmax.f32 v7, v62  }
0xac: {  	v55 =	vld [tilespmem:s30+$0x320];
	v8 =	vmax.f32 v10, v63;
	v6 =	vmax.f32 v6, v26;
	v9 =	vmax.f32 v9, v29  }
0xad: {  	v58 =	vld [tilespmem:s30+$0x330];
	v4 =	vmax.f32 v4, v32;
	v5 =	vmax.f32 v5, v34;
	v0 =	vmax.f32 v0, v43  }
0xae: {  	v61 =	vld [tilespmem:s30+$0x340];
	v3 =	vmax.f32 v3, v14;
	v62 =	vmul.f32 v24, v52;
	v30 =	vmul.f32 v25, v52  }
0xaf: {  	v33 =	vld [tilespmem:s30+$0x360];
	v34 =	vmul.f32 v12, v52;
	v7 =	vmax.f32 v7, v45;
	v8 =	vmax.f32 v8, v46  }
0xb0: {  	v35 =	vld [tilespmem:s30+$0x370];
	v6 =	vmax.f32 v6, v47;
	v28 =	vmul.f32 v28, v41;
	v9 =	vmax.f32 v9, v48  }
0xb1: {  	v39 =	vld [tilespmem:s30+$0x390];
	v4 =	vmax.f32 v4, v49;
	v36 =	vmul.f32 v17, v52;
	v16 =	vmul.f32 v16, v2  }
0xb2: {  	v31 =	vld [tilespmem:s30+$0x450];
	v3 =	vmax.f32 v3, v54;
	v51 =	vmul.f32 v37, v41;
	v59 =	vmul.f32 v19, v52  }
0xb3: {  	v14 =	vld [tilespmem:s30+$0x2E0];
	v7 =	vmax.f32 v7, v57;
	v8 =	vmax.f32 v8, v22;
	v4 =	vmax.f32 v4, v62  }
0xb4: {  	v63 =	vld [tilespmem:s30+$0x350];
	v5 =	vmax.f32 v5, v28;
	v60 =	vmul.f32 v21, v52;
	v38 =	vmul.f32 v18, v2  }
0xb5: {  	v43 =	vld [tilespmem:s30+$0x3B0];
	v18 =	vsel vm15, $0x0, v56;
	v1 =	vmax.f32 v3, v36;
	v40 =	vmul.f32 v13, v2  }
0xb6: {  	v29 =	vld [tilespmem:s30+$0x440];
	v8 =	vmax.f32 v8, v16;
	v47 =	vmul.f32 v27, v2;
	v4 =	vmax.f32 v4, v44  }
0xb7: {  	v46 =	vld [tilespmem:s30+$0x3C0];
	v0 =	vmax.f32 v0, v51;
	v6 =	vmax.f32 v6, v59;
	v45 =	vbroadcast v18, $0xC  }
0xb8: {  	v48 =	vld [tilespmem:s30+$0x3D0];
	v5 =	vmax.f32 v5, v30;
	v9 =	vmax.f32 v9, v60;
	v14 =	vmul.f32 v14, v2  }
0xb9: {  	v37 =	vld [tilespmem:s30+$0x380];
	v0 =	vmax.f32 v0, v34;
	v2 =	vmul.f32 v15, v2;
	v49 =	vmul.f32 v50, v45  }
0xba: {  	v41 =	vld [tilespmem:s30+$0x3A0];
	v7 =	vmax.f32 v7, v38;
	v51 =	vmul.f32 v53, v45;
	v54 =	vmul.f32 v55, v45  }
0xbb: {  	v62 =	vld [tilespmem:s30+$0x420];
	v3 =	vmax.f32 v6, v40;
	v57 =	vmul.f32 v58, v45;
	v58 =	vmul.f32 v61, v45  }
0xbc: {  	v52 =	vld [tilespmem:s30+$0x3F0];
	v5 =	vmax.f32 v5, v47;
	v60 =	vmul.f32 v63, v45;
	v61 =	vbroadcast v18, $0xD  }
0xbd: {  	v27 =	vld [tilespmem:s30+$0x430];
	v9 =	vmax.f32 v9, v42;
	v63 =	vmul.f32 v33, v45;
	v28 =	vmul.f32 v35, v45  }
0xbe: {  	v44 =	vld [tilespmem:s30+$0x4B0];
	v0 =	vmax.f32 v0, v14;
	v1 =	vmax.f32 v1, v2;
	v53 =	vmax.f32 v7, v49  }
0xbf: {  	v59 =	vld [tilespmem:s30+$0x410];
	v8 =	vmax.f32 v8, v51;
	v3 =	vmax.f32 v3, v54;
	v9 =	vmax.f32 v9, v57  }
0xc0: {  	v38 =	vld [tilespmem:s30+$0x480];
	v4 =	vmax.f32 v4, v58;
	v10 =	vmul.f32 v37, v61;
	v30 =	vmul.f32 v39, v61  }
0xc1: {  	v40 =	vld [tilespmem:s30+$0x490];
	v5 =	vmax.f32 v5, v60;
	v13 =	vmul.f32 v41, v61;
	v32 =	vmul.f32 v43, v61  }
0xc2: {  	v50 =	vld [tilespmem:s30+$0x3E0];
	v0 =	vmax.f32 v0, v63;
	v34 =	vmul.f32 v46, v61;
	v36 =	vmul.f32 v48, v61  }
0xc3: {  	v55 =	vld [tilespmem:s30+$0x400];
	v1 =	vmax.f32 v1, v28;
	v37 =	vbroadcast v18, $0xE;
	v14 =	vmul.f32 v52, v61  }
0xc4: {  	v42 =	vld [tilespmem:s30+$0x4A0];
	v18 =	vbroadcast v18, $0xF;
	v2 =	vmax.f32 v53, v10;
	v8 =	vmax.f32 v8, v30  }
0xc5: {  	v33 =	vld [tilespmem:s30+$0x460];
	v3 =	vmax.f32 v3, v13;
	v41 =	vmul.f32 v59, v37;
	v43 =	vmul.f32 v62, v37  }
0xc6: {  	v35 =	vld [tilespmem:s30+$0x470];
	v6 =	vmax.f32 v9, v32;
	v45 =	vmul.f32 v27, v37;
	v47 =	vmul.f32 v38, v18  }
0xc7: {  	v4 =	vmax.f32 v4, v34;
	v49 =	vmul.f32 v29, v37;
	v17 =	vmul.f32 v31, v37  }
0xc8: {  	v46 =	vld [tilespmem:s30+$0x4C0];
	v5 =	vmax.f32 v5, v36;
	v39 =	vmul.f32 v50, v61;
	v7 =	vmul.f32 v55, v37  }
0xc9: {  	v48 =	vld [tilespmem:s30+$0x4D0];
	v1 =	vmax.f32 v1, v14;
	v50 =	vmul.f32 v40, v18;
	v52 =	vmul.f32 v42, v18  }
0xca: {  	v51 =	vld [tilespmem:s30+$0x4E0];
	v55 =	vmul.f32 v44, v18;
	v58 =	vmul.f32 v33, v37;
	v8 =	vmax.f32 v8, v41  }
0xcb: {  	v53 =	vld [tilespmem:s30+$0x4F0];
	v60 =	vmul.f32 v35, v37;
	v3 =	vmax.f32 v3, v43;
	v54 =	vmax.f32 v8, v50  }
0xcc: {  	v6 =	vmax.f32 v6, v45;
	v2 =	vmax.f32 v2, v7;
	v3 =	vmax.f32 v3, v52;
	[tilespmem:s8+$0xFFFFFFD0] =	vst v54  }
0xcd: {  	v4 =	vmax.f32 v4, v49;
	v57 =	vmul.f32 v46, v18;
	v2 =	vmax.f32 v2, v47;
	[tilespmem:s8+$0xFFFFFFE0] =	vst v3  }
0xce: {  	p1 =	sne.s32 s7, $0x8C;
	v5 =	vmax.f32 v5, v17;
	v59 =	vmul.f32 v48, v18;
	[tilespmem:s8+$0xFFFFFFC0] =	vst v2;
	v2 =	vmax.f32 v6, v55  }
.Ltmp0:
0xcf: {  	v0 =	vmax.f32 v0, v39;
	v61 =	vmul.f32 v51, v18;
	v4 =	vmax.f32 v4, v57;
	[tilespmem:s8+$0xFFFFFFF0] =	vst v2;
	(pc) =	sbr.rel @p1 .LBB2_3-.Ltmp0, $4  }
0xd0: {  	v0 =	vmax.f32 v0, v58;
	v62 =	vmax.f32 v5, v59;
	v63 =	vmul.f32 v53, v18;
	[tilespmem:s8+$0x0] =	vst v4  }
0xd1: {  	v1 =	vmax.f32 v1, v60;
	v0 =	vmax.f32 v0, v61;
	[tilespmem:s8+$0x10] =	vst v62  }
0xd2: {  	s31 =	sadd.s32 $0x14, s31;
	[tilespmem:s8+$0x20] =	vst v0;
	v1 =	vmax.f32 v1, v63  }
0xd3: {  	s7 =	sadd.s32 $0x14, s7;
	s30 =	sadd.s32 $0xA00, s30;
	[tilespmem:s8+$0x30] =	vst v1;
	s8 =	sadd.s32 $0x80, s8  }
0xd4: {  	p1 =	seq.s32 s19, $0x13  }
0xd5: {  	s0 =	sadd.s32 @!p1 $0x280, s20;
	s7 =	simm.s32 @!p1 $0x50;
	s8 =	simm.s32 @!p1 $0x3200  }
0xd6: {  	[tilespmem:s8], [sflag:$0x1] =	stream.indirect.gather @!p1 [hbm4b:s2+s7], $0x80, s0, s7, $0xb8;
	[tilespmem:$0x18200] =	vst v63  }
0xd7: {  	s14 =	sshll.u32 s19, $0xC;
	s0 =	sadd.s32 @!p1 $0x2D0, s20;
	s8 =	simm.s32 @!p1 $0x5A00  }
0xd8: {  	[tilespmem:s8], [sflag:$0x1] =	stream.indirect.gather @!p1 [hbm4b:s2+s7], $0x80, s0, s7, $0xb8;
	[tilespmem:$0x18200] =	vst v63  }
0xd9: {  	s0 =	sadd.s32 s6, s14  }
0xda: {  	s0 =	sshrl.u32 s0, $0x3  }
0xdb: {  	s0 =	sadd.s32 s3, s0  }
0xdc: {  	[hbm4b:s0+s4] =	stream.linear.scatter [tilespmem:s22], [sflag:$0x5], $0x400, $0x38;
	[tilespmem:$0x18200] =	vst v63  }
0xdd: {  	_ =	swait.ge [sflag:s23], $0x2800  }
0xde: {  	[sflag:s23] =	ssyncset.done $0x0  }
0xdf: {  	[sflag:s23] =	ssyncadd.s32 $0xFFFFD800  }
0xe0: {  	_ =	swait.ge [sflag:s23], $0x2800  }
0xe1: {  	[sflag:s23] =	ssyncset.done $0x0  }
0xe2: {  	s0 =	simm.s32 @!p0 $0x6;
	[sflag:s23] =	ssyncadd.s32 $0xFFFFD800  }
0xe3: {  	s30 =	simm.s32 $0x17640;
	_ =	swait.ge @!p0 [sflag:s0], $0x400  }
0xe4: {  	s31 =	simm.s32 $0x8700;
	s7 =	sor.u32 $0x1, s5;
	[sflag:s0] =	ssyncset.done @!p0 $0x0  }
0xe5: {  	s8 =	simm.s32 $0x0;
	s14 =	smov.u32 s1;
	[sflag:s0] =	ssyncadd.s32 @!p0 $0xFFFFFC00  }
.LBB2_5:
0xe6: {  	v1 =	vld [tilespmem:s14+$0x0]  }
0xe7: {  	v3 =	vld [tilespmem:s31+$0xFFFFFB00]  }
0xe8: {  	v5 =	vld [tilespmem:s31+$0xFFFFFB10]  }
0xe9: {  	v6 =	vld [tilespmem:s31+$0xFFFFFB20]  }
0xea: {  	v7 =	vld [tilespmem:s31+$0xFFFFFB30]  }
0xeb: {  	v8 =	vld [tilespmem:s31+$0xFFFFFB40]  }
0xec: {  	v9 =	vld [tilespmem:s31+$0xFFFFFB50]  }
0xed: {  	v11 =	vld [tilespmem:s31+$0xFFFFFB60]  }
0xee: {  	v12 =	vld [tilespmem:s31+$0xFFFFFB70]  }
0xef: {  	v13 =	vld [tilespmem:s31+$0xFFFFFB80]  }
0xf0: {  	v18 =	vld [tilespmem:s31+$0xFFFFFB90]  }
0xf1: {  	v20 =	vld [tilespmem:s31+$0xFFFFFBA0]  }
0xf2: {  	v21 =	vld [tilespmem:s31+$0xFFFFFBB0]  }
0xf3: {  	v22 =	vld [tilespmem:s31+$0xFFFFFBC0]  }
0xf4: {  	v23 =	vld [tilespmem:s31+$0xFFFFFBD0]  }
0xf5: {  	v24 =	vld [tilespmem:s31+$0xFFFFFBE0]  }
0xf6: {  	v25 =	vld [tilespmem:s31+$0xFFFFFBF0]  }
0xf7: {  	v26 =	vld [tilespmem:s31+$0xFFFFFC00]  }
0xf8: {  	v27 =	vld [tilespmem:s31+$0xFFFFFC10]  }
0xf9: {  	v28 =	vld [tilespmem:s31+$0xFFFFFC20]  }
0xfa: {  	v29 =	vld [tilespmem:s31+$0xFFFFFC30]  }
0xfb: {  	v30 =	vld [tilespmem:s31+$0xFFFFFC40]  }
0xfc: {  	v31 =	vld [tilespmem:s31+$0xFFFFFC50]  }
0xfd: {  	v32 =	vld [tilespmem:s31+$0xFFFFFC60]  }
0xfe: {  	v33 =	vld [tilespmem:s31+$0xFFFFFC70]  }
0xff: {  	v34 =	vld [tilespmem:s31+$0xFFFFFC80]  }
0x100: {  	v35 =	vld [tilespmem:s31+$0xFFFFFC90]  }
0x101: {  	v36 =	vld [tilespmem:s31+$0xFFFFFCA0]  }
0x102: {  	v37 =	vld [tilespmem:s31+$0xFFFFFCB0]  }
0x103: {  	v38 =	vld [tilespmem:s31+$0xFFFFFCC0]  }
0x104: {  	v39 =	vld [tilespmem:s31+$0xFFFFFCD0]  }
0x105: {  	v40 =	vld [tilespmem:s31+$0xFFFFFCE0]  }
0x106: {  	v41 =	vld [tilespmem:s31+$0xFFFFFCF0]  }
0x107: {  	v42 =	vld [tilespmem:s31+$0xFFFFFD00]  }
0x108: {  	v43 =	vld [tilespmem:s31+$0xFFFFFD10]  }
0x109: {  	v44 =	vld [tilespmem:s31+$0xFFFFFD20]  }
0x10a: {  	v45 =	vld [tilespmem:s31+$0xFFFFFD30]  }
0x10b: {  	v46 =	vld [tilespmem:s31+$0xFFFFFD40]  }
0x10c: {  	v47 =	vld [tilespmem:s31+$0xFFFFFD50]  }
0x10d: {  	v48 =	vld [tilespmem:s31+$0xFFFFFD60]  }
0x10e: {  	v49 =	vld [tilespmem:s31+$0xFFFFFD70]  }
0x10f: {  	v50 =	vld [tilespmem:s31+$0xFFFFFD80]  }
0x110: {  	v51 =	vld [tilespmem:s31+$0xFFFFFD90]  }
0x111: {  	s0 =	sadd.s32 s8, s11;
	v52 =	vld [tilespmem:s31+$0xFFFFFDA0]  }
0x112: {  	s9 =	sand.u32 $0x4, s8;
	v53 =	vld [tilespmem:s31+$0xFFFFFDB0];
	s0 =	sand.u32 $0xFFF8, s0  }
0x113: {  	v54 =	vld [tilespmem:s31+$0xFFFFFDC0];
	s0 =	sor.u32 s9, s0  }
0x114: {  	v0 =	vld [tilespmem:s0+$0x0]  }
0x115: {  	v55 =	vld [tilespmem:s31+$0xFFFFFDD0]  }
0x116: {  	v19 =	vld [tilespmem:s31+$0xFFFFFDE0]  }
0x117: {  	v15 =	vld [tilespmem:s31+$0xFFFFFDF0]  }
0x118: {  	v16 =	vld [tilespmem:s31+$0xFFFFFE00]  }
0x119: {  	v14 =	vld [tilespmem:s31+$0xFFFFFE10];
	vm0 =	veq.s32 v0, $0x0  }
0x11a: {  	v17 =	vld [tilespmem:s31+$0xFFFFFE20];
	v2 =	vsel vm0, $0x0, v56  }
0x11b: {  	v10 =	vld [tilespmem:s31+$0xFFFFFE30];
	v0 =	vbroadcast v2, $0x0  }
0x11c: {  	v4 =	vld [tilespmem:s31+$0xFFFFFE40]  }
0x11d: {  	v61 =	vbroadcast v2, $0x1;
	v57 =	vmul.f32 v0, v5;
	v5 =	vld [tilespmem:s31+$0xFFFFFE50]  }
0x11e: {  	v56 =	vmul.f32 v0, v3;
	v58 =	vmul.f32 v6, v0;
	v3 =	vld [tilespmem:s31+$0xFFFFFE60]  }
0x11f: {  	v59 =	vmul.f32 v7, v0;
	v60 =	vmul.f32 v8, v0;
	v6 =	vld [tilespmem:s31+$0xFFFFFE70]  }
0x120: {  	v62 =	vmul.f32 v9, v0;
	v63 =	vmul.f32 v11, v0;
	v7 =	vld [tilespmem:s31+$0xFFFFFE80]  }
0x121: {  	v9 =	vmul.f32 v13, v61;
	v18 =	vmul.f32 v18, v61;
	v11 =	vld [tilespmem:s31+$0xFFFFFE90]  }
0x122: {  	v0 =	vmul.f32 v12, v0;
	v20 =	vmul.f32 v20, v61;
	v8 =	vld [tilespmem:s31+$0xFFFFFEA0]  }
0x123: {  	v13 =	vmul.f32 v21, v61;
	v12 =	vld [tilespmem:s31+$0xFFFFFEC0];
	v25 =	vmul.f32 v25, v61  }
0x124: {  	v56 =	vmax.f32 v56, v9;
	v57 =	vmax.f32 v57, v18;
	v9 =	vld [tilespmem:s31+$0xFFFFFEB0];
	v21 =	vmax.f32 v58, v20  }
0x125: {  	v18 =	vmul.f32 v22, v61;
	v22 =	vbroadcast v2, $0x2;
	v58 =	vmax.f32 v59, v13;
	v13 =	vld [tilespmem:s31+$0xFFFFFED0]  }
0x126: {  	v59 =	vmul.f32 v23, v61;
	v23 =	vmul.f32 v24, v61;
	v20 =	vld [tilespmem:s31+$0xFFFFFEF0]  }
0x127: {  	v24 =	vmax.f32 v60, v18;
	v26 =	vmul.f32 v26, v22;
	v18 =	vld [tilespmem:s31+$0xFFFFFEE0];
	v27 =	vmul.f32 v27, v22  }
0x128: {  	v0 =	vmax.f32 v0, v25;
	v60 =	vmul.f32 v28, v22;
	v28 =	vld [tilespmem:s31+$0xFFFFFF00];
	v29 =	vmul.f32 v29, v22  }
0x129: {  	v59 =	vmax.f32 v62, v59;
	v30 =	vmul.f32 v30, v22;
	v62 =	vmul.f32 v32, v22;
	v32 =	vld [tilespmem:s31+$0xFFFFFF30]  }
0x12a: {  	v23 =	vmax.f32 v63, v23;
	v61 =	vmul.f32 v31, v22;
	v22 =	vmul.f32 v33, v22;
	v33 =	vld [tilespmem:s31+$0xFFFFFF60]  }
0x12b: {  	v31 =	vbroadcast v2, $0x3;
	v25 =	vmax.f32 v56, v26;
	v27 =	vmax.f32 v57, v27;
	v56 =	vld [tilespmem:s31+$0xFFFFFF10]  }
0x12c: {  	v21 =	vmax.f32 v21, v60;
	v57 =	vld [tilespmem:s31+$0xFFFFFF20];
	v29 =	vmax.f32 v58, v29;
	v24 =	vmax.f32 v24, v30  }
0x12d: {  	v26 =	vmax.f32 v59, v61;
	v63 =	vmul.f32 v34, v31;
	v34 =	vld [tilespmem:s31+$0xFFFFFF40];
	v58 =	vmul.f32 v35, v31  }
0x12e: {  	v23 =	vmax.f32 v23, v62;
	v59 =	vmul.f32 v36, v31;
	v36 =	vld [tilespmem:s31+$0xFFFFFF50];
	v60 =	vmul.f32 v37, v31  }
0x12f: {  	v0 =	vmax.f32 v0, v22;
	v61 =	vmul.f32 v38, v31;
	v35 =	vld [tilespmem:s31+$0xFFFFFF70];
	v62 =	vmul.f32 v39, v31  }
0x130: {  	v37 =	vbroadcast v2, $0x4;
	v38 =	vld [tilespmem:s31+$0xFFFFFF80];
	v22 =	vmax.f32 v25, v63;
	v27 =	vmax.f32 v27, v58  }
0x131: {  	v39 =	vld [tilespmem:s31+$0xFFFFFF90];
	v21 =	vmax.f32 v21, v59;
	v63 =	vmul.f32 v40, v31;
	v31 =	vmul.f32 v41, v31  }
0x132: {  	v30 =	vld [tilespmem:s31+$0x50];
	v25 =	vmax.f32 v29, v60;
	v58 =	vmul.f32 v42, v37;
	v59 =	vmul.f32 v43, v37  }
0x133: {  	v24 =	vmax.f32 v24, v61;
	v41 =	vld [tilespmem:s31+$0xFFFFFFA0];
	v60 =	vmul.f32 v44, v37;
	v61 =	vmul.f32 v45, v37  }
0x134: {  	v26 =	vmax.f32 v26, v62;
	v40 =	vld [tilespmem:s31+$0xFFFFFFC0];
	v62 =	vmul.f32 v46, v37;
	v42 =	vbroadcast v2, $0x5  }
0x135: {  	v43 =	vld [tilespmem:s31+$0xFFFFFFD0];
	v48 =	vmul.f32 v48, v37;
	v49 =	vmul.f32 v49, v37;
	v23 =	vmax.f32 v23, v63  }
0x136: {  	v45 =	vld [tilespmem:s31+$0xFFFFFFE0];
	v0 =	vmax.f32 v0, v31;
	v22 =	vmax.f32 v22, v58;
	v63 =	vmul.f32 v47, v37  }
0x137: {  	v46 =	vld [tilespmem:s31+$0xFFFFFFF0];
	v27 =	vmax.f32 v27, v59;
	v50 =	vmul.f32 v50, v42;
	v51 =	vmul.f32 v51, v42  }
0x138: {  	v44 =	vld [tilespmem:s31+$0x0];
	v21 =	vmax.f32 v21, v60;
	v58 =	vmul.f32 v52, v42;
	v59 =	vmul.f32 v53, v42  }
0x139: {  	v29 =	vld [tilespmem:s31+$0x40];
	v25 =	vmax.f32 v25, v61;
	v60 =	vmul.f32 v54, v42;
	v61 =	vmul.f32 v55, v42  }
0x13a: {  	v31 =	vld [tilespmem:s31+$0xFFFFFFB0];
	v24 =	vmax.f32 v24, v62;
	v62 =	vbroadcast v2, $0x6;
	v19 =	vmul.f32 v19, v42  }
0x13b: {  	vm15 =	veq.s32 v1, $0x0;
	v37 =	vld [tilespmem:s31+$0x10];
	v15 =	vmul.f32 v15, v42;
	v42 =	vbroadcast v2, $0x7  }
0x13c: {  	v23 =	vmax.f32 v23, v48;
	v0 =	vmax.f32 v0, v49;
	v48 =	vld [tilespmem:s31+$0x20];
	v26 =	vmax.f32 v26, v63  }
0x13d: {  	v22 =	vmax.f32 v22, v50;
	v27 =	vmax.f32 v27, v51;
	v50 =	vld [tilespmem:s31+$0x30];
	v16 =	vmul.f32 v16, v62  }
0x13e: {  	v19 =	vmax.f32 v23, v19;
	v14 =	vmul.f32 v14, v62;
	v17 =	vmul.f32 v17, v62;
	v23 =	vld [tilespmem:s31+$0x60]  }
0x13f: {  	v21 =	vmax.f32 v21, v58;
	v10 =	vmul.f32 v10, v62;
	v47 =	vmul.f32 v8, v42;
	v8 =	vld [tilespmem:s31+$0xC0]  }
0x140: {  	v25 =	vmax.f32 v25, v59;
	v4 =	vmul.f32 v4, v62;
	v51 =	vmul.f32 v18, v42;
	v18 =	vld [tilespmem:s31+$0xF0]  }
0x141: {  	v24 =	vmax.f32 v24, v60;
	v5 =	vmul.f32 v5, v62;
	v52 =	vmul.f32 v20, v42;
	v20 =	vld [tilespmem:s31+$0x100]  }
0x142: {  	v0 =	vmax.f32 v0, v15;
	v3 =	vmul.f32 v3, v62;
	v49 =	vmul.f32 v13, v42;
	v13 =	vld [tilespmem:s31+$0x110]  }
0x143: {  	v6 =	vmul.f32 v6, v62;
	v7 =	vmul.f32 v7, v42;
	v63 =	vmax.f32 v22, v16;
	v16 =	vld [tilespmem:s31+$0x70]  }
0x144: {  	v11 =	vmul.f32 v11, v42;
	v9 =	vmul.f32 v9, v42;
	v17 =	vmax.f32 v21, v17;
	v21 =	vld [tilespmem:s31+$0x80]  }
0x145: {  	v12 =	vmul.f32 v12, v42;
	v15 =	vbroadcast v2, $0x8;
	v10 =	vmax.f32 v25, v10;
	v25 =	vld [tilespmem:s31+$0x90]  }
0x146: {  	v59 =	vbroadcast v2, $0xA;
	v26 =	vmax.f32 v26, v61;
	v4 =	vmax.f32 v24, v4;
	v24 =	vld [tilespmem:s31+$0xA0]  }
0x147: {  	v14 =	vmax.f32 v27, v14;
	v5 =	vmax.f32 v26, v5;
	v26 =	vld [tilespmem:s31+$0xB0];
	v3 =	vmax.f32 v19, v3  }
0x148: {  	v0 =	vmax.f32 v0, v6;
	v53 =	vmul.f32 v28, v15;
	v60 =	vmul.f32 v56, v15;
	v19 =	vld [tilespmem:s31+$0x120]  }
0x149: {  	v56 =	vimm.f32 $1.000000000e+00;
	v61 =	vmul.f32 v57, v15;
	v62 =	vmul.f32 v32, v15;
	v27 =	vld [tilespmem:s31+$0x130]  }
0x14a: {  	v42 =	vmul.f32 v36, v15;
	v32 =	vld [tilespmem:s31+$0x140];
	v7 =	vmax.f32 v63, v7;
	v11 =	vmax.f32 v14, v11  }
0x14b: {  	v22 =	vld [tilespmem:s31+$0x150];
	v6 =	vmax.f32 v17, v47;
	v9 =	vmax.f32 v10, v9;
	v4 =	vmax.f32 v4, v12  }
0x14c: {  	v36 =	vld [tilespmem:s31+$0x1A0];
	v5 =	vmax.f32 v5, v49;
	v3 =	vmax.f32 v3, v51;
	v63 =	vmul.f32 v34, v15  }
0x14d: {  	v14 =	vld [tilespmem:s31+$0xD0];
	v0 =	vmax.f32 v0, v52;
	v47 =	vbroadcast v2, $0x9;
	v49 =	vmul.f32 v33, v15  }
0x14e: {  	v17 =	vld [tilespmem:s31+$0xE0];
	v51 =	vmul.f32 v35, v15;
	v37 =	vmul.f32 v37, v59;
	v6 =	vmax.f32 v6, v61  }
0x14f: {  	v33 =	vld [tilespmem:s31+$0x160];
	v9 =	vmax.f32 v9, v62;
	v61 =	vmul.f32 v44, v59;
	v62 =	vmul.f32 v48, v59  }
0x150: {  	v35 =	vld [tilespmem:s31+$0x170];
	v7 =	vmax.f32 v7, v53;
	v44 =	vmul.f32 v29, v59;
	v52 =	vmul.f32 v38, v47  }
0x151: {  	v15 =	vld [tilespmem:s31+$0x180];
	v10 =	vmax.f32 v11, v60;
	v53 =	vmul.f32 v39, v47;
	v54 =	vmul.f32 v41, v47  }
0x152: {  	v12 =	vld [tilespmem:s31+$0x260];
	v5 =	vmax.f32 v5, v42;
	v55 =	vmul.f32 v31, v47;
	v57 =	vmul.f32 v40, v47  }
0x153: {  	v34 =	vld [tilespmem:s31+$0x370];
	v4 =	vmax.f32 v4, v63;
	v58 =	vmul.f32 v43, v47;
	v60 =	vmul.f32 v45, v47  }
0x154: {  	v3 =	vmax.f32 v3, v49;
	v31 =	vld [tilespmem:s31+$0x190];
	v28 =	vmul.f32 v46, v47;
	v63 =	vmul.f32 v50, v59  }
0x155: {  	v0 =	vmax.f32 v0, v51;
	v38 =	vld [tilespmem:s31+$0x1B0];
	v45 =	vbroadcast v2, $0xB;
	v46 =	vmul.f32 v30, v59  }
0x156: {  	v39 =	vld [tilespmem:s31+$0x1C0];
	v23 =	vmul.f32 v23, v59;
	v7 =	vmax.f32 v7, v52;
	v10 =	vmax.f32 v10, v53  }
0x157: {  	v40 =	vld [tilespmem:s31+$0x1F0];
	v6 =	vmax.f32 v6, v54;
	v9 =	vmax.f32 v9, v55;
	v4 =	vmax.f32 v4, v57  }
0x158: {  	v30 =	vld [tilespmem:s31+$0x200];
	v5 =	vmax.f32 v5, v58;
	v47 =	vmul.f32 v16, v59;
	v48 =	vmul.f32 v21, v45  }
0x159: {  	v41 =	vld [tilespmem:s31+$0x2B0];
	v3 =	vmax.f32 v3, v60;
	v49 =	vmul.f32 v25, v45;
	v50 =	vmul.f32 v24, v45  }
0x15a: {  	v43 =	vld [tilespmem:s31+$0x2C0];
	v0 =	vmax.f32 v0, v28;
	v51 =	vmul.f32 v26, v45;
	v8 =	vmul.f32 v8, v45  }
0x15b: {  	v28 =	vld [tilespmem:s31+$0x1D0];
	v53 =	vbroadcast v2, $0xC;
	v55 =	vmul.f32 v18, v45;
	v7 =	vmax.f32 v7, v61  }
0x15c: {  	v21 =	vld [tilespmem:s31+$0x210];
	v10 =	vmax.f32 v10, v37;
	v6 =	vmax.f32 v6, v62;
	v9 =	vmax.f32 v9, v63  }
0x15d: {  	v16 =	vld [tilespmem:s31+$0x230];
	v4 =	vmax.f32 v4, v44;
	v5 =	vmax.f32 v5, v46;
	v52 =	vmul.f32 v14, v45  }
0x15e: {  	v24 =	vld [tilespmem:s31+$0x240];
	v3 =	vmax.f32 v3, v23;
	v54 =	vmul.f32 v17, v45;
	v63 =	vbroadcast v2, $0xD  }
0x15f: {  	v25 =	vld [tilespmem:s31+$0x250];
	v0 =	vmax.f32 v0, v47;
	v7 =	vmax.f32 v7, v48;
	v57 =	vmul.f32 v20, v53  }
0x160: {  	v18 =	vld [tilespmem:s31+$0x270];
	v10 =	vmax.f32 v10, v49;
	v58 =	vmul.f32 v13, v53;
	v59 =	vmul.f32 v19, v53  }
0x161: {  	v37 =	vld [tilespmem:s31+$0x1E0];
	v6 =	vmax.f32 v6, v50;
	v60 =	vmul.f32 v27, v53;
	v61 =	vmul.f32 v32, v53  }
0x162: {  	v23 =	vld [tilespmem:s31+$0x220];
	v9 =	vmax.f32 v9, v51;
	v62 =	vmul.f32 v22, v53;
	v42 =	vmul.f32 v33, v53  }
0x163: {  	v17 =	vld [tilespmem:s31+$0x290];
	v4 =	vmax.f32 v4, v8;
	v14 =	vmul.f32 v35, v53;
	v53 =	vbroadcast v2, $0xE  }
0x164: {  	v19 =	vld [tilespmem:s31+$0x280];
	v2 =	vbroadcast v2, $0xF;
	v5 =	vmax.f32 v5, v52;
	v44 =	vmul.f32 v15, v63  }
0x165: {  	v13 =	vld [tilespmem:s31+$0x2A0];
	v3 =	vmax.f32 v3, v54;
	v45 =	vmul.f32 v31, v63;
	v46 =	vmul.f32 v36, v63  }
0x166: {  	v27 =	vld [tilespmem:s31+$0x2D0];
	v0 =	vmax.f32 v0, v55;
	v48 =	vmul.f32 v38, v63;
	v50 =	vmul.f32 v39, v63  }
0x167: {  	v47 =	vld [tilespmem:s31+$0x2E0];
	v55 =	vmul.f32 v40, v63;
	v7 =	vmax.f32 v7, v57;
	v8 =	vmax.f32 v10, v58  }
0x168: {  	v49 =	vld [tilespmem:s31+$0x2F0];
	v6 =	vmax.f32 v6, v59;
	v9 =	vmax.f32 v9, v60;
	v4 =	vmax.f32 v4, v61  }
0x169: {  	v51 =	vld [tilespmem:s31+$0x300];
	v5 =	vmax.f32 v5, v62;
	v3 =	vmax.f32 v3, v42;
	v58 =	vmul.f32 v30, v53  }
0x16a: {  	v32 =	vld [tilespmem:s31+$0x460];
	v0 =	vmax.f32 v0, v14;
	v33 =	vmul.f32 v12, v53;
	v41 =	vmul.f32 v41, v2  }
0x16b: {  	v54 =	vld [tilespmem:s31+$0x310];
	v43 =	vmul.f32 v43, v2;
	v7 =	vmax.f32 v7, v44;
	v8 =	vmax.f32 v8, v45  }
0x16c: {  	v36 =	vld [tilespmem:s31+$0x380];
	v6 =	vmax.f32 v6, v46;
	v28 =	vmul.f32 v28, v63;
	v21 =	vmul.f32 v21, v53  }
0x16d: {  	v38 =	vld [tilespmem:s31+$0x390];
	v9 =	vmax.f32 v9, v48;
	v16 =	vmul.f32 v16, v53;
	v62 =	vmul.f32 v24, v53  }
0x16e: {  	v40 =	vld [tilespmem:s31+$0x3A0];
	v4 =	vmax.f32 v4, v50;
	v25 =	vmul.f32 v25, v53;
	v35 =	vmul.f32 v18, v53  }
0x16f: {  	v57 =	vld [tilespmem:s31+$0x320];
	v0 =	vmax.f32 v0, v55;
	v52 =	vmul.f32 v37, v63;
	v60 =	vmul.f32 v23, v53  }
0x170: {  	v59 =	vld [tilespmem:s31+$0x330];
	v7 =	vmax.f32 v7, v58;
	v17 =	vmul.f32 v17, v2;
	v5 =	vmax.f32 v5, v28  }
0x171: {  	v61 =	vld [tilespmem:s31+$0x340];
	v8 =	vmax.f32 v8, v21;
	v9 =	vmax.f32 v9, v16;
	v4 =	vmax.f32 v4, v62  }
0x172: {  	v30 =	vld [tilespmem:s31+$0x360];
	v37 =	vmul.f32 v19, v2;
	v19 =	vsel vm15, $0x0, v56;
	v39 =	vmul.f32 v13, v2  }
0x173: {  	v42 =	vld [tilespmem:s31+$0x3B0];
	v0 =	vmax.f32 v0, v35;
	v46 =	vmul.f32 v27, v2;
	v14 =	vmul.f32 v47, v2  }
0x174: {  	v45 =	vld [tilespmem:s31+$0x3C0];
	v2 =	vmul.f32 v49, v2;
	v3 =	vmax.f32 v3, v52;
	v44 =	vbroadcast v19, $0xC  }
0x175: {  	v63 =	vld [tilespmem:s31+$0x350];
	v6 =	vmax.f32 v6, v60;
	v5 =	vmax.f32 v5, v25;
	v8 =	vmax.f32 v8, v17  }
0x176: {  	v58 =	vld [tilespmem:s31+$0x410];
	v9 =	vmax.f32 v9, v41;
	v60 =	vbroadcast v19, $0xD;
	v48 =	vmul.f32 v51, v44  }
0x177: {  	v47 =	vld [tilespmem:s31+$0x3D0];
	v4 =	vmax.f32 v4, v43;
	v50 =	vmul.f32 v54, v44;
	v53 =	vmul.f32 v57, v44  }
0x178: {  	v49 =	vld [tilespmem:s31+$0x3E0];
	v3 =	vmax.f32 v3, v33;
	v55 =	vmul.f32 v59, v44;
	v57 =	vmul.f32 v61, v44  }
0x179: {  	v28 =	vld [tilespmem:s31+$0x440];
	v7 =	vmax.f32 v7, v37;
	v62 =	vmul.f32 v30, v44;
	v27 =	vmul.f32 v34, v44  }
0x17a: {  	v41 =	vld [tilespmem:s31+$0x4A0];
	v1 =	vmax.f32 v6, v39;
	v10 =	vmul.f32 v36, v60;
	v29 =	vmul.f32 v38, v60  }
0x17b: {  	v43 =	vld [tilespmem:s31+$0x4B0];
	v5 =	vmax.f32 v5, v46;
	v13 =	vmul.f32 v40, v60;
	v31 =	vmul.f32 v42, v60  }
0x17c: {  	v0 =	vmax.f32 v0, v2;
	v37 =	vld [tilespmem:s31+$0x480];
	v33 =	vmul.f32 v45, v60;
	v36 =	vbroadcast v19, $0xE  }
0x17d: {  	v39 =	vld [tilespmem:s31+$0x490];
	v3 =	vmax.f32 v3, v14;
	v19 =	vbroadcast v19, $0xF;
	v59 =	vmul.f32 v63, v44  }
0x17e: {  	v51 =	vld [tilespmem:s31+$0x3F0];
	v52 =	vmax.f32 v7, v48;
	v8 =	vmax.f32 v8, v50;
	v1 =	vmax.f32 v1, v53  }
0x17f: {  	v54 =	vld [tilespmem:s31+$0x400];
	v9 =	vmax.f32 v9, v55;
	v4 =	vmax.f32 v4, v57;
	v35 =	vmul.f32 v47, v60  }
0x180: {  	v61 =	vld [tilespmem:s31+$0x420];
	v3 =	vmax.f32 v3, v62;
	v38 =	vmul.f32 v49, v60;
	v40 =	vmul.f32 v58, v36  }
0x181: {  	v30 =	vld [tilespmem:s31+$0x450];
	v0 =	vmax.f32 v0, v27;
	v48 =	vmul.f32 v28, v36;
	v58 =	vmul.f32 v32, v36  }
0x182: {  	v45 =	vld [tilespmem:s31+$0x4C0];
	v5 =	vmax.f32 v5, v59;
	v2 =	vmax.f32 v52, v10;
	v8 =	vmax.f32 v8, v29  }
0x183: {  	v34 =	vld [tilespmem:s31+$0x470];
	v1 =	vmax.f32 v1, v13;
	v6 =	vmax.f32 v9, v31;
	v4 =	vmax.f32 v4, v33  }
0x184: {  	v63 =	vld [tilespmem:s31+$0x430];
	v52 =	vmul.f32 v41, v19;
	v55 =	vmul.f32 v43, v19;
	v5 =	vmax.f32 v5, v35  }
0x185: {  	v3 =	vmax.f32 v3, v38;
	v46 =	vmul.f32 v37, v19;
	v49 =	vmul.f32 v39, v19  }
0x186: {  	v47 =	vld [tilespmem:s31+$0x4D0];
	v8 =	vmax.f32 v8, v40;
	v14 =	vmul.f32 v51, v60;
	v7 =	vmul.f32 v54, v36  }
0x187: {  	v53 =	vld [tilespmem:s31+$0x4F0];
	v4 =	vmax.f32 v4, v48;
	v42 =	vmul.f32 v61, v36;
	v57 =	vmul.f32 v45, v19  }
0x188: {  	v50 =	vld [tilespmem:s31+$0x4E0];
	v51 =	vmul.f32 v30, v36;
	v60 =	vmul.f32 v34, v36;
	v54 =	vmax.f32 v8, v49  }
0x189: {  	v44 =	vmul.f32 v63, v36;
	v2 =	vmax.f32 v2, v7;
	[tilespmem:s30+$0xFFFFFFD0] =	vst v54;
	v4 =	vmax.f32 v4, v57  }
0x18a: {  	v0 =	vmax.f32 v0, v14;
	v1 =	vmax.f32 v1, v42;
	v2 =	vmax.f32 v2, v46;
	[tilespmem:s30+$0x0] =	vst v4  }
0x18b: {  	p2 =	sne.s32 s8, $0x8C;
	v59 =	vmul.f32 v47, v19;
	v6 =	vmax.f32 v6, v44;
	v1 =	vmax.f32 v1, v52;
	[tilespmem:s30+$0xFFFFFFC0] =	vst v2  }
.Ltmp1:
0x18c: {  	v5 =	vmax.f32 v5, v51;
	v63 =	vmul.f32 v53, v19;
	v2 =	vmax.f32 v6, v55;
	[tilespmem:s30+$0xFFFFFFE0] =	vst v1;
	(pc) =	sbr.rel @p2 .LBB2_5-.Ltmp1, $4  }
0x18d: {  	v61 =	vmul.f32 v50, v19;
	v0 =	vmax.f32 v0, v60;
	v62 =	vmax.f32 v5, v59;
	[tilespmem:s30+$0xFFFFFFF0] =	vst v2  }
0x18e: {  	v1 =	vmax.f32 v3, v58;
	v0 =	vmax.f32 v0, v63;
	[tilespmem:s30+$0x10] =	vst v62  }
0x18f: {  	s14 =	sadd.s32 $0x14, s14;
	v1 =	vmax.f32 v1, v61;
	[tilespmem:s30+$0x30] =	vst v0  }
0x190: {  	s8 =	sadd.s32 $0x14, s8;
	s31 =	sadd.s32 $0xA00, s31;
	[tilespmem:s30+$0x20] =	vst v1;
	s30 =	sadd.s32 $0x80, s30  }
0x191: {  	s0 =	sadd.s32 @!p1 $0x320, s20;
	s8 =	simm.s32 @!p1 $0x50;
	s9 =	simm.s32 @!p1 $0x8200  }
0x192: {  	[tilespmem:s9], [sflag:$0x2] =	stream.indirect.gather @!p1 [hbm4b:s2+s8], $0x80, s0, s8, $0xb8;
	[tilespmem:$0x18200] =	vst v63  }
0x193: {  	s14 =	sshll.u32 s7, $0xA;
	s0 =	sadd.s32 @!p1 $0x370, s20;
	s9 =	simm.s32 @!p1 $0xAA00  }
0x194: {  	[tilespmem:s9], [sflag:$0x2] =	stream.indirect.gather @!p1 [hbm4b:s2+s8], $0x80, s0, s8, $0xb8;
	[tilespmem:$0x18200] =	vst v63  }
0x195: {  	s0 =	sadd.s32 s6, s14  }
0x196: {  	s0 =	sshrl.u32 s0, $0x3  }
0x197: {  	s0 =	sadd.s32 s3, s0  }
0x198: {  	[hbm4b:s0+s4] =	stream.linear.scatter [tilespmem:s24], [sflag:$0x6], $0x400, $0x38;
	[tilespmem:$0x18200] =	vst v63  }
0x199: {  	_ =	swait.ge [sflag:s25], $0x2800  }
0x19a: {  	[sflag:s25] =	ssyncset.done $0x0  }
0x19b: {  	[sflag:s25] =	ssyncadd.s32 $0xFFFFD800  }
0x19c: {  	_ =	swait.ge [sflag:s25], $0x2800  }
0x19d: {  	[sflag:s25] =	ssyncset.done $0x0  }
0x19e: {  	s0 =	simm.s32 @!p0 $0x7;
	[sflag:s25] =	ssyncadd.s32 $0xFFFFD800  }
0x19f: {  	s7 =	sor.u32 $0x2, s5;
	_ =	swait.ge @!p0 [sflag:s0], $0x400  }
0x1a0: {  	s30 =	simm.s32 $0x17A40;
	s31 =	simm.s32 $0xD700;
	[sflag:s0] =	ssyncset.done @!p0 $0x0  }
0x1a1: {  	s8 =	simm.s32 $0x0;
	s14 =	smov.u32 s15;
	[sflag:s0] =	ssyncadd.s32 @!p0 $0xFFFFFC00  }
.LBB2_7:
0x1a2: {  	v1 =	vld [tilespmem:s14+$0x0]  }
0x1a3: {  	v3 =	vld [tilespmem:s31+$0xFFFFFB00]  }
0x1a4: {  	v5 =	vld [tilespmem:s31+$0xFFFFFB10]  }
0x1a5: {  	v6 =	vld [tilespmem:s31+$0xFFFFFB20]  }
0x1a6: {  	v7 =	vld [tilespmem:s31+$0xFFFFFB30]  }
0x1a7: {  	v8 =	vld [tilespmem:s31+$0xFFFFFB40]  }
0x1a8: {  	v9 =	vld [tilespmem:s31+$0xFFFFFB50]  }
0x1a9: {  	v11 =	vld [tilespmem:s31+$0xFFFFFB60]  }
0x1aa: {  	v12 =	vld [tilespmem:s31+$0xFFFFFB70]  }
0x1ab: {  	v13 =	vld [tilespmem:s31+$0xFFFFFB80]  }
0x1ac: {  	v18 =	vld [tilespmem:s31+$0xFFFFFB90]  }
0x1ad: {  	v20 =	vld [tilespmem:s31+$0xFFFFFBA0]  }
0x1ae: {  	v21 =	vld [tilespmem:s31+$0xFFFFFBB0]  }
0x1af: {  	v22 =	vld [tilespmem:s31+$0xFFFFFBC0]  }
0x1b0: {  	v23 =	vld [tilespmem:s31+$0xFFFFFBD0]  }
0x1b1: {  	v24 =	vld [tilespmem:s31+$0xFFFFFBE0]  }
0x1b2: {  	v25 =	vld [tilespmem:s31+$0xFFFFFBF0]  }
0x1b3: {  	v26 =	vld [tilespmem:s31+$0xFFFFFC00]  }
0x1b4: {  	v27 =	vld [tilespmem:s31+$0xFFFFFC10]  }
0x1b5: {  	v28 =	vld [tilespmem:s31+$0xFFFFFC20]  }
0x1b6: {  	v29 =	vld [tilespmem:s31+$0xFFFFFC30]  }
0x1b7: {  	v30 =	vld [tilespmem:s31+$0xFFFFFC40]  }
0x1b8: {  	v31 =	vld [tilespmem:s31+$0xFFFFFC50]  }
0x1b9: {  	v32 =	vld [tilespmem:s31+$0xFFFFFC60]  }
0x1ba: {  	v33 =	vld [tilespmem:s31+$0xFFFFFC70]  }
0x1bb: {  	v34 =	vld [tilespmem:s31+$0xFFFFFC80]  }
0x1bc: {  	v35 =	vld [tilespmem:s31+$0xFFFFFC90]  }
0x1bd: {  	v36 =	vld [tilespmem:s31+$0xFFFFFCA0]  }
0x1be: {  	v37 =	vld [tilespmem:s31+$0xFFFFFCB0]  }
0x1bf: {  	v38 =	vld [tilespmem:s31+$0xFFFFFCC0]  }
0x1c0: {  	v39 =	vld [tilespmem:s31+$0xFFFFFCD0]  }
0x1c1: {  	v40 =	vld [tilespmem:s31+$0xFFFFFCE0]  }
0x1c2: {  	v41 =	vld [tilespmem:s31+$0xFFFFFCF0]  }
0x1c3: {  	v42 =	vld [tilespmem:s31+$0xFFFFFD00]  }
0x1c4: {  	v43 =	vld [tilespmem:s31+$0xFFFFFD10]  }
0x1c5: {  	v44 =	vld [tilespmem:s31+$0xFFFFFD20]  }
0x1c6: {  	v45 =	vld [tilespmem:s31+$0xFFFFFD30]  }
0x1c7: {  	v46 =	vld [tilespmem:s31+$0xFFFFFD40]  }
0x1c8: {  	v47 =	vld [tilespmem:s31+$0xFFFFFD50]  }
0x1c9: {  	v48 =	vld [tilespmem:s31+$0xFFFFFD60]  }
0x1ca: {  	v49 =	vld [tilespmem:s31+$0xFFFFFD70]  }
0x1cb: {  	v50 =	vld [tilespmem:s31+$0xFFFFFD80]  }
0x1cc: {  	v51 =	vld [tilespmem:s31+$0xFFFFFD90]  }
0x1cd: {  	s0 =	sadd.s32 s8, s12;
	v52 =	vld [tilespmem:s31+$0xFFFFFDA0]  }
0x1ce: {  	s9 =	sand.u32 $0x4, s8;
	v53 =	vld [tilespmem:s31+$0xFFFFFDB0];
	s0 =	sand.u32 $0xFFF8, s0  }
0x1cf: {  	v54 =	vld [tilespmem:s31+$0xFFFFFDC0];
	s0 =	sor.u32 s9, s0  }
0x1d0: {  	v0 =	vld [tilespmem:s0+$0x0]  }
0x1d1: {  	v55 =	vld [tilespmem:s31+$0xFFFFFDD0]  }
0x1d2: {  	v19 =	vld [tilespmem:s31+$0xFFFFFDE0]  }
0x1d3: {  	v15 =	vld [tilespmem:s31+$0xFFFFFDF0]  }
0x1d4: {  	v16 =	vld [tilespmem:s31+$0xFFFFFE00]  }
0x1d5: {  	v14 =	vld [tilespmem:s31+$0xFFFFFE10];
	vm0 =	veq.s32 v0, $0x0  }
0x1d6: {  	v17 =	vld [tilespmem:s31+$0xFFFFFE20];
	v2 =	vsel vm0, $0x0, v56  }
0x1d7: {  	v10 =	vld [tilespmem:s31+$0xFFFFFE30];
	v0 =	vbroadcast v2, $0x0  }
0x1d8: {  	v4 =	vld [tilespmem:s31+$0xFFFFFE40]  }
0x1d9: {  	v61 =	vbroadcast v2, $0x1;
	v57 =	vmul.f32 v0, v5;
	v5 =	vld [tilespmem:s31+$0xFFFFFE50]  }
0x1da: {  	v56 =	vmul.f32 v0, v3;
	v58 =	vmul.f32 v6, v0;
	v3 =	vld [tilespmem:s31+$0xFFFFFE60]  }
0x1db: {  	v59 =	vmul.f32 v7, v0;
	v60 =	vmul.f32 v8, v0;
	v6 =	vld [tilespmem:s31+$0xFFFFFE70]  }
0x1dc: {  	v62 =	vmul.f32 v9, v0;
	v63 =	vmul.f32 v11, v0;
	v7 =	vld [tilespmem:s31+$0xFFFFFE80]  }
0x1dd: {  	v9 =	vmul.f32 v13, v61;
	v18 =	vmul.f32 v18, v61;
	v11 =	vld [tilespmem:s31+$0xFFFFFE90]  }
0x1de: {  	v0 =	vmul.f32 v12, v0;
	v20 =	vmul.f32 v20, v61;
	v8 =	vld [tilespmem:s31+$0xFFFFFEA0]  }
0x1df: {  	v13 =	vmul.f32 v21, v61;
	v12 =	vld [tilespmem:s31+$0xFFFFFEC0];
	v25 =	vmul.f32 v25, v61  }
0x1e0: {  	v56 =	vmax.f32 v56, v9;
	v57 =	vmax.f32 v57, v18;
	v9 =	vld [tilespmem:s31+$0xFFFFFEB0];
	v21 =	vmax.f32 v58, v20  }
0x1e1: {  	v18 =	vmul.f32 v22, v61;
	v22 =	vbroadcast v2, $0x2;
	v58 =	vmax.f32 v59, v13;
	v13 =	vld [tilespmem:s31+$0xFFFFFED0]  }
0x1e2: {  	v59 =	vmul.f32 v23, v61;
	v23 =	vmul.f32 v24, v61;
	v20 =	vld [tilespmem:s31+$0xFFFFFEF0]  }
0x1e3: {  	v24 =	vmax.f32 v60, v18;
	v26 =	vmul.f32 v26, v22;
	v18 =	vld [tilespmem:s31+$0xFFFFFEE0];
	v27 =	vmul.f32 v27, v22  }
0x1e4: {  	v0 =	vmax.f32 v0, v25;
	v60 =	vmul.f32 v28, v22;
	v28 =	vld [tilespmem:s31+$0xFFFFFF00];
	v29 =	vmul.f32 v29, v22  }
0x1e5: {  	v59 =	vmax.f32 v62, v59;
	v30 =	vmul.f32 v30, v22;
	v62 =	vmul.f32 v32, v22;
	v32 =	vld [tilespmem:s31+$0xFFFFFF30]  }
0x1e6: {  	v23 =	vmax.f32 v63, v23;
	v61 =	vmul.f32 v31, v22;
	v22 =	vmul.f32 v33, v22;
	v33 =	vld [tilespmem:s31+$0xFFFFFF60]  }
0x1e7: {  	v31 =	vbroadcast v2, $0x3;
	v25 =	vmax.f32 v56, v26;
	v27 =	vmax.f32 v57, v27;
	v56 =	vld [tilespmem:s31+$0xFFFFFF10]  }
0x1e8: {  	v21 =	vmax.f32 v21, v60;
	v57 =	vld [tilespmem:s31+$0xFFFFFF20];
	v29 =	vmax.f32 v58, v29;
	v24 =	vmax.f32 v24, v30  }
0x1e9: {  	v26 =	vmax.f32 v59, v61;
	v63 =	vmul.f32 v34, v31;
	v34 =	vld [tilespmem:s31+$0xFFFFFF40];
	v58 =	vmul.f32 v35, v31  }
0x1ea: {  	v23 =	vmax.f32 v23, v62;
	v59 =	vmul.f32 v36, v31;
	v36 =	vld [tilespmem:s31+$0xFFFFFF50];
	v60 =	vmul.f32 v37, v31  }
0x1eb: {  	v0 =	vmax.f32 v0, v22;
	v61 =	vmul.f32 v38, v31;
	v35 =	vld [tilespmem:s31+$0xFFFFFF70];
	v62 =	vmul.f32 v39, v31  }
0x1ec: {  	v37 =	vbroadcast v2, $0x4;
	v38 =	vld [tilespmem:s31+$0xFFFFFF80];
	v22 =	vmax.f32 v25, v63;
	v27 =	vmax.f32 v27, v58  }
0x1ed: {  	v39 =	vld [tilespmem:s31+$0xFFFFFF90];
	v21 =	vmax.f32 v21, v59;
	v63 =	vmul.f32 v40, v31;
	v31 =	vmul.f32 v41, v31  }
0x1ee: {  	v30 =	vld [tilespmem:s31+$0x50];
	v25 =	vmax.f32 v29, v60;
	v58 =	vmul.f32 v42, v37;
	v59 =	vmul.f32 v43, v37  }
0x1ef: {  	v24 =	vmax.f32 v24, v61;
	v41 =	vld [tilespmem:s31+$0xFFFFFFA0];
	v60 =	vmul.f32 v44, v37;
	v61 =	vmul.f32 v45, v37  }
0x1f0: {  	v26 =	vmax.f32 v26, v62;
	v40 =	vld [tilespmem:s31+$0xFFFFFFC0];
	v62 =	vmul.f32 v46, v37;
	v42 =	vbroadcast v2, $0x5  }
0x1f1: {  	v43 =	vld [tilespmem:s31+$0xFFFFFFD0];
	v48 =	vmul.f32 v48, v37;
	v49 =	vmul.f32 v49, v37;
	v23 =	vmax.f32 v23, v63  }
0x1f2: {  	v45 =	vld [tilespmem:s31+$0xFFFFFFE0];
	v0 =	vmax.f32 v0, v31;
	v22 =	vmax.f32 v22, v58;
	v63 =	vmul.f32 v47, v37  }
0x1f3: {  	v46 =	vld [tilespmem:s31+$0xFFFFFFF0];
	v27 =	vmax.f32 v27, v59;
	v50 =	vmul.f32 v50, v42;
	v51 =	vmul.f32 v51, v42  }
0x1f4: {  	v44 =	vld [tilespmem:s31+$0x0];
	v21 =	vmax.f32 v21, v60;
	v58 =	vmul.f32 v52, v42;
	v59 =	vmul.f32 v53, v42  }
0x1f5: {  	v29 =	vld [tilespmem:s31+$0x40];
	v25 =	vmax.f32 v25, v61;
	v60 =	vmul.f32 v54, v42;
	v61 =	vmul.f32 v55, v42  }
0x1f6: {  	v31 =	vld [tilespmem:s31+$0xFFFFFFB0];
	v24 =	vmax.f32 v24, v62;
	v62 =	vbroadcast v2, $0x6;
	v19 =	vmul.f32 v19, v42  }
0x1f7: {  	vm15 =	veq.s32 v1, $0x0;
	v37 =	vld [tilespmem:s31+$0x10];
	v15 =	vmul.f32 v15, v42;
	v42 =	vbroadcast v2, $0x7  }
0x1f8: {  	v23 =	vmax.f32 v23, v48;
	v0 =	vmax.f32 v0, v49;
	v48 =	vld [tilespmem:s31+$0x20];
	v26 =	vmax.f32 v26, v63  }
0x1f9: {  	v22 =	vmax.f32 v22, v50;
	v27 =	vmax.f32 v27, v51;
	v50 =	vld [tilespmem:s31+$0x30];
	v16 =	vmul.f32 v16, v62  }
0x1fa: {  	v19 =	vmax.f32 v23, v19;
	v14 =	vmul.f32 v14, v62;
	v17 =	vmul.f32 v17, v62;
	v23 =	vld [tilespmem:s31+$0x60]  }
0x1fb: {  	v21 =	vmax.f32 v21, v58;
	v10 =	vmul.f32 v10, v62;
	v47 =	vmul.f32 v8, v42;
	v8 =	vld [tilespmem:s31+$0xC0]  }
0x1fc: {  	v25 =	vmax.f32 v25, v59;
	v4 =	vmul.f32 v4, v62;
	v51 =	vmul.f32 v18, v42;
	v18 =	vld [tilespmem:s31+$0xF0]  }
0x1fd: {  	v24 =	vmax.f32 v24, v60;
	v5 =	vmul.f32 v5, v62;
	v52 =	vmul.f32 v20, v42;
	v20 =	vld [tilespmem:s31+$0x100]  }
0x1fe: {  	v0 =	vmax.f32 v0, v15;
	v3 =	vmul.f32 v3, v62;
	v49 =	vmul.f32 v13, v42;
	v13 =	vld [tilespmem:s31+$0x110]  }
0x1ff: {  	v6 =	vmul.f32 v6, v62;
	v7 =	vmul.f32 v7, v42;
	v63 =	vmax.f32 v22, v16;
	v16 =	vld [tilespmem:s31+$0x70]  }
0x200: {  	v11 =	vmul.f32 v11, v42;
	v9 =	vmul.f32 v9, v42;
	v17 =	vmax.f32 v21, v17;
	v21 =	vld [tilespmem:s31+$0x80]  }
0x201: {  	v12 =	vmul.f32 v12, v42;
	v15 =	vbroadcast v2, $0x8;
	v10 =	vmax.f32 v25, v10;
	v25 =	vld [tilespmem:s31+$0x90]  }
0x202: {  	v59 =	vbroadcast v2, $0xA;
	v26 =	vmax.f32 v26, v61;
	v4 =	vmax.f32 v24, v4;
	v24 =	vld [tilespmem:s31+$0xA0]  }
0x203: {  	v14 =	vmax.f32 v27, v14;
	v5 =	vmax.f32 v26, v5;
	v26 =	vld [tilespmem:s31+$0xB0];
	v3 =	vmax.f32 v19, v3  }
0x204: {  	v0 =	vmax.f32 v0, v6;
	v53 =	vmul.f32 v28, v15;
	v60 =	vmul.f32 v56, v15;
	v19 =	vld [tilespmem:s31+$0x120]  }
0x205: {  	v56 =	vimm.f32 $1.000000000e+00;
	v61 =	vmul.f32 v57, v15;
	v62 =	vmul.f32 v32, v15;
	v27 =	vld [tilespmem:s31+$0x130]  }
0x206: {  	v42 =	vmul.f32 v36, v15;
	v32 =	vld [tilespmem:s31+$0x140];
	v7 =	vmax.f32 v63, v7;
	v11 =	vmax.f32 v14, v11  }
0x207: {  	v22 =	vld [tilespmem:s31+$0x150];
	v6 =	vmax.f32 v17, v47;
	v9 =	vmax.f32 v10, v9;
	v4 =	vmax.f32 v4, v12  }
0x208: {  	v36 =	vld [tilespmem:s31+$0x1A0];
	v5 =	vmax.f32 v5, v49;
	v3 =	vmax.f32 v3, v51;
	v63 =	vmul.f32 v34, v15  }
0x209: {  	v14 =	vld [tilespmem:s31+$0xD0];
	v0 =	vmax.f32 v0, v52;
	v47 =	vbroadcast v2, $0x9;
	v49 =	vmul.f32 v33, v15  }
0x20a: {  	v17 =	vld [tilespmem:s31+$0xE0];
	v51 =	vmul.f32 v35, v15;
	v37 =	vmul.f32 v37, v59;
	v6 =	vmax.f32 v6, v61  }
0x20b: {  	v33 =	vld [tilespmem:s31+$0x160];
	v9 =	vmax.f32 v9, v62;
	v61 =	vmul.f32 v44, v59;
	v62 =	vmul.f32 v48, v59  }
0x20c: {  	v35 =	vld [tilespmem:s31+$0x170];
	v7 =	vmax.f32 v7, v53;
	v44 =	vmul.f32 v29, v59;
	v52 =	vmul.f32 v38, v47  }
0x20d: {  	v15 =	vld [tilespmem:s31+$0x180];
	v10 =	vmax.f32 v11, v60;
	v53 =	vmul.f32 v39, v47;
	v54 =	vmul.f32 v41, v47  }
0x20e: {  	v12 =	vld [tilespmem:s31+$0x260];
	v5 =	vmax.f32 v5, v42;
	v55 =	vmul.f32 v31, v47;
	v57 =	vmul.f32 v40, v47  }
0x20f: {  	v34 =	vld [tilespmem:s31+$0x370];
	v4 =	vmax.f32 v4, v63;
	v58 =	vmul.f32 v43, v47;
	v60 =	vmul.f32 v45, v47  }
0x210: {  	v3 =	vmax.f32 v3, v49;
	v31 =	vld [tilespmem:s31+$0x190];
	v28 =	vmul.f32 v46, v47;
	v63 =	vmul.f32 v50, v59  }
0x211: {  	v0 =	vmax.f32 v0, v51;
	v38 =	vld [tilespmem:s31+$0x1B0];
	v45 =	vbroadcast v2, $0xB;
	v46 =	vmul.f32 v30, v59  }
0x212: {  	v39 =	vld [tilespmem:s31+$0x1C0];
	v23 =	vmul.f32 v23, v59;
	v7 =	vmax.f32 v7, v52;
	v10 =	vmax.f32 v10, v53  }
0x213: {  	v40 =	vld [tilespmem:s31+$0x1F0];
	v6 =	vmax.f32 v6, v54;
	v9 =	vmax.f32 v9, v55;
	v4 =	vmax.f32 v4, v57  }
0x214: {  	v30 =	vld [tilespmem:s31+$0x200];
	v5 =	vmax.f32 v5, v58;
	v47 =	vmul.f32 v16, v59;
	v48 =	vmul.f32 v21, v45  }
0x215: {  	v41 =	vld [tilespmem:s31+$0x2B0];
	v3 =	vmax.f32 v3, v60;
	v49 =	vmul.f32 v25, v45;
	v50 =	vmul.f32 v24, v45  }
0x216: {  	v43 =	vld [tilespmem:s31+$0x2C0];
	v0 =	vmax.f32 v0, v28;
	v51 =	vmul.f32 v26, v45;
	v8 =	vmul.f32 v8, v45  }
0x217: {  	v28 =	vld [tilespmem:s31+$0x1D0];
	v53 =	vbroadcast v2, $0xC;
	v55 =	vmul.f32 v18, v45;
	v7 =	vmax.f32 v7, v61  }
0x218: {  	v21 =	vld [tilespmem:s31+$0x210];
	v10 =	vmax.f32 v10, v37;
	v6 =	vmax.f32 v6, v62;
	v9 =	vmax.f32 v9, v63  }
0x219: {  	v16 =	vld [tilespmem:s31+$0x230];
	v4 =	vmax.f32 v4, v44;
	v5 =	vmax.f32 v5, v46;
	v52 =	vmul.f32 v14, v45  }
0x21a: {  	v24 =	vld [tilespmem:s31+$0x240];
	v3 =	vmax.f32 v3, v23;
	v54 =	vmul.f32 v17, v45;
	v63 =	vbroadcast v2, $0xD  }
0x21b: {  	v25 =	vld [tilespmem:s31+$0x250];
	v0 =	vmax.f32 v0, v47;
	v7 =	vmax.f32 v7, v48;
	v57 =	vmul.f32 v20, v53  }
0x21c: {  	v18 =	vld [tilespmem:s31+$0x270];
	v10 =	vmax.f32 v10, v49;
	v58 =	vmul.f32 v13, v53;
	v59 =	vmul.f32 v19, v53  }
0x21d: {  	v37 =	vld [tilespmem:s31+$0x1E0];
	v6 =	vmax.f32 v6, v50;
	v60 =	vmul.f32 v27, v53;
	v61 =	vmul.f32 v32, v53  }
0x21e: {  	v23 =	vld [tilespmem:s31+$0x220];
	v9 =	vmax.f32 v9, v51;
	v62 =	vmul.f32 v22, v53;
	v42 =	vmul.f32 v33, v53  }
0x21f: {  	v17 =	vld [tilespmem:s31+$0x290];
	v4 =	vmax.f32 v4, v8;
	v14 =	vmul.f32 v35, v53;
	v53 =	vbroadcast v2, $0xE  }
0x220: {  	v19 =	vld [tilespmem:s31+$0x280];
	v2 =	vbroadcast v2, $0xF;
	v5 =	vmax.f32 v5, v52;
	v44 =	vmul.f32 v15, v63  }
0x221: {  	v13 =	vld [tilespmem:s31+$0x2A0];
	v3 =	vmax.f32 v3, v54;
	v45 =	vmul.f32 v31, v63;
	v46 =	vmul.f32 v36, v63  }
0x222: {  	v27 =	vld [tilespmem:s31+$0x2D0];
	v0 =	vmax.f32 v0, v55;
	v48 =	vmul.f32 v38, v63;
	v50 =	vmul.f32 v39, v63  }
0x223: {  	v47 =	vld [tilespmem:s31+$0x2E0];
	v55 =	vmul.f32 v40, v63;
	v7 =	vmax.f32 v7, v57;
	v8 =	vmax.f32 v10, v58  }
0x224: {  	v49 =	vld [tilespmem:s31+$0x2F0];
	v6 =	vmax.f32 v6, v59;
	v9 =	vmax.f32 v9, v60;
	v4 =	vmax.f32 v4, v61  }
0x225: {  	v51 =	vld [tilespmem:s31+$0x300];
	v5 =	vmax.f32 v5, v62;
	v3 =	vmax.f32 v3, v42;
	v58 =	vmul.f32 v30, v53  }
0x226: {  	v32 =	vld [tilespmem:s31+$0x460];
	v0 =	vmax.f32 v0, v14;
	v33 =	vmul.f32 v12, v53;
	v41 =	vmul.f32 v41, v2  }
0x227: {  	v54 =	vld [tilespmem:s31+$0x310];
	v43 =	vmul.f32 v43, v2;
	v7 =	vmax.f32 v7, v44;
	v8 =	vmax.f32 v8, v45  }
0x228: {  	v36 =	vld [tilespmem:s31+$0x380];
	v6 =	vmax.f32 v6, v46;
	v28 =	vmul.f32 v28, v63;
	v21 =	vmul.f32 v21, v53  }
0x229: {  	v38 =	vld [tilespmem:s31+$0x390];
	v9 =	vmax.f32 v9, v48;
	v16 =	vmul.f32 v16, v53;
	v62 =	vmul.f32 v24, v53  }
0x22a: {  	v40 =	vld [tilespmem:s31+$0x3A0];
	v4 =	vmax.f32 v4, v50;
	v25 =	vmul.f32 v25, v53;
	v35 =	vmul.f32 v18, v53  }
0x22b: {  	v57 =	vld [tilespmem:s31+$0x320];
	v0 =	vmax.f32 v0, v55;
	v52 =	vmul.f32 v37, v63;
	v60 =	vmul.f32 v23, v53  }
0x22c: {  	v59 =	vld [tilespmem:s31+$0x330];
	v7 =	vmax.f32 v7, v58;
	v17 =	vmul.f32 v17, v2;
	v5 =	vmax.f32 v5, v28  }
0x22d: {  	v61 =	vld [tilespmem:s31+$0x340];
	v8 =	vmax.f32 v8, v21;
	v9 =	vmax.f32 v9, v16;
	v4 =	vmax.f32 v4, v62  }
0x22e: {  	v30 =	vld [tilespmem:s31+$0x360];
	v37 =	vmul.f32 v19, v2;
	v19 =	vsel vm15, $0x0, v56;
	v39 =	vmul.f32 v13, v2  }
0x22f: {  	v42 =	vld [tilespmem:s31+$0x3B0];
	v0 =	vmax.f32 v0, v35;
	v46 =	vmul.f32 v27, v2;
	v14 =	vmul.f32 v47, v2  }
0x230: {  	v45 =	vld [tilespmem:s31+$0x3C0];
	v2 =	vmul.f32 v49, v2;
	v3 =	vmax.f32 v3, v52;
	v44 =	vbroadcast v19, $0xC  }
0x231: {  	v63 =	vld [tilespmem:s31+$0x350];
	v6 =	vmax.f32 v6, v60;
	v5 =	vmax.f32 v5, v25;
	v8 =	vmax.f32 v8, v17  }
0x232: {  	v58 =	vld [tilespmem:s31+$0x410];
	v9 =	vmax.f32 v9, v41;
	v60 =	vbroadcast v19, $0xD;
	v48 =	vmul.f32 v51, v44  }
0x233: {  	v47 =	vld [tilespmem:s31+$0x3D0];
	v4 =	vmax.f32 v4, v43;
	v50 =	vmul.f32 v54, v44;
	v53 =	vmul.f32 v57, v44  }
0x234: {  	v49 =	vld [tilespmem:s31+$0x3E0];
	v3 =	vmax.f32 v3, v33;
	v55 =	vmul.f32 v59, v44;
	v57 =	vmul.f32 v61, v44  }
0x235: {  	v28 =	vld [tilespmem:s31+$0x440];
	v7 =	vmax.f32 v7, v37;
	v62 =	vmul.f32 v30, v44;
	v27 =	vmul.f32 v34, v44  }
0x236: {  	v41 =	vld [tilespmem:s31+$0x4A0];
	v1 =	vmax.f32 v6, v39;
	v10 =	vmul.f32 v36, v60;
	v29 =	vmul.f32 v38, v60  }
0x237: {  	v43 =	vld [tilespmem:s31+$0x4B0];
	v5 =	vmax.f32 v5, v46;
	v13 =	vmul.f32 v40, v60;
	v31 =	vmul.f32 v42, v60  }
0x238: {  	v0 =	vmax.f32 v0, v2;
	v37 =	vld [tilespmem:s31+$0x480];
	v33 =	vmul.f32 v45, v60;
	v36 =	vbroadcast v19, $0xE  }
0x239: {  	v39 =	vld [tilespmem:s31+$0x490];
	v3 =	vmax.f32 v3, v14;
	v19 =	vbroadcast v19, $0xF;
	v59 =	vmul.f32 v63, v44  }
0x23a: {  	v51 =	vld [tilespmem:s31+$0x3F0];
	v52 =	vmax.f32 v7, v48;
	v8 =	vmax.f32 v8, v50;
	v1 =	vmax.f32 v1, v53  }
0x23b: {  	v54 =	vld [tilespmem:s31+$0x400];
	v9 =	vmax.f32 v9, v55;
	v4 =	vmax.f32 v4, v57;
	v35 =	vmul.f32 v47, v60  }
0x23c: {  	v61 =	vld [tilespmem:s31+$0x420];
	v3 =	vmax.f32 v3, v62;
	v38 =	vmul.f32 v49, v60;
	v40 =	vmul.f32 v58, v36  }
0x23d: {  	v30 =	vld [tilespmem:s31+$0x450];
	v0 =	vmax.f32 v0, v27;
	v48 =	vmul.f32 v28, v36;
	v58 =	vmul.f32 v32, v36  }
0x23e: {  	v45 =	vld [tilespmem:s31+$0x4C0];
	v5 =	vmax.f32 v5, v59;
	v2 =	vmax.f32 v52, v10;
	v8 =	vmax.f32 v8, v29  }
0x23f: {  	v34 =	vld [tilespmem:s31+$0x470];
	v1 =	vmax.f32 v1, v13;
	v6 =	vmax.f32 v9, v31;
	v4 =	vmax.f32 v4, v33  }
0x240: {  	v63 =	vld [tilespmem:s31+$0x430];
	v52 =	vmul.f32 v41, v19;
	v55 =	vmul.f32 v43, v19;
	v5 =	vmax.f32 v5, v35  }
0x241: {  	v3 =	vmax.f32 v3, v38;
	v46 =	vmul.f32 v37, v19;
	v49 =	vmul.f32 v39, v19  }
0x242: {  	v47 =	vld [tilespmem:s31+$0x4D0];
	v8 =	vmax.f32 v8, v40;
	v14 =	vmul.f32 v51, v60;
	v7 =	vmul.f32 v54, v36  }
0x243: {  	v53 =	vld [tilespmem:s31+$0x4F0];
	v4 =	vmax.f32 v4, v48;
	v42 =	vmul.f32 v61, v36;
	v57 =	vmul.f32 v45, v19  }
0x244: {  	v50 =	vld [tilespmem:s31+$0x4E0];
	v51 =	vmul.f32 v30, v36;
	v60 =	vmul.f32 v34, v36;
	v54 =	vmax.f32 v8, v49  }
0x245: {  	v44 =	vmul.f32 v63, v36;
	v2 =	vmax.f32 v2, v7;
	[tilespmem:s30+$0xFFFFFFD0] =	vst v54;
	v4 =	vmax.f32 v4, v57  }
0x246: {  	v0 =	vmax.f32 v0, v14;
	v1 =	vmax.f32 v1, v42;
	v2 =	vmax.f32 v2, v46;
	[tilespmem:s30+$0x0] =	vst v4  }
0x247: {  	p2 =	sne.s32 s8, $0x8C;
	v59 =	vmul.f32 v47, v19;
	v6 =	vmax.f32 v6, v44;
	v1 =	vmax.f32 v1, v52;
	[tilespmem:s30+$0xFFFFFFC0] =	vst v2  }
.Ltmp2:
0x248: {  	v5 =	vmax.f32 v5, v51;
	v63 =	vmul.f32 v53, v19;
	v2 =	vmax.f32 v6, v55;
	[tilespmem:s30+$0xFFFFFFE0] =	vst v1;
	(pc) =	sbr.rel @p2 .LBB2_7-.Ltmp2, $4  }
0x249: {  	v61 =	vmul.f32 v50, v19;
	v0 =	vmax.f32 v0, v60;
	v62 =	vmax.f32 v5, v59;
	[tilespmem:s30+$0xFFFFFFF0] =	vst v2  }
0x24a: {  	v1 =	vmax.f32 v3, v58;
	v0 =	vmax.f32 v0, v63;
	[tilespmem:s30+$0x10] =	vst v62  }
0x24b: {  	s14 =	sadd.s32 $0x14, s14;
	v1 =	vmax.f32 v1, v61;
	[tilespmem:s30+$0x30] =	vst v0  }
0x24c: {  	s8 =	sadd.s32 $0x14, s8;
	s31 =	sadd.s32 $0xA00, s31;
	[tilespmem:s30+$0x20] =	vst v1;
	s30 =	sadd.s32 $0x80, s30  }
0x24d: {  	s0 =	sadd.s32 @!p1 $0x3C0, s20;
	s8 =	simm.s32 @!p1 $0x50;
	s9 =	simm.s32 @!p1 $0xD200  }
0x24e: {  	[tilespmem:s9], [sflag:$0x3] =	stream.indirect.gather @!p1 [hbm4b:s2+s8], $0x80, s0, s8, $0xb8;
	[tilespmem:$0x18200] =	vst v63  }
0x24f: {  	s31 =	sshll.u32 s7, $0xA;
	s0 =	sadd.s32 @!p1 $0x410, s20;
	s9 =	simm.s32 @!p1 $0xFA00  }
0x250: {  	[tilespmem:s9], [sflag:$0x3] =	stream.indirect.gather @!p1 [hbm4b:s2+s8], $0x80, s0, s8, $0xb8;
	[tilespmem:$0x18200] =	vst v63  }
0x251: {  	s0 =	sadd.s32 s6, s31  }
0x252: {  	s0 =	sshrl.u32 s0, $0x3  }
0x253: {  	s0 =	sadd.s32 s3, s0  }
0x254: {  	[hbm4b:s0+s4] =	stream.linear.scatter [tilespmem:s26], [sflag:$0x7], $0x400, $0x38;
	[tilespmem:$0x18200] =	vst v63  }
0x255: {  	_ =	swait.ge [sflag:s28], $0x2800  }
0x256: {  	[sflag:s28] =	ssyncset.done $0x0  }
0x257: {  	[sflag:s28] =	ssyncadd.s32 $0xFFFFD800  }
0x258: {  	_ =	swait.ge [sflag:s28], $0x2800  }
0x259: {  	[sflag:s28] =	ssyncset.done $0x0  }
0x25a: {  	s0 =	simm.s32 @!p0 $0x8;
	[sflag:s28] =	ssyncadd.s32 $0xFFFFD800  }
0x25b: {  	s5 =	sor.u32 $0x3, s5;
	_ =	swait.ge @!p0 [sflag:s0], $0x400  }
0x25c: {  	s7 =	simm.s32 $0x0;
	s30 =	simm.s32 $0x12700;
	[sflag:s0] =	ssyncset.done @!p0 $0x0  }
0x25d: {  	s14 =	smov.u32 s16;
	s8 =	simm.s32 $0x17E40;
	[sflag:s0] =	ssyncadd.s32 @!p0 $0xFFFFFC00  }
.LBB2_9:
0x25e: {  	v1 =	vld [tilespmem:s14+$0x0]  }
0x25f: {  	v3 =	vld [tilespmem:s30+$0xFFFFFB00]  }
0x260: {  	v5 =	vld [tilespmem:s30+$0xFFFFFB10]  }
0x261: {  	v6 =	vld [tilespmem:s30+$0xFFFFFB20]  }
0x262: {  	v7 =	vld [tilespmem:s30+$0xFFFFFB30]  }
0x263: {  	v8 =	vld [tilespmem:s30+$0xFFFFFB40]  }
0x264: {  	v9 =	vld [tilespmem:s30+$0xFFFFFB50]  }
0x265: {  	v11 =	vld [tilespmem:s30+$0xFFFFFB60]  }
0x266: {  	v12 =	vld [tilespmem:s30+$0xFFFFFB70]  }
0x267: {  	v13 =	vld [tilespmem:s30+$0xFFFFFB80]  }
0x268: {  	v18 =	vld [tilespmem:s30+$0xFFFFFB90]  }
0x269: {  	v20 =	vld [tilespmem:s30+$0xFFFFFBA0]  }
0x26a: {  	v21 =	vld [tilespmem:s30+$0xFFFFFBB0]  }
0x26b: {  	v22 =	vld [tilespmem:s30+$0xFFFFFBC0]  }
0x26c: {  	v23 =	vld [tilespmem:s30+$0xFFFFFBD0]  }
0x26d: {  	v24 =	vld [tilespmem:s30+$0xFFFFFBE0]  }
0x26e: {  	v25 =	vld [tilespmem:s30+$0xFFFFFBF0]  }
0x26f: {  	v26 =	vld [tilespmem:s30+$0xFFFFFC00]  }
0x270: {  	v27 =	vld [tilespmem:s30+$0xFFFFFC10]  }
0x271: {  	v28 =	vld [tilespmem:s30+$0xFFFFFC20]  }
0x272: {  	v29 =	vld [tilespmem:s30+$0xFFFFFC30]  }
0x273: {  	v30 =	vld [tilespmem:s30+$0xFFFFFC40]  }
0x274: {  	v31 =	vld [tilespmem:s30+$0xFFFFFC50]  }
0x275: {  	v32 =	vld [tilespmem:s30+$0xFFFFFC60]  }
0x276: {  	v33 =	vld [tilespmem:s30+$0xFFFFFC70]  }
0x277: {  	v34 =	vld [tilespmem:s30+$0xFFFFFC80]  }
0x278: {  	v35 =	vld [tilespmem:s30+$0xFFFFFC90]  }
0x279: {  	v36 =	vld [tilespmem:s30+$0xFFFFFCA0]  }
0x27a: {  	v37 =	vld [tilespmem:s30+$0xFFFFFCB0]  }
0x27b: {  	v38 =	vld [tilespmem:s30+$0xFFFFFCC0]  }
0x27c: {  	v39 =	vld [tilespmem:s30+$0xFFFFFCD0]  }
0x27d: {  	v40 =	vld [tilespmem:s30+$0xFFFFFCE0]  }
0x27e: {  	v41 =	vld [tilespmem:s30+$0xFFFFFCF0]  }
0x27f: {  	v42 =	vld [tilespmem:s30+$0xFFFFFD00]  }
0x280: {  	v43 =	vld [tilespmem:s30+$0xFFFFFD10]  }
0x281: {  	v44 =	vld [tilespmem:s30+$0xFFFFFD20]  }
0x282: {  	v45 =	vld [tilespmem:s30+$0xFFFFFD30]  }
0x283: {  	v46 =	vld [tilespmem:s30+$0xFFFFFD40]  }
0x284: {  	v47 =	vld [tilespmem:s30+$0xFFFFFD50]  }
0x285: {  	v48 =	vld [tilespmem:s30+$0xFFFFFD60]  }
0x286: {  	v49 =	vld [tilespmem:s30+$0xFFFFFD70]  }
0x287: {  	v50 =	vld [tilespmem:s30+$0xFFFFFD80]  }
0x288: {  	v51 =	vld [tilespmem:s30+$0xFFFFFD90]  }
0x289: {  	s0 =	sadd.s32 s7, s13;
	v52 =	vld [tilespmem:s30+$0xFFFFFDA0]  }
0x28a: {  	s9 =	sand.u32 $0x4, s7;
	v53 =	vld [tilespmem:s30+$0xFFFFFDB0];
	s0 =	sand.u32 $0xFFF8, s0  }
0x28b: {  	v54 =	vld [tilespmem:s30+$0xFFFFFDC0];
	s0 =	sor.u32 s9, s0  }
0x28c: {  	v0 =	vld [tilespmem:s0+$0x0]  }
0x28d: {  	v55 =	vld [tilespmem:s30+$0xFFFFFDD0]  }
0x28e: {  	v19 =	vld [tilespmem:s30+$0xFFFFFDE0]  }
0x28f: {  	v15 =	vld [tilespmem:s30+$0xFFFFFDF0]  }
0x290: {  	v16 =	vld [tilespmem:s30+$0xFFFFFE00]  }
0x291: {  	v14 =	vld [tilespmem:s30+$0xFFFFFE10];
	vm0 =	veq.s32 v0, $0x0  }
0x292: {  	v17 =	vld [tilespmem:s30+$0xFFFFFE20];
	v2 =	vsel vm0, $0x0, v56  }
0x293: {  	v10 =	vld [tilespmem:s30+$0xFFFFFE30];
	v0 =	vbroadcast v2, $0x0  }
0x294: {  	v4 =	vld [tilespmem:s30+$0xFFFFFE40]  }
0x295: {  	v61 =	vbroadcast v2, $0x1;
	v57 =	vmul.f32 v0, v5;
	v5 =	vld [tilespmem:s30+$0xFFFFFE50]  }
0x296: {  	v56 =	vmul.f32 v0, v3;
	v58 =	vmul.f32 v6, v0;
	v3 =	vld [tilespmem:s30+$0xFFFFFE60]  }
0x297: {  	v59 =	vmul.f32 v7, v0;
	v60 =	vmul.f32 v8, v0;
	v6 =	vld [tilespmem:s30+$0xFFFFFE70]  }
0x298: {  	v62 =	vmul.f32 v9, v0;
	v63 =	vmul.f32 v11, v0;
	v7 =	vld [tilespmem:s30+$0xFFFFFE80]  }
0x299: {  	v9 =	vmul.f32 v13, v61;
	v18 =	vmul.f32 v18, v61;
	v11 =	vld [tilespmem:s30+$0xFFFFFE90]  }
0x29a: {  	v0 =	vmul.f32 v12, v0;
	v20 =	vmul.f32 v20, v61;
	v8 =	vld [tilespmem:s30+$0xFFFFFEA0]  }
0x29b: {  	v13 =	vmul.f32 v21, v61;
	v12 =	vld [tilespmem:s30+$0xFFFFFEC0];
	v25 =	vmul.f32 v25, v61  }
0x29c: {  	v56 =	vmax.f32 v56, v9;
	v57 =	vmax.f32 v57, v18;
	v9 =	vld [tilespmem:s30+$0xFFFFFEB0];
	v21 =	vmax.f32 v58, v20  }
0x29d: {  	v18 =	vmul.f32 v22, v61;
	v22 =	vbroadcast v2, $0x2;
	v58 =	vmax.f32 v59, v13;
	v13 =	vld [tilespmem:s30+$0xFFFFFED0]  }
0x29e: {  	v59 =	vmul.f32 v23, v61;
	v23 =	vmul.f32 v24, v61;
	v20 =	vld [tilespmem:s30+$0xFFFFFEF0]  }
0x29f: {  	v24 =	vmax.f32 v60, v18;
	v26 =	vmul.f32 v26, v22;
	v18 =	vld [tilespmem:s30+$0xFFFFFEE0];
	v27 =	vmul.f32 v27, v22  }
0x2a0: {  	v0 =	vmax.f32 v0, v25;
	v60 =	vmul.f32 v28, v22;
	v28 =	vld [tilespmem:s30+$0xFFFFFF00];
	v29 =	vmul.f32 v29, v22  }
0x2a1: {  	v59 =	vmax.f32 v62, v59;
	v30 =	vmul.f32 v30, v22;
	v62 =	vmul.f32 v32, v22;
	v32 =	vld [tilespmem:s30+$0xFFFFFF30]  }
0x2a2: {  	v23 =	vmax.f32 v63, v23;
	v61 =	vmul.f32 v31, v22;
	v22 =	vmul.f32 v33, v22;
	v33 =	vld [tilespmem:s30+$0xFFFFFF60]  }
0x2a3: {  	v31 =	vbroadcast v2, $0x3;
	v25 =	vmax.f32 v56, v26;
	v27 =	vmax.f32 v57, v27;
	v56 =	vld [tilespmem:s30+$0xFFFFFF10]  }
0x2a4: {  	v21 =	vmax.f32 v21, v60;
	v57 =	vld [tilespmem:s30+$0xFFFFFF20];
	v29 =	vmax.f32 v58, v29;
	v24 =	vmax.f32 v24, v30  }
0x2a5: {  	v26 =	vmax.f32 v59, v61;
	v63 =	vmul.f32 v34, v31;
	v34 =	vld [tilespmem:s30+$0xFFFFFF40];
	v58 =	vmul.f32 v35, v31  }
0x2a6: {  	v23 =	vmax.f32 v23, v62;
	v59 =	vmul.f32 v36, v31;
	v36 =	vld [tilespmem:s30+$0xFFFFFF50];
	v60 =	vmul.f32 v37, v31  }
0x2a7: {  	v0 =	vmax.f32 v0, v22;
	v61 =	vmul.f32 v38, v31;
	v35 =	vld [tilespmem:s30+$0xFFFFFF70];
	v62 =	vmul.f32 v39, v31  }
0x2a8: {  	v37 =	vbroadcast v2, $0x4;
	v38 =	vld [tilespmem:s30+$0xFFFFFF80];
	v22 =	vmax.f32 v25, v63;
	v27 =	vmax.f32 v27, v58  }
0x2a9: {  	v39 =	vld [tilespmem:s30+$0xFFFFFF90];
	v21 =	vmax.f32 v21, v59;
	v63 =	vmul.f32 v40, v31;
	v31 =	vmul.f32 v41, v31  }
0x2aa: {  	v30 =	vld [tilespmem:s30+$0x50];
	v25 =	vmax.f32 v29, v60;
	v58 =	vmul.f32 v42, v37;
	v59 =	vmul.f32 v43, v37  }
0x2ab: {  	v24 =	vmax.f32 v24, v61;
	v41 =	vld [tilespmem:s30+$0xFFFFFFA0];
	v60 =	vmul.f32 v44, v37;
	v61 =	vmul.f32 v45, v37  }
0x2ac: {  	v26 =	vmax.f32 v26, v62;
	v40 =	vld [tilespmem:s30+$0xFFFFFFC0];
	v62 =	vmul.f32 v46, v37;
	v42 =	vbroadcast v2, $0x5  }
0x2ad: {  	v43 =	vld [tilespmem:s30+$0xFFFFFFD0];
	v48 =	vmul.f32 v48, v37;
	v49 =	vmul.f32 v49, v37;
	v23 =	vmax.f32 v23, v63  }
0x2ae: {  	v45 =	vld [tilespmem:s30+$0xFFFFFFE0];
	v0 =	vmax.f32 v0, v31;
	v22 =	vmax.f32 v22, v58;
	v63 =	vmul.f32 v47, v37  }
0x2af: {  	v46 =	vld [tilespmem:s30+$0xFFFFFFF0];
	v27 =	vmax.f32 v27, v59;
	v50 =	vmul.f32 v50, v42;
	v51 =	vmul.f32 v51, v42  }
0x2b0: {  	v44 =	vld [tilespmem:s30+$0x0];
	v21 =	vmax.f32 v21, v60;
	v58 =	vmul.f32 v52, v42;
	v59 =	vmul.f32 v53, v42  }
0x2b1: {  	v29 =	vld [tilespmem:s30+$0x40];
	v25 =	vmax.f32 v25, v61;
	v60 =	vmul.f32 v54, v42;
	v61 =	vmul.f32 v55, v42  }
0x2b2: {  	v31 =	vld [tilespmem:s30+$0xFFFFFFB0];
	v24 =	vmax.f32 v24, v62;
	v62 =	vbroadcast v2, $0x6;
	v19 =	vmul.f32 v19, v42  }
0x2b3: {  	vm15 =	veq.s32 v1, $0x0;
	v37 =	vld [tilespmem:s30+$0x10];
	v15 =	vmul.f32 v15, v42;
	v42 =	vbroadcast v2, $0x7  }
0x2b4: {  	v23 =	vmax.f32 v23, v48;
	v0 =	vmax.f32 v0, v49;
	v48 =	vld [tilespmem:s30+$0x20];
	v26 =	vmax.f32 v26, v63  }
0x2b5: {  	v22 =	vmax.f32 v22, v50;
	v27 =	vmax.f32 v27, v51;
	v50 =	vld [tilespmem:s30+$0x30];
	v16 =	vmul.f32 v16, v62  }
0x2b6: {  	v19 =	vmax.f32 v23, v19;
	v14 =	vmul.f32 v14, v62;
	v17 =	vmul.f32 v17, v62;
	v23 =	vld [tilespmem:s30+$0x60]  }
0x2b7: {  	v21 =	vmax.f32 v21, v58;
	v10 =	vmul.f32 v10, v62;
	v47 =	vmul.f32 v8, v42;
	v8 =	vld [tilespmem:s30+$0xC0]  }
0x2b8: {  	v25 =	vmax.f32 v25, v59;
	v4 =	vmul.f32 v4, v62;
	v51 =	vmul.f32 v18, v42;
	v18 =	vld [tilespmem:s30+$0xF0]  }
0x2b9: {  	v24 =	vmax.f32 v24, v60;
	v5 =	vmul.f32 v5, v62;
	v52 =	vmul.f32 v20, v42;
	v20 =	vld [tilespmem:s30+$0x100]  }
0x2ba: {  	v0 =	vmax.f32 v0, v15;
	v3 =	vmul.f32 v3, v62;
	v49 =	vmul.f32 v13, v42;
	v13 =	vld [tilespmem:s30+$0x110]  }
0x2bb: {  	v6 =	vmul.f32 v6, v62;
	v7 =	vmul.f32 v7, v42;
	v63 =	vmax.f32 v22, v16;
	v16 =	vld [tilespmem:s30+$0x70]  }
0x2bc: {  	v11 =	vmul.f32 v11, v42;
	v9 =	vmul.f32 v9, v42;
	v17 =	vmax.f32 v21, v17;
	v21 =	vld [tilespmem:s30+$0x80]  }
0x2bd: {  	v12 =	vmul.f32 v12, v42;
	v15 =	vbroadcast v2, $0x8;
	v10 =	vmax.f32 v25, v10;
	v25 =	vld [tilespmem:s30+$0x90]  }
0x2be: {  	v59 =	vbroadcast v2, $0xA;
	v26 =	vmax.f32 v26, v61;
	v4 =	vmax.f32 v24, v4;
	v24 =	vld [tilespmem:s30+$0xA0]  }
0x2bf: {  	v14 =	vmax.f32 v27, v14;
	v5 =	vmax.f32 v26, v5;
	v26 =	vld [tilespmem:s30+$0xB0];
	v3 =	vmax.f32 v19, v3  }
0x2c0: {  	v0 =	vmax.f32 v0, v6;
	v53 =	vmul.f32 v28, v15;
	v60 =	vmul.f32 v56, v15;
	v19 =	vld [tilespmem:s30+$0x120]  }
0x2c1: {  	v56 =	vimm.f32 $1.000000000e+00;
	v61 =	vmul.f32 v57, v15;
	v62 =	vmul.f32 v32, v15;
	v27 =	vld [tilespmem:s30+$0x130]  }
0x2c2: {  	v42 =	vmul.f32 v36, v15;
	v32 =	vld [tilespmem:s30+$0x140];
	v7 =	vmax.f32 v63, v7;
	v11 =	vmax.f32 v14, v11  }
0x2c3: {  	v22 =	vld [tilespmem:s30+$0x150];
	v6 =	vmax.f32 v17, v47;
	v9 =	vmax.f32 v10, v9;
	v4 =	vmax.f32 v4, v12  }
0x2c4: {  	v36 =	vld [tilespmem:s30+$0x1A0];
	v5 =	vmax.f32 v5, v49;
	v3 =	vmax.f32 v3, v51;
	v63 =	vmul.f32 v34, v15  }
0x2c5: {  	v14 =	vld [tilespmem:s30+$0xD0];
	v0 =	vmax.f32 v0, v52;
	v47 =	vbroadcast v2, $0x9;
	v49 =	vmul.f32 v33, v15  }
0x2c6: {  	v17 =	vld [tilespmem:s30+$0xE0];
	v51 =	vmul.f32 v35, v15;
	v37 =	vmul.f32 v37, v59;
	v6 =	vmax.f32 v6, v61  }
0x2c7: {  	v33 =	vld [tilespmem:s30+$0x160];
	v9 =	vmax.f32 v9, v62;
	v61 =	vmul.f32 v44, v59;
	v62 =	vmul.f32 v48, v59  }
0x2c8: {  	v35 =	vld [tilespmem:s30+$0x170];
	v7 =	vmax.f32 v7, v53;
	v44 =	vmul.f32 v29, v59;
	v52 =	vmul.f32 v38, v47  }
0x2c9: {  	v15 =	vld [tilespmem:s30+$0x180];
	v10 =	vmax.f32 v11, v60;
	v53 =	vmul.f32 v39, v47;
	v54 =	vmul.f32 v41, v47  }
0x2ca: {  	v12 =	vld [tilespmem:s30+$0x260];
	v5 =	vmax.f32 v5, v42;
	v55 =	vmul.f32 v31, v47;
	v57 =	vmul.f32 v40, v47  }
0x2cb: {  	v34 =	vld [tilespmem:s30+$0x370];
	v4 =	vmax.f32 v4, v63;
	v58 =	vmul.f32 v43, v47;
	v60 =	vmul.f32 v45, v47  }
0x2cc: {  	v3 =	vmax.f32 v3, v49;
	v31 =	vld [tilespmem:s30+$0x190];
	v28 =	vmul.f32 v46, v47;
	v63 =	vmul.f32 v50, v59  }
0x2cd: {  	v0 =	vmax.f32 v0, v51;
	v38 =	vld [tilespmem:s30+$0x1B0];
	v45 =	vbroadcast v2, $0xB;
	v46 =	vmul.f32 v30, v59  }
0x2ce: {  	v39 =	vld [tilespmem:s30+$0x1C0];
	v23 =	vmul.f32 v23, v59;
	v7 =	vmax.f32 v7, v52;
	v10 =	vmax.f32 v10, v53  }
0x2cf: {  	v40 =	vld [tilespmem:s30+$0x1F0];
	v6 =	vmax.f32 v6, v54;
	v9 =	vmax.f32 v9, v55;
	v4 =	vmax.f32 v4, v57  }
0x2d0: {  	v30 =	vld [tilespmem:s30+$0x200];
	v5 =	vmax.f32 v5, v58;
	v47 =	vmul.f32 v16, v59;
	v48 =	vmul.f32 v21, v45  }
0x2d1: {  	v41 =	vld [tilespmem:s30+$0x2B0];
	v3 =	vmax.f32 v3, v60;
	v49 =	vmul.f32 v25, v45;
	v50 =	vmul.f32 v24, v45  }
0x2d2: {  	v43 =	vld [tilespmem:s30+$0x2C0];
	v0 =	vmax.f32 v0, v28;
	v51 =	vmul.f32 v26, v45;
	v8 =	vmul.f32 v8, v45  }
0x2d3: {  	v28 =	vld [tilespmem:s30+$0x1D0];
	v53 =	vbroadcast v2, $0xC;
	v55 =	vmul.f32 v18, v45;
	v7 =	vmax.f32 v7, v61  }
0x2d4: {  	v21 =	vld [tilespmem:s30+$0x210];
	v10 =	vmax.f32 v10, v37;
	v6 =	vmax.f32 v6, v62;
	v9 =	vmax.f32 v9, v63  }
0x2d5: {  	v16 =	vld [tilespmem:s30+$0x230];
	v4 =	vmax.f32 v4, v44;
	v5 =	vmax.f32 v5, v46;
	v52 =	vmul.f32 v14, v45  }
0x2d6: {  	v24 =	vld [tilespmem:s30+$0x240];
	v3 =	vmax.f32 v3, v23;
	v54 =	vmul.f32 v17, v45;
	v63 =	vbroadcast v2, $0xD  }
0x2d7: {  	v25 =	vld [tilespmem:s30+$0x250];
	v0 =	vmax.f32 v0, v47;
	v7 =	vmax.f32 v7, v48;
	v57 =	vmul.f32 v20, v53  }
0x2d8: {  	v18 =	vld [tilespmem:s30+$0x270];
	v10 =	vmax.f32 v10, v49;
	v58 =	vmul.f32 v13, v53;
	v59 =	vmul.f32 v19, v53  }
0x2d9: {  	v37 =	vld [tilespmem:s30+$0x1E0];
	v6 =	vmax.f32 v6, v50;
	v60 =	vmul.f32 v27, v53;
	v61 =	vmul.f32 v32, v53  }
0x2da: {  	v23 =	vld [tilespmem:s30+$0x220];
	v9 =	vmax.f32 v9, v51;
	v62 =	vmul.f32 v22, v53;
	v42 =	vmul.f32 v33, v53  }
0x2db: {  	v17 =	vld [tilespmem:s30+$0x290];
	v4 =	vmax.f32 v4, v8;
	v14 =	vmul.f32 v35, v53;
	v53 =	vbroadcast v2, $0xE  }
0x2dc: {  	v19 =	vld [tilespmem:s30+$0x280];
	v2 =	vbroadcast v2, $0xF;
	v5 =	vmax.f32 v5, v52;
	v44 =	vmul.f32 v15, v63  }
0x2dd: {  	v13 =	vld [tilespmem:s30+$0x2A0];
	v3 =	vmax.f32 v3, v54;
	v45 =	vmul.f32 v31, v63;
	v46 =	vmul.f32 v36, v63  }
0x2de: {  	v27 =	vld [tilespmem:s30+$0x2D0];
	v0 =	vmax.f32 v0, v55;
	v48 =	vmul.f32 v38, v63;
	v50 =	vmul.f32 v39, v63  }
0x2df: {  	v47 =	vld [tilespmem:s30+$0x2E0];
	v55 =	vmul.f32 v40, v63;
	v7 =	vmax.f32 v7, v57;
	v8 =	vmax.f32 v10, v58  }
0x2e0: {  	v49 =	vld [tilespmem:s30+$0x2F0];
	v6 =	vmax.f32 v6, v59;
	v9 =	vmax.f32 v9, v60;
	v4 =	vmax.f32 v4, v61  }
0x2e1: {  	v51 =	vld [tilespmem:s30+$0x300];
	v5 =	vmax.f32 v5, v62;
	v3 =	vmax.f32 v3, v42;
	v58 =	vmul.f32 v30, v53  }
0x2e2: {  	v32 =	vld [tilespmem:s30+$0x460];
	v0 =	vmax.f32 v0, v14;
	v33 =	vmul.f32 v12, v53;
	v41 =	vmul.f32 v41, v2  }
0x2e3: {  	v54 =	vld [tilespmem:s30+$0x310];
	v43 =	vmul.f32 v43, v2;
	v7 =	vmax.f32 v7, v44;
	v8 =	vmax.f32 v8, v45  }
0x2e4: {  	v36 =	vld [tilespmem:s30+$0x380];
	v6 =	vmax.f32 v6, v46;
	v28 =	vmul.f32 v28, v63;
	v21 =	vmul.f32 v21, v53  }
0x2e5: {  	v38 =	vld [tilespmem:s30+$0x390];
	v9 =	vmax.f32 v9, v48;
	v16 =	vmul.f32 v16, v53;
	v62 =	vmul.f32 v24, v53  }
0x2e6: {  	v40 =	vld [tilespmem:s30+$0x3A0];
	v4 =	vmax.f32 v4, v50;
	v25 =	vmul.f32 v25, v53;
	v35 =	vmul.f32 v18, v53  }
0x2e7: {  	v57 =	vld [tilespmem:s30+$0x320];
	v0 =	vmax.f32 v0, v55;
	v52 =	vmul.f32 v37, v63;
	v60 =	vmul.f32 v23, v53  }
0x2e8: {  	v59 =	vld [tilespmem:s30+$0x330];
	v7 =	vmax.f32 v7, v58;
	v17 =	vmul.f32 v17, v2;
	v5 =	vmax.f32 v5, v28  }
0x2e9: {  	v61 =	vld [tilespmem:s30+$0x340];
	v8 =	vmax.f32 v8, v21;
	v9 =	vmax.f32 v9, v16;
	v4 =	vmax.f32 v4, v62  }
0x2ea: {  	v30 =	vld [tilespmem:s30+$0x360];
	v37 =	vmul.f32 v19, v2;
	v19 =	vsel vm15, $0x0, v56;
	v39 =	vmul.f32 v13, v2  }
0x2eb: {  	v42 =	vld [tilespmem:s30+$0x3B0];
	v0 =	vmax.f32 v0, v35;
	v46 =	vmul.f32 v27, v2;
	v14 =	vmul.f32 v47, v2  }
0x2ec: {  	v45 =	vld [tilespmem:s30+$0x3C0];
	v2 =	vmul.f32 v49, v2;
	v3 =	vmax.f32 v3, v52;
	v44 =	vbroadcast v19, $0xC  }
0x2ed: {  	v63 =	vld [tilespmem:s30+$0x350];
	v6 =	vmax.f32 v6, v60;
	v5 =	vmax.f32 v5, v25;
	v8 =	vmax.f32 v8, v17  }
0x2ee: {  	v58 =	vld [tilespmem:s30+$0x410];
	v9 =	vmax.f32 v9, v41;
	v60 =	vbroadcast v19, $0xD;
	v48 =	vmul.f32 v51, v44  }
0x2ef: {  	v47 =	vld [tilespmem:s30+$0x3D0];
	v4 =	vmax.f32 v4, v43;
	v50 =	vmul.f32 v54, v44;
	v53 =	vmul.f32 v57, v44  }
0x2f0: {  	v49 =	vld [tilespmem:s30+$0x3E0];
	v3 =	vmax.f32 v3, v33;
	v55 =	vmul.f32 v59, v44;
	v57 =	vmul.f32 v61, v44  }
0x2f1: {  	v28 =	vld [tilespmem:s30+$0x440];
	v7 =	vmax.f32 v7, v37;
	v62 =	vmul.f32 v30, v44;
	v27 =	vmul.f32 v34, v44  }
0x2f2: {  	v41 =	vld [tilespmem:s30+$0x4A0];
	v1 =	vmax.f32 v6, v39;
	v10 =	vmul.f32 v36, v60;
	v29 =	vmul.f32 v38, v60  }
0x2f3: {  	v43 =	vld [tilespmem:s30+$0x4B0];
	v5 =	vmax.f32 v5, v46;
	v13 =	vmul.f32 v40, v60;
	v31 =	vmul.f32 v42, v60  }
0x2f4: {  	v0 =	vmax.f32 v0, v2;
	v37 =	vld [tilespmem:s30+$0x480];
	v33 =	vmul.f32 v45, v60;
	v36 =	vbroadcast v19, $0xE  }
0x2f5: {  	v39 =	vld [tilespmem:s30+$0x490];
	v3 =	vmax.f32 v3, v14;
	v19 =	vbroadcast v19, $0xF;
	v59 =	vmul.f32 v63, v44  }
0x2f6: {  	v51 =	vld [tilespmem:s30+$0x3F0];
	v52 =	vmax.f32 v7, v48;
	v8 =	vmax.f32 v8, v50;
	v1 =	vmax.f32 v1, v53  }
0x2f7: {  	v54 =	vld [tilespmem:s30+$0x400];
	v9 =	vmax.f32 v9, v55;
	v4 =	vmax.f32 v4, v57;
	v35 =	vmul.f32 v47, v60  }
0x2f8: {  	v61 =	vld [tilespmem:s30+$0x420];
	v3 =	vmax.f32 v3, v62;
	v38 =	vmul.f32 v49, v60;
	v40 =	vmul.f32 v58, v36  }
0x2f9: {  	v30 =	vld [tilespmem:s30+$0x450];
	v0 =	vmax.f32 v0, v27;
	v48 =	vmul.f32 v28, v36;
	v58 =	vmul.f32 v32, v36  }
0x2fa: {  	v45 =	vld [tilespmem:s30+$0x4C0];
	v5 =	vmax.f32 v5, v59;
	v2 =	vmax.f32 v52, v10;
	v8 =	vmax.f32 v8, v29  }
0x2fb: {  	v34 =	vld [tilespmem:s30+$0x470];
	v1 =	vmax.f32 v1, v13;
	v6 =	vmax.f32 v9, v31;
	v4 =	vmax.f32 v4, v33  }
0x2fc: {  	v63 =	vld [tilespmem:s30+$0x430];
	v52 =	vmul.f32 v41, v19;
	v55 =	vmul.f32 v43, v19;
	v5 =	vmax.f32 v5, v35  }
0x2fd: {  	v3 =	vmax.f32 v3, v38;
	v46 =	vmul.f32 v37, v19;
	v49 =	vmul.f32 v39, v19  }
0x2fe: {  	v47 =	vld [tilespmem:s30+$0x4D0];
	v8 =	vmax.f32 v8, v40;
	v14 =	vmul.f32 v51, v60;
	v7 =	vmul.f32 v54, v36  }
0x2ff: {  	v53 =	vld [tilespmem:s30+$0x4F0];
	v4 =	vmax.f32 v4, v48;
	v42 =	vmul.f32 v61, v36;
	v57 =	vmul.f32 v45, v19  }
0x300: {  	v50 =	vld [tilespmem:s30+$0x4E0];
	v51 =	vmul.f32 v30, v36;
	v60 =	vmul.f32 v34, v36;
	v54 =	vmax.f32 v8, v49  }
0x301: {  	v44 =	vmul.f32 v63, v36;
	v2 =	vmax.f32 v2, v7;
	[tilespmem:s8+$0xFFFFFFD0] =	vst v54;
	v4 =	vmax.f32 v4, v57  }
0x302: {  	v0 =	vmax.f32 v0, v14;
	v1 =	vmax.f32 v1, v42;
	v2 =	vmax.f32 v2, v46;
	[tilespmem:s8+$0x0] =	vst v4  }
0x303: {  	p0 =	sne.s32 s7, $0x8C;
	v59 =	vmul.f32 v47, v19;
	v6 =	vmax.f32 v6, v44;
	v1 =	vmax.f32 v1, v52;
	[tilespmem:s8+$0xFFFFFFC0] =	vst v2  }
.Ltmp3:
0x304: {  	v5 =	vmax.f32 v5, v51;
	v63 =	vmul.f32 v53, v19;
	v2 =	vmax.f32 v6, v55;
	[tilespmem:s8+$0xFFFFFFE0] =	vst v1;
	(pc) =	sbr.rel @p0 .LBB2_9-.Ltmp3, $4  }
0x305: {  	v61 =	vmul.f32 v50, v19;
	v0 =	vmax.f32 v0, v60;
	v62 =	vmax.f32 v5, v59;
	[tilespmem:s8+$0xFFFFFFF0] =	vst v2  }
0x306: {  	v1 =	vmax.f32 v3, v58;
	v0 =	vmax.f32 v0, v63;
	[tilespmem:s8+$0x10] =	vst v62  }
0x307: {  	s14 =	sadd.s32 $0x14, s14;
	v1 =	vmax.f32 v1, v61;
	[tilespmem:s8+$0x30] =	vst v0  }
0x308: {  	s7 =	sadd.s32 $0x14, s7;
	s30 =	sadd.s32 $0xA00, s30;
	[tilespmem:s8+$0x20] =	vst v1;
	s8 =	sadd.s32 $0x80, s8  }
0x309: {  	s0 =	sadd.s32 @!p1 $0x460, s20;
	s7 =	simm.s32 @!p1 $0x50  }
0x30a: {  	s8 =	simm.s32 @!p1 $0x12200;
	s31 =	sshll.u32 s5, $0xA;
	s19 =	sadd.s32 $0x1, s19  }
0x30b: {  	[tilespmem:s8], [sflag:$0x4] =	stream.indirect.gather @!p1 [hbm4b:s2+s7], $0x80, s0, s7, $0xb8;
	[tilespmem:$0x18200] =	vst v63  }
0x30c: {  	s0 =	sadd.s32 @!p1 $0x4B0, s20;
	s8 =	simm.s32 @!p1 $0x14A00;
	p0 =	sne.s32 s19, $0x14  }
0x30d: {  	[tilespmem:s8], [sflag:$0x4] =	stream.indirect.gather @!p1 [hbm4b:s2+s7], $0x80, s0, s7, $0xb8;
	[tilespmem:$0x18200] =	vst v63  }
.Ltmp4:
0x30e: {  	s18 =	sadd.s32 $0x280, s18;
	s17 =	sadd.s32 $0x280, s17;
	(pc) =	sbr.rel @p0 .LBB2_2-.Ltmp4, $4  }
0x30f: {  	s1 =	sadd.s32 $0x280, s1;
	s11 =	sadd.s32 $0x280, s11;
	s0 =	sadd.s32 s6, s31  }
0x310: {  	s15 =	sadd.s32 $0x280, s15;
	s12 =	sadd.s32 $0x280, s12;
	s0 =	sshrl.u32 s0, $0x3  }
0x311: {  	s16 =	sadd.s32 $0x280, s16;
	s13 =	sadd.s32 $0x280, s13;
	s0 =	sadd.s32 s3, s0  }
0x312: {  	[hbm4b:s0+s4] =	stream.linear.scatter [tilespmem:s29], [sflag:$0x8], $0x400, $0x38;
	[tilespmem:$0x18200] =	vst v63  }
0x313: {  	s0 =	simm.s32 $0x5  }
0x314: {  	_ =	swait.ge [sflag:s0], $0x400  }
0x315: {  	[sflag:s0] =	ssyncset.done $0x0  }
0x316: {  	s20 =	simm.s32 $0x6;
	[sflag:s0] =	ssyncadd.s32 $0xFFFFFC00  }
0x317: {  	_ =	swait.ge [sflag:s20], $0x400  }
0x318: {  	[sflag:s20] =	ssyncset.done $0x0  }
0x319: {  	s30 =	simm.s32 $0x7;
	[sflag:s20] =	ssyncadd.s32 $0xFFFFFC00  }
0x31a: {  	_ =	swait.ge [sflag:s30], $0x400  }
0x31b: {  	[sflag:s30] =	ssyncset.done $0x0  }
0x31c: {  	s1 =	simm.s32 $0x8;
	[sflag:s30] =	ssyncadd.s32 $0xFFFFFC00  }
0x31d: {  	_ =	swait.ge [sflag:s1], $0x400  }
0x31e: {  	s10 =	sadd.s32 $0x1, s10;
	s31 =	rddreg [dreg:$0x5]  }
0x31f: {  	p0 =	sne.s32 s10, s31  }
.Ltmp5:
0x320: {  	_ = 	snop;
	(pc) =	sbr.rel @p0 .LBB2_1-.Ltmp5, $3  }
0x321: {  	_ =	sdelay $0x1  }
0x322: {  	[sflag:s1] =	ssyncset.done $0x0  }
0x323: {  	[sflag:s1] =	ssyncadd.s32 $0xFFFFFC00  }
0x324: {  	_ =	sfence.sel $0x180000  }
0x325: {  	[bflag:$0x0] =	sbarrier.arrive $0xFFFF  }
0x326: {  	_ =	strace $0x90000047  }
0x327: {  	s0 =	stileid.u32;
	[bflag:$0x2] =	sbarrier.arrive $0xFFFF  }
0x328: {  	p0 =	sne.s32 s0, $0x0;
	s0 =	rddreg [dreg:$0x3]  }
0x329: {  	s0 =	sadd.s32 @!p0 $0x100000, s0  }
0x32a: {  	[sflag:s0] =	ssyncadd.tile.s32 @!p0 $0x1;
	_ =	shalt  }
.Lfunc_end2:
_tile_overlayer_lowered:
.L_overlay_start_2:
0x32b: {  	(tag) =	ssettag $0x2  }
0x32c: {  	s0 =	rddreg [dreg:$0x0];
	s2 =	stileid.u32  }
0x32d: {  	s1 =	rddreg [dreg:$0x1];
	p0 =	sne.s32 s2, $0x0  }
0x32e: {  	s3 =	rddreg [dreg:$0x2];
	[bflag:$0x3] =	sbarrier.arrive $0xFFFF;
	s2 =	simm.s32 @!p0 $0x1C09  }
0x32f: {  	[timem:s3], [sflag:s2] =	dma.local @!p0 [hbm:s0], s1  }
0x330: {  	s0 =	simm.s32 @!p0 $0x9  }
0x331: {  	_ =	swait.ge @!p0 [sflag:s0], s1  }
0x332: {  	s1 =	ssub.s32 @!p0 $0x0, s1;
	[sflag:s0] =	ssyncset.done @!p0 $0x0  }
0x333: {  	[sflag:s0] =	ssyncadd.s32 @!p0 s1  }
0x334: {  	[bflag:$0x3] =	sbarrier.arrive $0xFFFF  }
0x335: {  	_ =	shalt  }

</sc_bundles>
